<compile_context>
chip_gen: v7x
topology: tpu7x:2x2x1
jax: 0.10.2.dev20260603
libtpu: 0.0.44.dev20260713+nightly
codegen_flags: <defaults>
</compile_context>

<pallas_src>
import functools

import jax
import jax.numpy as jnp
from jax import lax
from jax.experimental import pallas as pl
from jax.experimental.pallas import tpu as pltpu
from jax.experimental.pallas import tpu_sc as plsc

K = 16
EPS = 1e-5
TN = 512
TN2 = 512
NCHUNK = 512
_NC, _NS = 2, 16



def _knn_body(xyz_ref, nxyz_t_ref, idx_ref, *, m):
    x = xyz_ref[0]
    yt = nxyz_t_ref[0]
    xx = jnp.sum(x * x, axis=1, keepdims=True)
    yy = jnp.sum(yt * yt, axis=0, keepdims=True)
    d = xx + yy - 2.0 * jax.lax.dot(x, yt, preferred_element_type=jnp.float32)
    lane = jax.lax.broadcasted_iota(jnp.int32, (TN, m), 1)
    cols = []
    for _ in range(K):
        mn = jnp.min(d, axis=1, keepdims=True)
        am = jnp.min(jnp.where(d == mn, lane, m), axis=1)
        cols.append(am)
        d = jnp.where(lane == am[:, None], jnp.inf, d)
    idx_ref[0] = jnp.stack(cols, axis=0).reshape(K // 2, 2, TN)


def _knn(xyz, new_xyz_t):
    b, n, _ = xyz.shape
    m = new_xyz_t.shape[2]
    return pl.pallas_call(
        functools.partial(_knn_body, m=m),
        grid=(b, n // TN),
        in_specs=[
            pl.BlockSpec((1, TN, 3), lambda i, j: (i, j, 0)),
            pl.BlockSpec((1, 3, m), lambda i, j: (i, 0, 0)),
        ],
        out_specs=pl.BlockSpec((1, K // 2, 2, TN), lambda i, j: (i, 0, 0, j)),
        out_shape=jax.ShapeDtypeStruct((b, K // 2, 2, n), jnp.int32),
    )(xyz, new_xyz_t)



def _gather_body(tbl_hbm, idx_hbm, gx_hbm, gf_hbm, tbl_v, idx_v, fbuf_v, xbuf_v, *, n, m):
    cid = lax.axis_index("c")
    sid = lax.axis_index("s")
    wid = sid * _NC + cid
    b = wid // 8
    kp = wid % 8
    pltpu.sync_copy(tbl_hbm.at[b], tbl_v)
    lane = lax.iota(jnp.int32, 16)

    def chunk_body(ci, carry):
        n0 = ci * NCHUNK
        pltpu.sync_copy(idx_hbm.at[b, kp, :, pl.ds(n0, NCHUNK)], idx_v)
        for kk in range(2):
            k = kp * 2 + kk

            def grp_body(g, carry2):
                sl = pl.ds(g * 16, 16)
                i16 = idx_v[kk, sl]
                for cch in range(35):
                    v = plsc.load_gather(tbl_v, [i16 + cch * m])
                    if cch < 3:
                        xbuf_v[kk * 4 + cch, sl] = v
                    else:
                        fbuf_v[cch - 3, sl] = v
                        if cch == 3:
                            xbuf_v[kk * 4 + 3, sl] = v
                return carry2

            lax.fori_loop(0, NCHUNK // 16, grp_body, 0)
            pltpu.sync_copy(fbuf_v, gf_hbm.at[b, pl.ds(k * 32, 32), pl.ds(n0, NCHUNK)])
        pltpu.sync_copy(xbuf_v, gx_hbm.at[b, pl.ds(kp * 8, 8), pl.ds(n0, NCHUNK)])
        return carry

    lax.fori_loop(0, n // NCHUNK, chunk_body, 0)


def _gather(tbl_flat, idx, m):
    b = tbl_flat.shape[0]
    n = idx.shape[3]
    mesh = plsc.VectorSubcoreMesh(core_axis_name="c", subcore_axis_name="s")
    return pl.kernel(
        functools.partial(_gather_body, n=n, m=m),
        out_type=(
            jax.ShapeDtypeStruct((b, 4 * K, n), jnp.float32),
            jax.ShapeDtypeStruct((b, 32 * K, n), jnp.float32),
        ),
        mesh=mesh,
        scratch_types=(
            pltpu.VMEM((tbl_flat.shape[1],), jnp.float32),
            pltpu.VMEM((2, NCHUNK), jnp.int32),
            pltpu.VMEM((32, NCHUNK), jnp.float32),
            pltpu.VMEM((8, NCHUNK), jnp.float32),
        ),
        compiler_params=pltpu.CompilerParams(needs_layout_passes=False),
    )(tbl_flat, idx)



def _dot3(a, b):
    ah = a.astype(jnp.bfloat16)
    al = (a - ah.astype(jnp.float32)).astype(jnp.bfloat16)
    bh = b.astype(jnp.bfloat16)
    bl = (b - bh.astype(jnp.float32)).astype(jnp.bfloat16)
    f = functools.partial(jax.lax.dot, preferred_element_type=jnp.float32)
    return f(ah, bh) + (f(ah, bl) + f(al, bh))


def _mlp(tr, wts, precise=True):
    h = tr
    for i, (wk, bias) in enumerate(wts):
        if precise:
            h = _dot3(wk, h)
        else:
            h = jax.lax.dot(wk, h, preferred_element_type=jnp.float32)
        if bias is not None:
            h = jnp.maximum(h + bias, 0.0)
    return h


def _accum(ref, part, first):
    @pl.when(first)
    def _():
        ref[...] = jnp.zeros_like(ref)
    ref[...] += part


def _stats_body(gx_ref, xyz48_ref, *rest, n_weights):
    wrefs = rest[:n_weights]
    st_ref = rest[n_weights]
    first = (pl.program_id(0) == 0) & (pl.program_id(1) == 0)
    tr = gx_ref[0] - xyz48_ref[0]
    wts = []
    i = 0
    while i < len(wrefs):
        if i + 1 < len(wrefs):
            wts.append((wrefs[i][...], wrefs[i + 1][...]))
            i += 2
        else:
            wts.append((wrefs[i][...], None))
            i += 1
    r = _mlp(tr, wts)
    part = jnp.stack([jnp.sum(r, axis=1), jnp.sum(r * r, axis=1)], axis=0)
    _accum(st_ref, part, first)


def _stats_pass(gx, xyz48, weights):
    b, _, n = gx.shape
    wspecs = [pl.BlockSpec(w.shape, lambda i, j, nd=len(w.shape): (0,) * nd) for w in weights]
    return pl.pallas_call(
        functools.partial(_stats_body, n_weights=len(weights)),
        grid=(b, n // TN2),
        in_specs=[
            pl.BlockSpec((1, 64, TN2), lambda i, j: (i, 0, j)),
            pl.BlockSpec((1, 64, TN2), lambda i, j: (i, 0, j)),
        ] + wspecs,
        out_specs=pl.BlockSpec((2, 16 * K), lambda i, j: (0, 0)),
        out_shape=jax.ShapeDtypeStruct((2, 16 * K), jnp.float32),
    )(gx, xyz48, *weights)


def _main_body(gx_ref, xyz48_ref, gf_ref, feat_ref, w1_ref, t1_ref, w2_ref,
               t2_ref, w3_ref, t3_ref, fw_ref, y_ref, st_ref):
    first = (pl.program_id(0) == 0) & (pl.program_id(1) == 0)
    tr = gx_ref[0] - xyz48_ref[0]
    w = _mlp(tr, [(w1_ref[...], t1_ref[...]),
                  (w2_ref[...], t2_ref[...]),
                  (w3_ref[...], t3_ref[...])])
    w = jnp.maximum(w, 0.0)
    gf = gf_ref[0]
    parts = []
    for o in range(16):
        acc = None
        for k in range(K):
            p = gf[k * 32:(k + 1) * 32, :] * w[k * 16 + o:k * 16 + o + 1, :]
            acc = p if acc is None else acc + p
        parts.append(acc)
    cat = jnp.concatenate(parts + [feat_ref[0]], axis=0)
    y = _dot3(fw_ref[...], cat)
    y_ref[0] = y
    part = jnp.stack([jnp.sum(y, axis=1), jnp.sum(y * y, axis=1)], axis=0)
    _accum(st_ref, part, first)


def _main_pass(gx, xyz48, gf, feat, w1, t1, w2, t2, w3, t3, fw):
    b, _, n = gx.shape
    small = [w1, t1, w2, t2, w3, t3, fw]
    sspecs = [pl.BlockSpec(w.shape, lambda i, j, nd=len(w.shape): (0,) * nd) for w in small]
    return pl.pallas_call(
        _main_body,
        grid=(b, n // TN2),
        in_specs=[
            pl.BlockSpec((1, 64, TN2), lambda i, j: (i, 0, j)),
            pl.BlockSpec((1, 64, TN2), lambda i, j: (i, 0, j)),
            pl.BlockSpec((1, 512, TN2), lambda i, j: (i, 0, j)),
            pl.BlockSpec((1, 64, TN2), lambda i, j: (i, 0, j)),
        ] + sspecs,
        out_specs=(
            pl.BlockSpec((1, 64, TN2), lambda i, j: (i, 0, j)),
            pl.BlockSpec((2, 64), lambda i, j: (0, 0)),
        ),
        out_shape=(
            jax.ShapeDtypeStruct((b, 64, n), jnp.float32),
            jax.ShapeDtypeStruct((2, 64), jnp.float32),
        ),
    )(gx, xyz48, gf, feat, *small)


def _final_body(y_ref, sc_ref, sh_ref, o_ref):
    o_ref[0] = jnp.maximum(y_ref[0] * sc_ref[...] + sh_ref[...], 0.0)


def _final_pass(y_raw, scale, shift):
    b, c, n = y_raw.shape
    return pl.pallas_call(
        _final_body,
        grid=(b, n // TN2),
        in_specs=[
            pl.BlockSpec((1, c, TN2), lambda i, j: (i, 0, j)),
            pl.BlockSpec((c, 1), lambda i, j: (0, 0)),
            pl.BlockSpec((c, 1), lambda i, j: (0, 0)),
        ],
        out_specs=pl.BlockSpec((1, c, TN2), lambda i, j: (i, 0, j)),
        out_shape=jax.ShapeDtypeStruct((b, c, n), jnp.float32),
    )(y_raw, scale, shift)



def _fold_stats(part, cnt, g, bias):
    c = part.shape[1] // K
    sums = part.reshape(2, K, c).sum(axis=1)
    mean = sums[0] / cnt
    var = sums[1] / cnt - mean * mean
    scale = g / jnp.sqrt(var + EPS)
    shift = bias - mean * scale
    return jnp.tile(scale, K).reshape(-1, 1), jnp.tile(shift, K).reshape(-1, 1)


def kernel(xyz, new_xyz, feature, new_feature, wn_w1, wn_g1, wn_b1, wn_w2,
           wn_g2, wn_b2, wn_w3, wn_g3, wn_b3, fin_w, fin_g, fin_b):
    B, N, _ = xyz.shape
    new_xyz_t = jnp.transpose(new_xyz, (0, 2, 1))
    xyz_t = jnp.transpose(xyz, (0, 2, 1))
    xyzp = jnp.concatenate([xyz_t, jnp.zeros((B, 1, N), jnp.float32)], axis=1)
    xyz48 = jnp.tile(xyzp, (1, K, 1))
    tbl = jnp.concatenate([new_xyz_t, new_feature], axis=1)

    idx = _knn(xyz, new_xyz_t)
    gx, gf = _gather(tbl.reshape(B, -1), idx, tbl.shape[2])

    eye = jnp.eye(K, dtype=jnp.float32)
    w1p = jnp.concatenate([wn_w1, jnp.zeros((16, 1), jnp.float32)], axis=1)
    w1k = jnp.kron(eye, w1p)
    w2k = jnp.kron(eye, wn_w2)
    w3k = jnp.kron(eye, wn_w3)

    cnt = jnp.float32(B * N * K)
    s1 = _stats_pass(gx, xyz48, [w1k])
    sc1, t1 = _fold_stats(s1, cnt, wn_g1, wn_b1)
    w1s = w1k * sc1
    s2 = _stats_pass(gx, xyz48, [w1s, t1, w2k])
    sc2, t2 = _fold_stats(s2, cnt, wn_g2, wn_b2)
    w2s = w2k * sc2
    s3 = _stats_pass(gx, xyz48, [w1s, t1, w2s, t2, w3k])
    sc3, t3 = _fold_stats(s3, cnt, wn_g3, wn_b3)
    w3s = w3k * sc3

    perm = jnp.asarray([(r % 32) * K + r // 32 for r in range(512)], jnp.int32)
    fwp = jnp.concatenate([fin_w[:, :512][:, perm], fin_w[:, 512:]], axis=1)

    y_raw, sy = _main_pass(gx, xyz48, gf, feature, w1s, t1, w2s, t2, w3s, t3, fwp)
    cnt_y = jnp.float32(B * N)
    mean_y = sy[0] / cnt_y
    var_y = sy[1] / cnt_y - mean_y * mean_y
    fsc = (fin_g / jnp.sqrt(var_y + EPS)).reshape(-1, 1)
    fsh = (fin_b - mean_y * fsc[:, 0]).reshape(-1, 1)
    return _final_pass(y_raw, fsc, fsh)

# --- scband reference (transcript-rebuilt; emitter-appended) ---
"""Pipeline reference for scband-point-deconv-14078902796569 (READ-ONLY COPY).

The authoritative reference and input builder live on the scoring server;
editing this copy changes nothing except your own understanding.
"""

import jax, jax.numpy as jnp
import numpy as np

B, N, M, K = 4, 8192, 2048, 16
D0, D1, WC, OUT = 64, 32, 16, 64
EPS = 1e-5


def knn_idx(xyz, new_xyz, k):
    d = (jnp.sum(xyz * xyz, axis=-1, keepdims=True)
         + jnp.sum(new_xyz * new_xyz, axis=-1)[:, None, :]
         - 2.0 * jnp.einsum('bnd,bmd->bnm', xyz, new_xyz))
    _, idx = jax.lax.top_k(-d, k)
    return idx


def group(feats, idx):
    # feats: (B, C, M), idx: (B, N, K) -> (B, C, N, K)
    return jax.vmap(lambda f, i: f[:, i])(feats, idx)


def bn(x, g, b, axes):
    m = jnp.mean(x, axis=axes, keepdims=True)
    v = jnp.var(x, axis=axes, keepdims=True)
    sh = [1] * x.ndim
    sh[1] = -1
    return (x - m) / jnp.sqrt(v + EPS) * g.reshape(sh) + b.reshape(sh)


def setup_inputs(seed: int = 0):
    key = jax.random.key(seed)
    ks = jax.random.split(key, 12)
    inp = {}
    inp['xyz'] = jax.random.uniform(ks[0], (B, N, 3), dtype=jnp.float32)
    inp['new_xyz'] = jax.random.uniform(ks[1], (B, M, 3), dtype=jnp.float32)
    inp['feature'] = jax.random.normal(ks[2], (B, D0, N), dtype=jnp.float32)
    inp['new_feature'] = jax.random.normal(ks[3], (B, D1, M), dtype=jnp.float32)
    dims = [3, WC, WC, WC]
    for li in range(3):
        inp['wn_w%d' % (li + 1)] = jax.random.normal(ks[4 + li], (dims[li + 1], dims[li]), dtype=jnp.float32) * (1.0 / np.sqrt(dims[li]))
        inp['wn_g%d' % (li + 1)] = jnp.ones((dims[li + 1],), jnp.float32)
        inp['wn_b%d' % (li + 1)] = jnp.zeros((dims[li + 1],), jnp.float32)
    cin = D1 * WC + D0
    inp['fin_w'] = jax.random.normal(ks[7], (OUT, cin), dtype=jnp.float32) * (1.0 / np.sqrt(cin))
    inp['fin_g'] = jnp.ones((OUT,), jnp.float32)
    inp['fin_b'] = jnp.zeros((OUT,), jnp.float32)
    return inp


def reference(xyz, new_xyz, feature, new_feature, wn_w1, wn_g1, wn_b1, wn_w2, wn_g2, wn_b2, wn_w3, wn_g3, wn_b3, fin_w, fin_g, fin_b):
    Bv, Nv, _ = xyz.shape
    idx = knn_idx(xyz, new_xyz, K)
    grouped_new_xyz = group(jnp.transpose(new_xyz, (0, 2, 1)), idx)
    trans = grouped_new_xyz - jnp.transpose(xyz, (0, 2, 1))[..., None]
    gnf = group(new_feature, idx)
    w = trans
    for ww, gg, bb in ((wn_w1, wn_g1, wn_b1), (wn_w2, wn_g2, wn_b2), (wn_w3, wn_g3, wn_b3)):
        w = jnp.einsum('oc,bcnk->bonk', ww, w)
        w = jax.nn.relu(bn(w, gg, bb, (0, 2, 3)))
    nf = jnp.matmul(jnp.transpose(gnf, (0, 2, 1, 3)), jnp.transpose(w, (0, 2, 3, 1)))
    nf = jnp.transpose(nf.reshape(Bv, Nv, -1), (0, 2, 1))
    cat = jnp.concatenate([nf, feature], axis=1)
    y = jnp.einsum('oc,bcn->bon', fin_w, cat)
    y = jax.nn.relu(bn(y, fin_g, fin_b, (0, 2)))
    return y

if __name__ == "__main__":
    import jax
    _d = setup_inputs()
    print(jax.jit(kernel)(*tuple(_d.values())))

</pallas_src>

<mosaic_0001>
#map = affine_map<(d0, d1) -> (0, 0)>
#map1 = affine_map<(d0, d1) -> (0, 0, 0, 0)>
#map2 = affine_map<(d0, d1) -> (0, 0, 0)>
module attributes {stable_mosaic.version = 14 : i64} {
  func.func @_gather_body(%arg0: i32, %arg1: i32, %arg2: memref<4x71680xf32, #tpu.memory_space<hbm>>, %arg3: memref<4x8x2x8192xi32, #tpu.memory_space<hbm>>, %arg4: memref<4x64x8192xf32, #tpu.memory_space<hbm>>, %arg5: memref<4x512x8192xf32, #tpu.memory_space<hbm>>, %arg6: memref<71680xf32, #tpu.memory_space<vmem>>, %arg7: memref<2x512xi32, #tpu.memory_space<vmem>>, %arg8: memref<32x512xf32, #tpu.memory_space<vmem>>, %arg9: memref<8x512xf32, #tpu.memory_space<vmem>>) attributes {dimension_semantics = [#tpu.dimension_semantics<core_parallel>, #tpu.dimension_semantics<subcore_parallel>], iteration_bounds = array<i64: 2, 16>, scalar_prefetch = 0 : i64, scratch_operands = 4 : i64, tpu.core_type = #tpu.core_type<sc_vector_subcore>, window_params = [{transform_indices = #map}, {transform_indices = #map1}, {transform_indices = #map2}, {transform_indices = #map2}]} {
    %mul3A = arith.constant 2 : i32
    %mul3A_0 = arith.muli %arg1, %mul3A : i32
    %add3A = arith.addi %mul3A_0, %arg0 : i32
    %jit3A = arith.constant 8 : i32
    %div3A = arith.divsi %add3A, %jit3A : i32
    %sign3A = arith.constant 0 : i32
    %sign3A_1 = arith.cmpi sgt, %add3A, %sign3A : i32
    %sign3A_2 = arith.extui %sign3A_1 : i1 to i32
    %sign3A_3 = arith.constant 0 : i32
    %sign3A_4 = arith.cmpi slt, %add3A, %sign3A_3 : i32
    %sign3A_5 = arith.extui %sign3A_4 : i1 to i32
    %sign3A_6 = arith.subi %sign3A_2, %sign3A_5 : i32
    %sign3A_7 = arith.constant 0 : i32
    %sign3A_8 = arith.cmpi sgt, %jit3A, %sign3A_7 : i32
    %sign3A_9 = arith.extui %sign3A_8 : i1 to i32
    %sign3A_10 = arith.constant 0 : i32
    %sign3A_11 = arith.cmpi slt, %jit3A, %sign3A_10 : i32
    %sign3A_12 = arith.extui %sign3A_11 : i1 to i32
    %sign3A_13 = arith.subi %sign3A_9, %sign3A_12 : i32
    %ne3A = arith.cmpi ne, %sign3A_6, %sign3A_13 : i32
    %rem3A = arith.remsi %add3A, %jit3A : i32
    %ne3A_14 = arith.constant 0 : i32
    %ne3A_15 = arith.cmpi ne, %rem3A, %ne3A_14 : i32
    %and3A = arith.andi %ne3A, %ne3A_15 : i1
    %sub3A = arith.constant 1 : i32
    %sub3A_16 = arith.subi %div3A, %sub3A : i32
    %select_n3A = arith.select %and3A, %sub3A_16, %div3A : i32
    %jit3A_17 = arith.constant 8 : i32
    %eq3A = arith.constant 0 : i32
    %eq3A_18 = arith.cmpi eq, %jit3A_17, %eq3A : i32
    %jit3A_19 = arith.constant 1 : i32
    %select_n3A_20 = arith.select %eq3A_18, %jit3A_19, %jit3A_17 : i32
    %rem3A_21 = arith.remsi %add3A, %select_n3A_20 : i32
    %ne3A_22 = arith.constant 0 : i32
    %ne3A_23 = arith.cmpi ne, %rem3A_21, %ne3A_22 : i32
    %lt3A = arith.constant 0 : i32
    %lt3A_24 = arith.cmpi slt, %rem3A_21, %lt3A : i32
    %lt3A_25 = arith.constant 0 : i32
    %lt3A_26 = arith.cmpi slt, %select_n3A_20, %lt3A_25 : i32
    %ne3A_27 = arith.xori %lt3A_24, %lt3A_26 : i1
    %and3A_28 = arith.andi %ne3A_27, %ne3A_23 : i1
    %add3A_29 = arith.addi %rem3A_21, %select_n3A_20 : i32
    %select_n3A_30 = arith.select %and3A_28, %add3A_29, %rem3A_21 : i32
    "tpu.region"() ({
      %run_scoped3A = tpu.sem_alloc : memref<!tpu.dma_semaphore, #tpu.memory_space<semaphore_mem>>
      %dma_start3A = arith.constant 0 : i32
      %dma_start3A_36 = tpu.memref_slice %arg2[%select_n3A, %dma_start3A] : memref<4x71680xf32, #tpu.memory_space<hbm>> -> memref<1x71680xf32, #tpu.memory_space<hbm>>
      %dma_start3A_37 = tpu.memref_squeeze %dma_start3A_36 : memref<1x71680xf32, #tpu.memory_space<hbm>> -> memref<71680xf32, #tpu.memory_space<hbm>>
      %dma_start3A_38 = arith.constant 0 : i32
      %dma_start3A_39 = tpu.memref_slice %arg2[%select_n3A, %dma_start3A_38] : memref<4x71680xf32, #tpu.memory_space<hbm>> -> memref<1x71680xf32, #tpu.memory_space<hbm>>
      %dma_start3A_40 = tpu.memref_squeeze %dma_start3A_39 : memref<1x71680xf32, #tpu.memory_space<hbm>> -> memref<71680xf32, #tpu.memory_space<hbm>>
      tpu.enqueue_dma source(%dma_start3A_40 : memref<71680xf32, #tpu.memory_space<hbm>>) target(%arg6 : memref<71680xf32, #tpu.memory_space<vmem>>) target_semaphore(%run_scoped3A : memref<!tpu.dma_semaphore, #tpu.memory_space<semaphore_mem>>)
      %dma_wait3A = arith.constant 0 : i32
      %dma_wait3A_41 = tpu.memref_slice %arg2[%select_n3A, %dma_wait3A] : memref<4x71680xf32, #tpu.memory_space<hbm>> -> memref<1x71680xf32, #tpu.memory_space<hbm>>
      %dma_wait3A_42 = tpu.memref_squeeze %dma_wait3A_41 : memref<1x71680xf32, #tpu.memory_space<hbm>> -> memref<71680xf32, #tpu.memory_space<hbm>>
      %dma_wait3A_43 = arith.constant 0 : i32
      %dma_wait3A_44 = tpu.memref_slice %arg2[%select_n3A, %dma_wait3A_43] : memref<4x71680xf32, #tpu.memory_space<hbm>> -> memref<1x71680xf32, #tpu.memory_space<hbm>>
      %dma_wait3A_45 = tpu.memref_squeeze %dma_wait3A_44 : memref<1x71680xf32, #tpu.memory_space<hbm>> -> memref<71680xf32, #tpu.memory_space<hbm>>
      tpu.wait_dma2 semaphore(%run_scoped3A : memref<!tpu.dma_semaphore, #tpu.memory_space<semaphore_mem>>) src(%dma_wait3A_45 : memref<71680xf32, #tpu.memory_space<hbm>>) dst(%arg6 : memref<71680xf32, #tpu.memory_space<vmem>>)
      tpu.yield
    }) : () -> ()
    %iota3A = tpu.iota {dimensions = array<i32: 0>} : vector<16xi32>
    %scan3A = arith.constant 0 : i32
    %scan3A_31 = arith.constant 0 : i32
    %scan3A_32 = arith.constant 16 : i32
    %scan3A_33 = arith.addi %scan3A_31, %scan3A_32 : i32
    %scan3A_34 = arith.constant 1 : i32
    scf.for %scan3A_36 = %scan3A_31 to %scan3A_33 step %scan3A_34  : i32 {
      %mul3A_37 = arith.constant 512 : i32
      %mul3A_38 = arith.muli %scan3A_36, %mul3A_37 : i32
      "tpu.region"() ({
        %run_scoped3A = tpu.sem_alloc : memref<!tpu.dma_semaphore, #tpu.memory_space<semaphore_mem>>
        %dma_start3A = arith.constant 0 : i32
        %dma_start3A_65 = tpu.memref_slice %arg3[%select_n3A, %select_n3A_30, %dma_start3A, %mul3A_38] : memref<4x8x2x8192xi32, #tpu.memory_space<hbm>> -> memref<1x1x2x512xi32, #tpu.memory_space<hbm>>
        %dma_start3A_66 = tpu.memref_squeeze %dma_start3A_65 : memref<1x1x2x512xi32, #tpu.memory_space<hbm>> -> memref<2x512xi32, #tpu.memory_space<hbm>>
        %dma_start3A_67 = arith.constant 0 : i32
        %dma_start3A_68 = tpu.memref_slice %arg3[%select_n3A, %select_n3A_30, %dma_start3A_67, %mul3A_38] : memref<4x8x2x8192xi32, #tpu.memory_space<hbm>> -> memref<1x1x2x512xi32, #tpu.memory_space<hbm>>
        %dma_start3A_69 = tpu.memref_squeeze %dma_start3A_68 : memref<1x1x2x512xi32, #tpu.memory_space<hbm>> -> memref<2x512xi32, #tpu.memory_space<hbm>>
        tpu.enqueue_dma source(%dma_start3A_69 : memref<2x512xi32, #tpu.memory_space<hbm>>) target(%arg7 : memref<2x512xi32, #tpu.memory_space<vmem>>) target_semaphore(%run_scoped3A : memref<!tpu.dma_semaphore, #tpu.memory_space<semaphore_mem>>)
        %dma_wait3A = arith.constant 0 : i32
        %dma_wait3A_70 = tpu.memref_slice %arg3[%select_n3A, %select_n3A_30, %dma_wait3A, %mul3A_38] : memref<4x8x2x8192xi32, #tpu.memory_space<hbm>> -> memref<1x1x2x512xi32, #tpu.memory_space<hbm>>
        %dma_wait3A_71 = tpu.memref_squeeze %dma_wait3A_70 : memref<1x1x2x512xi32, #tpu.memory_space<hbm>> -> memref<2x512xi32, #tpu.memory_space<hbm>>
        %dma_wait3A_72 = arith.constant 0 : i32
        %dma_wait3A_73 = tpu.memref_slice %arg3[%select_n3A, %select_n3A_30, %dma_wait3A_72, %mul3A_38] : memref<4x8x2x8192xi32, #tpu.memory_space<hbm>> -> memref<1x1x2x512xi32, #tpu.memory_space<hbm>>
        %dma_wait3A_74 = tpu.memref_squeeze %dma_wait3A_73 : memref<1x1x2x512xi32, #tpu.memory_space<hbm>> -> memref<2x512xi32, #tpu.memory_space<hbm>>
        tpu.wait_dma2 semaphore(%run_scoped3A : memref<!tpu.dma_semaphore, #tpu.memory_space<semaphore_mem>>) src(%dma_wait3A_74 : memref<2x512xi32, #tpu.memory_space<hbm>>) dst(%arg7 : memref<2x512xi32, #tpu.memory_space<vmem>>)
        tpu.yield
      }) : () -> ()
      %mul3A_39 = arith.constant 2 : i32
      %mul3A_40 = arith.muli %select_n3A_30, %mul3A_39 : i32
      %add3A_41 = arith.constant 0 : i32
      %add3A_42 = arith.addi %mul3A_40, %add3A_41 : i32
      %scan3A_43 = arith.constant 0 : i32
      %scan3A_44 = arith.constant 0 : i32
      %scan3A_45 = arith.constant 32 : i32
      %scan3A_46 = arith.addi %scan3A_44, %scan3A_45 : i32
      %scan3A_47 = arith.constant 1 : i32
      scf.for %scan3A_65 = %scan3A_44 to %scan3A_46 step %scan3A_47  : i32 {
        %mul3A_66 = arith.constant 16 : i32
        %mul3A_67 = arith.muli %scan3A_65, %mul3A_66 : i32
        %get3A = arith.constant 0 : i32
        %get3A_68 = arith.index_cast %get3A : i32 to index
        %get3A_69 = arith.index_cast %mul3A_67 : i32 to index
        %get3A_70 = tpu.vector_load %arg7[%get3A_68, %get3A_69] {strides = array<i32>} : memref<2x512xi32, #tpu.memory_space<vmem>>, vector<16xi32>,
        %add3A_71 = arith.constant 0 : i32
        %add3A_72 = vector.broadcast %add3A_71 : i32 to vector<16xi32>
        %add3A_73 = arith.addi %get3A_70, %add3A_72 : vector<16xi32>
        %gather3A = tpu.vector_load_idx %arg6[%add3A_73] : memref<71680xf32, #tpu.memory_space<vmem>>[vector<16xi32>], vector<16xf32>,
        %swap3A = arith.constant 0 : i32
        %swap3A_74 = arith.index_cast %swap3A : i32 to index
        %swap3A_75 = arith.index_cast %mul3A_67 : i32 to index
        %swap3A_76 = tpu.vector_load %arg9[%swap3A_74, %swap3A_75] {strides = array<i32>} : memref<8x512xf32, #tpu.memory_space<vmem>>, vector<16xf32>,
        tpu.vector_store %arg9[%swap3A_74, %swap3A_75], %gather3A {strides = array<i32>} : memref<8x512xf32, #tpu.memory_space<vmem>>, vector<16xf32>,
        %add3A_77 = arith.constant 2048 : i32
        %add3A_78 = vector.broadcast %add3A_77 : i32 to vector<16xi32>
        %add3A_79 = arith.addi %get3A_70, %add3A_78 : vector<16xi32>
        %gather3A_80 = tpu.vector_load_idx %arg6[%add3A_79] : memref<71680xf32, #tpu.memory_space<vmem>>[vector<16xi32>], vector<16xf32>,
        %swap3A_81 = arith.constant 1 : i32
        %swap3A_82 = arith.index_cast %swap3A_81 : i32 to index
        %swap3A_83 = arith.index_cast %mul3A_67 : i32 to index
        %swap3A_84 = tpu.vector_load %arg9[%swap3A_82, %swap3A_83] {strides = array<i32>} : memref<8x512xf32, #tpu.memory_space<vmem>>, vector<16xf32>,
        tpu.vector_store %arg9[%swap3A_82, %swap3A_83], %gather3A_80 {strides = array<i32>} : memref<8x512xf32, #tpu.memory_space<vmem>>, vector<16xf32>,
        %add3A_85 = arith.constant 4096 : i32
        %add3A_86 = vector.broadcast %add3A_85 : i32 to vector<16xi32>
        %add3A_87 = arith.addi %get3A_70, %add3A_86 : vector<16xi32>
        %gather3A_88 = tpu.vector_load_idx %arg6[%add3A_87] : memref<71680xf32, #tpu.memory_space<vmem>>[vector<16xi32>], vector<16xf32>,
        %swap3A_89 = arith.constant 2 : i32
        %swap3A_90 = arith.index_cast %swap3A_89 : i32 to index
        %swap3A_91 = arith.index_cast %mul3A_67 : i32 to index
        %swap3A_92 = tpu.vector_load %arg9[%swap3A_90, %swap3A_91] {strides = array<i32>} : memref<8x512xf32, #tpu.memory_space<vmem>>, vector<16xf32>,
        tpu.vector_store %arg9[%swap3A_90, %swap3A_91], %gather3A_88 {strides = array<i32>} : memref<8x512xf32, #tpu.memory_space<vmem>>, vector<16xf32>,
        %add3A_93 = arith.constant 6144 : i32
        %add3A_94 = vector.broadcast %add3A_93 : i32 to vector<16xi32>
        %add3A_95 = arith.addi %get3A_70, %add3A_94 : vector<16xi32>
        %gather3A_96 = tpu.vector_load_idx %arg6[%add3A_95] : memref<71680xf32, #tpu.memory_space<vmem>>[vector<16xi32>], vector<16xf32>,
        %swap3A_97 = arith.constant 0 : i32
        %swap3A_98 = arith.index_cast %swap3A_97 : i32 to index
        %swap3A_99 = arith.index_cast %mul3A_67 : i32 to index
        %swap3A_100 = tpu.vector_load %arg8[%swap3A_98, %swap3A_99] {strides = array<i32>} : memref<32x512xf32, #tpu.memory_space<vmem>>, vector<16xf32>,
        tpu.vector_store %arg8[%swap3A_98, %swap3A_99], %gather3A_96 {strides = array<i32>} : memref<32x512xf32, #tpu.memory_space<vmem>>, vector<16xf32>,
        %swap3A_101 = arith.constant 3 : i32
        %swap3A_102 = arith.index_cast %swap3A_101 : i32 to index
        %swap3A_103 = arith.index_cast %mul3A_67 : i32 to index
        %swap3A_104 = tpu.vector_load %arg9[%swap3A_102, %swap3A_103] {strides = array<i32>} : memref<8x512xf32, #tpu.memory_space<vmem>>, vector<16xf32>,
        tpu.vector_store %arg9[%swap3A_102, %swap3A_103], %gather3A_96 {strides = array<i32>} : memref<8x512xf32, #tpu.memory_space<vmem>>, vector<16xf32>,
        %add3A_105 = arith.constant 8192 : i32
        %add3A_106 = vector.broadcast %add3A_105 : i32 to vector<16xi32>
        %add3A_107 = arith.addi %get3A_70, %add3A_106 : vector<16xi32>
        %gather3A_108 = tpu.vector_load_idx %arg6[%add3A_107] : memref<71680xf32, #tpu.memory_space<vmem>>[vector<16xi32>], vector<16xf32>,
        %swap3A_109 = arith.constant 1 : i32
        %swap3A_110 = arith.index_cast %swap3A_109 : i32 to index
        %swap3A_111 = arith.index_cast %mul3A_67 : i32 to index
        %swap3A_112 = tpu.vector_load %arg8[%swap3A_110, %swap3A_111] {strides = array<i32>} : memref<32x512xf32, #tpu.memory_space<vmem>>, vector<16xf32>,
        tpu.vector_store %arg8[%swap3A_110, %swap3A_111], %gather3A_108 {strides = array<i32>} : memref<32x512xf32, #tpu.memory_space<vmem>>, vector<16xf32>,
        %add3A_113 = arith.constant 10240 : i32
        %add3A_114 = vector.broadcast %add3A_113 : i32 to vector<16xi32>
        %add3A_115 = arith.addi %get3A_70, %add3A_114 : vector<16xi32>
        %gather3A_116 = tpu.vector_load_idx %arg6[%add3A_115] : memref<71680xf32, #tpu.memory_space<vmem>>[vector<16xi32>], vector<16xf32>,
        %swap3A_117 = arith.constant 2 : i32
        %swap3A_118 = arith.index_cast %swap3A_117 : i32 to index
        %swap3A_119 = arith.index_cast %mul3A_67 : i32 to index
        %swap3A_120 = tpu.vector_load %arg8[%swap3A_118, %swap3A_119] {strides = array<i32>} : memref<32x512xf32, #tpu.memory_space<vmem>>, vector<16xf32>,
        tpu.vector_store %arg8[%swap3A_118, %swap3A_119], %gather3A_116 {strides = array<i32>} : memref<32x512xf32, #tpu.memory_space<vmem>>, vector<16xf32>,
        %add3A_121 = arith.constant 12288 : i32
        %add3A_122 = vector.broadcast %add3A_121 : i32 to vector<16xi32>
        %add3A_123 = arith.addi %get3A_70, %add3A_122 : vector<16xi32>
        %gather3A_124 = tpu.vector_load_idx %arg6[%add3A_123] : memref<71680xf32, #tpu.memory_space<vmem>>[vector<16xi32>], vector<16xf32>,
        %swap3A_125 = arith.constant 3 : i32
        %swap3A_126 = arith.index_cast %swap3A_125 : i32 to index
        %swap3A_127 = arith.index_cast %mul3A_67 : i32 to index
        %swap3A_128 = tpu.vector_load %arg8[%swap3A_126, %swap3A_127] {strides = array<i32>} : memref<32x512xf32, #tpu.memory_space<vmem>>, vector<16xf32>,
        tpu.vector_store %arg8[%swap3A_126, %swap3A_127], %gather3A_124 {strides = array<i32>} : memref<32x512xf32, #tpu.memory_space<vmem>>, vector<16xf32>,
        %add3A_129 = arith.constant 14336 : i32
        %add3A_130 = vector.broadcast %add3A_129 : i32 to vector<16xi32>
        %add3A_131 = arith.addi %get3A_70, %add3A_130 : vector<16xi32>
        %gather3A_132 = tpu.vector_load_idx %arg6[%add3A_131] : memref<71680xf32, #tpu.memory_space<vmem>>[vector<16xi32>], vector<16xf32>,
        %swap3A_133 = arith.constant 4 : i32
        %swap3A_134 = arith.index_cast %swap3A_133 : i32 to index
        %swap3A_135 = arith.index_cast %mul3A_67 : i32 to index
        %swap3A_136 = tpu.vector_load %arg8[%swap3A_134, %swap3A_135] {strides = array<i32>} : memref<32x512xf32, #tpu.memory_space<vmem>>, vector<16xf32>,
        tpu.vector_store %arg8[%swap3A_134, %swap3A_135], %gather3A_132 {strides = array<i32>} : memref<32x512xf32, #tpu.memory_space<vmem>>, vector<16xf32>,
        %add3A_137 = arith.constant 16384 : i32
        %add3A_138 = vector.broadcast %add3A_137 : i32 to vector<16xi32>
        %add3A_139 = arith.addi %get3A_70, %add3A_138 : vector<16xi32>
        %gather3A_140 = tpu.vector_load_idx %arg6[%add3A_139] : memref<71680xf32, #tpu.memory_space<vmem>>[vector<16xi32>], vector<16xf32>,
        %swap3A_141 = arith.constant 5 : i32
        %swap3A_142 = arith.index_cast %swap3A_141 : i32 to index
        %swap3A_143 = arith.index_cast %mul3A_67 : i32 to index
        %swap3A_144 = tpu.vector_load %arg8[%swap3A_142, %swap3A_143] {strides = array<i32>} : memref<32x512xf32, #tpu.memory_space<vmem>>, vector<16xf32>,
        tpu.vector_store %arg8[%swap3A_142, %swap3A_143], %gather3A_140 {strides = array<i32>} : memref<32x512xf32, #tpu.memory_space<vmem>>, vector<16xf32>,
        %add3A_145 = arith.constant 18432 : i32
        %add3A_146 = vector.broadcast %add3A_145 : i32 to vector<16xi32>
        %add3A_147 = arith.addi %get3A_70, %add3A_146 : vector<16xi32>
        %gather3A_148 = tpu.vector_load_idx %arg6[%add3A_147] : memref<71680xf32, #tpu.memory_space<vmem>>[vector<16xi32>], vector<16xf32>,
        %swap3A_149 = arith.constant 6 : i32
        %swap3A_150 = arith.index_cast %swap3A_149 : i32 to index
        %swap3A_151 = arith.index_cast %mul3A_67 : i32 to index
        %swap3A_152 = tpu.vector_load %arg8[%swap3A_150, %swap3A_151] {strides = array<i32>} : memref<32x512xf32, #tpu.memory_space<vmem>>, vector<16xf32>,
        tpu.vector_store %arg8[%swap3A_150, %swap3A_151], %gather3A_148 {strides = array<i32>} : memref<32x512xf32, #tpu.memory_space<vmem>>, vector<16xf32>,
        %add3A_153 = arith.constant 20480 : i32
        %add3A_154 = vector.broadcast %add3A_153 : i32 to vector<16xi32>
        %add3A_155 = arith.addi %get3A_70, %add3A_154 : vector<16xi32>
        %gather3A_156 = tpu.vector_load_idx %arg6[%add3A_155] : memref<71680xf32, #tpu.memory_space<vmem>>[vector<16xi32>], vector<16xf32>,
        %swap3A_157 = arith.constant 7 : i32
        %swap3A_158 = arith.index_cast %swap3A_157 : i32 to index
        %swap3A_159 = arith.index_cast %mul3A_67 : i32 to index
        %swap3A_160 = tpu.vector_load %arg8[%swap3A_158, %swap3A_159] {strides = array<i32>} : memref<32x512xf32, #tpu.memory_space<vmem>>, vector<16xf32>,
        tpu.vector_store %arg8[%swap3A_158, %swap3A_159], %gather3A_156 {strides = array<i32>} : memref<32x512xf32, #tpu.memory_space<vmem>>, vector<16xf32>,
        %add3A_161 = arith.constant 22528 : i32
        %add3A_162 = vector.broadcast %add3A_161 : i32 to vector<16xi32>
        %add3A_163 = arith.addi %get3A_70, %add3A_162 : vector<16xi32>
        %gather3A_164 = tpu.vector_load_idx %arg6[%add3A_163] : memref<71680xf32, #tpu.memory_space<vmem>>[vector<16xi32>], vector<16xf32>,
        %swap3A_165 = arith.constant 8 : i32
        %swap3A_166 = arith.index_cast %swap3A_165 : i32 to index
        %swap3A_167 = arith.index_cast %mul3A_67 : i32 to index
        %swap3A_168 = tpu.vector_load %arg8[%swap3A_166, %swap3A_167] {strides = array<i32>} : memref<32x512xf32, #tpu.memory_space<vmem>>, vector<16xf32>,
        tpu.vector_store %arg8[%swap3A_166, %swap3A_167], %gather3A_164 {strides = array<i32>} : memref<32x512xf32, #tpu.memory_space<vmem>>, vector<16xf32>,
        %add3A_169 = arith.constant 24576 : i32
        %add3A_170 = vector.broadcast %add3A_169 : i32 to vector<16xi32>
        %add3A_171 = arith.addi %get3A_70, %add3A_170 : vector<16xi32>
        %gather3A_172 = tpu.vector_load_idx %arg6[%add3A_171] : memref<71680xf32, #tpu.memory_space<vmem>>[vector<16xi32>], vector<16xf32>,
        %swap3A_173 = arith.constant 9 : i32
        %swap3A_174 = arith.index_cast %swap3A_173 : i32 to index
        %swap3A_175 = arith.index_cast %mul3A_67 : i32 to index
        %swap3A_176 = tpu.vector_load %arg8[%swap3A_174, %swap3A_175] {strides = array<i32>} : memref<32x512xf32, #tpu.memory_space<vmem>>, vector<16xf32>,
        tpu.vector_store %arg8[%swap3A_174, %swap3A_175], %gather3A_172 {strides = array<i32>} : memref<32x512xf32, #tpu.memory_space<vmem>>, vector<16xf32>,
        %add3A_177 = arith.constant 26624 : i32
        %add3A_178 = vector.broadcast %add3A_177 : i32 to vector<16xi32>
        %add3A_179 = arith.addi %get3A_70, %add3A_178 : vector<16xi32>
        %gather3A_180 = tpu.vector_load_idx %arg6[%add3A_179] : memref<71680xf32, #tpu.memory_space<vmem>>[vector<16xi32>], vector<16xf32>,
        %swap3A_181 = arith.constant 10 : i32
        %swap3A_182 = arith.index_cast %swap3A_181 : i32 to index
        %swap3A_183 = arith.index_cast %mul3A_67 : i32 to index
        %swap3A_184 = tpu.vector_load %arg8[%swap3A_182, %swap3A_183] {strides = array<i32>} : memref<32x512xf32, #tpu.memory_space<vmem>>, vector<16xf32>,
        tpu.vector_store %arg8[%swap3A_182, %swap3A_183], %gather3A_180 {strides = array<i32>} : memref<32x512xf32, #tpu.memory_space<vmem>>, vector<16xf32>,
        %add3A_185 = arith.constant 28672 : i32
        %add3A_186 = vector.broadcast %add3A_185 : i32 to vector<16xi32>
        %add3A_187 = arith.addi %get3A_70, %add3A_186 : vector<16xi32>
        %gather3A_188 = tpu.vector_load_idx %arg6[%add3A_187] : memref<71680xf32, #tpu.memory_space<vmem>>[vector<16xi32>], vector<16xf32>,
        %swap3A_189 = arith.constant 11 : i32
        %swap3A_190 = arith.index_cast %swap3A_189 : i32 to index
        %swap3A_191 = arith.index_cast %mul3A_67 : i32 to index
        %swap3A_192 = tpu.vector_load %arg8[%swap3A_190, %swap3A_191] {strides = array<i32>} : memref<32x512xf32, #tpu.memory_space<vmem>>, vector<16xf32>,
        tpu.vector_store %arg8[%swap3A_190, %swap3A_191], %gather3A_188 {strides = array<i32>} : memref<32x512xf32, #tpu.memory_space<vmem>>, vector<16xf32>,
        %add3A_193 = arith.constant 30720 : i32
        %add3A_194 = vector.broadcast %add3A_193 : i32 to vector<16xi32>
        %add3A_195 = arith.addi %get3A_70, %add3A_194 : vector<16xi32>
        %gather3A_196 = tpu.vector_load_idx %arg6[%add3A_195] : memref<71680xf32, #tpu.memory_space<vmem>>[vector<16xi32>], vector<16xf32>,
        %swap3A_197 = arith.constant 12 : i32
        %swap3A_198 = arith.index_cast %swap3A_197 : i32 to index
        %swap3A_199 = arith.index_cast %mul3A_67 : i32 to index
        %swap3A_200 = tpu.vector_load %arg8[%swap3A_198, %swap3A_199] {strides = array<i32>} : memref<32x512xf32, #tpu.memory_space<vmem>>, vector<16xf32>,
        tpu.vector_store %arg8[%swap3A_198, %swap3A_199], %gather3A_196 {strides = array<i32>} : memref<32x512xf32, #tpu.memory_space<vmem>>, vector<16xf32>,
        %add3A_201 = arith.constant 32768 : i32
        %add3A_202 = vector.broadcast %add3A_201 : i32 to vector<16xi32>
        %add3A_203 = arith.addi %get3A_70, %add3A_202 : vector<16xi32>
        %gather3A_204 = tpu.vector_load_idx %arg6[%add3A_203] : memref<71680xf32, #tpu.memory_space<vmem>>[vector<16xi32>], vector<16xf32>,
        %swap3A_205 = arith.constant 13 : i32
        %swap3A_206 = arith.index_cast %swap3A_205 : i32 to index
        %swap3A_207 = arith.index_cast %mul3A_67 : i32 to index
        %swap3A_208 = tpu.vector_load %arg8[%swap3A_206, %swap3A_207] {strides = array<i32>} : memref<32x512xf32, #tpu.memory_space<vmem>>, vector<16xf32>,
        tpu.vector_store %arg8[%swap3A_206, %swap3A_207], %gather3A_204 {strides = array<i32>} : memref<32x512xf32, #tpu.memory_space<vmem>>, vector<16xf32>,
        %add3A_209 = arith.constant 34816 : i32
        %add3A_210 = vector.broadcast %add3A_209 : i32 to vector<16xi32>
        %add3A_211 = arith.addi %get3A_70, %add3A_210 : vector<16xi32>
        %gather3A_212 = tpu.vector_load_idx %arg6[%add3A_211] : memref<71680xf32, #tpu.memory_space<vmem>>[vector<16xi32>], vector<16xf32>,
        %swap3A_213 = arith.constant 14 : i32
        %swap3A_214 = arith.index_cast %swap3A_213 : i32 to index
        %swap3A_215 = arith.index_cast %mul3A_67 : i32 to index
        %swap3A_216 = tpu.vector_load %arg8[%swap3A_214, %swap3A_215] {strides = array<i32>} : memref<32x512xf32, #tpu.memory_space<vmem>>, vector<16xf32>,
        tpu.vector_store %arg8[%swap3A_214, %swap3A_215], %gather3A_212 {strides = array<i32>} : memref<32x512xf32, #tpu.memory_space<vmem>>, vector<16xf32>,
        %add3A_217 = arith.constant 36864 : i32
        %add3A_218 = vector.broadcast %add3A_217 : i32 to vector<16xi32>
        %add3A_219 = arith.addi %get3A_70, %add3A_218 : vector<16xi32>
        %gather3A_220 = tpu.vector_load_idx %arg6[%add3A_219] : memref<71680xf32, #tpu.memory_space<vmem>>[vector<16xi32>], vector<16xf32>,
        %swap3A_221 = arith.constant 15 : i32
        %swap3A_222 = arith.index_cast %swap3A_221 : i32 to index
        %swap3A_223 = arith.index_cast %mul3A_67 : i32 to index
        %swap3A_224 = tpu.vector_load %arg8[%swap3A_222, %swap3A_223] {strides = array<i32>} : memref<32x512xf32, #tpu.memory_space<vmem>>, vector<16xf32>,
        tpu.vector_store %arg8[%swap3A_222, %swap3A_223], %gather3A_220 {strides = array<i32>} : memref<32x512xf32, #tpu.memory_space<vmem>>, vector<16xf32>,
        %add3A_225 = arith.constant 38912 : i32
        %add3A_226 = vector.broadcast %add3A_225 : i32 to vector<16xi32>
        %add3A_227 = arith.addi %get3A_70, %add3A_226 : vector<16xi32>
        %gather3A_228 = tpu.vector_load_idx %arg6[%add3A_227] : memref<71680xf32, #tpu.memory_space<vmem>>[vector<16xi32>], vector<16xf32>,
        %swap3A_229 = arith.constant 16 : i32
        %swap3A_230 = arith.index_cast %swap3A_229 : i32 to index
        %swap3A_231 = arith.index_cast %mul3A_67 : i32 to index
        %swap3A_232 = tpu.vector_load %arg8[%swap3A_230, %swap3A_231] {strides = array<i32>} : memref<32x512xf32, #tpu.memory_space<vmem>>, vector<16xf32>,
        tpu.vector_store %arg8[%swap3A_230, %swap3A_231], %gather3A_228 {strides = array<i32>} : memref<32x512xf32, #tpu.memory_space<vmem>>, vector<16xf32>,
        %add3A_233 = arith.constant 40960 : i32
        %add3A_234 = vector.broadcast %add3A_233 : i32 to vector<16xi32>
        %add3A_235 = arith.addi %get3A_70, %add3A_234 : vector<16xi32>
        %gather3A_236 = tpu.vector_load_idx %arg6[%add3A_235] : memref<71680xf32, #tpu.memory_space<vmem>>[vector<16xi32>], vector<16xf32>,
        %swap3A_237 = arith.constant 17 : i32
        %swap3A_238 = arith.index_cast %swap3A_237 : i32 to index
        %swap3A_239 = arith.index_cast %mul3A_67 : i32 to index
        %swap3A_240 = tpu.vector_load %arg8[%swap3A_238, %swap3A_239] {strides = array<i32>} : memref<32x512xf32, #tpu.memory_space<vmem>>, vector<16xf32>,
        tpu.vector_store %arg8[%swap3A_238, %swap3A_239], %gather3A_236 {strides = array<i32>} : memref<32x512xf32, #tpu.memory_space<vmem>>, vector<16xf32>,
        %add3A_241 = arith.constant 43008 : i32
        %add3A_242 = vector.broadcast %add3A_241 : i32 to vector<16xi32>
        %add3A_243 = arith.addi %get3A_70, %add3A_242 : vector<16xi32>
        %gather3A_244 = tpu.vector_load_idx %arg6[%add3A_243] : memref<71680xf32, #tpu.memory_space<vmem>>[vector<16xi32>], vector<16xf32>,
        %swap3A_245 = arith.constant 18 : i32
        %swap3A_246 = arith.index_cast %swap3A_245 : i32 to index
        %swap3A_247 = arith.index_cast %mul3A_67 : i32 to index
        %swap3A_248 = tpu.vector_load %arg8[%swap3A_246, %swap3A_247] {strides = array<i32>} : memref<32x512xf32, #tpu.memory_space<vmem>>, vector<16xf32>,
        tpu.vector_store %arg8[%swap3A_246, %swap3A_247], %gather3A_244 {strides = array<i32>} : memref<32x512xf32, #tpu.memory_space<vmem>>, vector<16xf32>,
        %add3A_249 = arith.constant 45056 : i32
        %add3A_250 = vector.broadcast %add3A_249 : i32 to vector<16xi32>
        %add3A_251 = arith.addi %get3A_70, %add3A_250 : vector<16xi32>
        %gather3A_252 = tpu.vector_load_idx %arg6[%add3A_251] : memref<71680xf32, #tpu.memory_space<vmem>>[vector<16xi32>], vector<16xf32>,
        %swap3A_253 = arith.constant 19 : i32
        %swap3A_254 = arith.index_cast %swap3A_253 : i32 to index
        %swap3A_255 = arith.index_cast %mul3A_67 : i32 to index
        %swap3A_256 = tpu.vector_load %arg8[%swap3A_254, %swap3A_255] {strides = array<i32>} : memref<32x512xf32, #tpu.memory_space<vmem>>, vector<16xf32>,
        tpu.vector_store %arg8[%swap3A_254, %swap3A_255], %gather3A_252 {strides = array<i32>} : memref<32x512xf32, #tpu.memory_space<vmem>>, vector<16xf32>,
        %add3A_257 = arith.constant 47104 : i32
        %add3A_258 = vector.broadcast %add3A_257 : i32 to vector<16xi32>
        %add3A_259 = arith.addi %get3A_70, %add3A_258 : vector<16xi32>
        %gather3A_260 = tpu.vector_load_idx %arg6[%add3A_259] : memref<71680xf32, #tpu.memory_space<vmem>>[vector<16xi32>], vector<16xf32>,
        %swap3A_261 = arith.constant 20 : i32
        %swap3A_262 = arith.index_cast %swap3A_261 : i32 to index
        %swap3A_263 = arith.index_cast %mul3A_67 : i32 to index
        %swap3A_264 = tpu.vector_load %arg8[%swap3A_262, %swap3A_263] {strides = array<i32>} : memref<32x512xf32, #tpu.memory_space<vmem>>, vector<16xf32>,
        tpu.vector_store %arg8[%swap3A_262, %swap3A_263], %gather3A_260 {strides = array<i32>} : memref<32x512xf32, #tpu.memory_space<vmem>>, vector<16xf32>,
        %add3A_265 = arith.constant 49152 : i32
        %add3A_266 = vector.broadcast %add3A_265 : i32 to vector<16xi32>
        %add3A_267 = arith.addi %get3A_70, %add3A_266 : vector<16xi32>
        %gather3A_268 = tpu.vector_load_idx %arg6[%add3A_267] : memref<71680xf32, #tpu.memory_space<vmem>>[vector<16xi32>], vector<16xf32>,
        %swap3A_269 = arith.constant 21 : i32
        %swap3A_270 = arith.index_cast %swap3A_269 : i32 to index
        %swap3A_271 = arith.index_cast %mul3A_67 : i32 to index
        %swap3A_272 = tpu.vector_load %arg8[%swap3A_270, %swap3A_271] {strides = array<i32>} : memref<32x512xf32, #tpu.memory_space<vmem>>, vector<16xf32>,
        tpu.vector_store %arg8[%swap3A_270, %swap3A_271], %gather3A_268 {strides = array<i32>} : memref<32x512xf32, #tpu.memory_space<vmem>>, vector<16xf32>,
        %add3A_273 = arith.constant 51200 : i32
        %add3A_274 = vector.broadcast %add3A_273 : i32 to vector<16xi32>
        %add3A_275 = arith.addi %get3A_70, %add3A_274 : vector<16xi32>
        %gather3A_276 = tpu.vector_load_idx %arg6[%add3A_275] : memref<71680xf32, #tpu.memory_space<vmem>>[vector<16xi32>], vector<16xf32>,
        %swap3A_277 = arith.constant 22 : i32
        %swap3A_278 = arith.index_cast %swap3A_277 : i32 to index
        %swap3A_279 = arith.index_cast %mul3A_67 : i32 to index
        %swap3A_280 = tpu.vector_load %arg8[%swap3A_278, %swap3A_279] {strides = array<i32>} : memref<32x512xf32, #tpu.memory_space<vmem>>, vector<16xf32>,
        tpu.vector_store %arg8[%swap3A_278, %swap3A_279], %gather3A_276 {strides = array<i32>} : memref<32x512xf32, #tpu.memory_space<vmem>>, vector<16xf32>,
        %add3A_281 = arith.constant 53248 : i32
        %add3A_282 = vector.broadcast %add3A_281 : i32 to vector<16xi32>
        %add3A_283 = arith.addi %get3A_70, %add3A_282 : vector<16xi32>
        %gather3A_284 = tpu.vector_load_idx %arg6[%add3A_283] : memref<71680xf32, #tpu.memory_space<vmem>>[vector<16xi32>], vector<16xf32>,
        %swap3A_285 = arith.constant 23 : i32
        %swap3A_286 = arith.index_cast %swap3A_285 : i32 to index
        %swap3A_287 = arith.index_cast %mul3A_67 : i32 to index
        %swap3A_288 = tpu.vector_load %arg8[%swap3A_286, %swap3A_287] {strides = array<i32>} : memref<32x512xf32, #tpu.memory_space<vmem>>, vector<16xf32>,
        tpu.vector_store %arg8[%swap3A_286, %swap3A_287], %gather3A_284 {strides = array<i32>} : memref<32x512xf32, #tpu.memory_space<vmem>>, vector<16xf32>,
        %add3A_289 = arith.constant 55296 : i32
        %add3A_290 = vector.broadcast %add3A_289 : i32 to vector<16xi32>
        %add3A_291 = arith.addi %get3A_70, %add3A_290 : vector<16xi32>
        %gather3A_292 = tpu.vector_load_idx %arg6[%add3A_291] : memref<71680xf32, #tpu.memory_space<vmem>>[vector<16xi32>], vector<16xf32>,
        %swap3A_293 = arith.constant 24 : i32
        %swap3A_294 = arith.index_cast %swap3A_293 : i32 to index
        %swap3A_295 = arith.index_cast %mul3A_67 : i32 to index
        %swap3A_296 = tpu.vector_load %arg8[%swap3A_294, %swap3A_295] {strides = array<i32>} : memref<32x512xf32, #tpu.memory_space<vmem>>, vector<16xf32>,
        tpu.vector_store %arg8[%swap3A_294, %swap3A_295], %gather3A_292 {strides = array<i32>} : memref<32x512xf32, #tpu.memory_space<vmem>>, vector<16xf32>,
        %add3A_297 = arith.constant 57344 : i32
        %add3A_298 = vector.broadcast %add3A_297 : i32 to vector<16xi32>
        %add3A_299 = arith.addi %get3A_70, %add3A_298 : vector<16xi32>
        %gather3A_300 = tpu.vector_load_idx %arg6[%add3A_299] : memref<71680xf32, #tpu.memory_space<vmem>>[vector<16xi32>], vector<16xf32>,
        %swap3A_301 = arith.constant 25 : i32
        %swap3A_302 = arith.index_cast %swap3A_301 : i32 to index
        %swap3A_303 = arith.index_cast %mul3A_67 : i32 to index
        %swap3A_304 = tpu.vector_load %arg8[%swap3A_302, %swap3A_303] {strides = array<i32>} : memref<32x512xf32, #tpu.memory_space<vmem>>, vector<16xf32>,
        tpu.vector_store %arg8[%swap3A_302, %swap3A_303], %gather3A_300 {strides = array<i32>} : memref<32x512xf32, #tpu.memory_space<vmem>>, vector<16xf32>,
        %add3A_305 = arith.constant 59392 : i32
        %add3A_306 = vector.broadcast %add3A_305 : i32 to vector<16xi32>
        %add3A_307 = arith.addi %get3A_70, %add3A_306 : vector<16xi32>
        %gather3A_308 = tpu.vector_load_idx %arg6[%add3A_307] : memref<71680xf32, #tpu.memory_space<vmem>>[vector<16xi32>], vector<16xf32>,
        %swap3A_309 = arith.constant 26 : i32
        %swap3A_310 = arith.index_cast %swap3A_309 : i32 to index
        %swap3A_311 = arith.index_cast %mul3A_67 : i32 to index
        %swap3A_312 = tpu.vector_load %arg8[%swap3A_310, %swap3A_311] {strides = array<i32>} : memref<32x512xf32, #tpu.memory_space<vmem>>, vector<16xf32>,
        tpu.vector_store %arg8[%swap3A_310, %swap3A_311], %gather3A_308 {strides = array<i32>} : memref<32x512xf32, #tpu.memory_space<vmem>>, vector<16xf32>,
        %add3A_313 = arith.constant 61440 : i32
        %add3A_314 = vector.broadcast %add3A_313 : i32 to vector<16xi32>
        %add3A_315 = arith.addi %get3A_70, %add3A_314 : vector<16xi32>
        %gather3A_316 = tpu.vector_load_idx %arg6[%add3A_315] : memref<71680xf32, #tpu.memory_space<vmem>>[vector<16xi32>], vector<16xf32>,
        %swap3A_317 = arith.constant 27 : i32
        %swap3A_318 = arith.index_cast %swap3A_317 : i32 to index
        %swap3A_319 = arith.index_cast %mul3A_67 : i32 to index
        %swap3A_320 = tpu.vector_load %arg8[%swap3A_318, %swap3A_319] {strides = array<i32>} : memref<32x512xf32, #tpu.memory_space<vmem>>, vector<16xf32>,
        tpu.vector_store %arg8[%swap3A_318, %swap3A_319], %gather3A_316 {strides = array<i32>} : memref<32x512xf32, #tpu.memory_space<vmem>>, vector<16xf32>,
        %add3A_321 = arith.constant 63488 : i32
        %add3A_322 = vector.broadcast %add3A_321 : i32 to vector<16xi32>
        %add3A_323 = arith.addi %get3A_70, %add3A_322 : vector<16xi32>
        %gather3A_324 = tpu.vector_load_idx %arg6[%add3A_323] : memref<71680xf32, #tpu.memory_space<vmem>>[vector<16xi32>], vector<16xf32>,
        %swap3A_325 = arith.constant 28 : i32
        %swap3A_326 = arith.index_cast %swap3A_325 : i32 to index
        %swap3A_327 = arith.index_cast %mul3A_67 : i32 to index
        %swap3A_328 = tpu.vector_load %arg8[%swap3A_326, %swap3A_327] {strides = array<i32>} : memref<32x512xf32, #tpu.memory_space<vmem>>, vector<16xf32>,
        tpu.vector_store %arg8[%swap3A_326, %swap3A_327], %gather3A_324 {strides = array<i32>} : memref<32x512xf32, #tpu.memory_space<vmem>>, vector<16xf32>,
        %add3A_329 = arith.constant 65536 : i32
        %add3A_330 = vector.broadcast %add3A_329 : i32 to vector<16xi32>
        %add3A_331 = arith.addi %get3A_70, %add3A_330 : vector<16xi32>
        %gather3A_332 = tpu.vector_load_idx %arg6[%add3A_331] : memref<71680xf32, #tpu.memory_space<vmem>>[vector<16xi32>], vector<16xf32>,
        %swap3A_333 = arith.constant 29 : i32
        %swap3A_334 = arith.index_cast %swap3A_333 : i32 to index
        %swap3A_335 = arith.index_cast %mul3A_67 : i32 to index
        %swap3A_336 = tpu.vector_load %arg8[%swap3A_334, %swap3A_335] {strides = array<i32>} : memref<32x512xf32, #tpu.memory_space<vmem>>, vector<16xf32>,
        tpu.vector_store %arg8[%swap3A_334, %swap3A_335], %gather3A_332 {strides = array<i32>} : memref<32x512xf32, #tpu.memory_space<vmem>>, vector<16xf32>,
        %add3A_337 = arith.constant 67584 : i32
        %add3A_338 = vector.broadcast %add3A_337 : i32 to vector<16xi32>
        %add3A_339 = arith.addi %get3A_70, %add3A_338 : vector<16xi32>
        %gather3A_340 = tpu.vector_load_idx %arg6[%add3A_339] : memref<71680xf32, #tpu.memory_space<vmem>>[vector<16xi32>], vector<16xf32>,
        %swap3A_341 = arith.constant 30 : i32
        %swap3A_342 = arith.index_cast %swap3A_341 : i32 to index
        %swap3A_343 = arith.index_cast %mul3A_67 : i32 to index
        %swap3A_344 = tpu.vector_load %arg8[%swap3A_342, %swap3A_343] {strides = array<i32>} : memref<32x512xf32, #tpu.memory_space<vmem>>, vector<16xf32>,
        tpu.vector_store %arg8[%swap3A_342, %swap3A_343], %gather3A_340 {strides = array<i32>} : memref<32x512xf32, #tpu.memory_space<vmem>>, vector<16xf32>,
        %add3A_345 = arith.constant 69632 : i32
        %add3A_346 = vector.broadcast %add3A_345 : i32 to vector<16xi32>
        %add3A_347 = arith.addi %get3A_70, %add3A_346 : vector<16xi32>
        %gather3A_348 = tpu.vector_load_idx %arg6[%add3A_347] : memref<71680xf32, #tpu.memory_space<vmem>>[vector<16xi32>], vector<16xf32>,
        %swap3A_349 = arith.constant 31 : i32
        %swap3A_350 = arith.index_cast %swap3A_349 : i32 to index
        %swap3A_351 = arith.index_cast %mul3A_67 : i32 to index
        %swap3A_352 = tpu.vector_load %arg8[%swap3A_350, %swap3A_351] {strides = array<i32>} : memref<32x512xf32, #tpu.memory_space<vmem>>, vector<16xf32>,
        tpu.vector_store %arg8[%swap3A_350, %swap3A_351], %gather3A_348 {strides = array<i32>} : memref<32x512xf32, #tpu.memory_space<vmem>>, vector<16xf32>,
      }
      %scan3A_48 = arith.constant 32 : i32
      %mul3A_49 = arith.constant 32 : i32
      %mul3A_50 = arith.muli %add3A_42, %mul3A_49 : i32
      "tpu.region"() ({
        %run_scoped3A = tpu.sem_alloc : memref<!tpu.dma_semaphore, #tpu.memory_space<semaphore_mem>>
        %dma_start3A = tpu.memref_slice %arg5[%select_n3A, %mul3A_50, %mul3A_38] : memref<4x512x8192xf32, #tpu.memory_space<hbm>> -> memref<1x32x512xf32, #tpu.memory_space<hbm>>
        %dma_start3A_65 = tpu.memref_squeeze %dma_start3A : memref<1x32x512xf32, #tpu.memory_space<hbm>> -> memref<32x512xf32, #tpu.memory_space<hbm>>
        %dma_start3A_66 = tpu.memref_slice %arg5[%select_n3A, %mul3A_50, %mul3A_38] : memref<4x512x8192xf32, #tpu.memory_space<hbm>> -> memref<1x32x512xf32, #tpu.memory_space<hbm>>
        %dma_start3A_67 = tpu.memref_squeeze %dma_start3A_66 : memref<1x32x512xf32, #tpu.memory_space<hbm>> -> memref<32x512xf32, #tpu.memory_space<hbm>>
        tpu.enqueue_dma source(%arg8 : memref<32x512xf32, #tpu.memory_space<vmem>>) target(%dma_start3A_67 : memref<32x512xf32, #tpu.memory_space<hbm>>) target_semaphore(%run_scoped3A : memref<!tpu.dma_semaphore, #tpu.memory_space<semaphore_mem>>)
        %dma_wait3A = tpu.memref_slice %arg5[%select_n3A, %mul3A_50, %mul3A_38] : memref<4x512x8192xf32, #tpu.memory_space<hbm>> -> memref<1x32x512xf32, #tpu.memory_space<hbm>>
        %dma_wait3A_68 = tpu.memref_squeeze %dma_wait3A : memref<1x32x512xf32, #tpu.memory_space<hbm>> -> memref<32x512xf32, #tpu.memory_space<hbm>>
        %dma_wait3A_69 = tpu.memref_slice %arg5[%select_n3A, %mul3A_50, %mul3A_38] : memref<4x512x8192xf32, #tpu.memory_space<hbm>> -> memref<1x32x512xf32, #tpu.memory_space<hbm>>
        %dma_wait3A_70 = tpu.memref_squeeze %dma_wait3A_69 : memref<1x32x512xf32, #tpu.memory_space<hbm>> -> memref<32x512xf32, #tpu.memory_space<hbm>>
        tpu.wait_dma2 semaphore(%run_scoped3A : memref<!tpu.dma_semaphore, #tpu.memory_space<semaphore_mem>>) src(%arg8 : memref<32x512xf32, #tpu.memory_space<vmem>>) dst(%dma_wait3A_70 : memref<32x512xf32, #tpu.memory_space<hbm>>)
        tpu.yield
      }) : () -> ()
      %mul3A_51 = arith.constant 2 : i32
      %mul3A_52 = arith.muli %select_n3A_30, %mul3A_51 : i32
      %add3A_53 = arith.constant 1 : i32
      %add3A_54 = arith.addi %mul3A_52, %add3A_53 : i32
      %scan3A_55 = arith.constant 0 : i32
      %scan3A_56 = arith.constant 0 : i32
      %scan3A_57 = arith.constant 32 : i32
      %scan3A_58 = arith.addi %scan3A_56, %scan3A_57 : i32
      %scan3A_59 = arith.constant 1 : i32
      scf.for %scan3A_65 = %scan3A_56 to %scan3A_58 step %scan3A_59  : i32 {
        %mul3A_66 = arith.constant 16 : i32
        %mul3A_67 = arith.muli %scan3A_65, %mul3A_66 : i32
        %get3A = arith.constant 1 : i32
        %get3A_68 = arith.index_cast %get3A : i32 to index
        %get3A_69 = arith.index_cast %mul3A_67 : i32 to index
        %get3A_70 = tpu.vector_load %arg7[%get3A_68, %get3A_69] {strides = array<i32>} : memref<2x512xi32, #tpu.memory_space<vmem>>, vector<16xi32>,
        %add3A_71 = arith.constant 0 : i32
        %add3A_72 = vector.broadcast %add3A_71 : i32 to vector<16xi32>
        %add3A_73 = arith.addi %get3A_70, %add3A_72 : vector<16xi32>
        %gather3A = tpu.vector_load_idx %arg6[%add3A_73] : memref<71680xf32, #tpu.memory_space<vmem>>[vector<16xi32>], vector<16xf32>,
        %swap3A = arith.constant 4 : i32
        %swap3A_74 = arith.index_cast %swap3A : i32 to index
        %swap3A_75 = arith.index_cast %mul3A_67 : i32 to index
        %swap3A_76 = tpu.vector_load %arg9[%swap3A_74, %swap3A_75] {strides = array<i32>} : memref<8x512xf32, #tpu.memory_space<vmem>>, vector<16xf32>,
        tpu.vector_store %arg9[%swap3A_74, %swap3A_75], %gather3A {strides = array<i32>} : memref<8x512xf32, #tpu.memory_space<vmem>>, vector<16xf32>,
        %add3A_77 = arith.constant 2048 : i32
        %add3A_78 = vector.broadcast %add3A_77 : i32 to vector<16xi32>
        %add3A_79 = arith.addi %get3A_70, %add3A_78 : vector<16xi32>
        %gather3A_80 = tpu.vector_load_idx %arg6[%add3A_79] : memref<71680xf32, #tpu.memory_space<vmem>>[vector<16xi32>], vector<16xf32>,
        %swap3A_81 = arith.constant 5 : i32
        %swap3A_82 = arith.index_cast %swap3A_81 : i32 to index
        %swap3A_83 = arith.index_cast %mul3A_67 : i32 to index
        %swap3A_84 = tpu.vector_load %arg9[%swap3A_82, %swap3A_83] {strides = array<i32>} : memref<8x512xf32, #tpu.memory_space<vmem>>, vector<16xf32>,
        tpu.vector_store %arg9[%swap3A_82, %swap3A_83], %gather3A_80 {strides = array<i32>} : memref<8x512xf32, #tpu.memory_space<vmem>>, vector<16xf32>,
        %add3A_85 = arith.constant 4096 : i32
        %add3A_86 = vector.broadcast %add3A_85 : i32 to vector<16xi32>
        %add3A_87 = arith.addi %get3A_70, %add3A_86 : vector<16xi32>
        %gather3A_88 = tpu.vector_load_idx %arg6[%add3A_87] : memref<71680xf32, #tpu.memory_space<vmem>>[vector<16xi32>], vector<16xf32>,
        %swap3A_89 = arith.constant 6 : i32
        %swap3A_90 = arith.index_cast %swap3A_89 : i32 to index
        %swap3A_91 = arith.index_cast %mul3A_67 : i32 to index
        %swap3A_92 = tpu.vector_load %arg9[%swap3A_90, %swap3A_91] {strides = array<i32>} : memref<8x512xf32, #tpu.memory_space<vmem>>, vector<16xf32>,
        tpu.vector_store %arg9[%swap3A_90, %swap3A_91], %gather3A_88 {strides = array<i32>} : memref<8x512xf32, #tpu.memory_space<vmem>>, vector<16xf32>,
        %add3A_93 = arith.constant 6144 : i32
        %add3A_94 = vector.broadcast %add3A_93 : i32 to vector<16xi32>
        %add3A_95 = arith.addi %get3A_70, %add3A_94 : vector<16xi32>
        %gather3A_96 = tpu.vector_load_idx %arg6[%add3A_95] : memref<71680xf32, #tpu.memory_space<vmem>>[vector<16xi32>], vector<16xf32>,
        %swap3A_97 = arith.constant 0 : i32
        %swap3A_98 = arith.index_cast %swap3A_97 : i32 to index
        %swap3A_99 = arith.index_cast %mul3A_67 : i32 to index
        %swap3A_100 = tpu.vector_load %arg8[%swap3A_98, %swap3A_99] {strides = array<i32>} : memref<32x512xf32, #tpu.memory_space<vmem>>, vector<16xf32>,
        tpu.vector_store %arg8[%swap3A_98, %swap3A_99], %gather3A_96 {strides = array<i32>} : memref<32x512xf32, #tpu.memory_space<vmem>>, vector<16xf32>,
        %swap3A_101 = arith.constant 7 : i32
        %swap3A_102 = arith.index_cast %swap3A_101 : i32 to index
        %swap3A_103 = arith.index_cast %mul3A_67 : i32 to index
        %swap3A_104 = tpu.vector_load %arg9[%swap3A_102, %swap3A_103] {strides = array<i32>} : memref<8x512xf32, #tpu.memory_space<vmem>>, vector<16xf32>,
        tpu.vector_store %arg9[%swap3A_102, %swap3A_103], %gather3A_96 {strides = array<i32>} : memref<8x512xf32, #tpu.memory_space<vmem>>, vector<16xf32>,
        %add3A_105 = arith.constant 8192 : i32
        %add3A_106 = vector.broadcast %add3A_105 : i32 to vector<16xi32>
        %add3A_107 = arith.addi %get3A_70, %add3A_106 : vector<16xi32>
        %gather3A_108 = tpu.vector_load_idx %arg6[%add3A_107] : memref<71680xf32, #tpu.memory_space<vmem>>[vector<16xi32>], vector<16xf32>,
        %swap3A_109 = arith.constant 1 : i32
        %swap3A_110 = arith.index_cast %swap3A_109 : i32 to index
        %swap3A_111 = arith.index_cast %mul3A_67 : i32 to index
        %swap3A_112 = tpu.vector_load %arg8[%swap3A_110, %swap3A_111] {strides = array<i32>} : memref<32x512xf32, #tpu.memory_space<vmem>>, vector<16xf32>,
        tpu.vector_store %arg8[%swap3A_110, %swap3A_111], %gather3A_108 {strides = array<i32>} : memref<32x512xf32, #tpu.memory_space<vmem>>, vector<16xf32>,
        %add3A_113 = arith.constant 10240 : i32
        %add3A_114 = vector.broadcast %add3A_113 : i32 to vector<16xi32>
        %add3A_115 = arith.addi %get3A_70, %add3A_114 : vector<16xi32>
        %gather3A_116 = tpu.vector_load_idx %arg6[%add3A_115] : memref<71680xf32, #tpu.memory_space<vmem>>[vector<16xi32>], vector<16xf32>,
        %swap3A_117 = arith.constant 2 : i32
        %swap3A_118 = arith.index_cast %swap3A_117 : i32 to index
        %swap3A_119 = arith.index_cast %mul3A_67 : i32 to index
        %swap3A_120 = tpu.vector_load %arg8[%swap3A_118, %swap3A_119] {strides = array<i32>} : memref<32x512xf32, #tpu.memory_space<vmem>>, vector<16xf32>,
        tpu.vector_store %arg8[%swap3A_118, %swap3A_119], %gather3A_116 {strides = array<i32>} : memref<32x512xf32, #tpu.memory_space<vmem>>, vector<16xf32>,
        %add3A_121 = arith.constant 12288 : i32
        %add3A_122 = vector.broadcast %add3A_121 : i32 to vector<16xi32>
        %add3A_123 = arith.addi %get3A_70, %add3A_122 : vector<16xi32>
        %gather3A_124 = tpu.vector_load_idx %arg6[%add3A_123] : memref<71680xf32, #tpu.memory_space<vmem>>[vector<16xi32>], vector<16xf32>,
        %swap3A_125 = arith.constant 3 : i32
        %swap3A_126 = arith.index_cast %swap3A_125 : i32 to index
        %swap3A_127 = arith.index_cast %mul3A_67 : i32 to index
        %swap3A_128 = tpu.vector_load %arg8[%swap3A_126, %swap3A_127] {strides = array<i32>} : memref<32x512xf32, #tpu.memory_space<vmem>>, vector<16xf32>,
        tpu.vector_store %arg8[%swap3A_126, %swap3A_127], %gather3A_124 {strides = array<i32>} : memref<32x512xf32, #tpu.memory_space<vmem>>, vector<16xf32>,
        %add3A_129 = arith.constant 14336 : i32
        %add3A_130 = vector.broadcast %add3A_129 : i32 to vector<16xi32>
        %add3A_131 = arith.addi %get3A_70, %add3A_130 : vector<16xi32>
        %gather3A_132 = tpu.vector_load_idx %arg6[%add3A_131] : memref<71680xf32, #tpu.memory_space<vmem>>[vector<16xi32>], vector<16xf32>,
        %swap3A_133 = arith.constant 4 : i32
        %swap3A_134 = arith.index_cast %swap3A_133 : i32 to index
        %swap3A_135 = arith.index_cast %mul3A_67 : i32 to index
        %swap3A_136 = tpu.vector_load %arg8[%swap3A_134, %swap3A_135] {strides = array<i32>} : memref<32x512xf32, #tpu.memory_space<vmem>>, vector<16xf32>,
        tpu.vector_store %arg8[%swap3A_134, %swap3A_135], %gather3A_132 {strides = array<i32>} : memref<32x512xf32, #tpu.memory_space<vmem>>, vector<16xf32>,
        %add3A_137 = arith.constant 16384 : i32
        %add3A_138 = vector.broadcast %add3A_137 : i32 to vector<16xi32>
        %add3A_139 = arith.addi %get3A_70, %add3A_138 : vector<16xi32>
        %gather3A_140 = tpu.vector_load_idx %arg6[%add3A_139] : memref<71680xf32, #tpu.memory_space<vmem>>[vector<16xi32>], vector<16xf32>,
        %swap3A_141 = arith.constant 5 : i32
        %swap3A_142 = arith.index_cast %swap3A_141 : i32 to index
        %swap3A_143 = arith.index_cast %mul3A_67 : i32 to index
        %swap3A_144 = tpu.vector_load %arg8[%swap3A_142, %swap3A_143] {strides = array<i32>} : memref<32x512xf32, #tpu.memory_space<vmem>>, vector<16xf32>,
        tpu.vector_store %arg8[%swap3A_142, %swap3A_143], %gather3A_140 {strides = array<i32>} : memref<32x512xf32, #tpu.memory_space<vmem>>, vector<16xf32>,
        %add3A_145 = arith.constant 18432 : i32
        %add3A_146 = vector.broadcast %add3A_145 : i32 to vector<16xi32>
        %add3A_147 = arith.addi %get3A_70, %add3A_146 : vector<16xi32>
        %gather3A_148 = tpu.vector_load_idx %arg6[%add3A_147] : memref<71680xf32, #tpu.memory_space<vmem>>[vector<16xi32>], vector<16xf32>,
        %swap3A_149 = arith.constant 6 : i32
        %swap3A_150 = arith.index_cast %swap3A_149 : i32 to index
        %swap3A_151 = arith.index_cast %mul3A_67 : i32 to index
        %swap3A_152 = tpu.vector_load %arg8[%swap3A_150, %swap3A_151] {strides = array<i32>} : memref<32x512xf32, #tpu.memory_space<vmem>>, vector<16xf32>,
        tpu.vector_store %arg8[%swap3A_150, %swap3A_151], %gather3A_148 {strides = array<i32>} : memref<32x512xf32, #tpu.memory_space<vmem>>, vector<16xf32>,
        %add3A_153 = arith.constant 20480 : i32
        %add3A_154 = vector.broadcast %add3A_153 : i32 to vector<16xi32>
        %add3A_155 = arith.addi %get3A_70, %add3A_154 : vector<16xi32>
        %gather3A_156 = tpu.vector_load_idx %arg6[%add3A_155] : memref<71680xf32, #tpu.memory_space<vmem>>[vector<16xi32>], vector<16xf32>,
        %swap3A_157 = arith.constant 7 : i32
        %swap3A_158 = arith.index_cast %swap3A_157 : i32 to index
        %swap3A_159 = arith.index_cast %mul3A_67 : i32 to index
        %swap3A_160 = tpu.vector_load %arg8[%swap3A_158, %swap3A_159] {strides = array<i32>} : memref<32x512xf32, #tpu.memory_space<vmem>>, vector<16xf32>,
        tpu.vector_store %arg8[%swap3A_158, %swap3A_159], %gather3A_156 {strides = array<i32>} : memref<32x512xf32, #tpu.memory_space<vmem>>, vector<16xf32>,
        %add3A_161 = arith.constant 22528 : i32
        %add3A_162 = vector.broadcast %add3A_161 : i32 to vector<16xi32>
        %add3A_163 = arith.addi %get3A_70, %add3A_162 : vector<16xi32>
        %gather3A_164 = tpu.vector_load_idx %arg6[%add3A_163] : memref<71680xf32, #tpu.memory_space<vmem>>[vector<16xi32>], vector<16xf32>,
        %swap3A_165 = arith.constant 8 : i32
        %swap3A_166 = arith.index_cast %swap3A_165 : i32 to index
        %swap3A_167 = arith.index_cast %mul3A_67 : i32 to index
        %swap3A_168 = tpu.vector_load %arg8[%swap3A_166, %swap3A_167] {strides = array<i32>} : memref<32x512xf32, #tpu.memory_space<vmem>>, vector<16xf32>,
        tpu.vector_store %arg8[%swap3A_166, %swap3A_167], %gather3A_164 {strides = array<i32>} : memref<32x512xf32, #tpu.memory_space<vmem>>, vector<16xf32>,
        %add3A_169 = arith.constant 24576 : i32
        %add3A_170 = vector.broadcast %add3A_169 : i32 to vector<16xi32>
        %add3A_171 = arith.addi %get3A_70, %add3A_170 : vector<16xi32>
        %gather3A_172 = tpu.vector_load_idx %arg6[%add3A_171] : memref<71680xf32, #tpu.memory_space<vmem>>[vector<16xi32>], vector<16xf32>,
        %swap3A_173 = arith.constant 9 : i32
        %swap3A_174 = arith.index_cast %swap3A_173 : i32 to index
        %swap3A_175 = arith.index_cast %mul3A_67 : i32 to index
        %swap3A_176 = tpu.vector_load %arg8[%swap3A_174, %swap3A_175] {strides = array<i32>} : memref<32x512xf32, #tpu.memory_space<vmem>>, vector<16xf32>,
        tpu.vector_store %arg8[%swap3A_174, %swap3A_175], %gather3A_172 {strides = array<i32>} : memref<32x512xf32, #tpu.memory_space<vmem>>, vector<16xf32>,
        %add3A_177 = arith.constant 26624 : i32
        %add3A_178 = vector.broadcast %add3A_177 : i32 to vector<16xi32>
        %add3A_179 = arith.addi %get3A_70, %add3A_178 : vector<16xi32>
        %gather3A_180 = tpu.vector_load_idx %arg6[%add3A_179] : memref<71680xf32, #tpu.memory_space<vmem>>[vector<16xi32>], vector<16xf32>,
        %swap3A_181 = arith.constant 10 : i32
        %swap3A_182 = arith.index_cast %swap3A_181 : i32 to index
        %swap3A_183 = arith.index_cast %mul3A_67 : i32 to index
        %swap3A_184 = tpu.vector_load %arg8[%swap3A_182, %swap3A_183] {strides = array<i32>} : memref<32x512xf32, #tpu.memory_space<vmem>>, vector<16xf32>,
        tpu.vector_store %arg8[%swap3A_182, %swap3A_183], %gather3A_180 {strides = array<i32>} : memref<32x512xf32, #tpu.memory_space<vmem>>, vector<16xf32>,
        %add3A_185 = arith.constant 28672 : i32
        %add3A_186 = vector.broadcast %add3A_185 : i32 to vector<16xi32>
        %add3A_187 = arith.addi %get3A_70, %add3A_186 : vector<16xi32>
        %gather3A_188 = tpu.vector_load_idx %arg6[%add3A_187] : memref<71680xf32, #tpu.memory_space<vmem>>[vector<16xi32>], vector<16xf32>,
        %swap3A_189 = arith.constant 11 : i32
        %swap3A_190 = arith.index_cast %swap3A_189 : i32 to index
        %swap3A_191 = arith.index_cast %mul3A_67 : i32 to index
        %swap3A_192 = tpu.vector_load %arg8[%swap3A_190, %swap3A_191] {strides = array<i32>} : memref<32x512xf32, #tpu.memory_space<vmem>>, vector<16xf32>,
        tpu.vector_store %arg8[%swap3A_190, %swap3A_191], %gather3A_188 {strides = array<i32>} : memref<32x512xf32, #tpu.memory_space<vmem>>, vector<16xf32>,
        %add3A_193 = arith.constant 30720 : i32
        %add3A_194 = vector.broadcast %add3A_193 : i32 to vector<16xi32>
        %add3A_195 = arith.addi %get3A_70, %add3A_194 : vector<16xi32>
        %gather3A_196 = tpu.vector_load_idx %arg6[%add3A_195] : memref<71680xf32, #tpu.memory_space<vmem>>[vector<16xi32>], vector<16xf32>,
        %swap3A_197 = arith.constant 12 : i32
        %swap3A_198 = arith.index_cast %swap3A_197 : i32 to index
        %swap3A_199 = arith.index_cast %mul3A_67 : i32 to index
        %swap3A_200 = tpu.vector_load %arg8[%swap3A_198, %swap3A_199] {strides = array<i32>} : memref<32x512xf32, #tpu.memory_space<vmem>>, vector<16xf32>,
        tpu.vector_store %arg8[%swap3A_198, %swap3A_199], %gather3A_196 {strides = array<i32>} : memref<32x512xf32, #tpu.memory_space<vmem>>, vector<16xf32>,
        %add3A_201 = arith.constant 32768 : i32
        %add3A_202 = vector.broadcast %add3A_201 : i32 to vector<16xi32>
        %add3A_203 = arith.addi %get3A_70, %add3A_202 : vector<16xi32>
        %gather3A_204 = tpu.vector_load_idx %arg6[%add3A_203] : memref<71680xf32, #tpu.memory_space<vmem>>[vector<16xi32>], vector<16xf32>,
        %swap3A_205 = arith.constant 13 : i32
        %swap3A_206 = arith.index_cast %swap3A_205 : i32 to index
        %swap3A_207 = arith.index_cast %mul3A_67 : i32 to index
        %swap3A_208 = tpu.vector_load %arg8[%swap3A_206, %swap3A_207] {strides = array<i32>} : memref<32x512xf32, #tpu.memory_space<vmem>>, vector<16xf32>,
        tpu.vector_store %arg8[%swap3A_206, %swap3A_207], %gather3A_204 {strides = array<i32>} : memref<32x512xf32, #tpu.memory_space<vmem>>, vector<16xf32>,
        %add3A_209 = arith.constant 34816 : i32
        %add3A_210 = vector.broadcast %add3A_209 : i32 to vector<16xi32>
        %add3A_211 = arith.addi %get3A_70, %add3A_210 : vector<16xi32>
        %gather3A_212 = tpu.vector_load_idx %arg6[%add3A_211] : memref<71680xf32, #tpu.memory_space<vmem>>[vector<16xi32>], vector<16xf32>,
        %swap3A_213 = arith.constant 14 : i32
        %swap3A_214 = arith.index_cast %swap3A_213 : i32 to index
        %swap3A_215 = arith.index_cast %mul3A_67 : i32 to index
        %swap3A_216 = tpu.vector_load %arg8[%swap3A_214, %swap3A_215] {strides = array<i32>} : memref<32x512xf32, #tpu.memory_space<vmem>>, vector<16xf32>,
        tpu.vector_store %arg8[%swap3A_214, %swap3A_215], %gather3A_212 {strides = array<i32>} : memref<32x512xf32, #tpu.memory_space<vmem>>, vector<16xf32>,
        %add3A_217 = arith.constant 36864 : i32
        %add3A_218 = vector.broadcast %add3A_217 : i32 to vector<16xi32>
        %add3A_219 = arith.addi %get3A_70, %add3A_218 : vector<16xi32>
        %gather3A_220 = tpu.vector_load_idx %arg6[%add3A_219] : memref<71680xf32, #tpu.memory_space<vmem>>[vector<16xi32>], vector<16xf32>,
        %swap3A_221 = arith.constant 15 : i32
        %swap3A_222 = arith.index_cast %swap3A_221 : i32 to index
        %swap3A_223 = arith.index_cast %mul3A_67 : i32 to index
        %swap3A_224 = tpu.vector_load %arg8[%swap3A_222, %swap3A_223] {strides = array<i32>} : memref<32x512xf32, #tpu.memory_space<vmem>>, vector<16xf32>,
        tpu.vector_store %arg8[%swap3A_222, %swap3A_223], %gather3A_220 {strides = array<i32>} : memref<32x512xf32, #tpu.memory_space<vmem>>, vector<16xf32>,
        %add3A_225 = arith.constant 38912 : i32
        %add3A_226 = vector.broadcast %add3A_225 : i32 to vector<16xi32>
        %add3A_227 = arith.addi %get3A_70, %add3A_226 : vector<16xi32>
        %gather3A_228 = tpu.vector_load_idx %arg6[%add3A_227] : memref<71680xf32, #tpu.memory_space<vmem>>[vector<16xi32>], vector<16xf32>,
        %swap3A_229 = arith.constant 16 : i32
        %swap3A_230 = arith.index_cast %swap3A_229 : i32 to index
        %swap3A_231 = arith.index_cast %mul3A_67 : i32 to index
        %swap3A_232 = tpu.vector_load %arg8[%swap3A_230, %swap3A_231] {strides = array<i32>} : memref<32x512xf32, #tpu.memory_space<vmem>>, vector<16xf32>,
        tpu.vector_store %arg8[%swap3A_230, %swap3A_231], %gather3A_228 {strides = array<i32>} : memref<32x512xf32, #tpu.memory_space<vmem>>, vector<16xf32>,
        %add3A_233 = arith.constant 40960 : i32
        %add3A_234 = vector.broadcast %add3A_233 : i32 to vector<16xi32>
        %add3A_235 = arith.addi %get3A_70, %add3A_234 : vector<16xi32>
        %gather3A_236 = tpu.vector_load_idx %arg6[%add3A_235] : memref<71680xf32, #tpu.memory_space<vmem>>[vector<16xi32>], vector<16xf32>,
        %swap3A_237 = arith.constant 17 : i32
        %swap3A_238 = arith.index_cast %swap3A_237 : i32 to index
        %swap3A_239 = arith.index_cast %mul3A_67 : i32 to index
        %swap3A_240 = tpu.vector_load %arg8[%swap3A_238, %swap3A_239] {strides = array<i32>} : memref<32x512xf32, #tpu.memory_space<vmem>>, vector<16xf32>,
        tpu.vector_store %arg8[%swap3A_238, %swap3A_239], %gather3A_236 {strides = array<i32>} : memref<32x512xf32, #tpu.memory_space<vmem>>, vector<16xf32>,
        %add3A_241 = arith.constant 43008 : i32
        %add3A_242 = vector.broadcast %add3A_241 : i32 to vector<16xi32>
        %add3A_243 = arith.addi %get3A_70, %add3A_242 : vector<16xi32>
        %gather3A_244 = tpu.vector_load_idx %arg6[%add3A_243] : memref<71680xf32, #tpu.memory_space<vmem>>[vector<16xi32>], vector<16xf32>,
        %swap3A_245 = arith.constant 18 : i32
        %swap3A_246 = arith.index_cast %swap3A_245 : i32 to index
        %swap3A_247 = arith.index_cast %mul3A_67 : i32 to index
        %swap3A_248 = tpu.vector_load %arg8[%swap3A_246, %swap3A_247] {strides = array<i32>} : memref<32x512xf32, #tpu.memory_space<vmem>>, vector<16xf32>,
        tpu.vector_store %arg8[%swap3A_246, %swap3A_247], %gather3A_244 {strides = array<i32>} : memref<32x512xf32, #tpu.memory_space<vmem>>, vector<16xf32>,
        %add3A_249 = arith.constant 45056 : i32
        %add3A_250 = vector.broadcast %add3A_249 : i32 to vector<16xi32>
        %add3A_251 = arith.addi %get3A_70, %add3A_250 : vector<16xi32>
        %gather3A_252 = tpu.vector_load_idx %arg6[%add3A_251] : memref<71680xf32, #tpu.memory_space<vmem>>[vector<16xi32>], vector<16xf32>,
        %swap3A_253 = arith.constant 19 : i32
        %swap3A_254 = arith.index_cast %swap3A_253 : i32 to index
        %swap3A_255 = arith.index_cast %mul3A_67 : i32 to index
        %swap3A_256 = tpu.vector_load %arg8[%swap3A_254, %swap3A_255] {strides = array<i32>} : memref<32x512xf32, #tpu.memory_space<vmem>>, vector<16xf32>,
        tpu.vector_store %arg8[%swap3A_254, %swap3A_255], %gather3A_252 {strides = array<i32>} : memref<32x512xf32, #tpu.memory_space<vmem>>, vector<16xf32>,
        %add3A_257 = arith.constant 47104 : i32
        %add3A_258 = vector.broadcast %add3A_257 : i32 to vector<16xi32>
        %add3A_259 = arith.addi %get3A_70, %add3A_258 : vector<16xi32>
        %gather3A_260 = tpu.vector_load_idx %arg6[%add3A_259] : memref<71680xf32, #tpu.memory_space<vmem>>[vector<16xi32>], vector<16xf32>,
        %swap3A_261 = arith.constant 20 : i32
        %swap3A_262 = arith.index_cast %swap3A_261 : i32 to index
        %swap3A_263 = arith.index_cast %mul3A_67 : i32 to index
        %swap3A_264 = tpu.vector_load %arg8[%swap3A_262, %swap3A_263] {strides = array<i32>} : memref<32x512xf32, #tpu.memory_space<vmem>>, vector<16xf32>,
        tpu.vector_store %arg8[%swap3A_262, %swap3A_263], %gather3A_260 {strides = array<i32>} : memref<32x512xf32, #tpu.memory_space<vmem>>, vector<16xf32>,
        %add3A_265 = arith.constant 49152 : i32
        %add3A_266 = vector.broadcast %add3A_265 : i32 to vector<16xi32>
        %add3A_267 = arith.addi %get3A_70, %add3A_266 : vector<16xi32>
        %gather3A_268 = tpu.vector_load_idx %arg6[%add3A_267] : memref<71680xf32, #tpu.memory_space<vmem>>[vector<16xi32>], vector<16xf32>,
        %swap3A_269 = arith.constant 21 : i32
        %swap3A_270 = arith.index_cast %swap3A_269 : i32 to index
        %swap3A_271 = arith.index_cast %mul3A_67 : i32 to index
        %swap3A_272 = tpu.vector_load %arg8[%swap3A_270, %swap3A_271] {strides = array<i32>} : memref<32x512xf32, #tpu.memory_space<vmem>>, vector<16xf32>,
        tpu.vector_store %arg8[%swap3A_270, %swap3A_271], %gather3A_268 {strides = array<i32>} : memref<32x512xf32, #tpu.memory_space<vmem>>, vector<16xf32>,
        %add3A_273 = arith.constant 51200 : i32
        %add3A_274 = vector.broadcast %add3A_273 : i32 to vector<16xi32>
        %add3A_275 = arith.addi %get3A_70, %add3A_274 : vector<16xi32>
        %gather3A_276 = tpu.vector_load_idx %arg6[%add3A_275] : memref<71680xf32, #tpu.memory_space<vmem>>[vector<16xi32>], vector<16xf32>,
        %swap3A_277 = arith.constant 22 : i32
        %swap3A_278 = arith.index_cast %swap3A_277 : i32 to index
        %swap3A_279 = arith.index_cast %mul3A_67 : i32 to index
        %swap3A_280 = tpu.vector_load %arg8[%swap3A_278, %swap3A_279] {strides = array<i32>} : memref<32x512xf32, #tpu.memory_space<vmem>>, vector<16xf32>,
        tpu.vector_store %arg8[%swap3A_278, %swap3A_279], %gather3A_276 {strides = array<i32>} : memref<32x512xf32, #tpu.memory_space<vmem>>, vector<16xf32>,
        %add3A_281 = arith.constant 53248 : i32
        %add3A_282 = vector.broadcast %add3A_281 : i32 to vector<16xi32>
        %add3A_283 = arith.addi %get3A_70, %add3A_282 : vector<16xi32>
        %gather3A_284 = tpu.vector_load_idx %arg6[%add3A_283] : memref<71680xf32, #tpu.memory_space<vmem>>[vector<16xi32>], vector<16xf32>,
        %swap3A_285 = arith.constant 23 : i32
        %swap3A_286 = arith.index_cast %swap3A_285 : i32 to index
        %swap3A_287 = arith.index_cast %mul3A_67 : i32 to index
        %swap3A_288 = tpu.vector_load %arg8[%swap3A_286, %swap3A_287] {strides = array<i32>} : memref<32x512xf32, #tpu.memory_space<vmem>>, vector<16xf32>,
        tpu.vector_store %arg8[%swap3A_286, %swap3A_287], %gather3A_284 {strides = array<i32>} : memref<32x512xf32, #tpu.memory_space<vmem>>, vector<16xf32>,
        %add3A_289 = arith.constant 55296 : i32
        %add3A_290 = vector.broadcast %add3A_289 : i32 to vector<16xi32>
        %add3A_291 = arith.addi %get3A_70, %add3A_290 : vector<16xi32>
        %gather3A_292 = tpu.vector_load_idx %arg6[%add3A_291] : memref<71680xf32, #tpu.memory_space<vmem>>[vector<16xi32>], vector<16xf32>,
        %swap3A_293 = arith.constant 24 : i32
        %swap3A_294 = arith.index_cast %swap3A_293 : i32 to index
        %swap3A_295 = arith.index_cast %mul3A_67 : i32 to index
        %swap3A_296 = tpu.vector_load %arg8[%swap3A_294, %swap3A_295] {strides = array<i32>} : memref<32x512xf32, #tpu.memory_space<vmem>>, vector<16xf32>,
        tpu.vector_store %arg8[%swap3A_294, %swap3A_295], %gather3A_292 {strides = array<i32>} : memref<32x512xf32, #tpu.memory_space<vmem>>, vector<16xf32>,
        %add3A_297 = arith.constant 57344 : i32
        %add3A_298 = vector.broadcast %add3A_297 : i32 to vector<16xi32>
        %add3A_299 = arith.addi %get3A_70, %add3A_298 : vector<16xi32>
        %gather3A_300 = tpu.vector_load_idx %arg6[%add3A_299] : memref<71680xf32, #tpu.memory_space<vmem>>[vector<16xi32>], vector<16xf32>,
        %swap3A_301 = arith.constant 25 : i32
        %swap3A_302 = arith.index_cast %swap3A_301 : i32 to index
        %swap3A_303 = arith.index_cast %mul3A_67 : i32 to index
        %swap3A_304 = tpu.vector_load %arg8[%swap3A_302, %swap3A_303] {strides = array<i32>} : memref<32x512xf32, #tpu.memory_space<vmem>>, vector<16xf32>,
        tpu.vector_store %arg8[%swap3A_302, %swap3A_303], %gather3A_300 {strides = array<i32>} : memref<32x512xf32, #tpu.memory_space<vmem>>, vector<16xf32>,
        %add3A_305 = arith.constant 59392 : i32
        %add3A_306 = vector.broadcast %add3A_305 : i32 to vector<16xi32>
        %add3A_307 = arith.addi %get3A_70, %add3A_306 : vector<16xi32>
        %gather3A_308 = tpu.vector_load_idx %arg6[%add3A_307] : memref<71680xf32, #tpu.memory_space<vmem>>[vector<16xi32>], vector<16xf32>,
        %swap3A_309 = arith.constant 26 : i32
        %swap3A_310 = arith.index_cast %swap3A_309 : i32 to index
        %swap3A_311 = arith.index_cast %mul3A_67 : i32 to index
        %swap3A_312 = tpu.vector_load %arg8[%swap3A_310, %swap3A_311] {strides = array<i32>} : memref<32x512xf32, #tpu.memory_space<vmem>>, vector<16xf32>,
        tpu.vector_store %arg8[%swap3A_310, %swap3A_311], %gather3A_308 {strides = array<i32>} : memref<32x512xf32, #tpu.memory_space<vmem>>, vector<16xf32>,
        %add3A_313 = arith.constant 61440 : i32
        %add3A_314 = vector.broadcast %add3A_313 : i32 to vector<16xi32>
        %add3A_315 = arith.addi %get3A_70, %add3A_314 : vector<16xi32>
        %gather3A_316 = tpu.vector_load_idx %arg6[%add3A_315] : memref<71680xf32, #tpu.memory_space<vmem>>[vector<16xi32>], vector<16xf32>,
        %swap3A_317 = arith.constant 27 : i32
        %swap3A_318 = arith.index_cast %swap3A_317 : i32 to index
        %swap3A_319 = arith.index_cast %mul3A_67 : i32 to index
        %swap3A_320 = tpu.vector_load %arg8[%swap3A_318, %swap3A_319] {strides = array<i32>} : memref<32x512xf32, #tpu.memory_space<vmem>>, vector<16xf32>,
        tpu.vector_store %arg8[%swap3A_318, %swap3A_319], %gather3A_316 {strides = array<i32>} : memref<32x512xf32, #tpu.memory_space<vmem>>, vector<16xf32>,
        %add3A_321 = arith.constant 63488 : i32
        %add3A_322 = vector.broadcast %add3A_321 : i32 to vector<16xi32>
        %add3A_323 = arith.addi %get3A_70, %add3A_322 : vector<16xi32>
        %gather3A_324 = tpu.vector_load_idx %arg6[%add3A_323] : memref<71680xf32, #tpu.memory_space<vmem>>[vector<16xi32>], vector<16xf32>,
        %swap3A_325 = arith.constant 28 : i32
        %swap3A_326 = arith.index_cast %swap3A_325 : i32 to index
        %swap3A_327 = arith.index_cast %mul3A_67 : i32 to index
        %swap3A_328 = tpu.vector_load %arg8[%swap3A_326, %swap3A_327] {strides = array<i32>} : memref<32x512xf32, #tpu.memory_space<vmem>>, vector<16xf32>,
        tpu.vector_store %arg8[%swap3A_326, %swap3A_327], %gather3A_324 {strides = array<i32>} : memref<32x512xf32, #tpu.memory_space<vmem>>, vector<16xf32>,
        %add3A_329 = arith.constant 65536 : i32
        %add3A_330 = vector.broadcast %add3A_329 : i32 to vector<16xi32>
        %add3A_331 = arith.addi %get3A_70, %add3A_330 : vector<16xi32>
        %gather3A_332 = tpu.vector_load_idx %arg6[%add3A_331] : memref<71680xf32, #tpu.memory_space<vmem>>[vector<16xi32>], vector<16xf32>,
        %swap3A_333 = arith.constant 29 : i32
        %swap3A_334 = arith.index_cast %swap3A_333 : i32 to index
        %swap3A_335 = arith.index_cast %mul3A_67 : i32 to index
        %swap3A_336 = tpu.vector_load %arg8[%swap3A_334, %swap3A_335] {strides = array<i32>} : memref<32x512xf32, #tpu.memory_space<vmem>>, vector<16xf32>,
        tpu.vector_store %arg8[%swap3A_334, %swap3A_335], %gather3A_332 {strides = array<i32>} : memref<32x512xf32, #tpu.memory_space<vmem>>, vector<16xf32>,
        %add3A_337 = arith.constant 67584 : i32
        %add3A_338 = vector.broadcast %add3A_337 : i32 to vector<16xi32>
        %add3A_339 = arith.addi %get3A_70, %add3A_338 : vector<16xi32>
        %gather3A_340 = tpu.vector_load_idx %arg6[%add3A_339] : memref<71680xf32, #tpu.memory_space<vmem>>[vector<16xi32>], vector<16xf32>,
        %swap3A_341 = arith.constant 30 : i32
        %swap3A_342 = arith.index_cast %swap3A_341 : i32 to index
        %swap3A_343 = arith.index_cast %mul3A_67 : i32 to index
        %swap3A_344 = tpu.vector_load %arg8[%swap3A_342, %swap3A_343] {strides = array<i32>} : memref<32x512xf32, #tpu.memory_space<vmem>>, vector<16xf32>,
        tpu.vector_store %arg8[%swap3A_342, %swap3A_343], %gather3A_340 {strides = array<i32>} : memref<32x512xf32, #tpu.memory_space<vmem>>, vector<16xf32>,
        %add3A_345 = arith.constant 69632 : i32
        %add3A_346 = vector.broadcast %add3A_345 : i32 to vector<16xi32>
        %add3A_347 = arith.addi %get3A_70, %add3A_346 : vector<16xi32>
        %gather3A_348 = tpu.vector_load_idx %arg6[%add3A_347] : memref<71680xf32, #tpu.memory_space<vmem>>[vector<16xi32>], vector<16xf32>,
        %swap3A_349 = arith.constant 31 : i32
        %swap3A_350 = arith.index_cast %swap3A_349 : i32 to index
        %swap3A_351 = arith.index_cast %mul3A_67 : i32 to index
        %swap3A_352 = tpu.vector_load %arg8[%swap3A_350, %swap3A_351] {strides = array<i32>} : memref<32x512xf32, #tpu.memory_space<vmem>>, vector<16xf32>,
        tpu.vector_store %arg8[%swap3A_350, %swap3A_351], %gather3A_348 {strides = array<i32>} : memref<32x512xf32, #tpu.memory_space<vmem>>, vector<16xf32>,
      }
      %scan3A_60 = arith.constant 32 : i32
      %mul3A_61 = arith.constant 32 : i32
      %mul3A_62 = arith.muli %add3A_54, %mul3A_61 : i32
      "tpu.region"() ({
        %run_scoped3A = tpu.sem_alloc : memref<!tpu.dma_semaphore, #tpu.memory_space<semaphore_mem>>
        %dma_start3A = tpu.memref_slice %arg5[%select_n3A, %mul3A_62, %mul3A_38] : memref<4x512x8192xf32, #tpu.memory_space<hbm>> -> memref<1x32x512xf32, #tpu.memory_space<hbm>>
        %dma_start3A_65 = tpu.memref_squeeze %dma_start3A : memref<1x32x512xf32, #tpu.memory_space<hbm>> -> memref<32x512xf32, #tpu.memory_space<hbm>>
        %dma_start3A_66 = tpu.memref_slice %arg5[%select_n3A, %mul3A_62, %mul3A_38] : memref<4x512x8192xf32, #tpu.memory_space<hbm>> -> memref<1x32x512xf32, #tpu.memory_space<hbm>>
        %dma_start3A_67 = tpu.memref_squeeze %dma_start3A_66 : memref<1x32x512xf32, #tpu.memory_space<hbm>> -> memref<32x512xf32, #tpu.memory_space<hbm>>
        tpu.enqueue_dma source(%arg8 : memref<32x512xf32, #tpu.memory_space<vmem>>) target(%dma_start3A_67 : memref<32x512xf32, #tpu.memory_space<hbm>>) target_semaphore(%run_scoped3A : memref<!tpu.dma_semaphore, #tpu.memory_space<semaphore_mem>>)
        %dma_wait3A = tpu.memref_slice %arg5[%select_n3A, %mul3A_62, %mul3A_38] : memref<4x512x8192xf32, #tpu.memory_space<hbm>> -> memref<1x32x512xf32, #tpu.memory_space<hbm>>
        %dma_wait3A_68 = tpu.memref_squeeze %dma_wait3A : memref<1x32x512xf32, #tpu.memory_space<hbm>> -> memref<32x512xf32, #tpu.memory_space<hbm>>
        %dma_wait3A_69 = tpu.memref_slice %arg5[%select_n3A, %mul3A_62, %mul3A_38] : memref<4x512x8192xf32, #tpu.memory_space<hbm>> -> memref<1x32x512xf32, #tpu.memory_space<hbm>>
        %dma_wait3A_70 = tpu.memref_squeeze %dma_wait3A_69 : memref<1x32x512xf32, #tpu.memory_space<hbm>> -> memref<32x512xf32, #tpu.memory_space<hbm>>
        tpu.wait_dma2 semaphore(%run_scoped3A : memref<!tpu.dma_semaphore, #tpu.memory_space<semaphore_mem>>) src(%arg8 : memref<32x512xf32, #tpu.memory_space<vmem>>) dst(%dma_wait3A_70 : memref<32x512xf32, #tpu.memory_space<hbm>>)
        tpu.yield
      }) : () -> ()
      %mul3A_63 = arith.constant 8 : i32
      %mul3A_64 = arith.muli %select_n3A_30, %mul3A_63 : i32
      "tpu.region"() ({
        %run_scoped3A = tpu.sem_alloc : memref<!tpu.dma_semaphore, #tpu.memory_space<semaphore_mem>>
        %dma_start3A = tpu.memref_slice %arg4[%select_n3A, %mul3A_64, %mul3A_38] : memref<4x64x8192xf32, #tpu.memory_space<hbm>> -> memref<1x8x512xf32, #tpu.memory_space<hbm>>
        %dma_start3A_65 = tpu.memref_squeeze %dma_start3A : memref<1x8x512xf32, #tpu.memory_space<hbm>> -> memref<8x512xf32, #tpu.memory_space<hbm>>
        %dma_start3A_66 = tpu.memref_slice %arg4[%select_n3A, %mul3A_64, %mul3A_38] : memref<4x64x8192xf32, #tpu.memory_space<hbm>> -> memref<1x8x512xf32, #tpu.memory_space<hbm>>
        %dma_start3A_67 = tpu.memref_squeeze %dma_start3A_66 : memref<1x8x512xf32, #tpu.memory_space<hbm>> -> memref<8x512xf32, #tpu.memory_space<hbm>>
        tpu.enqueue_dma source(%arg9 : memref<8x512xf32, #tpu.memory_space<vmem>>) target(%dma_start3A_67 : memref<8x512xf32, #tpu.memory_space<hbm>>) target_semaphore(%run_scoped3A : memref<!tpu.dma_semaphore, #tpu.memory_space<semaphore_mem>>)
        %dma_wait3A = tpu.memref_slice %arg4[%select_n3A, %mul3A_64, %mul3A_38] : memref<4x64x8192xf32, #tpu.memory_space<hbm>> -> memref<1x8x512xf32, #tpu.memory_space<hbm>>
        %dma_wait3A_68 = tpu.memref_squeeze %dma_wait3A : memref<1x8x512xf32, #tpu.memory_space<hbm>> -> memref<8x512xf32, #tpu.memory_space<hbm>>
        %dma_wait3A_69 = tpu.memref_slice %arg4[%select_n3A, %mul3A_64, %mul3A_38] : memref<4x64x8192xf32, #tpu.memory_space<hbm>> -> memref<1x8x512xf32, #tpu.memory_space<hbm>>
        %dma_wait3A_70 = tpu.memref_squeeze %dma_wait3A_69 : memref<1x8x512xf32, #tpu.memory_space<hbm>> -> memref<8x512xf32, #tpu.memory_space<hbm>>
        tpu.wait_dma2 semaphore(%run_scoped3A : memref<!tpu.dma_semaphore, #tpu.memory_space<semaphore_mem>>) src(%arg9 : memref<8x512xf32, #tpu.memory_space<vmem>>) dst(%dma_wait3A_70 : memref<8x512xf32, #tpu.memory_space<hbm>>)
        tpu.yield
      }) : () -> ()
    }
    %scan3A_35 = arith.constant 16 : i32
    return
  }
}

module attributes {stable_mosaic.version = 14 : i64} {
  func.func @_knn_body(%arg0: i32, %arg1: i32, %arg2: memref<1x512x3xf32, #tpu.memory_space<vmem>>, %arg3: memref<1x3x2048xf32, #tpu.memory_space<vmem>>, %arg4: memref<1x8x2x512xi32, #tpu.memory_space<vmem>>) attributes {dimension_semantics = [#tpu.dimension_semantics<arbitrary>, #tpu.dimension_semantics<arbitrary>], iteration_bounds = array<i64: 4, 16>, scalar_prefetch = 0 : i64, scratch_operands = 0 : i64, tpu.core_type = #tpu.core_type<tc>, window_params = [{transform_indices = @transform_0, window_bounds = array<i64: 1, 512, 3>}, {transform_indices = @transform_1, window_bounds = array<i64: 1, 3, 2048>}, {transform_indices = @transform_2, window_bounds = array<i64: 1, 8, 2, 512>}]} {
    %get3A = arith.constant 0 : index
    %get3A_0 = arith.constant 0 : index
    %get3A_1 = arith.constant 0 : index
    %get3A_2 = vector.load %arg2[%get3A, %get3A_0, %get3A_1] : memref<1x512x3xf32, #tpu.memory_space<vmem>>, vector<1x512x3xf32>
    %get3A_3 = vector.shape_cast %get3A_2 : vector<1x512x3xf32> to vector<512x3xf32>
    %get3A_4 = arith.constant 0 : index
    %get3A_5 = arith.constant 0 : index
    %get3A_6 = arith.constant 0 : index
    %get3A_7 = vector.load %arg3[%get3A_4, %get3A_5, %get3A_6] : memref<1x3x2048xf32, #tpu.memory_space<vmem>>, vector<1x3x2048xf32>
    %get3A_8 = vector.shape_cast %get3A_7 : vector<1x3x2048xf32> to vector<3x2048xf32>
    %mul3A = arith.mulf %get3A_3, %get3A_3 : vector<512x3xf32>
    %reduce_sum3A = arith.constant dense<0.000000e+00> : vector<512xf32>
    %reduce_sum3A_9 = vector.multi_reduction <add>, %mul3A, %reduce_sum3A [1] : vector<512x3xf32> to vector<512xf32>
    %broadcast_in_dim3A = vector.shape_cast %reduce_sum3A_9 : vector<512xf32> to vector<512x1xf32>
    %mul3A_10 = arith.mulf %get3A_8, %get3A_8 : vector<3x2048xf32>
    %reduce_sum3A_11 = arith.constant dense<0.000000e+00> : vector<2048xf32>
    %reduce_sum3A_12 = vector.multi_reduction <add>, %mul3A_10, %reduce_sum3A_11 [0] : vector<3x2048xf32> to vector<2048xf32>
    %broadcast_in_dim3A_13 = vector.shape_cast %reduce_sum3A_12 : vector<2048xf32> to vector<1x2048xf32>
    %add3A = vector.broadcast %broadcast_in_dim3A : vector<512x1xf32> to vector<512x2048xf32>
    %add3A_14 = vector.broadcast %broadcast_in_dim3A_13 : vector<1x2048xf32> to vector<512x2048xf32>
    %add3A_15 = arith.addf %add3A, %add3A_14 : vector<512x2048xf32>
    %dot_general3A = arith.constant dense<0.000000e+00> : vector<512x2048xf32>
    %dot_general3A_16 = tpu.matmul %get3A_3, %get3A_8, %dot_general3A {dimension_numbers = #tpu.dot_dimension_numbers<[1], [0], [0], [1], [0, 0, 1, 1], [], []>, transpose_lhs_hint = false} : vector<512x3xf32>, vector<3x2048xf32>, vector<512x2048xf32> -> vector<512x2048xf32>
    %mul3A_17 = arith.constant 2.000000e+00 : f32
    %mul3A_18 = vector.broadcast %mul3A_17 : f32 to vector<512x2048xf32>
    %mul3A_19 = arith.mulf %mul3A_18, %dot_general3A_16 : vector<512x2048xf32>
    %sub3A = arith.subf %add3A_15, %mul3A_19 : vector<512x2048xf32>
    %iota3A = tpu.iota {dimensions = array<i32: 1>} : vector<512x2048xi32>
    %reduce_min3A = arith.constant dense<0x7F800000> : vector<512xf32>
    %reduce_min3A_20 = vector.multi_reduction <minimumf>, %sub3A, %reduce_min3A [1] : vector<512x2048xf32> to vector<512xf32>
    %broadcast_in_dim3A_21 = vector.shape_cast %reduce_min3A_20 : vector<512xf32> to vector<512x1xf32>
    %eq3A = vector.broadcast %broadcast_in_dim3A_21 : vector<512x1xf32> to vector<512x2048xf32>
    %eq3A_22 = arith.cmpf oeq, %sub3A, %eq3A : vector<512x2048xf32>
    %jit3A = arith.constant 2048 : i32
    %broadcast_in_dim3A_23 = vector.broadcast %jit3A : i32 to vector<512x2048xi32>
    %select_n3A = arith.select %eq3A_22, %iota3A, %broadcast_in_dim3A_23 : vector<512x2048xi1>, vector<512x2048xi32>
    %reduce_min3A_24 = arith.constant dense<2147483647> : vector<512xi32>
    %reduce_min3A_25 = vector.multi_reduction <minsi>, %select_n3A, %reduce_min3A_24 [1] : vector<512x2048xi32> to vector<512xi32>
    %broadcast_in_dim3A_26 = vector.shape_cast %reduce_min3A_25 : vector<512xi32> to vector<512x1xi32>
    %eq3A_27 = vector.broadcast %broadcast_in_dim3A_26 : vector<512x1xi32> to vector<512x2048xi32>
    %eq3A_28 = arith.cmpi eq, %iota3A, %eq3A_27 : vector<512x2048xi32>
    %jit3A_29 = arith.constant 0x7F800000 : f32
    %broadcast_in_dim3A_30 = vector.broadcast %jit3A_29 : f32 to vector<512x2048xf32>
    %select_n3A_31 = arith.select %eq3A_28, %broadcast_in_dim3A_30, %sub3A : vector<512x2048xi1>, vector<512x2048xf32>
    %reduce_min3A_32 = arith.constant dense<0x7F800000> : vector<512xf32>
    %reduce_min3A_33 = vector.multi_reduction <minimumf>, %select_n3A_31, %reduce_min3A_32 [1] : vector<512x2048xf32> to vector<512xf32>
    %broadcast_in_dim3A_34 = vector.shape_cast %reduce_min3A_33 : vector<512xf32> to vector<512x1xf32>
    %eq3A_35 = vector.broadcast %broadcast_in_dim3A_34 : vector<512x1xf32> to vector<512x2048xf32>
    %eq3A_36 = arith.cmpf oeq, %select_n3A_31, %eq3A_35 : vector<512x2048xf32>
    %jit3A_37 = arith.constant 2048 : i32
    %broadcast_in_dim3A_38 = vector.broadcast %jit3A_37 : i32 to vector<512x2048xi32>
    %select_n3A_39 = arith.select %eq3A_36, %iota3A, %broadcast_in_dim3A_38 : vector<512x2048xi1>, vector<512x2048xi32>
    %reduce_min3A_40 = arith.constant dense<2147483647> : vector<512xi32>
    %reduce_min3A_41 = vector.multi_reduction <minsi>, %select_n3A_39, %reduce_min3A_40 [1] : vector<512x2048xi32> to vector<512xi32>
    %broadcast_in_dim3A_42 = vector.shape_cast %reduce_min3A_41 : vector<512xi32> to vector<512x1xi32>
    %eq3A_43 = vector.broadcast %broadcast_in_dim3A_42 : vector<512x1xi32> to vector<512x2048xi32>
    %eq3A_44 = arith.cmpi eq, %iota3A, %eq3A_43 : vector<512x2048xi32>
    %jit3A_45 = arith.constant 0x7F800000 : f32
    %broadcast_in_dim3A_46 = vector.broadcast %jit3A_45 : f32 to vector<512x2048xf32>
    %select_n3A_47 = arith.select %eq3A_44, %broadcast_in_dim3A_46, %select_n3A_31 : vector<512x2048xi1>, vector<512x2048xf32>
    %reduce_min3A_48 = arith.constant dense<0x7F800000> : vector<512xf32>
    %reduce_min3A_49 = vector.multi_reduction <minimumf>, %select_n3A_47, %reduce_min3A_48 [1] : vector<512x2048xf32> to vector<512xf32>
    %broadcast_in_dim3A_50 = vector.shape_cast %reduce_min3A_49 : vector<512xf32> to vector<512x1xf32>
    %eq3A_51 = vector.broadcast %broadcast_in_dim3A_50 : vector<512x1xf32> to vector<512x2048xf32>
    %eq3A_52 = arith.cmpf oeq, %select_n3A_47, %eq3A_51 : vector<512x2048xf32>
    %jit3A_53 = arith.constant 2048 : i32
    %broadcast_in_dim3A_54 = vector.broadcast %jit3A_53 : i32 to vector<512x2048xi32>
    %select_n3A_55 = arith.select %eq3A_52, %iota3A, %broadcast_in_dim3A_54 : vector<512x2048xi1>, vector<512x2048xi32>
    %reduce_min3A_56 = arith.constant dense<2147483647> : vector<512xi32>
    %reduce_min3A_57 = vector.multi_reduction <minsi>, %select_n3A_55, %reduce_min3A_56 [1] : vector<512x2048xi32> to vector<512xi32>
    %broadcast_in_dim3A_58 = vector.shape_cast %reduce_min3A_57 : vector<512xi32> to vector<512x1xi32>
    %eq3A_59 = vector.broadcast %broadcast_in_dim3A_58 : vector<512x1xi32> to vector<512x2048xi32>
    %eq3A_60 = arith.cmpi eq, %iota3A, %eq3A_59 : vector<512x2048xi32>
    %jit3A_61 = arith.constant 0x7F800000 : f32
    %broadcast_in_dim3A_62 = vector.broadcast %jit3A_61 : f32 to vector<512x2048xf32>
    %select_n3A_63 = arith.select %eq3A_60, %broadcast_in_dim3A_62, %select_n3A_47 : vector<512x2048xi1>, vector<512x2048xf32>
    %reduce_min3A_64 = arith.constant dense<0x7F800000> : vector<512xf32>
    %reduce_min3A_65 = vector.multi_reduction <minimumf>, %select_n3A_63, %reduce_min3A_64 [1] : vector<512x2048xf32> to vector<512xf32>
    %broadcast_in_dim3A_66 = vector.shape_cast %reduce_min3A_65 : vector<512xf32> to vector<512x1xf32>
    %eq3A_67 = vector.broadcast %broadcast_in_dim3A_66 : vector<512x1xf32> to vector<512x2048xf32>
    %eq3A_68 = arith.cmpf oeq, %select_n3A_63, %eq3A_67 : vector<512x2048xf32>
    %jit3A_69 = arith.constant 2048 : i32
    %broadcast_in_dim3A_70 = vector.broadcast %jit3A_69 : i32 to vector<512x2048xi32>
    %select_n3A_71 = arith.select %eq3A_68, %iota3A, %broadcast_in_dim3A_70 : vector<512x2048xi1>, vector<512x2048xi32>
    %reduce_min3A_72 = arith.constant dense<2147483647> : vector<512xi32>
    %reduce_min3A_73 = vector.multi_reduction <minsi>, %select_n3A_71, %reduce_min3A_72 [1] : vector<512x2048xi32> to vector<512xi32>
    %broadcast_in_dim3A_74 = vector.shape_cast %reduce_min3A_73 : vector<512xi32> to vector<512x1xi32>
    %eq3A_75 = vector.broadcast %broadcast_in_dim3A_74 : vector<512x1xi32> to vector<512x2048xi32>
    %eq3A_76 = arith.cmpi eq, %iota3A, %eq3A_75 : vector<512x2048xi32>
    %jit3A_77 = arith.constant 0x7F800000 : f32
    %broadcast_in_dim3A_78 = vector.broadcast %jit3A_77 : f32 to vector<512x2048xf32>
    %select_n3A_79 = arith.select %eq3A_76, %broadcast_in_dim3A_78, %select_n3A_63 : vector<512x2048xi1>, vector<512x2048xf32>
    %reduce_min3A_80 = arith.constant dense<0x7F800000> : vector<512xf32>
    %reduce_min3A_81 = vector.multi_reduction <minimumf>, %select_n3A_79, %reduce_min3A_80 [1] : vector<512x2048xf32> to vector<512xf32>
    %broadcast_in_dim3A_82 = vector.shape_cast %reduce_min3A_81 : vector<512xf32> to vector<512x1xf32>
    %eq3A_83 = vector.broadcast %broadcast_in_dim3A_82 : vector<512x1xf32> to vector<512x2048xf32>
    %eq3A_84 = arith.cmpf oeq, %select_n3A_79, %eq3A_83 : vector<512x2048xf32>
    %jit3A_85 = arith.constant 2048 : i32
    %broadcast_in_dim3A_86 = vector.broadcast %jit3A_85 : i32 to vector<512x2048xi32>
    %select_n3A_87 = arith.select %eq3A_84, %iota3A, %broadcast_in_dim3A_86 : vector<512x2048xi1>, vector<512x2048xi32>
    %reduce_min3A_88 = arith.constant dense<2147483647> : vector<512xi32>
    %reduce_min3A_89 = vector.multi_reduction <minsi>, %select_n3A_87, %reduce_min3A_88 [1] : vector<512x2048xi32> to vector<512xi32>
    %broadcast_in_dim3A_90 = vector.shape_cast %reduce_min3A_89 : vector<512xi32> to vector<512x1xi32>
    %eq3A_91 = vector.broadcast %broadcast_in_dim3A_90 : vector<512x1xi32> to vector<512x2048xi32>
    %eq3A_92 = arith.cmpi eq, %iota3A, %eq3A_91 : vector<512x2048xi32>
    %jit3A_93 = arith.constant 0x7F800000 : f32
    %broadcast_in_dim3A_94 = vector.broadcast %jit3A_93 : f32 to vector<512x2048xf32>
    %select_n3A_95 = arith.select %eq3A_92, %broadcast_in_dim3A_94, %select_n3A_79 : vector<512x2048xi1>, vector<512x2048xf32>
    %reduce_min3A_96 = arith.constant dense<0x7F800000> : vector<512xf32>
    %reduce_min3A_97 = vector.multi_reduction <minimumf>, %select_n3A_95, %reduce_min3A_96 [1] : vector<512x2048xf32> to vector<512xf32>
    %broadcast_in_dim3A_98 = vector.shape_cast %reduce_min3A_97 : vector<512xf32> to vector<512x1xf32>
    %eq3A_99 = vector.broadcast %broadcast_in_dim3A_98 : vector<512x1xf32> to vector<512x2048xf32>
    %eq3A_100 = arith.cmpf oeq, %select_n3A_95, %eq3A_99 : vector<512x2048xf32>
    %jit3A_101 = arith.constant 2048 : i32
    %broadcast_in_dim3A_102 = vector.broadcast %jit3A_101 : i32 to vector<512x2048xi32>
    %select_n3A_103 = arith.select %eq3A_100, %iota3A, %broadcast_in_dim3A_102 : vector<512x2048xi1>, vector<512x2048xi32>
    %reduce_min3A_104 = arith.constant dense<2147483647> : vector<512xi32>
    %reduce_min3A_105 = vector.multi_reduction <minsi>, %select_n3A_103, %reduce_min3A_104 [1] : vector<512x2048xi32> to vector<512xi32>
    %broadcast_in_dim3A_106 = vector.shape_cast %reduce_min3A_105 : vector<512xi32> to vector<512x1xi32>
    %eq3A_107 = vector.broadcast %broadcast_in_dim3A_106 : vector<512x1xi32> to vector<512x2048xi32>
    %eq3A_108 = arith.cmpi eq, %iota3A, %eq3A_107 : vector<512x2048xi32>
    %jit3A_109 = arith.constant 0x7F800000 : f32
    %broadcast_in_dim3A_110 = vector.broadcast %jit3A_109 : f32 to vector<512x2048xf32>
    %select_n3A_111 = arith.select %eq3A_108, %broadcast_in_dim3A_110, %select_n3A_95 : vector<512x2048xi1>, vector<512x2048xf32>
    %reduce_min3A_112 = arith.constant dense<0x7F800000> : vector<512xf32>
    %reduce_min3A_113 = vector.multi_reduction <minimumf>, %select_n3A_111, %reduce_min3A_112 [1] : vector<512x2048xf32> to vector<512xf32>
    %broadcast_in_dim3A_114 = vector.shape_cast %reduce_min3A_113 : vector<512xf32> to vector<512x1xf32>
    %eq3A_115 = vector.broadcast %broadcast_in_dim3A_114 : vector<512x1xf32> to vector<512x2048xf32>
    %eq3A_116 = arith.cmpf oeq, %select_n3A_111, %eq3A_115 : vector<512x2048xf32>
    %jit3A_117 = arith.constant 2048 : i32
    %broadcast_in_dim3A_118 = vector.broadcast %jit3A_117 : i32 to vector<512x2048xi32>
    %select_n3A_119 = arith.select %eq3A_116, %iota3A, %broadcast_in_dim3A_118 : vector<512x2048xi1>, vector<512x2048xi32>
    %reduce_min3A_120 = arith.constant dense<2147483647> : vector<512xi32>
    %reduce_min3A_121 = vector.multi_reduction <minsi>, %select_n3A_119, %reduce_min3A_120 [1] : vector<512x2048xi32> to vector<512xi32>
    %broadcast_in_dim3A_122 = vector.shape_cast %reduce_min3A_121 : vector<512xi32> to vector<512x1xi32>
    %eq3A_123 = vector.broadcast %broadcast_in_dim3A_122 : vector<512x1xi32> to vector<512x2048xi32>
    %eq3A_124 = arith.cmpi eq, %iota3A, %eq3A_123 : vector<512x2048xi32>
    %jit3A_125 = arith.constant 0x7F800000 : f32
    %broadcast_in_dim3A_126 = vector.broadcast %jit3A_125 : f32 to vector<512x2048xf32>
    %select_n3A_127 = arith.select %eq3A_124, %broadcast_in_dim3A_126, %select_n3A_111 : vector<512x2048xi1>, vector<512x2048xf32>
    %reduce_min3A_128 = arith.constant dense<0x7F800000> : vector<512xf32>
    %reduce_min3A_129 = vector.multi_reduction <minimumf>, %select_n3A_127, %reduce_min3A_128 [1] : vector<512x2048xf32> to vector<512xf32>
    %broadcast_in_dim3A_130 = vector.shape_cast %reduce_min3A_129 : vector<512xf32> to vector<512x1xf32>
    %eq3A_131 = vector.broadcast %broadcast_in_dim3A_130 : vector<512x1xf32> to vector<512x2048xf32>
    %eq3A_132 = arith.cmpf oeq, %select_n3A_127, %eq3A_131 : vector<512x2048xf32>
    %jit3A_133 = arith.constant 2048 : i32
    %broadcast_in_dim3A_134 = vector.broadcast %jit3A_133 : i32 to vector<512x2048xi32>
    %select_n3A_135 = arith.select %eq3A_132, %iota3A, %broadcast_in_dim3A_134 : vector<512x2048xi1>, vector<512x2048xi32>
    %reduce_min3A_136 = arith.constant dense<2147483647> : vector<512xi32>
    %reduce_min3A_137 = vector.multi_reduction <minsi>, %select_n3A_135, %reduce_min3A_136 [1] : vector<512x2048xi32> to vector<512xi32>
    %broadcast_in_dim3A_138 = vector.shape_cast %reduce_min3A_137 : vector<512xi32> to vector<512x1xi32>
    %eq3A_139 = vector.broadcast %broadcast_in_dim3A_138 : vector<512x1xi32> to vector<512x2048xi32>
    %eq3A_140 = arith.cmpi eq, %iota3A, %eq3A_139 : vector<512x2048xi32>
    %jit3A_141 = arith.constant 0x7F800000 : f32
    %broadcast_in_dim3A_142 = vector.broadcast %jit3A_141 : f32 to vector<512x2048xf32>
    %select_n3A_143 = arith.select %eq3A_140, %broadcast_in_dim3A_142, %select_n3A_127 : vector<512x2048xi1>, vector<512x2048xf32>
    %reduce_min3A_144 = arith.constant dense<0x7F800000> : vector<512xf32>
    %reduce_min3A_145 = vector.multi_reduction <minimumf>, %select_n3A_143, %reduce_min3A_144 [1] : vector<512x2048xf32> to vector<512xf32>
    %broadcast_in_dim3A_146 = vector.shape_cast %reduce_min3A_145 : vector<512xf32> to vector<512x1xf32>
    %eq3A_147 = vector.broadcast %broadcast_in_dim3A_146 : vector<512x1xf32> to vector<512x2048xf32>
    %eq3A_148 = arith.cmpf oeq, %select_n3A_143, %eq3A_147 : vector<512x2048xf32>
    %jit3A_149 = arith.constant 2048 : i32
    %broadcast_in_dim3A_150 = vector.broadcast %jit3A_149 : i32 to vector<512x2048xi32>
    %select_n3A_151 = arith.select %eq3A_148, %iota3A, %broadcast_in_dim3A_150 : vector<512x2048xi1>, vector<512x2048xi32>
    %reduce_min3A_152 = arith.constant dense<2147483647> : vector<512xi32>
    %reduce_min3A_153 = vector.multi_reduction <minsi>, %select_n3A_151, %reduce_min3A_152 [1] : vector<512x2048xi32> to vector<512xi32>
    %broadcast_in_dim3A_154 = vector.shape_cast %reduce_min3A_153 : vector<512xi32> to vector<512x1xi32>
    %eq3A_155 = vector.broadcast %broadcast_in_dim3A_154 : vector<512x1xi32> to vector<512x2048xi32>
    %eq3A_156 = arith.cmpi eq, %iota3A, %eq3A_155 : vector<512x2048xi32>
    %jit3A_157 = arith.constant 0x7F800000 : f32
    %broadcast_in_dim3A_158 = vector.broadcast %jit3A_157 : f32 to vector<512x2048xf32>
    %select_n3A_159 = arith.select %eq3A_156, %broadcast_in_dim3A_158, %select_n3A_143 : vector<512x2048xi1>, vector<512x2048xf32>
    %reduce_min3A_160 = arith.constant dense<0x7F800000> : vector<512xf32>
    %reduce_min3A_161 = vector.multi_reduction <minimumf>, %select_n3A_159, %reduce_min3A_160 [1] : vector<512x2048xf32> to vector<512xf32>
    %broadcast_in_dim3A_162 = vector.shape_cast %reduce_min3A_161 : vector<512xf32> to vector<512x1xf32>
    %eq3A_163 = vector.broadcast %broadcast_in_dim3A_162 : vector<512x1xf32> to vector<512x2048xf32>
    %eq3A_164 = arith.cmpf oeq, %select_n3A_159, %eq3A_163 : vector<512x2048xf32>
    %jit3A_165 = arith.constant 2048 : i32
    %broadcast_in_dim3A_166 = vector.broadcast %jit3A_165 : i32 to vector<512x2048xi32>
    %select_n3A_167 = arith.select %eq3A_164, %iota3A, %broadcast_in_dim3A_166 : vector<512x2048xi1>, vector<512x2048xi32>
    %reduce_min3A_168 = arith.constant dense<2147483647> : vector<512xi32>
    %reduce_min3A_169 = vector.multi_reduction <minsi>, %select_n3A_167, %reduce_min3A_168 [1] : vector<512x2048xi32> to vector<512xi32>
    %broadcast_in_dim3A_170 = vector.shape_cast %reduce_min3A_169 : vector<512xi32> to vector<512x1xi32>
    %eq3A_171 = vector.broadcast %broadcast_in_dim3A_170 : vector<512x1xi32> to vector<512x2048xi32>
    %eq3A_172 = arith.cmpi eq, %iota3A, %eq3A_171 : vector<512x2048xi32>
    %jit3A_173 = arith.constant 0x7F800000 : f32
    %broadcast_in_dim3A_174 = vector.broadcast %jit3A_173 : f32 to vector<512x2048xf32>
    %select_n3A_175 = arith.select %eq3A_172, %broadcast_in_dim3A_174, %select_n3A_159 : vector<512x2048xi1>, vector<512x2048xf32>
    %reduce_min3A_176 = arith.constant dense<0x7F800000> : vector<512xf32>
    %reduce_min3A_177 = vector.multi_reduction <minimumf>, %select_n3A_175, %reduce_min3A_176 [1] : vector<512x2048xf32> to vector<512xf32>
    %broadcast_in_dim3A_178 = vector.shape_cast %reduce_min3A_177 : vector<512xf32> to vector<512x1xf32>
    %eq3A_179 = vector.broadcast %broadcast_in_dim3A_178 : vector<512x1xf32> to vector<512x2048xf32>
    %eq3A_180 = arith.cmpf oeq, %select_n3A_175, %eq3A_179 : vector<512x2048xf32>
    %jit3A_181 = arith.constant 2048 : i32
    %broadcast_in_dim3A_182 = vector.broadcast %jit3A_181 : i32 to vector<512x2048xi32>
    %select_n3A_183 = arith.select %eq3A_180, %iota3A, %broadcast_in_dim3A_182 : vector<512x2048xi1>, vector<512x2048xi32>
    %reduce_min3A_184 = arith.constant dense<2147483647> : vector<512xi32>
    %reduce_min3A_185 = vector.multi_reduction <minsi>, %select_n3A_183, %reduce_min3A_184 [1] : vector<512x2048xi32> to vector<512xi32>
    %broadcast_in_dim3A_186 = vector.shape_cast %reduce_min3A_185 : vector<512xi32> to vector<512x1xi32>
    %eq3A_187 = vector.broadcast %broadcast_in_dim3A_186 : vector<512x1xi32> to vector<512x2048xi32>
    %eq3A_188 = arith.cmpi eq, %iota3A, %eq3A_187 : vector<512x2048xi32>
    %jit3A_189 = arith.constant 0x7F800000 : f32
    %broadcast_in_dim3A_190 = vector.broadcast %jit3A_189 : f32 to vector<512x2048xf32>
    %select_n3A_191 = arith.select %eq3A_188, %broadcast_in_dim3A_190, %select_n3A_175 : vector<512x2048xi1>, vector<512x2048xf32>
    %reduce_min3A_192 = arith.constant dense<0x7F800000> : vector<512xf32>
    %reduce_min3A_193 = vector.multi_reduction <minimumf>, %select_n3A_191, %reduce_min3A_192 [1] : vector<512x2048xf32> to vector<512xf32>
    %broadcast_in_dim3A_194 = vector.shape_cast %reduce_min3A_193 : vector<512xf32> to vector<512x1xf32>
    %eq3A_195 = vector.broadcast %broadcast_in_dim3A_194 : vector<512x1xf32> to vector<512x2048xf32>
    %eq3A_196 = arith.cmpf oeq, %select_n3A_191, %eq3A_195 : vector<512x2048xf32>
    %jit3A_197 = arith.constant 2048 : i32
    %broadcast_in_dim3A_198 = vector.broadcast %jit3A_197 : i32 to vector<512x2048xi32>
    %select_n3A_199 = arith.select %eq3A_196, %iota3A, %broadcast_in_dim3A_198 : vector<512x2048xi1>, vector<512x2048xi32>
    %reduce_min3A_200 = arith.constant dense<2147483647> : vector<512xi32>
    %reduce_min3A_201 = vector.multi_reduction <minsi>, %select_n3A_199, %reduce_min3A_200 [1] : vector<512x2048xi32> to vector<512xi32>
    %broadcast_in_dim3A_202 = vector.shape_cast %reduce_min3A_201 : vector<512xi32> to vector<512x1xi32>
    %eq3A_203 = vector.broadcast %broadcast_in_dim3A_202 : vector<512x1xi32> to vector<512x2048xi32>
    %eq3A_204 = arith.cmpi eq, %iota3A, %eq3A_203 : vector<512x2048xi32>
    %jit3A_205 = arith.constant 0x7F800000 : f32
    %broadcast_in_dim3A_206 = vector.broadcast %jit3A_205 : f32 to vector<512x2048xf32>
    %select_n3A_207 = arith.select %eq3A_204, %broadcast_in_dim3A_206, %select_n3A_191 : vector<512x2048xi1>, vector<512x2048xf32>
    %reduce_min3A_208 = arith.constant dense<0x7F800000> : vector<512xf32>
    %reduce_min3A_209 = vector.multi_reduction <minimumf>, %select_n3A_207, %reduce_min3A_208 [1] : vector<512x2048xf32> to vector<512xf32>
    %broadcast_in_dim3A_210 = vector.shape_cast %reduce_min3A_209 : vector<512xf32> to vector<512x1xf32>
    %eq3A_211 = vector.broadcast %broadcast_in_dim3A_210 : vector<512x1xf32> to vector<512x2048xf32>
    %eq3A_212 = arith.cmpf oeq, %select_n3A_207, %eq3A_211 : vector<512x2048xf32>
    %jit3A_213 = arith.constant 2048 : i32
    %broadcast_in_dim3A_214 = vector.broadcast %jit3A_213 : i32 to vector<512x2048xi32>
    %select_n3A_215 = arith.select %eq3A_212, %iota3A, %broadcast_in_dim3A_214 : vector<512x2048xi1>, vector<512x2048xi32>
    %reduce_min3A_216 = arith.constant dense<2147483647> : vector<512xi32>
    %reduce_min3A_217 = vector.multi_reduction <minsi>, %select_n3A_215, %reduce_min3A_216 [1] : vector<512x2048xi32> to vector<512xi32>
    %broadcast_in_dim3A_218 = vector.shape_cast %reduce_min3A_217 : vector<512xi32> to vector<512x1xi32>
    %eq3A_219 = vector.broadcast %broadcast_in_dim3A_218 : vector<512x1xi32> to vector<512x2048xi32>
    %eq3A_220 = arith.cmpi eq, %iota3A, %eq3A_219 : vector<512x2048xi32>
    %jit3A_221 = arith.constant 0x7F800000 : f32
    %broadcast_in_dim3A_222 = vector.broadcast %jit3A_221 : f32 to vector<512x2048xf32>
    %select_n3A_223 = arith.select %eq3A_220, %broadcast_in_dim3A_222, %select_n3A_207 : vector<512x2048xi1>, vector<512x2048xf32>
    %reduce_min3A_224 = arith.constant dense<0x7F800000> : vector<512xf32>
    %reduce_min3A_225 = vector.multi_reduction <minimumf>, %select_n3A_223, %reduce_min3A_224 [1] : vector<512x2048xf32> to vector<512xf32>
    %broadcast_in_dim3A_226 = vector.shape_cast %reduce_min3A_225 : vector<512xf32> to vector<512x1xf32>
    %eq3A_227 = vector.broadcast %broadcast_in_dim3A_226 : vector<512x1xf32> to vector<512x2048xf32>
    %eq3A_228 = arith.cmpf oeq, %select_n3A_223, %eq3A_227 : vector<512x2048xf32>
    %jit3A_229 = arith.constant 2048 : i32
    %broadcast_in_dim3A_230 = vector.broadcast %jit3A_229 : i32 to vector<512x2048xi32>
    %select_n3A_231 = arith.select %eq3A_228, %iota3A, %broadcast_in_dim3A_230 : vector<512x2048xi1>, vector<512x2048xi32>
    %reduce_min3A_232 = arith.constant dense<2147483647> : vector<512xi32>
    %reduce_min3A_233 = vector.multi_reduction <minsi>, %select_n3A_231, %reduce_min3A_232 [1] : vector<512x2048xi32> to vector<512xi32>
    %broadcast_in_dim3A_234 = vector.shape_cast %reduce_min3A_233 : vector<512xi32> to vector<512x1xi32>
    %eq3A_235 = vector.broadcast %broadcast_in_dim3A_234 : vector<512x1xi32> to vector<512x2048xi32>
    %eq3A_236 = arith.cmpi eq, %iota3A, %eq3A_235 : vector<512x2048xi32>
    %jit3A_237 = arith.constant 0x7F800000 : f32
    %broadcast_in_dim3A_238 = vector.broadcast %jit3A_237 : f32 to vector<512x2048xf32>
    %select_n3A_239 = arith.select %eq3A_236, %broadcast_in_dim3A_238, %select_n3A_223 : vector<512x2048xi1>, vector<512x2048xf32>
    %reduce_min3A_240 = arith.constant dense<0x7F800000> : vector<512xf32>
    %reduce_min3A_241 = vector.multi_reduction <minimumf>, %select_n3A_239, %reduce_min3A_240 [1] : vector<512x2048xf32> to vector<512xf32>
    %broadcast_in_dim3A_242 = vector.shape_cast %reduce_min3A_241 : vector<512xf32> to vector<512x1xf32>
    %eq3A_243 = vector.broadcast %broadcast_in_dim3A_242 : vector<512x1xf32> to vector<512x2048xf32>
    %eq3A_244 = arith.cmpf oeq, %select_n3A_239, %eq3A_243 : vector<512x2048xf32>
    %jit3A_245 = arith.constant 2048 : i32
    %broadcast_in_dim3A_246 = vector.broadcast %jit3A_245 : i32 to vector<512x2048xi32>
    %select_n3A_247 = arith.select %eq3A_244, %iota3A, %broadcast_in_dim3A_246 : vector<512x2048xi1>, vector<512x2048xi32>
    %reduce_min3A_248 = arith.constant dense<2147483647> : vector<512xi32>
    %reduce_min3A_249 = vector.multi_reduction <minsi>, %select_n3A_247, %reduce_min3A_248 [1] : vector<512x2048xi32> to vector<512xi32>
    %broadcast_in_dim3A_250 = vector.shape_cast %reduce_min3A_249 : vector<512xi32> to vector<512x1xi32>
    %eq3A_251 = vector.broadcast %broadcast_in_dim3A_250 : vector<512x1xi32> to vector<512x2048xi32>
    %eq3A_252 = arith.cmpi eq, %iota3A, %eq3A_251 : vector<512x2048xi32>
    %jit3A_253 = arith.constant 0x7F800000 : f32
    %broadcast_in_dim3A_254 = vector.broadcast %jit3A_253 : f32 to vector<512x2048xf32>
    %select_n3A_255 = arith.select %eq3A_252, %broadcast_in_dim3A_254, %select_n3A_239 : vector<512x2048xi1>, vector<512x2048xf32>
    %reduce_min3A_256 = arith.constant dense<0x7F800000> : vector<512xf32>
    %reduce_min3A_257 = vector.multi_reduction <minimumf>, %select_n3A_255, %reduce_min3A_256 [1] : vector<512x2048xf32> to vector<512xf32>
    %broadcast_in_dim3A_258 = vector.shape_cast %reduce_min3A_257 : vector<512xf32> to vector<512x1xf32>
    %eq3A_259 = vector.broadcast %broadcast_in_dim3A_258 : vector<512x1xf32> to vector<512x2048xf32>
    %eq3A_260 = arith.cmpf oeq, %select_n3A_255, %eq3A_259 : vector<512x2048xf32>
    %jit3A_261 = arith.constant 2048 : i32
    %broadcast_in_dim3A_262 = vector.broadcast %jit3A_261 : i32 to vector<512x2048xi32>
    %select_n3A_263 = arith.select %eq3A_260, %iota3A, %broadcast_in_dim3A_262 : vector<512x2048xi1>, vector<512x2048xi32>
    %reduce_min3A_264 = arith.constant dense<2147483647> : vector<512xi32>
    %reduce_min3A_265 = vector.multi_reduction <minsi>, %select_n3A_263, %reduce_min3A_264 [1] : vector<512x2048xi32> to vector<512xi32>
    %stack3A = vector.shape_cast %reduce_min3A_25 : vector<512xi32> to vector<1x512xi32>
    %stack3A_266 = vector.shape_cast %reduce_min3A_41 : vector<512xi32> to vector<1x512xi32>
    %stack3A_267 = vector.shape_cast %reduce_min3A_57 : vector<512xi32> to vector<1x512xi32>
    %stack3A_268 = vector.shape_cast %reduce_min3A_73 : vector<512xi32> to vector<1x512xi32>
    %stack3A_269 = vector.shape_cast %reduce_min3A_89 : vector<512xi32> to vector<1x512xi32>
    %stack3A_270 = vector.shape_cast %reduce_min3A_105 : vector<512xi32> to vector<1x512xi32>
    %stack3A_271 = vector.shape_cast %reduce_min3A_121 : vector<512xi32> to vector<1x512xi32>
    %stack3A_272 = vector.shape_cast %reduce_min3A_137 : vector<512xi32> to vector<1x512xi32>
    %stack3A_273 = vector.shape_cast %reduce_min3A_153 : vector<512xi32> to vector<1x512xi32>
    %stack3A_274 = vector.shape_cast %reduce_min3A_169 : vector<512xi32> to vector<1x512xi32>
    %stack3A_275 = vector.shape_cast %reduce_min3A_185 : vector<512xi32> to vector<1x512xi32>
    %stack3A_276 = vector.shape_cast %reduce_min3A_201 : vector<512xi32> to vector<1x512xi32>
    %stack3A_277 = vector.shape_cast %reduce_min3A_217 : vector<512xi32> to vector<1x512xi32>
    %stack3A_278 = vector.shape_cast %reduce_min3A_233 : vector<512xi32> to vector<1x512xi32>
    %stack3A_279 = vector.shape_cast %reduce_min3A_249 : vector<512xi32> to vector<1x512xi32>
    %stack3A_280 = vector.shape_cast %reduce_min3A_265 : vector<512xi32> to vector<1x512xi32>
    %stack3A_281 = tpu.concatenate %stack3A, %stack3A_266, %stack3A_267, %stack3A_268, %stack3A_269, %stack3A_270, %stack3A_271, %stack3A_272, %stack3A_273, %stack3A_274, %stack3A_275, %stack3A_276, %stack3A_277, %stack3A_278, %stack3A_279, %stack3A_280 in 0 : vector<1x512xi32>, vector<1x512xi32>, vector<1x512xi32>, vector<1x512xi32>, vector<1x512xi32>, vector<1x512xi32>, vector<1x512xi32>, vector<1x512xi32>, vector<1x512xi32>, vector<1x512xi32>, vector<1x512xi32>, vector<1x512xi32>, vector<1x512xi32>, vector<1x512xi32>, vector<1x512xi32>, vector<1x512xi32> -> vector<16x512xi32>
    %reshape3A = vector.shape_cast %stack3A_281 : vector<16x512xi32> to vector<8x2x512xi32>
    %swap3A = arith.constant 0 : index
    %swap3A_282 = arith.constant 0 : index
    %swap3A_283 = arith.constant 0 : index
    %swap3A_284 = arith.constant 0 : index
    %swap3A_285 = vector.load %arg4[%swap3A, %swap3A_282, %swap3A_283, %swap3A_284] : memref<1x8x2x512xi32, #tpu.memory_space<vmem>>, vector<1x8x2x512xi32>
    %swap3A_286 = vector.shape_cast %swap3A_285 : vector<1x8x2x512xi32> to vector<8x2x512xi32>
    %swap3A_287 = vector.shape_cast %reshape3A : vector<8x2x512xi32> to vector<1x8x2x512xi32>
    tpu.vector_store %arg4[%swap3A, %swap3A_282, %swap3A_283, %swap3A_284], %swap3A_287 {strides = array<i32>} : memref<1x8x2x512xi32, #tpu.memory_space<vmem>>, vector<1x8x2x512xi32>,
    return
  }
  func.func @transform_0(%arg0: i32, %arg1: i32) -> (i32, i32, i32) {
    %c0_i32 = arith.constant 0 : i32
    %c0_i32_0 = arith.constant 0 : i32
    return %arg0, %arg1, %c0_i32 : i32, i32, i32
  }
  func.func @transform_1(%arg0: i32, %arg1: i32) -> (i32, i32, i32) {
    %c0_i32 = arith.constant 0 : i32
    %c0_i32_0 = arith.constant 0 : i32
    %c0_i32_1 = arith.constant 0 : i32
    return %arg0, %c0_i32, %c0_i32_0 : i32, i32, i32
  }
  func.func @transform_2(%arg0: i32, %arg1: i32) -> (i32, i32, i32, i32) {
    %c0_i32 = arith.constant 0 : i32
    %c0_i32_0 = arith.constant 0 : i32
    %c0_i32_1 = arith.constant 0 : i32
    return %arg0, %c0_i32, %c0_i32_0, %arg1 : i32, i32, i32, i32
  }
}

module attributes {stable_mosaic.version = 14 : i64} {
  func.func @_stats_body(%arg0: i32, %arg1: i32, %arg2: memref<1x64x512xf32, #tpu.memory_space<vmem>>, %arg3: memref<1x64x512xf32, #tpu.memory_space<vmem>>, %arg4: memref<256x64xf32, #tpu.memory_space<vmem>>, %arg5: memref<2x256xf32, #tpu.memory_space<vmem>>) attributes {dimension_semantics = [#tpu.dimension_semantics<arbitrary>, #tpu.dimension_semantics<arbitrary>], iteration_bounds = array<i64: 4, 16>, scalar_prefetch = 0 : i64, scratch_operands = 0 : i64, tpu.core_type = #tpu.core_type<tc>, window_params = [{transform_indices = @transform_0, window_bounds = array<i64: 1, 64, 512>}, {transform_indices = @transform_1, window_bounds = array<i64: 1, 64, 512>}, {pipeline_mode = #tpu.pipeline_mode<synchronous>, transform_indices = @transform_2, window_bounds = array<i64: 256, 64>}, {pipeline_mode = #tpu.pipeline_mode<synchronous>, transform_indices = @transform_3, window_bounds = array<i64: 2, 256>}]} {
    %eq3A = arith.constant 0 : i32
    %eq3A_0 = arith.cmpi eq, %arg0, %eq3A : i32
    %eq3A_1 = arith.constant 0 : i32
    %eq3A_2 = arith.cmpi eq, %arg1, %eq3A_1 : i32
    %and3A = arith.andi %eq3A_0, %eq3A_2 : i1
    %get3A = arith.constant 0 : index
    %get3A_3 = arith.constant 0 : index
    %get3A_4 = arith.constant 0 : index
    %get3A_5 = vector.load %arg2[%get3A, %get3A_3, %get3A_4] : memref<1x64x512xf32, #tpu.memory_space<vmem>>, vector<1x64x512xf32>
    %get3A_6 = vector.shape_cast %get3A_5 : vector<1x64x512xf32> to vector<64x512xf32>
    %get3A_7 = arith.constant 0 : index
    %get3A_8 = arith.constant 0 : index
    %get3A_9 = arith.constant 0 : index
    %get3A_10 = vector.load %arg3[%get3A_7, %get3A_8, %get3A_9] : memref<1x64x512xf32, #tpu.memory_space<vmem>>, vector<1x64x512xf32>
    %get3A_11 = vector.shape_cast %get3A_10 : vector<1x64x512xf32> to vector<64x512xf32>
    %sub3A = arith.subf %get3A_6, %get3A_11 : vector<64x512xf32>
    %get3A_12 = arith.constant 0 : index
    %get3A_13 = arith.constant 0 : index
    %get3A_14 = vector.load %arg4[%get3A_12, %get3A_13] : memref<256x64xf32, #tpu.memory_space<vmem>>, vector<256x64xf32>
    %convert_element_type3A = arith.truncf %get3A_14 : vector<256x64xf32> to vector<256x64xbf16>
    %convert_element_type3A_15 = arith.extf %convert_element_type3A : vector<256x64xbf16> to vector<256x64xf32>
    %sub3A_16 = arith.subf %get3A_14, %convert_element_type3A_15 : vector<256x64xf32>
    %convert_element_type3A_17 = arith.truncf %sub3A_16 : vector<256x64xf32> to vector<256x64xbf16>
    %convert_element_type3A_18 = arith.truncf %sub3A : vector<64x512xf32> to vector<64x512xbf16>
    %convert_element_type3A_19 = arith.extf %convert_element_type3A_18 : vector<64x512xbf16> to vector<64x512xf32>
    %sub3A_20 = arith.subf %sub3A, %convert_element_type3A_19 : vector<64x512xf32>
    %convert_element_type3A_21 = arith.truncf %sub3A_20 : vector<64x512xf32> to vector<64x512xbf16>
    %dot_general3A = arith.constant dense<0.000000e+00> : vector<256x512xf32>
    %dot_general3A_22 = tpu.matmul %convert_element_type3A, %convert_element_type3A_18, %dot_general3A {dimension_numbers = #tpu.dot_dimension_numbers<[1], [0], [0], [1], [0, 0, 1, 1], [], []>, transpose_lhs_hint = false} : vector<256x64xbf16>, vector<64x512xbf16>, vector<256x512xf32> -> vector<256x512xf32>
    %dot_general3A_23 = arith.constant dense<0.000000e+00> : vector<256x512xf32>
    %dot_general3A_24 = tpu.matmul %convert_element_type3A, %convert_element_type3A_21, %dot_general3A_23 {dimension_numbers = #tpu.dot_dimension_numbers<[1], [0], [0], [1], [0, 0, 1, 1], [], []>, transpose_lhs_hint = false} : vector<256x64xbf16>, vector<64x512xbf16>, vector<256x512xf32> -> vector<256x512xf32>
    %dot_general3A_25 = arith.constant dense<0.000000e+00> : vector<256x512xf32>
    %dot_general3A_26 = tpu.matmul %convert_element_type3A_17, %convert_element_type3A_18, %dot_general3A_25 {dimension_numbers = #tpu.dot_dimension_numbers<[1], [0], [0], [1], [0, 0, 1, 1], [], []>, transpose_lhs_hint = false} : vector<256x64xbf16>, vector<64x512xbf16>, vector<256x512xf32> -> vector<256x512xf32>
    %add3A = arith.addf %dot_general3A_24, %dot_general3A_26 : vector<256x512xf32>
    %add3A_27 = arith.addf %dot_general3A_22, %add3A : vector<256x512xf32>
    %reduce_sum3A = arith.constant dense<0.000000e+00> : vector<256xf32>
    %reduce_sum3A_28 = vector.multi_reduction <add>, %add3A_27, %reduce_sum3A [1] : vector<256x512xf32> to vector<256xf32>
    %mul3A = arith.mulf %add3A_27, %add3A_27 : vector<256x512xf32>
    %reduce_sum3A_29 = arith.constant dense<0.000000e+00> : vector<256xf32>
    %reduce_sum3A_30 = vector.multi_reduction <add>, %mul3A, %reduce_sum3A_29 [1] : vector<256x512xf32> to vector<256xf32>
    %stack3A = vector.shape_cast %reduce_sum3A_28 : vector<256xf32> to vector<1x256xf32>
    %stack3A_31 = vector.shape_cast %reduce_sum3A_30 : vector<256xf32> to vector<1x256xf32>
    %stack3A_32 = tpu.concatenate %stack3A, %stack3A_31 in 0 : vector<1x256xf32>, vector<1x256xf32> -> vector<2x256xf32>
    %convert_element_type3A_33 = arith.extui %and3A : i1 to i32
    %cond3A = arith.constant 0 : i32
    %cond3A_34 = arith.cmpi ne, %convert_element_type3A_33, %cond3A : i32
    scf.if %cond3A_34 {
      %broadcast_in_dim3A = arith.constant 0.000000e+00 : f32
      %broadcast_in_dim3A_41 = vector.broadcast %broadcast_in_dim3A : f32 to vector<2x256xf32>
      %swap3A_42 = arith.constant 0 : index
      %swap3A_43 = arith.constant 0 : index
      %swap3A_44 = vector.load %arg5[%swap3A_42, %swap3A_43] : memref<2x256xf32, #tpu.memory_space<vmem>>, vector<2x256xf32>
      tpu.vector_store %arg5[%swap3A_42, %swap3A_43], %broadcast_in_dim3A_41 {strides = array<i32>} : memref<2x256xf32, #tpu.memory_space<vmem>>, vector<2x256xf32>,
    } else {
    }
    %get3A_35 = arith.constant 0 : index
    %get3A_36 = arith.constant 0 : index
    %get3A_37 = vector.load %arg5[%get3A_35, %get3A_36] : memref<2x256xf32, #tpu.memory_space<vmem>>, vector<2x256xf32>
    %add3A_38 = arith.addf %get3A_37, %stack3A_32 : vector<2x256xf32>
    %swap3A = arith.constant 0 : index
    %swap3A_39 = arith.constant 0 : index
    %swap3A_40 = vector.load %arg5[%swap3A, %swap3A_39] : memref<2x256xf32, #tpu.memory_space<vmem>>, vector<2x256xf32>
    tpu.vector_store %arg5[%swap3A, %swap3A_39], %add3A_38 {strides = array<i32>} : memref<2x256xf32, #tpu.memory_space<vmem>>, vector<2x256xf32>,
    return
  }
  func.func @transform_0(%arg0: i32, %arg1: i32) -> (i32, i32, i32) {
    %c0_i32 = arith.constant 0 : i32
    %c0_i32_0 = arith.constant 0 : i32
    return %arg0, %c0_i32, %arg1 : i32, i32, i32
  }
  func.func @transform_1(%arg0: i32, %arg1: i32) -> (i32, i32, i32) {
    %c0_i32 = arith.constant 0 : i32
    %c0_i32_0 = arith.constant 0 : i32
    return %arg0, %c0_i32, %arg1 : i32, i32, i32
  }
  func.func @transform_2(%arg0: i32, %arg1: i32) -> (i32, i32) {
    %c0_i32 = arith.constant 0 : i32
    %c0_i32_0 = arith.constant 0 : i32
    %c0_i32_1 = arith.constant 0 : i32
    return %c0_i32, %c0_i32_0 : i32, i32
  }
  func.func @transform_3(%arg0: i32, %arg1: i32) -> (i32, i32) {
    %c0_i32 = arith.constant 0 : i32
    %c0_i32_0 = arith.constant 0 : i32
    %c0_i32_1 = arith.constant 0 : i32
    return %c0_i32, %c0_i32_0 : i32, i32
  }
}

module attributes {stable_mosaic.version = 14 : i64} {
  func.func @_stats_body(%arg0: i32, %arg1: i32, %arg2: memref<1x64x512xf32, #tpu.memory_space<vmem>>, %arg3: memref<1x64x512xf32, #tpu.memory_space<vmem>>, %arg4: memref<256x64xf32, #tpu.memory_space<vmem>>, %arg5: memref<256x1xf32, #tpu.memory_space<vmem>>, %arg6: memref<256x256xf32, #tpu.memory_space<vmem>>, %arg7: memref<2x256xf32, #tpu.memory_space<vmem>>) attributes {dimension_semantics = [#tpu.dimension_semantics<arbitrary>, #tpu.dimension_semantics<arbitrary>], iteration_bounds = array<i64: 4, 16>, scalar_prefetch = 0 : i64, scratch_operands = 0 : i64, tpu.core_type = #tpu.core_type<tc>, window_params = [{transform_indices = @transform_0, window_bounds = array<i64: 1, 64, 512>}, {transform_indices = @transform_1, window_bounds = array<i64: 1, 64, 512>}, {pipeline_mode = #tpu.pipeline_mode<synchronous>, transform_indices = @transform_2, window_bounds = array<i64: 256, 64>}, {pipeline_mode = #tpu.pipeline_mode<synchronous>, transform_indices = @transform_3, window_bounds = array<i64: 256, 1>}, {pipeline_mode = #tpu.pipeline_mode<synchronous>, transform_indices = @transform_4, window_bounds = array<i64: 256, 256>}, {pipeline_mode = #tpu.pipeline_mode<synchronous>, transform_indices = @transform_5, window_bounds = array<i64: 2, 256>}]} {
    %eq3A = arith.constant 0 : i32
    %eq3A_0 = arith.cmpi eq, %arg0, %eq3A : i32
    %eq3A_1 = arith.constant 0 : i32
    %eq3A_2 = arith.cmpi eq, %arg1, %eq3A_1 : i32
    %and3A = arith.andi %eq3A_0, %eq3A_2 : i1
    %get3A = arith.constant 0 : index
    %get3A_3 = arith.constant 0 : index
    %get3A_4 = arith.constant 0 : index
    %get3A_5 = vector.load %arg2[%get3A, %get3A_3, %get3A_4] : memref<1x64x512xf32, #tpu.memory_space<vmem>>, vector<1x64x512xf32>
    %get3A_6 = vector.shape_cast %get3A_5 : vector<1x64x512xf32> to vector<64x512xf32>
    %get3A_7 = arith.constant 0 : index
    %get3A_8 = arith.constant 0 : index
    %get3A_9 = arith.constant 0 : index
    %get3A_10 = vector.load %arg3[%get3A_7, %get3A_8, %get3A_9] : memref<1x64x512xf32, #tpu.memory_space<vmem>>, vector<1x64x512xf32>
    %get3A_11 = vector.shape_cast %get3A_10 : vector<1x64x512xf32> to vector<64x512xf32>
    %sub3A = arith.subf %get3A_6, %get3A_11 : vector<64x512xf32>
    %get3A_12 = arith.constant 0 : index
    %get3A_13 = arith.constant 0 : index
    %get3A_14 = vector.load %arg4[%get3A_12, %get3A_13] : memref<256x64xf32, #tpu.memory_space<vmem>>, vector<256x64xf32>
    %get3A_15 = arith.constant 0 : index
    %get3A_16 = arith.constant 0 : index
    %get3A_17 = vector.load %arg5[%get3A_15, %get3A_16] : memref<256x1xf32, #tpu.memory_space<vmem>>, vector<256x1xf32>
    %get3A_18 = arith.constant 0 : index
    %get3A_19 = arith.constant 0 : index
    %get3A_20 = vector.load %arg6[%get3A_18, %get3A_19] : memref<256x256xf32, #tpu.memory_space<vmem>>, vector<256x256xf32>
    %convert_element_type3A = arith.truncf %get3A_14 : vector<256x64xf32> to vector<256x64xbf16>
    %convert_element_type3A_21 = arith.extf %convert_element_type3A : vector<256x64xbf16> to vector<256x64xf32>
    %sub3A_22 = arith.subf %get3A_14, %convert_element_type3A_21 : vector<256x64xf32>
    %convert_element_type3A_23 = arith.truncf %sub3A_22 : vector<256x64xf32> to vector<256x64xbf16>
    %convert_element_type3A_24 = arith.truncf %sub3A : vector<64x512xf32> to vector<64x512xbf16>
    %convert_element_type3A_25 = arith.extf %convert_element_type3A_24 : vector<64x512xbf16> to vector<64x512xf32>
    %sub3A_26 = arith.subf %sub3A, %convert_element_type3A_25 : vector<64x512xf32>
    %convert_element_type3A_27 = arith.truncf %sub3A_26 : vector<64x512xf32> to vector<64x512xbf16>
    %dot_general3A = arith.constant dense<0.000000e+00> : vector<256x512xf32>
    %dot_general3A_28 = tpu.matmul %convert_element_type3A, %convert_element_type3A_24, %dot_general3A {dimension_numbers = #tpu.dot_dimension_numbers<[1], [0], [0], [1], [0, 0, 1, 1], [], []>, transpose_lhs_hint = false} : vector<256x64xbf16>, vector<64x512xbf16>, vector<256x512xf32> -> vector<256x512xf32>
    %dot_general3A_29 = arith.constant dense<0.000000e+00> : vector<256x512xf32>
    %dot_general3A_30 = tpu.matmul %convert_element_type3A, %convert_element_type3A_27, %dot_general3A_29 {dimension_numbers = #tpu.dot_dimension_numbers<[1], [0], [0], [1], [0, 0, 1, 1], [], []>, transpose_lhs_hint = false} : vector<256x64xbf16>, vector<64x512xbf16>, vector<256x512xf32> -> vector<256x512xf32>
    %dot_general3A_31 = arith.constant dense<0.000000e+00> : vector<256x512xf32>
    %dot_general3A_32 = tpu.matmul %convert_element_type3A_23, %convert_element_type3A_24, %dot_general3A_31 {dimension_numbers = #tpu.dot_dimension_numbers<[1], [0], [0], [1], [0, 0, 1, 1], [], []>, transpose_lhs_hint = false} : vector<256x64xbf16>, vector<64x512xbf16>, vector<256x512xf32> -> vector<256x512xf32>
    %add3A = arith.addf %dot_general3A_30, %dot_general3A_32 : vector<256x512xf32>
    %add3A_33 = arith.addf %dot_general3A_28, %add3A : vector<256x512xf32>
    %add3A_34 = vector.broadcast %get3A_17 : vector<256x1xf32> to vector<256x512xf32>
    %add3A_35 = arith.addf %add3A_33, %add3A_34 : vector<256x512xf32>
    %max3A = arith.constant 0.000000e+00 : f32
    %max3A_36 = vector.broadcast %max3A : f32 to vector<256x512xf32>
    %max3A_37 = arith.maximumf %add3A_35, %max3A_36 : vector<256x512xf32>
    %convert_element_type3A_38 = arith.truncf %get3A_20 : vector<256x256xf32> to vector<256x256xbf16>
    %convert_element_type3A_39 = arith.extf %convert_element_type3A_38 : vector<256x256xbf16> to vector<256x256xf32>
    %sub3A_40 = arith.subf %get3A_20, %convert_element_type3A_39 : vector<256x256xf32>
    %convert_element_type3A_41 = arith.truncf %sub3A_40 : vector<256x256xf32> to vector<256x256xbf16>
    %convert_element_type3A_42 = arith.truncf %max3A_37 : vector<256x512xf32> to vector<256x512xbf16>
    %convert_element_type3A_43 = arith.extf %convert_element_type3A_42 : vector<256x512xbf16> to vector<256x512xf32>
    %sub3A_44 = arith.subf %max3A_37, %convert_element_type3A_43 : vector<256x512xf32>
    %convert_element_type3A_45 = arith.truncf %sub3A_44 : vector<256x512xf32> to vector<256x512xbf16>
    %dot_general3A_46 = arith.constant dense<0.000000e+00> : vector<256x512xf32>
    %dot_general3A_47 = tpu.matmul %convert_element_type3A_38, %convert_element_type3A_42, %dot_general3A_46 {dimension_numbers = #tpu.dot_dimension_numbers<[1], [0], [0], [1], [0, 0, 1, 1], [], []>, transpose_lhs_hint = false} : vector<256x256xbf16>, vector<256x512xbf16>, vector<256x512xf32> -> vector<256x512xf32>
    %dot_general3A_48 = arith.constant dense<0.000000e+00> : vector<256x512xf32>
    %dot_general3A_49 = tpu.matmul %convert_element_type3A_38, %convert_element_type3A_45, %dot_general3A_48 {dimension_numbers = #tpu.dot_dimension_numbers<[1], [0], [0], [1], [0, 0, 1, 1], [], []>, transpose_lhs_hint = false} : vector<256x256xbf16>, vector<256x512xbf16>, vector<256x512xf32> -> vector<256x512xf32>
    %dot_general3A_50 = arith.constant dense<0.000000e+00> : vector<256x512xf32>
    %dot_general3A_51 = tpu.matmul %convert_element_type3A_41, %convert_element_type3A_42, %dot_general3A_50 {dimension_numbers = #tpu.dot_dimension_numbers<[1], [0], [0], [1], [0, 0, 1, 1], [], []>, transpose_lhs_hint = false} : vector<256x256xbf16>, vector<256x512xbf16>, vector<256x512xf32> -> vector<256x512xf32>
    %add3A_52 = arith.addf %dot_general3A_49, %dot_general3A_51 : vector<256x512xf32>
    %add3A_53 = arith.addf %dot_general3A_47, %add3A_52 : vector<256x512xf32>
    %reduce_sum3A = arith.constant dense<0.000000e+00> : vector<256xf32>
    %reduce_sum3A_54 = vector.multi_reduction <add>, %add3A_53, %reduce_sum3A [1] : vector<256x512xf32> to vector<256xf32>
    %mul3A = arith.mulf %add3A_53, %add3A_53 : vector<256x512xf32>
    %reduce_sum3A_55 = arith.constant dense<0.000000e+00> : vector<256xf32>
    %reduce_sum3A_56 = vector.multi_reduction <add>, %mul3A, %reduce_sum3A_55 [1] : vector<256x512xf32> to vector<256xf32>
    %stack3A = vector.shape_cast %reduce_sum3A_54 : vector<256xf32> to vector<1x256xf32>
    %stack3A_57 = vector.shape_cast %reduce_sum3A_56 : vector<256xf32> to vector<1x256xf32>
    %stack3A_58 = tpu.concatenate %stack3A, %stack3A_57 in 0 : vector<1x256xf32>, vector<1x256xf32> -> vector<2x256xf32>
    %convert_element_type3A_59 = arith.extui %and3A : i1 to i32
    %cond3A = arith.constant 0 : i32
    %cond3A_60 = arith.cmpi ne, %convert_element_type3A_59, %cond3A : i32
    scf.if %cond3A_60 {
      %broadcast_in_dim3A = arith.constant 0.000000e+00 : f32
      %broadcast_in_dim3A_67 = vector.broadcast %broadcast_in_dim3A : f32 to vector<2x256xf32>
      %swap3A_68 = arith.constant 0 : index
      %swap3A_69 = arith.constant 0 : index
      %swap3A_70 = vector.load %arg7[%swap3A_68, %swap3A_69] : memref<2x256xf32, #tpu.memory_space<vmem>>, vector<2x256xf32>
      tpu.vector_store %arg7[%swap3A_68, %swap3A_69], %broadcast_in_dim3A_67 {strides = array<i32>} : memref<2x256xf32, #tpu.memory_space<vmem>>, vector<2x256xf32>,
    } else {
    }
    %get3A_61 = arith.constant 0 : index
    %get3A_62 = arith.constant 0 : index
    %get3A_63 = vector.load %arg7[%get3A_61, %get3A_62] : memref<2x256xf32, #tpu.memory_space<vmem>>, vector<2x256xf32>
    %add3A_64 = arith.addf %get3A_63, %stack3A_58 : vector<2x256xf32>
    %swap3A = arith.constant 0 : index
    %swap3A_65 = arith.constant 0 : index
    %swap3A_66 = vector.load %arg7[%swap3A, %swap3A_65] : memref<2x256xf32, #tpu.memory_space<vmem>>, vector<2x256xf32>
    tpu.vector_store %arg7[%swap3A, %swap3A_65], %add3A_64 {strides = array<i32>} : memref<2x256xf32, #tpu.memory_space<vmem>>, vector<2x256xf32>,
    return
  }
  func.func @transform_0(%arg0: i32, %arg1: i32) -> (i32, i32, i32) {
    %c0_i32 = arith.constant 0 : i32
    %c0_i32_0 = arith.constant 0 : i32
    return %arg0, %c0_i32, %arg1 : i32, i32, i32
  }
  func.func @transform_1(%arg0: i32, %arg1: i32) -> (i32, i32, i32) {
    %c0_i32 = arith.constant 0 : i32
    %c0_i32_0 = arith.constant 0 : i32
    return %arg0, %c0_i32, %arg1 : i32, i32, i32
  }
  func.func @transform_2(%arg0: i32, %arg1: i32) -> (i32, i32) {
    %c0_i32 = arith.constant 0 : i32
    %c0_i32_0 = arith.constant 0 : i32
    %c0_i32_1 = arith.constant 0 : i32
    return %c0_i32, %c0_i32_0 : i32, i32
  }
  func.func @transform_3(%arg0: i32, %arg1: i32) -> (i32, i32) {
    %c0_i32 = arith.constant 0 : i32
    %c0_i32_0 = arith.constant 0 : i32
    %c0_i32_1 = arith.constant 0 : i32
    return %c0_i32, %c0_i32_0 : i32, i32
  }
  func.func @transform_4(%arg0: i32, %arg1: i32) -> (i32, i32) {
    %c0_i32 = arith.constant 0 : i32
    %c0_i32_0 = arith.constant 0 : i32
    %c0_i32_1 = arith.constant 0 : i32
    return %c0_i32, %c0_i32_0 : i32, i32
  }
  func.func @transform_5(%arg0: i32, %arg1: i32) -> (i32, i32) {
    %c0_i32 = arith.constant 0 : i32
    %c0_i32_0 = arith.constant 0 : i32
    %c0_i32_1 = arith.constant 0 : i32
    return %c0_i32, %c0_i32_0 : i32, i32
  }
}

module attributes {stable_mosaic.version = 14 : i64} {
  func.func @_stats_body(%arg0: i32, %arg1: i32, %arg2: memref<1x64x512xf32, #tpu.memory_space<vmem>>, %arg3: memref<1x64x512xf32, #tpu.memory_space<vmem>>, %arg4: memref<256x64xf32, #tpu.memory_space<vmem>>, %arg5: memref<256x1xf32, #tpu.memory_space<vmem>>, %arg6: memref<256x256xf32, #tpu.memory_space<vmem>>, %arg7: memref<256x1xf32, #tpu.memory_space<vmem>>, %arg8: memref<256x256xf32, #tpu.memory_space<vmem>>, %arg9: memref<2x256xf32, #tpu.memory_space<vmem>>) attributes {dimension_semantics = [#tpu.dimension_semantics<arbitrary>, #tpu.dimension_semantics<arbitrary>], iteration_bounds = array<i64: 4, 16>, scalar_prefetch = 0 : i64, scratch_operands = 0 : i64, tpu.core_type = #tpu.core_type<tc>, window_params = [{transform_indices = @transform_0, window_bounds = array<i64: 1, 64, 512>}, {transform_indices = @transform_1, window_bounds = array<i64: 1, 64, 512>}, {pipeline_mode = #tpu.pipeline_mode<synchronous>, transform_indices = @transform_2, window_bounds = array<i64: 256, 64>}, {pipeline_mode = #tpu.pipeline_mode<synchronous>, transform_indices = @transform_3, window_bounds = array<i64: 256, 1>}, {pipeline_mode = #tpu.pipeline_mode<synchronous>, transform_indices = @transform_4, window_bounds = array<i64: 256, 256>}, {pipeline_mode = #tpu.pipeline_mode<synchronous>, transform_indices = @transform_5, window_bounds = array<i64: 256, 1>}, {pipeline_mode = #tpu.pipeline_mode<synchronous>, transform_indices = @transform_6, window_bounds = array<i64: 256, 256>}, {pipeline_mode = #tpu.pipeline_mode<synchronous>, transform_indices = @transform_7, window_bounds = array<i64: 2, 256>}]} {
    %eq3A = arith.constant 0 : i32
    %eq3A_0 = arith.cmpi eq, %arg0, %eq3A : i32
    %eq3A_1 = arith.constant 0 : i32
    %eq3A_2 = arith.cmpi eq, %arg1, %eq3A_1 : i32
    %and3A = arith.andi %eq3A_0, %eq3A_2 : i1
    %get3A = arith.constant 0 : index
    %get3A_3 = arith.constant 0 : index
    %get3A_4 = arith.constant 0 : index
    %get3A_5 = vector.load %arg2[%get3A, %get3A_3, %get3A_4] : memref<1x64x512xf32, #tpu.memory_space<vmem>>, vector<1x64x512xf32>
    %get3A_6 = vector.shape_cast %get3A_5 : vector<1x64x512xf32> to vector<64x512xf32>
    %get3A_7 = arith.constant 0 : index
    %get3A_8 = arith.constant 0 : index
    %get3A_9 = arith.constant 0 : index
    %get3A_10 = vector.load %arg3[%get3A_7, %get3A_8, %get3A_9] : memref<1x64x512xf32, #tpu.memory_space<vmem>>, vector<1x64x512xf32>
    %get3A_11 = vector.shape_cast %get3A_10 : vector<1x64x512xf32> to vector<64x512xf32>
    %sub3A = arith.subf %get3A_6, %get3A_11 : vector<64x512xf32>
    %get3A_12 = arith.constant 0 : index
    %get3A_13 = arith.constant 0 : index
    %get3A_14 = vector.load %arg4[%get3A_12, %get3A_13] : memref<256x64xf32, #tpu.memory_space<vmem>>, vector<256x64xf32>
    %get3A_15 = arith.constant 0 : index
    %get3A_16 = arith.constant 0 : index
    %get3A_17 = vector.load %arg5[%get3A_15, %get3A_16] : memref<256x1xf32, #tpu.memory_space<vmem>>, vector<256x1xf32>
    %get3A_18 = arith.constant 0 : index
    %get3A_19 = arith.constant 0 : index
    %get3A_20 = vector.load %arg6[%get3A_18, %get3A_19] : memref<256x256xf32, #tpu.memory_space<vmem>>, vector<256x256xf32>
    %get3A_21 = arith.constant 0 : index
    %get3A_22 = arith.constant 0 : index
    %get3A_23 = vector.load %arg7[%get3A_21, %get3A_22] : memref<256x1xf32, #tpu.memory_space<vmem>>, vector<256x1xf32>
    %get3A_24 = arith.constant 0 : index
    %get3A_25 = arith.constant 0 : index
    %get3A_26 = vector.load %arg8[%get3A_24, %get3A_25] : memref<256x256xf32, #tpu.memory_space<vmem>>, vector<256x256xf32>
    %convert_element_type3A = arith.truncf %get3A_14 : vector<256x64xf32> to vector<256x64xbf16>
    %convert_element_type3A_27 = arith.extf %convert_element_type3A : vector<256x64xbf16> to vector<256x64xf32>
    %sub3A_28 = arith.subf %get3A_14, %convert_element_type3A_27 : vector<256x64xf32>
    %convert_element_type3A_29 = arith.truncf %sub3A_28 : vector<256x64xf32> to vector<256x64xbf16>
    %convert_element_type3A_30 = arith.truncf %sub3A : vector<64x512xf32> to vector<64x512xbf16>
    %convert_element_type3A_31 = arith.extf %convert_element_type3A_30 : vector<64x512xbf16> to vector<64x512xf32>
    %sub3A_32 = arith.subf %sub3A, %convert_element_type3A_31 : vector<64x512xf32>
    %convert_element_type3A_33 = arith.truncf %sub3A_32 : vector<64x512xf32> to vector<64x512xbf16>
    %dot_general3A = arith.constant dense<0.000000e+00> : vector<256x512xf32>
    %dot_general3A_34 = tpu.matmul %convert_element_type3A, %convert_element_type3A_30, %dot_general3A {dimension_numbers = #tpu.dot_dimension_numbers<[1], [0], [0], [1], [0, 0, 1, 1], [], []>, transpose_lhs_hint = false} : vector<256x64xbf16>, vector<64x512xbf16>, vector<256x512xf32> -> vector<256x512xf32>
    %dot_general3A_35 = arith.constant dense<0.000000e+00> : vector<256x512xf32>
    %dot_general3A_36 = tpu.matmul %convert_element_type3A, %convert_element_type3A_33, %dot_general3A_35 {dimension_numbers = #tpu.dot_dimension_numbers<[1], [0], [0], [1], [0, 0, 1, 1], [], []>, transpose_lhs_hint = false} : vector<256x64xbf16>, vector<64x512xbf16>, vector<256x512xf32> -> vector<256x512xf32>
    %dot_general3A_37 = arith.constant dense<0.000000e+00> : vector<256x512xf32>
    %dot_general3A_38 = tpu.matmul %convert_element_type3A_29, %convert_element_type3A_30, %dot_general3A_37 {dimension_numbers = #tpu.dot_dimension_numbers<[1], [0], [0], [1], [0, 0, 1, 1], [], []>, transpose_lhs_hint = false} : vector<256x64xbf16>, vector<64x512xbf16>, vector<256x512xf32> -> vector<256x512xf32>
    %add3A = arith.addf %dot_general3A_36, %dot_general3A_38 : vector<256x512xf32>
    %add3A_39 = arith.addf %dot_general3A_34, %add3A : vector<256x512xf32>
    %add3A_40 = vector.broadcast %get3A_17 : vector<256x1xf32> to vector<256x512xf32>
    %add3A_41 = arith.addf %add3A_39, %add3A_40 : vector<256x512xf32>
    %max3A = arith.constant 0.000000e+00 : f32
    %max3A_42 = vector.broadcast %max3A : f32 to vector<256x512xf32>
    %max3A_43 = arith.maximumf %add3A_41, %max3A_42 : vector<256x512xf32>
    %convert_element_type3A_44 = arith.truncf %get3A_20 : vector<256x256xf32> to vector<256x256xbf16>
    %convert_element_type3A_45 = arith.extf %convert_element_type3A_44 : vector<256x256xbf16> to vector<256x256xf32>
    %sub3A_46 = arith.subf %get3A_20, %convert_element_type3A_45 : vector<256x256xf32>
    %convert_element_type3A_47 = arith.truncf %sub3A_46 : vector<256x256xf32> to vector<256x256xbf16>
    %convert_element_type3A_48 = arith.truncf %max3A_43 : vector<256x512xf32> to vector<256x512xbf16>
    %convert_element_type3A_49 = arith.extf %convert_element_type3A_48 : vector<256x512xbf16> to vector<256x512xf32>
    %sub3A_50 = arith.subf %max3A_43, %convert_element_type3A_49 : vector<256x512xf32>
    %convert_element_type3A_51 = arith.truncf %sub3A_50 : vector<256x512xf32> to vector<256x512xbf16>
    %dot_general3A_52 = arith.constant dense<0.000000e+00> : vector<256x512xf32>
    %dot_general3A_53 = tpu.matmul %convert_element_type3A_44, %convert_element_type3A_48, %dot_general3A_52 {dimension_numbers = #tpu.dot_dimension_numbers<[1], [0], [0], [1], [0, 0, 1, 1], [], []>, transpose_lhs_hint = false} : vector<256x256xbf16>, vector<256x512xbf16>, vector<256x512xf32> -> vector<256x512xf32>
    %dot_general3A_54 = arith.constant dense<0.000000e+00> : vector<256x512xf32>
    %dot_general3A_55 = tpu.matmul %convert_element_type3A_44, %convert_element_type3A_51, %dot_general3A_54 {dimension_numbers = #tpu.dot_dimension_numbers<[1], [0], [0], [1], [0, 0, 1, 1], [], []>, transpose_lhs_hint = false} : vector<256x256xbf16>, vector<256x512xbf16>, vector<256x512xf32> -> vector<256x512xf32>
    %dot_general3A_56 = arith.constant dense<0.000000e+00> : vector<256x512xf32>
    %dot_general3A_57 = tpu.matmul %convert_element_type3A_47, %convert_element_type3A_48, %dot_general3A_56 {dimension_numbers = #tpu.dot_dimension_numbers<[1], [0], [0], [1], [0, 0, 1, 1], [], []>, transpose_lhs_hint = false} : vector<256x256xbf16>, vector<256x512xbf16>, vector<256x512xf32> -> vector<256x512xf32>
    %add3A_58 = arith.addf %dot_general3A_55, %dot_general3A_57 : vector<256x512xf32>
    %add3A_59 = arith.addf %dot_general3A_53, %add3A_58 : vector<256x512xf32>
    %add3A_60 = vector.broadcast %get3A_23 : vector<256x1xf32> to vector<256x512xf32>
    %add3A_61 = arith.addf %add3A_59, %add3A_60 : vector<256x512xf32>
    %max3A_62 = arith.constant 0.000000e+00 : f32
    %max3A_63 = vector.broadcast %max3A_62 : f32 to vector<256x512xf32>
    %max3A_64 = arith.maximumf %add3A_61, %max3A_63 : vector<256x512xf32>
    %convert_element_type3A_65 = arith.truncf %get3A_26 : vector<256x256xf32> to vector<256x256xbf16>
    %convert_element_type3A_66 = arith.extf %convert_element_type3A_65 : vector<256x256xbf16> to vector<256x256xf32>
    %sub3A_67 = arith.subf %get3A_26, %convert_element_type3A_66 : vector<256x256xf32>
    %convert_element_type3A_68 = arith.truncf %sub3A_67 : vector<256x256xf32> to vector<256x256xbf16>
    %convert_element_type3A_69 = arith.truncf %max3A_64 : vector<256x512xf32> to vector<256x512xbf16>
    %convert_element_type3A_70 = arith.extf %convert_element_type3A_69 : vector<256x512xbf16> to vector<256x512xf32>
    %sub3A_71 = arith.subf %max3A_64, %convert_element_type3A_70 : vector<256x512xf32>
    %convert_element_type3A_72 = arith.truncf %sub3A_71 : vector<256x512xf32> to vector<256x512xbf16>
    %dot_general3A_73 = arith.constant dense<0.000000e+00> : vector<256x512xf32>
    %dot_general3A_74 = tpu.matmul %convert_element_type3A_65, %convert_element_type3A_69, %dot_general3A_73 {dimension_numbers = #tpu.dot_dimension_numbers<[1], [0], [0], [1], [0, 0, 1, 1], [], []>, transpose_lhs_hint = false} : vector<256x256xbf16>, vector<256x512xbf16>, vector<256x512xf32> -> vector<256x512xf32>
    %dot_general3A_75 = arith.constant dense<0.000000e+00> : vector<256x512xf32>
    %dot_general3A_76 = tpu.matmul %convert_element_type3A_65, %convert_element_type3A_72, %dot_general3A_75 {dimension_numbers = #tpu.dot_dimension_numbers<[1], [0], [0], [1], [0, 0, 1, 1], [], []>, transpose_lhs_hint = false} : vector<256x256xbf16>, vector<256x512xbf16>, vector<256x512xf32> -> vector<256x512xf32>
    %dot_general3A_77 = arith.constant dense<0.000000e+00> : vector<256x512xf32>
    %dot_general3A_78 = tpu.matmul %convert_element_type3A_68, %convert_element_type3A_69, %dot_general3A_77 {dimension_numbers = #tpu.dot_dimension_numbers<[1], [0], [0], [1], [0, 0, 1, 1], [], []>, transpose_lhs_hint = false} : vector<256x256xbf16>, vector<256x512xbf16>, vector<256x512xf32> -> vector<256x512xf32>
    %add3A_79 = arith.addf %dot_general3A_76, %dot_general3A_78 : vector<256x512xf32>
    %add3A_80 = arith.addf %dot_general3A_74, %add3A_79 : vector<256x512xf32>
    %reduce_sum3A = arith.constant dense<0.000000e+00> : vector<256xf32>
    %reduce_sum3A_81 = vector.multi_reduction <add>, %add3A_80, %reduce_sum3A [1] : vector<256x512xf32> to vector<256xf32>
    %mul3A = arith.mulf %add3A_80, %add3A_80 : vector<256x512xf32>
    %reduce_sum3A_82 = arith.constant dense<0.000000e+00> : vector<256xf32>
    %reduce_sum3A_83 = vector.multi_reduction <add>, %mul3A, %reduce_sum3A_82 [1] : vector<256x512xf32> to vector<256xf32>
    %stack3A = vector.shape_cast %reduce_sum3A_81 : vector<256xf32> to vector<1x256xf32>
    %stack3A_84 = vector.shape_cast %reduce_sum3A_83 : vector<256xf32> to vector<1x256xf32>
    %stack3A_85 = tpu.concatenate %stack3A, %stack3A_84 in 0 : vector<1x256xf32>, vector<1x256xf32> -> vector<2x256xf32>
    %convert_element_type3A_86 = arith.extui %and3A : i1 to i32
    %cond3A = arith.constant 0 : i32
    %cond3A_87 = arith.cmpi ne, %convert_element_type3A_86, %cond3A : i32
    scf.if %cond3A_87 {
      %broadcast_in_dim3A = arith.constant 0.000000e+00 : f32
      %broadcast_in_dim3A_94 = vector.broadcast %broadcast_in_dim3A : f32 to vector<2x256xf32>
      %swap3A_95 = arith.constant 0 : index
      %swap3A_96 = arith.constant 0 : index
      %swap3A_97 = vector.load %arg9[%swap3A_95, %swap3A_96] : memref<2x256xf32, #tpu.memory_space<vmem>>, vector<2x256xf32>
      tpu.vector_store %arg9[%swap3A_95, %swap3A_96], %broadcast_in_dim3A_94 {strides = array<i32>} : memref<2x256xf32, #tpu.memory_space<vmem>>, vector<2x256xf32>,
    } else {
    }
    %get3A_88 = arith.constant 0 : index
    %get3A_89 = arith.constant 0 : index
    %get3A_90 = vector.load %arg9[%get3A_88, %get3A_89] : memref<2x256xf32, #tpu.memory_space<vmem>>, vector<2x256xf32>
    %add3A_91 = arith.addf %get3A_90, %stack3A_85 : vector<2x256xf32>
    %swap3A = arith.constant 0 : index
    %swap3A_92 = arith.constant 0 : index
    %swap3A_93 = vector.load %arg9[%swap3A, %swap3A_92] : memref<2x256xf32, #tpu.memory_space<vmem>>, vector<2x256xf32>
    tpu.vector_store %arg9[%swap3A, %swap3A_92], %add3A_91 {strides = array<i32>} : memref<2x256xf32, #tpu.memory_space<vmem>>, vector<2x256xf32>,
    return
  }
  func.func @transform_0(%arg0: i32, %arg1: i32) -> (i32, i32, i32) {
    %c0_i32 = arith.constant 0 : i32
    %c0_i32_0 = arith.constant 0 : i32
    return %arg0, %c0_i32, %arg1 : i32, i32, i32
  }
  func.func @transform_1(%arg0: i32, %arg1: i32) -> (i32, i32, i32) {
    %c0_i32 = arith.constant 0 : i32
    %c0_i32_0 = arith.constant 0 : i32
    return %arg0, %c0_i32, %arg1 : i32, i32, i32
  }
  func.func @transform_2(%arg0: i32, %arg1: i32) -> (i32, i32) {
    %c0_i32 = arith.constant 0 : i32
    %c0_i32_0 = arith.constant 0 : i32
    %c0_i32_1 = arith.constant 0 : i32
    return %c0_i32, %c0_i32_0 : i32, i32
  }
  func.func @transform_3(%arg0: i32, %arg1: i32) -> (i32, i32) {
    %c0_i32 = arith.constant 0 : i32
    %c0_i32_0 = arith.constant 0 : i32
    %c0_i32_1 = arith.constant 0 : i32
    return %c0_i32, %c0_i32_0 : i32, i32
  }
  func.func @transform_4(%arg0: i32, %arg1: i32) -> (i32, i32) {
    %c0_i32 = arith.constant 0 : i32
    %c0_i32_0 = arith.constant 0 : i32
    %c0_i32_1 = arith.constant 0 : i32
    return %c0_i32, %c0_i32_0 : i32, i32
  }
  func.func @transform_5(%arg0: i32, %arg1: i32) -> (i32, i32) {
    %c0_i32 = arith.constant 0 : i32
    %c0_i32_0 = arith.constant 0 : i32
    %c0_i32_1 = arith.constant 0 : i32
    return %c0_i32, %c0_i32_0 : i32, i32
  }
  func.func @transform_6(%arg0: i32, %arg1: i32) -> (i32, i32) {
    %c0_i32 = arith.constant 0 : i32
    %c0_i32_0 = arith.constant 0 : i32
    %c0_i32_1 = arith.constant 0 : i32
    return %c0_i32, %c0_i32_0 : i32, i32
  }
  func.func @transform_7(%arg0: i32, %arg1: i32) -> (i32, i32) {
    %c0_i32 = arith.constant 0 : i32
    %c0_i32_0 = arith.constant 0 : i32
    %c0_i32_1 = arith.constant 0 : i32
    return %c0_i32, %c0_i32_0 : i32, i32
  }
}

module attributes {stable_mosaic.version = 14 : i64} {
  func.func @_main_body(%arg0: i32, %arg1: i32, %arg2: memref<1x64x512xf32, #tpu.memory_space<vmem>>, %arg3: memref<1x64x512xf32, #tpu.memory_space<vmem>>, %arg4: memref<1x512x512xf32, #tpu.memory_space<vmem>>, %arg5: memref<1x64x512xf32, #tpu.memory_space<vmem>>, %arg6: memref<256x64xf32, #tpu.memory_space<vmem>>, %arg7: memref<256x1xf32, #tpu.memory_space<vmem>>, %arg8: memref<256x256xf32, #tpu.memory_space<vmem>>, %arg9: memref<256x1xf32, #tpu.memory_space<vmem>>, %arg10: memref<256x256xf32, #tpu.memory_space<vmem>>, %arg11: memref<256x1xf32, #tpu.memory_space<vmem>>, %arg12: memref<64x576xf32, #tpu.memory_space<vmem>>, %arg13: memref<1x64x512xf32, #tpu.memory_space<vmem>>, %arg14: memref<2x64xf32, #tpu.memory_space<vmem>>) attributes {dimension_semantics = [#tpu.dimension_semantics<arbitrary>, #tpu.dimension_semantics<arbitrary>], iteration_bounds = array<i64: 4, 16>, scalar_prefetch = 0 : i64, scratch_operands = 0 : i64, tpu.core_type = #tpu.core_type<tc>, window_params = [{transform_indices = @transform_0, window_bounds = array<i64: 1, 64, 512>}, {transform_indices = @transform_1, window_bounds = array<i64: 1, 64, 512>}, {transform_indices = @transform_2, window_bounds = array<i64: 1, 512, 512>}, {transform_indices = @transform_3, window_bounds = array<i64: 1, 64, 512>}, {pipeline_mode = #tpu.pipeline_mode<synchronous>, transform_indices = @transform_4, window_bounds = array<i64: 256, 64>}, {pipeline_mode = #tpu.pipeline_mode<synchronous>, transform_indices = @transform_5, window_bounds = array<i64: 256, 1>}, {pipeline_mode = #tpu.pipeline_mode<synchronous>, transform_indices = @transform_6, window_bounds = array<i64: 256, 256>}, {pipeline_mode = #tpu.pipeline_mode<synchronous>, transform_indices = @transform_7, window_bounds = array<i64: 256, 1>}, {pipeline_mode = #tpu.pipeline_mode<synchronous>, transform_indices = @transform_8, window_bounds = array<i64: 256, 256>}, {pipeline_mode = #tpu.pipeline_mode<synchronous>, transform_indices = @transform_9, window_bounds = array<i64: 256, 1>}, {pipeline_mode = #tpu.pipeline_mode<synchronous>, transform_indices = @transform_10, window_bounds = array<i64: 64, 576>}, {transform_indices = @transform_11, window_bounds = array<i64: 1, 64, 512>}, {pipeline_mode = #tpu.pipeline_mode<synchronous>, transform_indices = @transform_12, window_bounds = array<i64: 2, 64>}]} {
    %eq3A = arith.constant 0 : i32
    %eq3A_0 = arith.cmpi eq, %arg0, %eq3A : i32
    %eq3A_1 = arith.constant 0 : i32
    %eq3A_2 = arith.cmpi eq, %arg1, %eq3A_1 : i32
    %and3A = arith.andi %eq3A_0, %eq3A_2 : i1
    %get3A = arith.constant 0 : index
    %get3A_3 = arith.constant 0 : index
    %get3A_4 = arith.constant 0 : index
    %get3A_5 = vector.load %arg2[%get3A, %get3A_3, %get3A_4] : memref<1x64x512xf32, #tpu.memory_space<vmem>>, vector<1x64x512xf32>
    %get3A_6 = vector.shape_cast %get3A_5 : vector<1x64x512xf32> to vector<64x512xf32>
    %get3A_7 = arith.constant 0 : index
    %get3A_8 = arith.constant 0 : index
    %get3A_9 = arith.constant 0 : index
    %get3A_10 = vector.load %arg3[%get3A_7, %get3A_8, %get3A_9] : memref<1x64x512xf32, #tpu.memory_space<vmem>>, vector<1x64x512xf32>
    %get3A_11 = vector.shape_cast %get3A_10 : vector<1x64x512xf32> to vector<64x512xf32>
    %sub3A = arith.subf %get3A_6, %get3A_11 : vector<64x512xf32>
    %get3A_12 = arith.constant 0 : index
    %get3A_13 = arith.constant 0 : index
    %get3A_14 = vector.load %arg6[%get3A_12, %get3A_13] : memref<256x64xf32, #tpu.memory_space<vmem>>, vector<256x64xf32>
    %get3A_15 = arith.constant 0 : index
    %get3A_16 = arith.constant 0 : index
    %get3A_17 = vector.load %arg7[%get3A_15, %get3A_16] : memref<256x1xf32, #tpu.memory_space<vmem>>, vector<256x1xf32>
    %get3A_18 = arith.constant 0 : index
    %get3A_19 = arith.constant 0 : index
    %get3A_20 = vector.load %arg8[%get3A_18, %get3A_19] : memref<256x256xf32, #tpu.memory_space<vmem>>, vector<256x256xf32>
    %get3A_21 = arith.constant 0 : index
    %get3A_22 = arith.constant 0 : index
    %get3A_23 = vector.load %arg9[%get3A_21, %get3A_22] : memref<256x1xf32, #tpu.memory_space<vmem>>, vector<256x1xf32>
    %get3A_24 = arith.constant 0 : index
    %get3A_25 = arith.constant 0 : index
    %get3A_26 = vector.load %arg10[%get3A_24, %get3A_25] : memref<256x256xf32, #tpu.memory_space<vmem>>, vector<256x256xf32>
    %get3A_27 = arith.constant 0 : index
    %get3A_28 = arith.constant 0 : index
    %get3A_29 = vector.load %arg11[%get3A_27, %get3A_28] : memref<256x1xf32, #tpu.memory_space<vmem>>, vector<256x1xf32>
    %convert_element_type3A = arith.truncf %get3A_14 : vector<256x64xf32> to vector<256x64xbf16>
    %convert_element_type3A_30 = arith.extf %convert_element_type3A : vector<256x64xbf16> to vector<256x64xf32>
    %sub3A_31 = arith.subf %get3A_14, %convert_element_type3A_30 : vector<256x64xf32>
    %convert_element_type3A_32 = arith.truncf %sub3A_31 : vector<256x64xf32> to vector<256x64xbf16>
    %convert_element_type3A_33 = arith.truncf %sub3A : vector<64x512xf32> to vector<64x512xbf16>
    %convert_element_type3A_34 = arith.extf %convert_element_type3A_33 : vector<64x512xbf16> to vector<64x512xf32>
    %sub3A_35 = arith.subf %sub3A, %convert_element_type3A_34 : vector<64x512xf32>
    %convert_element_type3A_36 = arith.truncf %sub3A_35 : vector<64x512xf32> to vector<64x512xbf16>
    %dot_general3A = arith.constant dense<0.000000e+00> : vector<256x512xf32>
    %dot_general3A_37 = tpu.matmul %convert_element_type3A, %convert_element_type3A_33, %dot_general3A {dimension_numbers = #tpu.dot_dimension_numbers<[1], [0], [0], [1], [0, 0, 1, 1], [], []>, transpose_lhs_hint = false} : vector<256x64xbf16>, vector<64x512xbf16>, vector<256x512xf32> -> vector<256x512xf32>
    %dot_general3A_38 = arith.constant dense<0.000000e+00> : vector<256x512xf32>
    %dot_general3A_39 = tpu.matmul %convert_element_type3A, %convert_element_type3A_36, %dot_general3A_38 {dimension_numbers = #tpu.dot_dimension_numbers<[1], [0], [0], [1], [0, 0, 1, 1], [], []>, transpose_lhs_hint = false} : vector<256x64xbf16>, vector<64x512xbf16>, vector<256x512xf32> -> vector<256x512xf32>
    %dot_general3A_40 = arith.constant dense<0.000000e+00> : vector<256x512xf32>
    %dot_general3A_41 = tpu.matmul %convert_element_type3A_32, %convert_element_type3A_33, %dot_general3A_40 {dimension_numbers = #tpu.dot_dimension_numbers<[1], [0], [0], [1], [0, 0, 1, 1], [], []>, transpose_lhs_hint = false} : vector<256x64xbf16>, vector<64x512xbf16>, vector<256x512xf32> -> vector<256x512xf32>
    %add3A = arith.addf %dot_general3A_39, %dot_general3A_41 : vector<256x512xf32>
    %add3A_42 = arith.addf %dot_general3A_37, %add3A : vector<256x512xf32>
    %add3A_43 = vector.broadcast %get3A_17 : vector<256x1xf32> to vector<256x512xf32>
    %add3A_44 = arith.addf %add3A_42, %add3A_43 : vector<256x512xf32>
    %max3A = arith.constant 0.000000e+00 : f32
    %max3A_45 = vector.broadcast %max3A : f32 to vector<256x512xf32>
    %max3A_46 = arith.maximumf %add3A_44, %max3A_45 : vector<256x512xf32>
    %convert_element_type3A_47 = arith.truncf %get3A_20 : vector<256x256xf32> to vector<256x256xbf16>
    %convert_element_type3A_48 = arith.extf %convert_element_type3A_47 : vector<256x256xbf16> to vector<256x256xf32>
    %sub3A_49 = arith.subf %get3A_20, %convert_element_type3A_48 : vector<256x256xf32>
    %convert_element_type3A_50 = arith.truncf %sub3A_49 : vector<256x256xf32> to vector<256x256xbf16>
    %convert_element_type3A_51 = arith.truncf %max3A_46 : vector<256x512xf32> to vector<256x512xbf16>
    %convert_element_type3A_52 = arith.extf %convert_element_type3A_51 : vector<256x512xbf16> to vector<256x512xf32>
    %sub3A_53 = arith.subf %max3A_46, %convert_element_type3A_52 : vector<256x512xf32>
    %convert_element_type3A_54 = arith.truncf %sub3A_53 : vector<256x512xf32> to vector<256x512xbf16>
    %dot_general3A_55 = arith.constant dense<0.000000e+00> : vector<256x512xf32>
    %dot_general3A_56 = tpu.matmul %convert_element_type3A_47, %convert_element_type3A_51, %dot_general3A_55 {dimension_numbers = #tpu.dot_dimension_numbers<[1], [0], [0], [1], [0, 0, 1, 1], [], []>, transpose_lhs_hint = false} : vector<256x256xbf16>, vector<256x512xbf16>, vector<256x512xf32> -> vector<256x512xf32>
    %dot_general3A_57 = arith.constant dense<0.000000e+00> : vector<256x512xf32>
    %dot_general3A_58 = tpu.matmul %convert_element_type3A_47, %convert_element_type3A_54, %dot_general3A_57 {dimension_numbers = #tpu.dot_dimension_numbers<[1], [0], [0], [1], [0, 0, 1, 1], [], []>, transpose_lhs_hint = false} : vector<256x256xbf16>, vector<256x512xbf16>, vector<256x512xf32> -> vector<256x512xf32>
    %dot_general3A_59 = arith.constant dense<0.000000e+00> : vector<256x512xf32>
    %dot_general3A_60 = tpu.matmul %convert_element_type3A_50, %convert_element_type3A_51, %dot_general3A_59 {dimension_numbers = #tpu.dot_dimension_numbers<[1], [0], [0], [1], [0, 0, 1, 1], [], []>, transpose_lhs_hint = false} : vector<256x256xbf16>, vector<256x512xbf16>, vector<256x512xf32> -> vector<256x512xf32>
    %add3A_61 = arith.addf %dot_general3A_58, %dot_general3A_60 : vector<256x512xf32>
    %add3A_62 = arith.addf %dot_general3A_56, %add3A_61 : vector<256x512xf32>
    %add3A_63 = vector.broadcast %get3A_23 : vector<256x1xf32> to vector<256x512xf32>
    %add3A_64 = arith.addf %add3A_62, %add3A_63 : vector<256x512xf32>
    %max3A_65 = arith.constant 0.000000e+00 : f32
    %max3A_66 = vector.broadcast %max3A_65 : f32 to vector<256x512xf32>
    %max3A_67 = arith.maximumf %add3A_64, %max3A_66 : vector<256x512xf32>
    %convert_element_type3A_68 = arith.truncf %get3A_26 : vector<256x256xf32> to vector<256x256xbf16>
    %convert_element_type3A_69 = arith.extf %convert_element_type3A_68 : vector<256x256xbf16> to vector<256x256xf32>
    %sub3A_70 = arith.subf %get3A_26, %convert_element_type3A_69 : vector<256x256xf32>
    %convert_element_type3A_71 = arith.truncf %sub3A_70 : vector<256x256xf32> to vector<256x256xbf16>
    %convert_element_type3A_72 = arith.truncf %max3A_67 : vector<256x512xf32> to vector<256x512xbf16>
    %convert_element_type3A_73 = arith.extf %convert_element_type3A_72 : vector<256x512xbf16> to vector<256x512xf32>
    %sub3A_74 = arith.subf %max3A_67, %convert_element_type3A_73 : vector<256x512xf32>
    %convert_element_type3A_75 = arith.truncf %sub3A_74 : vector<256x512xf32> to vector<256x512xbf16>
    %dot_general3A_76 = arith.constant dense<0.000000e+00> : vector<256x512xf32>
    %dot_general3A_77 = tpu.matmul %convert_element_type3A_68, %convert_element_type3A_72, %dot_general3A_76 {dimension_numbers = #tpu.dot_dimension_numbers<[1], [0], [0], [1], [0, 0, 1, 1], [], []>, transpose_lhs_hint = false} : vector<256x256xbf16>, vector<256x512xbf16>, vector<256x512xf32> -> vector<256x512xf32>
    %dot_general3A_78 = arith.constant dense<0.000000e+00> : vector<256x512xf32>
    %dot_general3A_79 = tpu.matmul %convert_element_type3A_68, %convert_element_type3A_75, %dot_general3A_78 {dimension_numbers = #tpu.dot_dimension_numbers<[1], [0], [0], [1], [0, 0, 1, 1], [], []>, transpose_lhs_hint = false} : vector<256x256xbf16>, vector<256x512xbf16>, vector<256x512xf32> -> vector<256x512xf32>
    %dot_general3A_80 = arith.constant dense<0.000000e+00> : vector<256x512xf32>
    %dot_general3A_81 = tpu.matmul %convert_element_type3A_71, %convert_element_type3A_72, %dot_general3A_80 {dimension_numbers = #tpu.dot_dimension_numbers<[1], [0], [0], [1], [0, 0, 1, 1], [], []>, transpose_lhs_hint = false} : vector<256x256xbf16>, vector<256x512xbf16>, vector<256x512xf32> -> vector<256x512xf32>
    %add3A_82 = arith.addf %dot_general3A_79, %dot_general3A_81 : vector<256x512xf32>
    %add3A_83 = arith.addf %dot_general3A_77, %add3A_82 : vector<256x512xf32>
    %add3A_84 = vector.broadcast %get3A_29 : vector<256x1xf32> to vector<256x512xf32>
    %add3A_85 = arith.addf %add3A_83, %add3A_84 : vector<256x512xf32>
    %max3A_86 = arith.constant 0.000000e+00 : f32
    %max3A_87 = vector.broadcast %max3A_86 : f32 to vector<256x512xf32>
    %max3A_88 = arith.maximumf %add3A_85, %max3A_87 : vector<256x512xf32>
    %max3A_89 = arith.constant 0.000000e+00 : f32
    %max3A_90 = vector.broadcast %max3A_89 : f32 to vector<256x512xf32>
    %max3A_91 = arith.maximumf %max3A_88, %max3A_90 : vector<256x512xf32>
    %get3A_92 = arith.constant 0 : index
    %get3A_93 = arith.constant 0 : index
    %get3A_94 = arith.constant 0 : index
    %get3A_95 = vector.load %arg4[%get3A_92, %get3A_93, %get3A_94] : memref<1x512x512xf32, #tpu.memory_space<vmem>>, vector<1x512x512xf32>
    %get3A_96 = vector.shape_cast %get3A_95 : vector<1x512x512xf32> to vector<512x512xf32>
    %slice3A = vector.extract_strided_slice %get3A_96 {offsets = [0, 0], sizes = [32, 512], strides = [1, 1]} : vector<512x512xf32> to vector<32x512xf32>
    %slice3A_97 = vector.extract_strided_slice %max3A_91 {offsets = [0, 0], sizes = [1, 512], strides = [1, 1]} : vector<256x512xf32> to vector<1x512xf32>
    %mul3A = vector.broadcast %slice3A_97 : vector<1x512xf32> to vector<32x512xf32>
    %mul3A_98 = arith.mulf %slice3A, %mul3A : vector<32x512xf32>
    %slice3A_99 = vector.extract_strided_slice %get3A_96 {offsets = [32, 0], sizes = [32, 512], strides = [1, 1]} : vector<512x512xf32> to vector<32x512xf32>
    %slice3A_100 = vector.extract_strided_slice %max3A_91 {offsets = [16, 0], sizes = [1, 512], strides = [1, 1]} : vector<256x512xf32> to vector<1x512xf32>
    %mul3A_101 = vector.broadcast %slice3A_100 : vector<1x512xf32> to vector<32x512xf32>
    %mul3A_102 = arith.mulf %slice3A_99, %mul3A_101 : vector<32x512xf32>
    %add3A_103 = arith.addf %mul3A_98, %mul3A_102 : vector<32x512xf32>
    %slice3A_104 = vector.extract_strided_slice %get3A_96 {offsets = [64, 0], sizes = [32, 512], strides = [1, 1]} : vector<512x512xf32> to vector<32x512xf32>
    %slice3A_105 = vector.extract_strided_slice %max3A_91 {offsets = [32, 0], sizes = [1, 512], strides = [1, 1]} : vector<256x512xf32> to vector<1x512xf32>
    %mul3A_106 = vector.broadcast %slice3A_105 : vector<1x512xf32> to vector<32x512xf32>
    %mul3A_107 = arith.mulf %slice3A_104, %mul3A_106 : vector<32x512xf32>
    %add3A_108 = arith.addf %add3A_103, %mul3A_107 : vector<32x512xf32>
    %slice3A_109 = vector.extract_strided_slice %get3A_96 {offsets = [96, 0], sizes = [32, 512], strides = [1, 1]} : vector<512x512xf32> to vector<32x512xf32>
    %slice3A_110 = vector.extract_strided_slice %max3A_91 {offsets = [48, 0], sizes = [1, 512], strides = [1, 1]} : vector<256x512xf32> to vector<1x512xf32>
    %mul3A_111 = vector.broadcast %slice3A_110 : vector<1x512xf32> to vector<32x512xf32>
    %mul3A_112 = arith.mulf %slice3A_109, %mul3A_111 : vector<32x512xf32>
    %add3A_113 = arith.addf %add3A_108, %mul3A_112 : vector<32x512xf32>
    %slice3A_114 = vector.extract_strided_slice %get3A_96 {offsets = [128, 0], sizes = [32, 512], strides = [1, 1]} : vector<512x512xf32> to vector<32x512xf32>
    %slice3A_115 = vector.extract_strided_slice %max3A_91 {offsets = [64, 0], sizes = [1, 512], strides = [1, 1]} : vector<256x512xf32> to vector<1x512xf32>
    %mul3A_116 = vector.broadcast %slice3A_115 : vector<1x512xf32> to vector<32x512xf32>
    %mul3A_117 = arith.mulf %slice3A_114, %mul3A_116 : vector<32x512xf32>
    %add3A_118 = arith.addf %add3A_113, %mul3A_117 : vector<32x512xf32>
    %slice3A_119 = vector.extract_strided_slice %get3A_96 {offsets = [160, 0], sizes = [32, 512], strides = [1, 1]} : vector<512x512xf32> to vector<32x512xf32>
    %slice3A_120 = vector.extract_strided_slice %max3A_91 {offsets = [80, 0], sizes = [1, 512], strides = [1, 1]} : vector<256x512xf32> to vector<1x512xf32>
    %mul3A_121 = vector.broadcast %slice3A_120 : vector<1x512xf32> to vector<32x512xf32>
    %mul3A_122 = arith.mulf %slice3A_119, %mul3A_121 : vector<32x512xf32>
    %add3A_123 = arith.addf %add3A_118, %mul3A_122 : vector<32x512xf32>
    %slice3A_124 = vector.extract_strided_slice %get3A_96 {offsets = [192, 0], sizes = [32, 512], strides = [1, 1]} : vector<512x512xf32> to vector<32x512xf32>
    %slice3A_125 = vector.extract_strided_slice %max3A_91 {offsets = [96, 0], sizes = [1, 512], strides = [1, 1]} : vector<256x512xf32> to vector<1x512xf32>
    %mul3A_126 = vector.broadcast %slice3A_125 : vector<1x512xf32> to vector<32x512xf32>
    %mul3A_127 = arith.mulf %slice3A_124, %mul3A_126 : vector<32x512xf32>
    %add3A_128 = arith.addf %add3A_123, %mul3A_127 : vector<32x512xf32>
    %slice3A_129 = vector.extract_strided_slice %get3A_96 {offsets = [224, 0], sizes = [32, 512], strides = [1, 1]} : vector<512x512xf32> to vector<32x512xf32>
    %slice3A_130 = vector.extract_strided_slice %max3A_91 {offsets = [112, 0], sizes = [1, 512], strides = [1, 1]} : vector<256x512xf32> to vector<1x512xf32>
    %mul3A_131 = vector.broadcast %slice3A_130 : vector<1x512xf32> to vector<32x512xf32>
    %mul3A_132 = arith.mulf %slice3A_129, %mul3A_131 : vector<32x512xf32>
    %add3A_133 = arith.addf %add3A_128, %mul3A_132 : vector<32x512xf32>
    %slice3A_134 = vector.extract_strided_slice %get3A_96 {offsets = [256, 0], sizes = [32, 512], strides = [1, 1]} : vector<512x512xf32> to vector<32x512xf32>
    %slice3A_135 = vector.extract_strided_slice %max3A_91 {offsets = [128, 0], sizes = [1, 512], strides = [1, 1]} : vector<256x512xf32> to vector<1x512xf32>
    %mul3A_136 = vector.broadcast %slice3A_135 : vector<1x512xf32> to vector<32x512xf32>
    %mul3A_137 = arith.mulf %slice3A_134, %mul3A_136 : vector<32x512xf32>
    %add3A_138 = arith.addf %add3A_133, %mul3A_137 : vector<32x512xf32>
    %slice3A_139 = vector.extract_strided_slice %get3A_96 {offsets = [288, 0], sizes = [32, 512], strides = [1, 1]} : vector<512x512xf32> to vector<32x512xf32>
    %slice3A_140 = vector.extract_strided_slice %max3A_91 {offsets = [144, 0], sizes = [1, 512], strides = [1, 1]} : vector<256x512xf32> to vector<1x512xf32>
    %mul3A_141 = vector.broadcast %slice3A_140 : vector<1x512xf32> to vector<32x512xf32>
    %mul3A_142 = arith.mulf %slice3A_139, %mul3A_141 : vector<32x512xf32>
    %add3A_143 = arith.addf %add3A_138, %mul3A_142 : vector<32x512xf32>
    %slice3A_144 = vector.extract_strided_slice %get3A_96 {offsets = [320, 0], sizes = [32, 512], strides = [1, 1]} : vector<512x512xf32> to vector<32x512xf32>
    %slice3A_145 = vector.extract_strided_slice %max3A_91 {offsets = [160, 0], sizes = [1, 512], strides = [1, 1]} : vector<256x512xf32> to vector<1x512xf32>
    %mul3A_146 = vector.broadcast %slice3A_145 : vector<1x512xf32> to vector<32x512xf32>
    %mul3A_147 = arith.mulf %slice3A_144, %mul3A_146 : vector<32x512xf32>
    %add3A_148 = arith.addf %add3A_143, %mul3A_147 : vector<32x512xf32>
    %slice3A_149 = vector.extract_strided_slice %get3A_96 {offsets = [352, 0], sizes = [32, 512], strides = [1, 1]} : vector<512x512xf32> to vector<32x512xf32>
    %slice3A_150 = vector.extract_strided_slice %max3A_91 {offsets = [176, 0], sizes = [1, 512], strides = [1, 1]} : vector<256x512xf32> to vector<1x512xf32>
    %mul3A_151 = vector.broadcast %slice3A_150 : vector<1x512xf32> to vector<32x512xf32>
    %mul3A_152 = arith.mulf %slice3A_149, %mul3A_151 : vector<32x512xf32>
    %add3A_153 = arith.addf %add3A_148, %mul3A_152 : vector<32x512xf32>
    %slice3A_154 = vector.extract_strided_slice %get3A_96 {offsets = [384, 0], sizes = [32, 512], strides = [1, 1]} : vector<512x512xf32> to vector<32x512xf32>
    %slice3A_155 = vector.extract_strided_slice %max3A_91 {offsets = [192, 0], sizes = [1, 512], strides = [1, 1]} : vector<256x512xf32> to vector<1x512xf32>
    %mul3A_156 = vector.broadcast %slice3A_155 : vector<1x512xf32> to vector<32x512xf32>
    %mul3A_157 = arith.mulf %slice3A_154, %mul3A_156 : vector<32x512xf32>
    %add3A_158 = arith.addf %add3A_153, %mul3A_157 : vector<32x512xf32>
    %slice3A_159 = vector.extract_strided_slice %get3A_96 {offsets = [416, 0], sizes = [32, 512], strides = [1, 1]} : vector<512x512xf32> to vector<32x512xf32>
    %slice3A_160 = vector.extract_strided_slice %max3A_91 {offsets = [208, 0], sizes = [1, 512], strides = [1, 1]} : vector<256x512xf32> to vector<1x512xf32>
    %mul3A_161 = vector.broadcast %slice3A_160 : vector<1x512xf32> to vector<32x512xf32>
    %mul3A_162 = arith.mulf %slice3A_159, %mul3A_161 : vector<32x512xf32>
    %add3A_163 = arith.addf %add3A_158, %mul3A_162 : vector<32x512xf32>
    %slice3A_164 = vector.extract_strided_slice %get3A_96 {offsets = [448, 0], sizes = [32, 512], strides = [1, 1]} : vector<512x512xf32> to vector<32x512xf32>
    %slice3A_165 = vector.extract_strided_slice %max3A_91 {offsets = [224, 0], sizes = [1, 512], strides = [1, 1]} : vector<256x512xf32> to vector<1x512xf32>
    %mul3A_166 = vector.broadcast %slice3A_165 : vector<1x512xf32> to vector<32x512xf32>
    %mul3A_167 = arith.mulf %slice3A_164, %mul3A_166 : vector<32x512xf32>
    %add3A_168 = arith.addf %add3A_163, %mul3A_167 : vector<32x512xf32>
    %slice3A_169 = vector.extract_strided_slice %get3A_96 {offsets = [480, 0], sizes = [32, 512], strides = [1, 1]} : vector<512x512xf32> to vector<32x512xf32>
    %slice3A_170 = vector.extract_strided_slice %max3A_91 {offsets = [240, 0], sizes = [1, 512], strides = [1, 1]} : vector<256x512xf32> to vector<1x512xf32>
    %mul3A_171 = vector.broadcast %slice3A_170 : vector<1x512xf32> to vector<32x512xf32>
    %mul3A_172 = arith.mulf %slice3A_169, %mul3A_171 : vector<32x512xf32>
    %add3A_173 = arith.addf %add3A_168, %mul3A_172 : vector<32x512xf32>
    %slice3A_174 = vector.extract_strided_slice %get3A_96 {offsets = [0, 0], sizes = [32, 512], strides = [1, 1]} : vector<512x512xf32> to vector<32x512xf32>
    %slice3A_175 = vector.extract_strided_slice %max3A_91 {offsets = [1, 0], sizes = [1, 512], strides = [1, 1]} : vector<256x512xf32> to vector<1x512xf32>
    %mul3A_176 = vector.broadcast %slice3A_175 : vector<1x512xf32> to vector<32x512xf32>
    %mul3A_177 = arith.mulf %slice3A_174, %mul3A_176 : vector<32x512xf32>
    %slice3A_178 = vector.extract_strided_slice %get3A_96 {offsets = [32, 0], sizes = [32, 512], strides = [1, 1]} : vector<512x512xf32> to vector<32x512xf32>
    %slice3A_179 = vector.extract_strided_slice %max3A_91 {offsets = [17, 0], sizes = [1, 512], strides = [1, 1]} : vector<256x512xf32> to vector<1x512xf32>
    %mul3A_180 = vector.broadcast %slice3A_179 : vector<1x512xf32> to vector<32x512xf32>
    %mul3A_181 = arith.mulf %slice3A_178, %mul3A_180 : vector<32x512xf32>
    %add3A_182 = arith.addf %mul3A_177, %mul3A_181 : vector<32x512xf32>
    %slice3A_183 = vector.extract_strided_slice %get3A_96 {offsets = [64, 0], sizes = [32, 512], strides = [1, 1]} : vector<512x512xf32> to vector<32x512xf32>
    %slice3A_184 = vector.extract_strided_slice %max3A_91 {offsets = [33, 0], sizes = [1, 512], strides = [1, 1]} : vector<256x512xf32> to vector<1x512xf32>
    %mul3A_185 = vector.broadcast %slice3A_184 : vector<1x512xf32> to vector<32x512xf32>
    %mul3A_186 = arith.mulf %slice3A_183, %mul3A_185 : vector<32x512xf32>
    %add3A_187 = arith.addf %add3A_182, %mul3A_186 : vector<32x512xf32>
    %slice3A_188 = vector.extract_strided_slice %get3A_96 {offsets = [96, 0], sizes = [32, 512], strides = [1, 1]} : vector<512x512xf32> to vector<32x512xf32>
    %slice3A_189 = vector.extract_strided_slice %max3A_91 {offsets = [49, 0], sizes = [1, 512], strides = [1, 1]} : vector<256x512xf32> to vector<1x512xf32>
    %mul3A_190 = vector.broadcast %slice3A_189 : vector<1x512xf32> to vector<32x512xf32>
    %mul3A_191 = arith.mulf %slice3A_188, %mul3A_190 : vector<32x512xf32>
    %add3A_192 = arith.addf %add3A_187, %mul3A_191 : vector<32x512xf32>
    %slice3A_193 = vector.extract_strided_slice %get3A_96 {offsets = [128, 0], sizes = [32, 512], strides = [1, 1]} : vector<512x512xf32> to vector<32x512xf32>
    %slice3A_194 = vector.extract_strided_slice %max3A_91 {offsets = [65, 0], sizes = [1, 512], strides = [1, 1]} : vector<256x512xf32> to vector<1x512xf32>
    %mul3A_195 = vector.broadcast %slice3A_194 : vector<1x512xf32> to vector<32x512xf32>
    %mul3A_196 = arith.mulf %slice3A_193, %mul3A_195 : vector<32x512xf32>
    %add3A_197 = arith.addf %add3A_192, %mul3A_196 : vector<32x512xf32>
    %slice3A_198 = vector.extract_strided_slice %get3A_96 {offsets = [160, 0], sizes = [32, 512], strides = [1, 1]} : vector<512x512xf32> to vector<32x512xf32>
    %slice3A_199 = vector.extract_strided_slice %max3A_91 {offsets = [81, 0], sizes = [1, 512], strides = [1, 1]} : vector<256x512xf32> to vector<1x512xf32>
    %mul3A_200 = vector.broadcast %slice3A_199 : vector<1x512xf32> to vector<32x512xf32>
    %mul3A_201 = arith.mulf %slice3A_198, %mul3A_200 : vector<32x512xf32>
    %add3A_202 = arith.addf %add3A_197, %mul3A_201 : vector<32x512xf32>
    %slice3A_203 = vector.extract_strided_slice %get3A_96 {offsets = [192, 0], sizes = [32, 512], strides = [1, 1]} : vector<512x512xf32> to vector<32x512xf32>
    %slice3A_204 = vector.extract_strided_slice %max3A_91 {offsets = [97, 0], sizes = [1, 512], strides = [1, 1]} : vector<256x512xf32> to vector<1x512xf32>
    %mul3A_205 = vector.broadcast %slice3A_204 : vector<1x512xf32> to vector<32x512xf32>
    %mul3A_206 = arith.mulf %slice3A_203, %mul3A_205 : vector<32x512xf32>
    %add3A_207 = arith.addf %add3A_202, %mul3A_206 : vector<32x512xf32>
    %slice3A_208 = vector.extract_strided_slice %get3A_96 {offsets = [224, 0], sizes = [32, 512], strides = [1, 1]} : vector<512x512xf32> to vector<32x512xf32>
    %slice3A_209 = vector.extract_strided_slice %max3A_91 {offsets = [113, 0], sizes = [1, 512], strides = [1, 1]} : vector<256x512xf32> to vector<1x512xf32>
    %mul3A_210 = vector.broadcast %slice3A_209 : vector<1x512xf32> to vector<32x512xf32>
    %mul3A_211 = arith.mulf %slice3A_208, %mul3A_210 : vector<32x512xf32>
    %add3A_212 = arith.addf %add3A_207, %mul3A_211 : vector<32x512xf32>
    %slice3A_213 = vector.extract_strided_slice %get3A_96 {offsets = [256, 0], sizes = [32, 512], strides = [1, 1]} : vector<512x512xf32> to vector<32x512xf32>
    %slice3A_214 = vector.extract_strided_slice %max3A_91 {offsets = [129, 0], sizes = [1, 512], strides = [1, 1]} : vector<256x512xf32> to vector<1x512xf32>
    %mul3A_215 = vector.broadcast %slice3A_214 : vector<1x512xf32> to vector<32x512xf32>
    %mul3A_216 = arith.mulf %slice3A_213, %mul3A_215 : vector<32x512xf32>
    %add3A_217 = arith.addf %add3A_212, %mul3A_216 : vector<32x512xf32>
    %slice3A_218 = vector.extract_strided_slice %get3A_96 {offsets = [288, 0], sizes = [32, 512], strides = [1, 1]} : vector<512x512xf32> to vector<32x512xf32>
    %slice3A_219 = vector.extract_strided_slice %max3A_91 {offsets = [145, 0], sizes = [1, 512], strides = [1, 1]} : vector<256x512xf32> to vector<1x512xf32>
    %mul3A_220 = vector.broadcast %slice3A_219 : vector<1x512xf32> to vector<32x512xf32>
    %mul3A_221 = arith.mulf %slice3A_218, %mul3A_220 : vector<32x512xf32>
    %add3A_222 = arith.addf %add3A_217, %mul3A_221 : vector<32x512xf32>
    %slice3A_223 = vector.extract_strided_slice %get3A_96 {offsets = [320, 0], sizes = [32, 512], strides = [1, 1]} : vector<512x512xf32> to vector<32x512xf32>
    %slice3A_224 = vector.extract_strided_slice %max3A_91 {offsets = [161, 0], sizes = [1, 512], strides = [1, 1]} : vector<256x512xf32> to vector<1x512xf32>
    %mul3A_225 = vector.broadcast %slice3A_224 : vector<1x512xf32> to vector<32x512xf32>
    %mul3A_226 = arith.mulf %slice3A_223, %mul3A_225 : vector<32x512xf32>
    %add3A_227 = arith.addf %add3A_222, %mul3A_226 : vector<32x512xf32>
    %slice3A_228 = vector.extract_strided_slice %get3A_96 {offsets = [352, 0], sizes = [32, 512], strides = [1, 1]} : vector<512x512xf32> to vector<32x512xf32>
    %slice3A_229 = vector.extract_strided_slice %max3A_91 {offsets = [177, 0], sizes = [1, 512], strides = [1, 1]} : vector<256x512xf32> to vector<1x512xf32>
    %mul3A_230 = vector.broadcast %slice3A_229 : vector<1x512xf32> to vector<32x512xf32>
    %mul3A_231 = arith.mulf %slice3A_228, %mul3A_230 : vector<32x512xf32>
    %add3A_232 = arith.addf %add3A_227, %mul3A_231 : vector<32x512xf32>
    %slice3A_233 = vector.extract_strided_slice %get3A_96 {offsets = [384, 0], sizes = [32, 512], strides = [1, 1]} : vector<512x512xf32> to vector<32x512xf32>
    %slice3A_234 = vector.extract_strided_slice %max3A_91 {offsets = [193, 0], sizes = [1, 512], strides = [1, 1]} : vector<256x512xf32> to vector<1x512xf32>
    %mul3A_235 = vector.broadcast %slice3A_234 : vector<1x512xf32> to vector<32x512xf32>
    %mul3A_236 = arith.mulf %slice3A_233, %mul3A_235 : vector<32x512xf32>
    %add3A_237 = arith.addf %add3A_232, %mul3A_236 : vector<32x512xf32>
    %slice3A_238 = vector.extract_strided_slice %get3A_96 {offsets = [416, 0], sizes = [32, 512], strides = [1, 1]} : vector<512x512xf32> to vector<32x512xf32>
    %slice3A_239 = vector.extract_strided_slice %max3A_91 {offsets = [209, 0], sizes = [1, 512], strides = [1, 1]} : vector<256x512xf32> to vector<1x512xf32>
    %mul3A_240 = vector.broadcast %slice3A_239 : vector<1x512xf32> to vector<32x512xf32>
    %mul3A_241 = arith.mulf %slice3A_238, %mul3A_240 : vector<32x512xf32>
    %add3A_242 = arith.addf %add3A_237, %mul3A_241 : vector<32x512xf32>
    %slice3A_243 = vector.extract_strided_slice %get3A_96 {offsets = [448, 0], sizes = [32, 512], strides = [1, 1]} : vector<512x512xf32> to vector<32x512xf32>
    %slice3A_244 = vector.extract_strided_slice %max3A_91 {offsets = [225, 0], sizes = [1, 512], strides = [1, 1]} : vector<256x512xf32> to vector<1x512xf32>
    %mul3A_245 = vector.broadcast %slice3A_244 : vector<1x512xf32> to vector<32x512xf32>
    %mul3A_246 = arith.mulf %slice3A_243, %mul3A_245 : vector<32x512xf32>
    %add3A_247 = arith.addf %add3A_242, %mul3A_246 : vector<32x512xf32>
    %slice3A_248 = vector.extract_strided_slice %get3A_96 {offsets = [480, 0], sizes = [32, 512], strides = [1, 1]} : vector<512x512xf32> to vector<32x512xf32>
    %slice3A_249 = vector.extract_strided_slice %max3A_91 {offsets = [241, 0], sizes = [1, 512], strides = [1, 1]} : vector<256x512xf32> to vector<1x512xf32>
    %mul3A_250 = vector.broadcast %slice3A_249 : vector<1x512xf32> to vector<32x512xf32>
    %mul3A_251 = arith.mulf %slice3A_248, %mul3A_250 : vector<32x512xf32>
    %add3A_252 = arith.addf %add3A_247, %mul3A_251 : vector<32x512xf32>
    %slice3A_253 = vector.extract_strided_slice %get3A_96 {offsets = [0, 0], sizes = [32, 512], strides = [1, 1]} : vector<512x512xf32> to vector<32x512xf32>
    %slice3A_254 = vector.extract_strided_slice %max3A_91 {offsets = [2, 0], sizes = [1, 512], strides = [1, 1]} : vector<256x512xf32> to vector<1x512xf32>
    %mul3A_255 = vector.broadcast %slice3A_254 : vector<1x512xf32> to vector<32x512xf32>
    %mul3A_256 = arith.mulf %slice3A_253, %mul3A_255 : vector<32x512xf32>
    %slice3A_257 = vector.extract_strided_slice %get3A_96 {offsets = [32, 0], sizes = [32, 512], strides = [1, 1]} : vector<512x512xf32> to vector<32x512xf32>
    %slice3A_258 = vector.extract_strided_slice %max3A_91 {offsets = [18, 0], sizes = [1, 512], strides = [1, 1]} : vector<256x512xf32> to vector<1x512xf32>
    %mul3A_259 = vector.broadcast %slice3A_258 : vector<1x512xf32> to vector<32x512xf32>
    %mul3A_260 = arith.mulf %slice3A_257, %mul3A_259 : vector<32x512xf32>
    %add3A_261 = arith.addf %mul3A_256, %mul3A_260 : vector<32x512xf32>
    %slice3A_262 = vector.extract_strided_slice %get3A_96 {offsets = [64, 0], sizes = [32, 512], strides = [1, 1]} : vector<512x512xf32> to vector<32x512xf32>
    %slice3A_263 = vector.extract_strided_slice %max3A_91 {offsets = [34, 0], sizes = [1, 512], strides = [1, 1]} : vector<256x512xf32> to vector<1x512xf32>
    %mul3A_264 = vector.broadcast %slice3A_263 : vector<1x512xf32> to vector<32x512xf32>
    %mul3A_265 = arith.mulf %slice3A_262, %mul3A_264 : vector<32x512xf32>
    %add3A_266 = arith.addf %add3A_261, %mul3A_265 : vector<32x512xf32>
    %slice3A_267 = vector.extract_strided_slice %get3A_96 {offsets = [96, 0], sizes = [32, 512], strides = [1, 1]} : vector<512x512xf32> to vector<32x512xf32>
    %slice3A_268 = vector.extract_strided_slice %max3A_91 {offsets = [50, 0], sizes = [1, 512], strides = [1, 1]} : vector<256x512xf32> to vector<1x512xf32>
    %mul3A_269 = vector.broadcast %slice3A_268 : vector<1x512xf32> to vector<32x512xf32>
    %mul3A_270 = arith.mulf %slice3A_267, %mul3A_269 : vector<32x512xf32>
    %add3A_271 = arith.addf %add3A_266, %mul3A_270 : vector<32x512xf32>
    %slice3A_272 = vector.extract_strided_slice %get3A_96 {offsets = [128, 0], sizes = [32, 512], strides = [1, 1]} : vector<512x512xf32> to vector<32x512xf32>
    %slice3A_273 = vector.extract_strided_slice %max3A_91 {offsets = [66, 0], sizes = [1, 512], strides = [1, 1]} : vector<256x512xf32> to vector<1x512xf32>
    %mul3A_274 = vector.broadcast %slice3A_273 : vector<1x512xf32> to vector<32x512xf32>
    %mul3A_275 = arith.mulf %slice3A_272, %mul3A_274 : vector<32x512xf32>
    %add3A_276 = arith.addf %add3A_271, %mul3A_275 : vector<32x512xf32>
    %slice3A_277 = vector.extract_strided_slice %get3A_96 {offsets = [160, 0], sizes = [32, 512], strides = [1, 1]} : vector<512x512xf32> to vector<32x512xf32>
    %slice3A_278 = vector.extract_strided_slice %max3A_91 {offsets = [82, 0], sizes = [1, 512], strides = [1, 1]} : vector<256x512xf32> to vector<1x512xf32>
    %mul3A_279 = vector.broadcast %slice3A_278 : vector<1x512xf32> to vector<32x512xf32>
    %mul3A_280 = arith.mulf %slice3A_277, %mul3A_279 : vector<32x512xf32>
    %add3A_281 = arith.addf %add3A_276, %mul3A_280 : vector<32x512xf32>
    %slice3A_282 = vector.extract_strided_slice %get3A_96 {offsets = [192, 0], sizes = [32, 512], strides = [1, 1]} : vector<512x512xf32> to vector<32x512xf32>
    %slice3A_283 = vector.extract_strided_slice %max3A_91 {offsets = [98, 0], sizes = [1, 512], strides = [1, 1]} : vector<256x512xf32> to vector<1x512xf32>
    %mul3A_284 = vector.broadcast %slice3A_283 : vector<1x512xf32> to vector<32x512xf32>
    %mul3A_285 = arith.mulf %slice3A_282, %mul3A_284 : vector<32x512xf32>
    %add3A_286 = arith.addf %add3A_281, %mul3A_285 : vector<32x512xf32>
    %slice3A_287 = vector.extract_strided_slice %get3A_96 {offsets = [224, 0], sizes = [32, 512], strides = [1, 1]} : vector<512x512xf32> to vector<32x512xf32>
    %slice3A_288 = vector.extract_strided_slice %max3A_91 {offsets = [114, 0], sizes = [1, 512], strides = [1, 1]} : vector<256x512xf32> to vector<1x512xf32>
    %mul3A_289 = vector.broadcast %slice3A_288 : vector<1x512xf32> to vector<32x512xf32>
    %mul3A_290 = arith.mulf %slice3A_287, %mul3A_289 : vector<32x512xf32>
    %add3A_291 = arith.addf %add3A_286, %mul3A_290 : vector<32x512xf32>
    %slice3A_292 = vector.extract_strided_slice %get3A_96 {offsets = [256, 0], sizes = [32, 512], strides = [1, 1]} : vector<512x512xf32> to vector<32x512xf32>
    %slice3A_293 = vector.extract_strided_slice %max3A_91 {offsets = [130, 0], sizes = [1, 512], strides = [1, 1]} : vector<256x512xf32> to vector<1x512xf32>
    %mul3A_294 = vector.broadcast %slice3A_293 : vector<1x512xf32> to vector<32x512xf32>
    %mul3A_295 = arith.mulf %slice3A_292, %mul3A_294 : vector<32x512xf32>
    %add3A_296 = arith.addf %add3A_291, %mul3A_295 : vector<32x512xf32>
    %slice3A_297 = vector.extract_strided_slice %get3A_96 {offsets = [288, 0], sizes = [32, 512], strides = [1, 1]} : vector<512x512xf32> to vector<32x512xf32>
    %slice3A_298 = vector.extract_strided_slice %max3A_91 {offsets = [146, 0], sizes = [1, 512], strides = [1, 1]} : vector<256x512xf32> to vector<1x512xf32>
    %mul3A_299 = vector.broadcast %slice3A_298 : vector<1x512xf32> to vector<32x512xf32>
    %mul3A_300 = arith.mulf %slice3A_297, %mul3A_299 : vector<32x512xf32>
    %add3A_301 = arith.addf %add3A_296, %mul3A_300 : vector<32x512xf32>
    %slice3A_302 = vector.extract_strided_slice %get3A_96 {offsets = [320, 0], sizes = [32, 512], strides = [1, 1]} : vector<512x512xf32> to vector<32x512xf32>
    %slice3A_303 = vector.extract_strided_slice %max3A_91 {offsets = [162, 0], sizes = [1, 512], strides = [1, 1]} : vector<256x512xf32> to vector<1x512xf32>
    %mul3A_304 = vector.broadcast %slice3A_303 : vector<1x512xf32> to vector<32x512xf32>
    %mul3A_305 = arith.mulf %slice3A_302, %mul3A_304 : vector<32x512xf32>
    %add3A_306 = arith.addf %add3A_301, %mul3A_305 : vector<32x512xf32>
    %slice3A_307 = vector.extract_strided_slice %get3A_96 {offsets = [352, 0], sizes = [32, 512], strides = [1, 1]} : vector<512x512xf32> to vector<32x512xf32>
    %slice3A_308 = vector.extract_strided_slice %max3A_91 {offsets = [178, 0], sizes = [1, 512], strides = [1, 1]} : vector<256x512xf32> to vector<1x512xf32>
    %mul3A_309 = vector.broadcast %slice3A_308 : vector<1x512xf32> to vector<32x512xf32>
    %mul3A_310 = arith.mulf %slice3A_307, %mul3A_309 : vector<32x512xf32>
    %add3A_311 = arith.addf %add3A_306, %mul3A_310 : vector<32x512xf32>
    %slice3A_312 = vector.extract_strided_slice %get3A_96 {offsets = [384, 0], sizes = [32, 512], strides = [1, 1]} : vector<512x512xf32> to vector<32x512xf32>
    %slice3A_313 = vector.extract_strided_slice %max3A_91 {offsets = [194, 0], sizes = [1, 512], strides = [1, 1]} : vector<256x512xf32> to vector<1x512xf32>
    %mul3A_314 = vector.broadcast %slice3A_313 : vector<1x512xf32> to vector<32x512xf32>
    %mul3A_315 = arith.mulf %slice3A_312, %mul3A_314 : vector<32x512xf32>
    %add3A_316 = arith.addf %add3A_311, %mul3A_315 : vector<32x512xf32>
    %slice3A_317 = vector.extract_strided_slice %get3A_96 {offsets = [416, 0], sizes = [32, 512], strides = [1, 1]} : vector<512x512xf32> to vector<32x512xf32>
    %slice3A_318 = vector.extract_strided_slice %max3A_91 {offsets = [210, 0], sizes = [1, 512], strides = [1, 1]} : vector<256x512xf32> to vector<1x512xf32>
    %mul3A_319 = vector.broadcast %slice3A_318 : vector<1x512xf32> to vector<32x512xf32>
    %mul3A_320 = arith.mulf %slice3A_317, %mul3A_319 : vector<32x512xf32>
    %add3A_321 = arith.addf %add3A_316, %mul3A_320 : vector<32x512xf32>
    %slice3A_322 = vector.extract_strided_slice %get3A_96 {offsets = [448, 0], sizes = [32, 512], strides = [1, 1]} : vector<512x512xf32> to vector<32x512xf32>
    %slice3A_323 = vector.extract_strided_slice %max3A_91 {offsets = [226, 0], sizes = [1, 512], strides = [1, 1]} : vector<256x512xf32> to vector<1x512xf32>
    %mul3A_324 = vector.broadcast %slice3A_323 : vector<1x512xf32> to vector<32x512xf32>
    %mul3A_325 = arith.mulf %slice3A_322, %mul3A_324 : vector<32x512xf32>
    %add3A_326 = arith.addf %add3A_321, %mul3A_325 : vector<32x512xf32>
    %slice3A_327 = vector.extract_strided_slice %get3A_96 {offsets = [480, 0], sizes = [32, 512], strides = [1, 1]} : vector<512x512xf32> to vector<32x512xf32>
    %slice3A_328 = vector.extract_strided_slice %max3A_91 {offsets = [242, 0], sizes = [1, 512], strides = [1, 1]} : vector<256x512xf32> to vector<1x512xf32>
    %mul3A_329 = vector.broadcast %slice3A_328 : vector<1x512xf32> to vector<32x512xf32>
    %mul3A_330 = arith.mulf %slice3A_327, %mul3A_329 : vector<32x512xf32>
    %add3A_331 = arith.addf %add3A_326, %mul3A_330 : vector<32x512xf32>
    %slice3A_332 = vector.extract_strided_slice %get3A_96 {offsets = [0, 0], sizes = [32, 512], strides = [1, 1]} : vector<512x512xf32> to vector<32x512xf32>
    %slice3A_333 = vector.extract_strided_slice %max3A_91 {offsets = [3, 0], sizes = [1, 512], strides = [1, 1]} : vector<256x512xf32> to vector<1x512xf32>
    %mul3A_334 = vector.broadcast %slice3A_333 : vector<1x512xf32> to vector<32x512xf32>
    %mul3A_335 = arith.mulf %slice3A_332, %mul3A_334 : vector<32x512xf32>
    %slice3A_336 = vector.extract_strided_slice %get3A_96 {offsets = [32, 0], sizes = [32, 512], strides = [1, 1]} : vector<512x512xf32> to vector<32x512xf32>
    %slice3A_337 = vector.extract_strided_slice %max3A_91 {offsets = [19, 0], sizes = [1, 512], strides = [1, 1]} : vector<256x512xf32> to vector<1x512xf32>
    %mul3A_338 = vector.broadcast %slice3A_337 : vector<1x512xf32> to vector<32x512xf32>
    %mul3A_339 = arith.mulf %slice3A_336, %mul3A_338 : vector<32x512xf32>
    %add3A_340 = arith.addf %mul3A_335, %mul3A_339 : vector<32x512xf32>
    %slice3A_341 = vector.extract_strided_slice %get3A_96 {offsets = [64, 0], sizes = [32, 512], strides = [1, 1]} : vector<512x512xf32> to vector<32x512xf32>
    %slice3A_342 = vector.extract_strided_slice %max3A_91 {offsets = [35, 0], sizes = [1, 512], strides = [1, 1]} : vector<256x512xf32> to vector<1x512xf32>
    %mul3A_343 = vector.broadcast %slice3A_342 : vector<1x512xf32> to vector<32x512xf32>
    %mul3A_344 = arith.mulf %slice3A_341, %mul3A_343 : vector<32x512xf32>
    %add3A_345 = arith.addf %add3A_340, %mul3A_344 : vector<32x512xf32>
    %slice3A_346 = vector.extract_strided_slice %get3A_96 {offsets = [96, 0], sizes = [32, 512], strides = [1, 1]} : vector<512x512xf32> to vector<32x512xf32>
    %slice3A_347 = vector.extract_strided_slice %max3A_91 {offsets = [51, 0], sizes = [1, 512], strides = [1, 1]} : vector<256x512xf32> to vector<1x512xf32>
    %mul3A_348 = vector.broadcast %slice3A_347 : vector<1x512xf32> to vector<32x512xf32>
    %mul3A_349 = arith.mulf %slice3A_346, %mul3A_348 : vector<32x512xf32>
    %add3A_350 = arith.addf %add3A_345, %mul3A_349 : vector<32x512xf32>
    %slice3A_351 = vector.extract_strided_slice %get3A_96 {offsets = [128, 0], sizes = [32, 512], strides = [1, 1]} : vector<512x512xf32> to vector<32x512xf32>
    %slice3A_352 = vector.extract_strided_slice %max3A_91 {offsets = [67, 0], sizes = [1, 512], strides = [1, 1]} : vector<256x512xf32> to vector<1x512xf32>
    %mul3A_353 = vector.broadcast %slice3A_352 : vector<1x512xf32> to vector<32x512xf32>
    %mul3A_354 = arith.mulf %slice3A_351, %mul3A_353 : vector<32x512xf32>
    %add3A_355 = arith.addf %add3A_350, %mul3A_354 : vector<32x512xf32>
    %slice3A_356 = vector.extract_strided_slice %get3A_96 {offsets = [160, 0], sizes = [32, 512], strides = [1, 1]} : vector<512x512xf32> to vector<32x512xf32>
    %slice3A_357 = vector.extract_strided_slice %max3A_91 {offsets = [83, 0], sizes = [1, 512], strides = [1, 1]} : vector<256x512xf32> to vector<1x512xf32>
    %mul3A_358 = vector.broadcast %slice3A_357 : vector<1x512xf32> to vector<32x512xf32>
    %mul3A_359 = arith.mulf %slice3A_356, %mul3A_358 : vector<32x512xf32>
    %add3A_360 = arith.addf %add3A_355, %mul3A_359 : vector<32x512xf32>
    %slice3A_361 = vector.extract_strided_slice %get3A_96 {offsets = [192, 0], sizes = [32, 512], strides = [1, 1]} : vector<512x512xf32> to vector<32x512xf32>
    %slice3A_362 = vector.extract_strided_slice %max3A_91 {offsets = [99, 0], sizes = [1, 512], strides = [1, 1]} : vector<256x512xf32> to vector<1x512xf32>
    %mul3A_363 = vector.broadcast %slice3A_362 : vector<1x512xf32> to vector<32x512xf32>
    %mul3A_364 = arith.mulf %slice3A_361, %mul3A_363 : vector<32x512xf32>
    %add3A_365 = arith.addf %add3A_360, %mul3A_364 : vector<32x512xf32>
    %slice3A_366 = vector.extract_strided_slice %get3A_96 {offsets = [224, 0], sizes = [32, 512], strides = [1, 1]} : vector<512x512xf32> to vector<32x512xf32>
    %slice3A_367 = vector.extract_strided_slice %max3A_91 {offsets = [115, 0], sizes = [1, 512], strides = [1, 1]} : vector<256x512xf32> to vector<1x512xf32>
    %mul3A_368 = vector.broadcast %slice3A_367 : vector<1x512xf32> to vector<32x512xf32>
    %mul3A_369 = arith.mulf %slice3A_366, %mul3A_368 : vector<32x512xf32>
    %add3A_370 = arith.addf %add3A_365, %mul3A_369 : vector<32x512xf32>
    %slice3A_371 = vector.extract_strided_slice %get3A_96 {offsets = [256, 0], sizes = [32, 512], strides = [1, 1]} : vector<512x512xf32> to vector<32x512xf32>
    %slice3A_372 = vector.extract_strided_slice %max3A_91 {offsets = [131, 0], sizes = [1, 512], strides = [1, 1]} : vector<256x512xf32> to vector<1x512xf32>
    %mul3A_373 = vector.broadcast %slice3A_372 : vector<1x512xf32> to vector<32x512xf32>
    %mul3A_374 = arith.mulf %slice3A_371, %mul3A_373 : vector<32x512xf32>
    %add3A_375 = arith.addf %add3A_370, %mul3A_374 : vector<32x512xf32>
    %slice3A_376 = vector.extract_strided_slice %get3A_96 {offsets = [288, 0], sizes = [32, 512], strides = [1, 1]} : vector<512x512xf32> to vector<32x512xf32>
    %slice3A_377 = vector.extract_strided_slice %max3A_91 {offsets = [147, 0], sizes = [1, 512], strides = [1, 1]} : vector<256x512xf32> to vector<1x512xf32>
    %mul3A_378 = vector.broadcast %slice3A_377 : vector<1x512xf32> to vector<32x512xf32>
    %mul3A_379 = arith.mulf %slice3A_376, %mul3A_378 : vector<32x512xf32>
    %add3A_380 = arith.addf %add3A_375, %mul3A_379 : vector<32x512xf32>
    %slice3A_381 = vector.extract_strided_slice %get3A_96 {offsets = [320, 0], sizes = [32, 512], strides = [1, 1]} : vector<512x512xf32> to vector<32x512xf32>
    %slice3A_382 = vector.extract_strided_slice %max3A_91 {offsets = [163, 0], sizes = [1, 512], strides = [1, 1]} : vector<256x512xf32> to vector<1x512xf32>
    %mul3A_383 = vector.broadcast %slice3A_382 : vector<1x512xf32> to vector<32x512xf32>
    %mul3A_384 = arith.mulf %slice3A_381, %mul3A_383 : vector<32x512xf32>
    %add3A_385 = arith.addf %add3A_380, %mul3A_384 : vector<32x512xf32>
    %slice3A_386 = vector.extract_strided_slice %get3A_96 {offsets = [352, 0], sizes = [32, 512], strides = [1, 1]} : vector<512x512xf32> to vector<32x512xf32>
    %slice3A_387 = vector.extract_strided_slice %max3A_91 {offsets = [179, 0], sizes = [1, 512], strides = [1, 1]} : vector<256x512xf32> to vector<1x512xf32>
    %mul3A_388 = vector.broadcast %slice3A_387 : vector<1x512xf32> to vector<32x512xf32>
    %mul3A_389 = arith.mulf %slice3A_386, %mul3A_388 : vector<32x512xf32>
    %add3A_390 = arith.addf %add3A_385, %mul3A_389 : vector<32x512xf32>
    %slice3A_391 = vector.extract_strided_slice %get3A_96 {offsets = [384, 0], sizes = [32, 512], strides = [1, 1]} : vector<512x512xf32> to vector<32x512xf32>
    %slice3A_392 = vector.extract_strided_slice %max3A_91 {offsets = [195, 0], sizes = [1, 512], strides = [1, 1]} : vector<256x512xf32> to vector<1x512xf32>
    %mul3A_393 = vector.broadcast %slice3A_392 : vector<1x512xf32> to vector<32x512xf32>
    %mul3A_394 = arith.mulf %slice3A_391, %mul3A_393 : vector<32x512xf32>
    %add3A_395 = arith.addf %add3A_390, %mul3A_394 : vector<32x512xf32>
    %slice3A_396 = vector.extract_strided_slice %get3A_96 {offsets = [416, 0], sizes = [32, 512], strides = [1, 1]} : vector<512x512xf32> to vector<32x512xf32>
    %slice3A_397 = vector.extract_strided_slice %max3A_91 {offsets = [211, 0], sizes = [1, 512], strides = [1, 1]} : vector<256x512xf32> to vector<1x512xf32>
    %mul3A_398 = vector.broadcast %slice3A_397 : vector<1x512xf32> to vector<32x512xf32>
    %mul3A_399 = arith.mulf %slice3A_396, %mul3A_398 : vector<32x512xf32>
    %add3A_400 = arith.addf %add3A_395, %mul3A_399 : vector<32x512xf32>
    %slice3A_401 = vector.extract_strided_slice %get3A_96 {offsets = [448, 0], sizes = [32, 512], strides = [1, 1]} : vector<512x512xf32> to vector<32x512xf32>
    %slice3A_402 = vector.extract_strided_slice %max3A_91 {offsets = [227, 0], sizes = [1, 512], strides = [1, 1]} : vector<256x512xf32> to vector<1x512xf32>
    %mul3A_403 = vector.broadcast %slice3A_402 : vector<1x512xf32> to vector<32x512xf32>
    %mul3A_404 = arith.mulf %slice3A_401, %mul3A_403 : vector<32x512xf32>
    %add3A_405 = arith.addf %add3A_400, %mul3A_404 : vector<32x512xf32>
    %slice3A_406 = vector.extract_strided_slice %get3A_96 {offsets = [480, 0], sizes = [32, 512], strides = [1, 1]} : vector<512x512xf32> to vector<32x512xf32>
    %slice3A_407 = vector.extract_strided_slice %max3A_91 {offsets = [243, 0], sizes = [1, 512], strides = [1, 1]} : vector<256x512xf32> to vector<1x512xf32>
    %mul3A_408 = vector.broadcast %slice3A_407 : vector<1x512xf32> to vector<32x512xf32>
    %mul3A_409 = arith.mulf %slice3A_406, %mul3A_408 : vector<32x512xf32>
    %add3A_410 = arith.addf %add3A_405, %mul3A_409 : vector<32x512xf32>
    %slice3A_411 = vector.extract_strided_slice %get3A_96 {offsets = [0, 0], sizes = [32, 512], strides = [1, 1]} : vector<512x512xf32> to vector<32x512xf32>
    %slice3A_412 = vector.extract_strided_slice %max3A_91 {offsets = [4, 0], sizes = [1, 512], strides = [1, 1]} : vector<256x512xf32> to vector<1x512xf32>
    %mul3A_413 = vector.broadcast %slice3A_412 : vector<1x512xf32> to vector<32x512xf32>
    %mul3A_414 = arith.mulf %slice3A_411, %mul3A_413 : vector<32x512xf32>
    %slice3A_415 = vector.extract_strided_slice %get3A_96 {offsets = [32, 0], sizes = [32, 512], strides = [1, 1]} : vector<512x512xf32> to vector<32x512xf32>
    %slice3A_416 = vector.extract_strided_slice %max3A_91 {offsets = [20, 0], sizes = [1, 512], strides = [1, 1]} : vector<256x512xf32> to vector<1x512xf32>
    %mul3A_417 = vector.broadcast %slice3A_416 : vector<1x512xf32> to vector<32x512xf32>
    %mul3A_418 = arith.mulf %slice3A_415, %mul3A_417 : vector<32x512xf32>
    %add3A_419 = arith.addf %mul3A_414, %mul3A_418 : vector<32x512xf32>
    %slice3A_420 = vector.extract_strided_slice %get3A_96 {offsets = [64, 0], sizes = [32, 512], strides = [1, 1]} : vector<512x512xf32> to vector<32x512xf32>
    %slice3A_421 = vector.extract_strided_slice %max3A_91 {offsets = [36, 0], sizes = [1, 512], strides = [1, 1]} : vector<256x512xf32> to vector<1x512xf32>
    %mul3A_422 = vector.broadcast %slice3A_421 : vector<1x512xf32> to vector<32x512xf32>
    %mul3A_423 = arith.mulf %slice3A_420, %mul3A_422 : vector<32x512xf32>
    %add3A_424 = arith.addf %add3A_419, %mul3A_423 : vector<32x512xf32>
    %slice3A_425 = vector.extract_strided_slice %get3A_96 {offsets = [96, 0], sizes = [32, 512], strides = [1, 1]} : vector<512x512xf32> to vector<32x512xf32>
    %slice3A_426 = vector.extract_strided_slice %max3A_91 {offsets = [52, 0], sizes = [1, 512], strides = [1, 1]} : vector<256x512xf32> to vector<1x512xf32>
    %mul3A_427 = vector.broadcast %slice3A_426 : vector<1x512xf32> to vector<32x512xf32>
    %mul3A_428 = arith.mulf %slice3A_425, %mul3A_427 : vector<32x512xf32>
    %add3A_429 = arith.addf %add3A_424, %mul3A_428 : vector<32x512xf32>
    %slice3A_430 = vector.extract_strided_slice %get3A_96 {offsets = [128, 0], sizes = [32, 512], strides = [1, 1]} : vector<512x512xf32> to vector<32x512xf32>
    %slice3A_431 = vector.extract_strided_slice %max3A_91 {offsets = [68, 0], sizes = [1, 512], strides = [1, 1]} : vector<256x512xf32> to vector<1x512xf32>
    %mul3A_432 = vector.broadcast %slice3A_431 : vector<1x512xf32> to vector<32x512xf32>
    %mul3A_433 = arith.mulf %slice3A_430, %mul3A_432 : vector<32x512xf32>
    %add3A_434 = arith.addf %add3A_429, %mul3A_433 : vector<32x512xf32>
    %slice3A_435 = vector.extract_strided_slice %get3A_96 {offsets = [160, 0], sizes = [32, 512], strides = [1, 1]} : vector<512x512xf32> to vector<32x512xf32>
    %slice3A_436 = vector.extract_strided_slice %max3A_91 {offsets = [84, 0], sizes = [1, 512], strides = [1, 1]} : vector<256x512xf32> to vector<1x512xf32>
    %mul3A_437 = vector.broadcast %slice3A_436 : vector<1x512xf32> to vector<32x512xf32>
    %mul3A_438 = arith.mulf %slice3A_435, %mul3A_437 : vector<32x512xf32>
    %add3A_439 = arith.addf %add3A_434, %mul3A_438 : vector<32x512xf32>
    %slice3A_440 = vector.extract_strided_slice %get3A_96 {offsets = [192, 0], sizes = [32, 512], strides = [1, 1]} : vector<512x512xf32> to vector<32x512xf32>
    %slice3A_441 = vector.extract_strided_slice %max3A_91 {offsets = [100, 0], sizes = [1, 512], strides = [1, 1]} : vector<256x512xf32> to vector<1x512xf32>
    %mul3A_442 = vector.broadcast %slice3A_441 : vector<1x512xf32> to vector<32x512xf32>
    %mul3A_443 = arith.mulf %slice3A_440, %mul3A_442 : vector<32x512xf32>
    %add3A_444 = arith.addf %add3A_439, %mul3A_443 : vector<32x512xf32>
    %slice3A_445 = vector.extract_strided_slice %get3A_96 {offsets = [224, 0], sizes = [32, 512], strides = [1, 1]} : vector<512x512xf32> to vector<32x512xf32>
    %slice3A_446 = vector.extract_strided_slice %max3A_91 {offsets = [116, 0], sizes = [1, 512], strides = [1, 1]} : vector<256x512xf32> to vector<1x512xf32>
    %mul3A_447 = vector.broadcast %slice3A_446 : vector<1x512xf32> to vector<32x512xf32>
    %mul3A_448 = arith.mulf %slice3A_445, %mul3A_447 : vector<32x512xf32>
    %add3A_449 = arith.addf %add3A_444, %mul3A_448 : vector<32x512xf32>
    %slice3A_450 = vector.extract_strided_slice %get3A_96 {offsets = [256, 0], sizes = [32, 512], strides = [1, 1]} : vector<512x512xf32> to vector<32x512xf32>
    %slice3A_451 = vector.extract_strided_slice %max3A_91 {offsets = [132, 0], sizes = [1, 512], strides = [1, 1]} : vector<256x512xf32> to vector<1x512xf32>
    %mul3A_452 = vector.broadcast %slice3A_451 : vector<1x512xf32> to vector<32x512xf32>
    %mul3A_453 = arith.mulf %slice3A_450, %mul3A_452 : vector<32x512xf32>
    %add3A_454 = arith.addf %add3A_449, %mul3A_453 : vector<32x512xf32>
    %slice3A_455 = vector.extract_strided_slice %get3A_96 {offsets = [288, 0], sizes = [32, 512], strides = [1, 1]} : vector<512x512xf32> to vector<32x512xf32>
    %slice3A_456 = vector.extract_strided_slice %max3A_91 {offsets = [148, 0], sizes = [1, 512], strides = [1, 1]} : vector<256x512xf32> to vector<1x512xf32>
    %mul3A_457 = vector.broadcast %slice3A_456 : vector<1x512xf32> to vector<32x512xf32>
    %mul3A_458 = arith.mulf %slice3A_455, %mul3A_457 : vector<32x512xf32>
    %add3A_459 = arith.addf %add3A_454, %mul3A_458 : vector<32x512xf32>
    %slice3A_460 = vector.extract_strided_slice %get3A_96 {offsets = [320, 0], sizes = [32, 512], strides = [1, 1]} : vector<512x512xf32> to vector<32x512xf32>
    %slice3A_461 = vector.extract_strided_slice %max3A_91 {offsets = [164, 0], sizes = [1, 512], strides = [1, 1]} : vector<256x512xf32> to vector<1x512xf32>
    %mul3A_462 = vector.broadcast %slice3A_461 : vector<1x512xf32> to vector<32x512xf32>
    %mul3A_463 = arith.mulf %slice3A_460, %mul3A_462 : vector<32x512xf32>
    %add3A_464 = arith.addf %add3A_459, %mul3A_463 : vector<32x512xf32>
    %slice3A_465 = vector.extract_strided_slice %get3A_96 {offsets = [352, 0], sizes = [32, 512], strides = [1, 1]} : vector<512x512xf32> to vector<32x512xf32>
    %slice3A_466 = vector.extract_strided_slice %max3A_91 {offsets = [180, 0], sizes = [1, 512], strides = [1, 1]} : vector<256x512xf32> to vector<1x512xf32>
    %mul3A_467 = vector.broadcast %slice3A_466 : vector<1x512xf32> to vector<32x512xf32>
    %mul3A_468 = arith.mulf %slice3A_465, %mul3A_467 : vector<32x512xf32>
    %add3A_469 = arith.addf %add3A_464, %mul3A_468 : vector<32x512xf32>
    %slice3A_470 = vector.extract_strided_slice %get3A_96 {offsets = [384, 0], sizes = [32, 512], strides = [1, 1]} : vector<512x512xf32> to vector<32x512xf32>
    %slice3A_471 = vector.extract_strided_slice %max3A_91 {offsets = [196, 0], sizes = [1, 512], strides = [1, 1]} : vector<256x512xf32> to vector<1x512xf32>
    %mul3A_472 = vector.broadcast %slice3A_471 : vector<1x512xf32> to vector<32x512xf32>
    %mul3A_473 = arith.mulf %slice3A_470, %mul3A_472 : vector<32x512xf32>
    %add3A_474 = arith.addf %add3A_469, %mul3A_473 : vector<32x512xf32>
    %slice3A_475 = vector.extract_strided_slice %get3A_96 {offsets = [416, 0], sizes = [32, 512], strides = [1, 1]} : vector<512x512xf32> to vector<32x512xf32>
    %slice3A_476 = vector.extract_strided_slice %max3A_91 {offsets = [212, 0], sizes = [1, 512], strides = [1, 1]} : vector<256x512xf32> to vector<1x512xf32>
    %mul3A_477 = vector.broadcast %slice3A_476 : vector<1x512xf32> to vector<32x512xf32>
    %mul3A_478 = arith.mulf %slice3A_475, %mul3A_477 : vector<32x512xf32>
    %add3A_479 = arith.addf %add3A_474, %mul3A_478 : vector<32x512xf32>
    %slice3A_480 = vector.extract_strided_slice %get3A_96 {offsets = [448, 0], sizes = [32, 512], strides = [1, 1]} : vector<512x512xf32> to vector<32x512xf32>
    %slice3A_481 = vector.extract_strided_slice %max3A_91 {offsets = [228, 0], sizes = [1, 512], strides = [1, 1]} : vector<256x512xf32> to vector<1x512xf32>
    %mul3A_482 = vector.broadcast %slice3A_481 : vector<1x512xf32> to vector<32x512xf32>
    %mul3A_483 = arith.mulf %slice3A_480, %mul3A_482 : vector<32x512xf32>
    %add3A_484 = arith.addf %add3A_479, %mul3A_483 : vector<32x512xf32>
    %slice3A_485 = vector.extract_strided_slice %get3A_96 {offsets = [480, 0], sizes = [32, 512], strides = [1, 1]} : vector<512x512xf32> to vector<32x512xf32>
    %slice3A_486 = vector.extract_strided_slice %max3A_91 {offsets = [244, 0], sizes = [1, 512], strides = [1, 1]} : vector<256x512xf32> to vector<1x512xf32>
    %mul3A_487 = vector.broadcast %slice3A_486 : vector<1x512xf32> to vector<32x512xf32>
    %mul3A_488 = arith.mulf %slice3A_485, %mul3A_487 : vector<32x512xf32>
    %add3A_489 = arith.addf %add3A_484, %mul3A_488 : vector<32x512xf32>
    %slice3A_490 = vector.extract_strided_slice %get3A_96 {offsets = [0, 0], sizes = [32, 512], strides = [1, 1]} : vector<512x512xf32> to vector<32x512xf32>
    %slice3A_491 = vector.extract_strided_slice %max3A_91 {offsets = [5, 0], sizes = [1, 512], strides = [1, 1]} : vector<256x512xf32> to vector<1x512xf32>
    %mul3A_492 = vector.broadcast %slice3A_491 : vector<1x512xf32> to vector<32x512xf32>
    %mul3A_493 = arith.mulf %slice3A_490, %mul3A_492 : vector<32x512xf32>
    %slice3A_494 = vector.extract_strided_slice %get3A_96 {offsets = [32, 0], sizes = [32, 512], strides = [1, 1]} : vector<512x512xf32> to vector<32x512xf32>
    %slice3A_495 = vector.extract_strided_slice %max3A_91 {offsets = [21, 0], sizes = [1, 512], strides = [1, 1]} : vector<256x512xf32> to vector<1x512xf32>
    %mul3A_496 = vector.broadcast %slice3A_495 : vector<1x512xf32> to vector<32x512xf32>
    %mul3A_497 = arith.mulf %slice3A_494, %mul3A_496 : vector<32x512xf32>
    %add3A_498 = arith.addf %mul3A_493, %mul3A_497 : vector<32x512xf32>
    %slice3A_499 = vector.extract_strided_slice %get3A_96 {offsets = [64, 0], sizes = [32, 512], strides = [1, 1]} : vector<512x512xf32> to vector<32x512xf32>
    %slice3A_500 = vector.extract_strided_slice %max3A_91 {offsets = [37, 0], sizes = [1, 512], strides = [1, 1]} : vector<256x512xf32> to vector<1x512xf32>
    %mul3A_501 = vector.broadcast %slice3A_500 : vector<1x512xf32> to vector<32x512xf32>
    %mul3A_502 = arith.mulf %slice3A_499, %mul3A_501 : vector<32x512xf32>
    %add3A_503 = arith.addf %add3A_498, %mul3A_502 : vector<32x512xf32>
    %slice3A_504 = vector.extract_strided_slice %get3A_96 {offsets = [96, 0], sizes = [32, 512], strides = [1, 1]} : vector<512x512xf32> to vector<32x512xf32>
    %slice3A_505 = vector.extract_strided_slice %max3A_91 {offsets = [53, 0], sizes = [1, 512], strides = [1, 1]} : vector<256x512xf32> to vector<1x512xf32>
    %mul3A_506 = vector.broadcast %slice3A_505 : vector<1x512xf32> to vector<32x512xf32>
    %mul3A_507 = arith.mulf %slice3A_504, %mul3A_506 : vector<32x512xf32>
    %add3A_508 = arith.addf %add3A_503, %mul3A_507 : vector<32x512xf32>
    %slice3A_509 = vector.extract_strided_slice %get3A_96 {offsets = [128, 0], sizes = [32, 512], strides = [1, 1]} : vector<512x512xf32> to vector<32x512xf32>
    %slice3A_510 = vector.extract_strided_slice %max3A_91 {offsets = [69, 0], sizes = [1, 512], strides = [1, 1]} : vector<256x512xf32> to vector<1x512xf32>
    %mul3A_511 = vector.broadcast %slice3A_510 : vector<1x512xf32> to vector<32x512xf32>
    %mul3A_512 = arith.mulf %slice3A_509, %mul3A_511 : vector<32x512xf32>
    %add3A_513 = arith.addf %add3A_508, %mul3A_512 : vector<32x512xf32>
    %slice3A_514 = vector.extract_strided_slice %get3A_96 {offsets = [160, 0], sizes = [32, 512], strides = [1, 1]} : vector<512x512xf32> to vector<32x512xf32>
    %slice3A_515 = vector.extract_strided_slice %max3A_91 {offsets = [85, 0], sizes = [1, 512], strides = [1, 1]} : vector<256x512xf32> to vector<1x512xf32>
    %mul3A_516 = vector.broadcast %slice3A_515 : vector<1x512xf32> to vector<32x512xf32>
    %mul3A_517 = arith.mulf %slice3A_514, %mul3A_516 : vector<32x512xf32>
    %add3A_518 = arith.addf %add3A_513, %mul3A_517 : vector<32x512xf32>
    %slice3A_519 = vector.extract_strided_slice %get3A_96 {offsets = [192, 0], sizes = [32, 512], strides = [1, 1]} : vector<512x512xf32> to vector<32x512xf32>
    %slice3A_520 = vector.extract_strided_slice %max3A_91 {offsets = [101, 0], sizes = [1, 512], strides = [1, 1]} : vector<256x512xf32> to vector<1x512xf32>
    %mul3A_521 = vector.broadcast %slice3A_520 : vector<1x512xf32> to vector<32x512xf32>
    %mul3A_522 = arith.mulf %slice3A_519, %mul3A_521 : vector<32x512xf32>
    %add3A_523 = arith.addf %add3A_518, %mul3A_522 : vector<32x512xf32>
    %slice3A_524 = vector.extract_strided_slice %get3A_96 {offsets = [224, 0], sizes = [32, 512], strides = [1, 1]} : vector<512x512xf32> to vector<32x512xf32>
    %slice3A_525 = vector.extract_strided_slice %max3A_91 {offsets = [117, 0], sizes = [1, 512], strides = [1, 1]} : vector<256x512xf32> to vector<1x512xf32>
    %mul3A_526 = vector.broadcast %slice3A_525 : vector<1x512xf32> to vector<32x512xf32>
    %mul3A_527 = arith.mulf %slice3A_524, %mul3A_526 : vector<32x512xf32>
    %add3A_528 = arith.addf %add3A_523, %mul3A_527 : vector<32x512xf32>
    %slice3A_529 = vector.extract_strided_slice %get3A_96 {offsets = [256, 0], sizes = [32, 512], strides = [1, 1]} : vector<512x512xf32> to vector<32x512xf32>
    %slice3A_530 = vector.extract_strided_slice %max3A_91 {offsets = [133, 0], sizes = [1, 512], strides = [1, 1]} : vector<256x512xf32> to vector<1x512xf32>
    %mul3A_531 = vector.broadcast %slice3A_530 : vector<1x512xf32> to vector<32x512xf32>
    %mul3A_532 = arith.mulf %slice3A_529, %mul3A_531 : vector<32x512xf32>
    %add3A_533 = arith.addf %add3A_528, %mul3A_532 : vector<32x512xf32>
    %slice3A_534 = vector.extract_strided_slice %get3A_96 {offsets = [288, 0], sizes = [32, 512], strides = [1, 1]} : vector<512x512xf32> to vector<32x512xf32>
    %slice3A_535 = vector.extract_strided_slice %max3A_91 {offsets = [149, 0], sizes = [1, 512], strides = [1, 1]} : vector<256x512xf32> to vector<1x512xf32>
    %mul3A_536 = vector.broadcast %slice3A_535 : vector<1x512xf32> to vector<32x512xf32>
    %mul3A_537 = arith.mulf %slice3A_534, %mul3A_536 : vector<32x512xf32>
    %add3A_538 = arith.addf %add3A_533, %mul3A_537 : vector<32x512xf32>
    %slice3A_539 = vector.extract_strided_slice %get3A_96 {offsets = [320, 0], sizes = [32, 512], strides = [1, 1]} : vector<512x512xf32> to vector<32x512xf32>
    %slice3A_540 = vector.extract_strided_slice %max3A_91 {offsets = [165, 0], sizes = [1, 512], strides = [1, 1]} : vector<256x512xf32> to vector<1x512xf32>
    %mul3A_541 = vector.broadcast %slice3A_540 : vector<1x512xf32> to vector<32x512xf32>
    %mul3A_542 = arith.mulf %slice3A_539, %mul3A_541 : vector<32x512xf32>
    %add3A_543 = arith.addf %add3A_538, %mul3A_542 : vector<32x512xf32>
    %slice3A_544 = vector.extract_strided_slice %get3A_96 {offsets = [352, 0], sizes = [32, 512], strides = [1, 1]} : vector<512x512xf32> to vector<32x512xf32>
    %slice3A_545 = vector.extract_strided_slice %max3A_91 {offsets = [181, 0], sizes = [1, 512], strides = [1, 1]} : vector<256x512xf32> to vector<1x512xf32>
    %mul3A_546 = vector.broadcast %slice3A_545 : vector<1x512xf32> to vector<32x512xf32>
    %mul3A_547 = arith.mulf %slice3A_544, %mul3A_546 : vector<32x512xf32>
    %add3A_548 = arith.addf %add3A_543, %mul3A_547 : vector<32x512xf32>
    %slice3A_549 = vector.extract_strided_slice %get3A_96 {offsets = [384, 0], sizes = [32, 512], strides = [1, 1]} : vector<512x512xf32> to vector<32x512xf32>
    %slice3A_550 = vector.extract_strided_slice %max3A_91 {offsets = [197, 0], sizes = [1, 512], strides = [1, 1]} : vector<256x512xf32> to vector<1x512xf32>
    %mul3A_551 = vector.broadcast %slice3A_550 : vector<1x512xf32> to vector<32x512xf32>
    %mul3A_552 = arith.mulf %slice3A_549, %mul3A_551 : vector<32x512xf32>
    %add3A_553 = arith.addf %add3A_548, %mul3A_552 : vector<32x512xf32>
    %slice3A_554 = vector.extract_strided_slice %get3A_96 {offsets = [416, 0], sizes = [32, 512], strides = [1, 1]} : vector<512x512xf32> to vector<32x512xf32>
    %slice3A_555 = vector.extract_strided_slice %max3A_91 {offsets = [213, 0], sizes = [1, 512], strides = [1, 1]} : vector<256x512xf32> to vector<1x512xf32>
    %mul3A_556 = vector.broadcast %slice3A_555 : vector<1x512xf32> to vector<32x512xf32>
    %mul3A_557 = arith.mulf %slice3A_554, %mul3A_556 : vector<32x512xf32>
    %add3A_558 = arith.addf %add3A_553, %mul3A_557 : vector<32x512xf32>
    %slice3A_559 = vector.extract_strided_slice %get3A_96 {offsets = [448, 0], sizes = [32, 512], strides = [1, 1]} : vector<512x512xf32> to vector<32x512xf32>
    %slice3A_560 = vector.extract_strided_slice %max3A_91 {offsets = [229, 0], sizes = [1, 512], strides = [1, 1]} : vector<256x512xf32> to vector<1x512xf32>
    %mul3A_561 = vector.broadcast %slice3A_560 : vector<1x512xf32> to vector<32x512xf32>
    %mul3A_562 = arith.mulf %slice3A_559, %mul3A_561 : vector<32x512xf32>
    %add3A_563 = arith.addf %add3A_558, %mul3A_562 : vector<32x512xf32>
    %slice3A_564 = vector.extract_strided_slice %get3A_96 {offsets = [480, 0], sizes = [32, 512], strides = [1, 1]} : vector<512x512xf32> to vector<32x512xf32>
    %slice3A_565 = vector.extract_strided_slice %max3A_91 {offsets = [245, 0], sizes = [1, 512], strides = [1, 1]} : vector<256x512xf32> to vector<1x512xf32>
    %mul3A_566 = vector.broadcast %slice3A_565 : vector<1x512xf32> to vector<32x512xf32>
    %mul3A_567 = arith.mulf %slice3A_564, %mul3A_566 : vector<32x512xf32>
    %add3A_568 = arith.addf %add3A_563, %mul3A_567 : vector<32x512xf32>
    %slice3A_569 = vector.extract_strided_slice %get3A_96 {offsets = [0, 0], sizes = [32, 512], strides = [1, 1]} : vector<512x512xf32> to vector<32x512xf32>
    %slice3A_570 = vector.extract_strided_slice %max3A_91 {offsets = [6, 0], sizes = [1, 512], strides = [1, 1]} : vector<256x512xf32> to vector<1x512xf32>
    %mul3A_571 = vector.broadcast %slice3A_570 : vector<1x512xf32> to vector<32x512xf32>
    %mul3A_572 = arith.mulf %slice3A_569, %mul3A_571 : vector<32x512xf32>
    %slice3A_573 = vector.extract_strided_slice %get3A_96 {offsets = [32, 0], sizes = [32, 512], strides = [1, 1]} : vector<512x512xf32> to vector<32x512xf32>
    %slice3A_574 = vector.extract_strided_slice %max3A_91 {offsets = [22, 0], sizes = [1, 512], strides = [1, 1]} : vector<256x512xf32> to vector<1x512xf32>
    %mul3A_575 = vector.broadcast %slice3A_574 : vector<1x512xf32> to vector<32x512xf32>
    %mul3A_576 = arith.mulf %slice3A_573, %mul3A_575 : vector<32x512xf32>
    %add3A_577 = arith.addf %mul3A_572, %mul3A_576 : vector<32x512xf32>
    %slice3A_578 = vector.extract_strided_slice %get3A_96 {offsets = [64, 0], sizes = [32, 512], strides = [1, 1]} : vector<512x512xf32> to vector<32x512xf32>
    %slice3A_579 = vector.extract_strided_slice %max3A_91 {offsets = [38, 0], sizes = [1, 512], strides = [1, 1]} : vector<256x512xf32> to vector<1x512xf32>
    %mul3A_580 = vector.broadcast %slice3A_579 : vector<1x512xf32> to vector<32x512xf32>
    %mul3A_581 = arith.mulf %slice3A_578, %mul3A_580 : vector<32x512xf32>
    %add3A_582 = arith.addf %add3A_577, %mul3A_581 : vector<32x512xf32>
    %slice3A_583 = vector.extract_strided_slice %get3A_96 {offsets = [96, 0], sizes = [32, 512], strides = [1, 1]} : vector<512x512xf32> to vector<32x512xf32>
    %slice3A_584 = vector.extract_strided_slice %max3A_91 {offsets = [54, 0], sizes = [1, 512], strides = [1, 1]} : vector<256x512xf32> to vector<1x512xf32>
    %mul3A_585 = vector.broadcast %slice3A_584 : vector<1x512xf32> to vector<32x512xf32>
    %mul3A_586 = arith.mulf %slice3A_583, %mul3A_585 : vector<32x512xf32>
    %add3A_587 = arith.addf %add3A_582, %mul3A_586 : vector<32x512xf32>
    %slice3A_588 = vector.extract_strided_slice %get3A_96 {offsets = [128, 0], sizes = [32, 512], strides = [1, 1]} : vector<512x512xf32> to vector<32x512xf32>
    %slice3A_589 = vector.extract_strided_slice %max3A_91 {offsets = [70, 0], sizes = [1, 512], strides = [1, 1]} : vector<256x512xf32> to vector<1x512xf32>
    %mul3A_590 = vector.broadcast %slice3A_589 : vector<1x512xf32> to vector<32x512xf32>
    %mul3A_591 = arith.mulf %slice3A_588, %mul3A_590 : vector<32x512xf32>
    %add3A_592 = arith.addf %add3A_587, %mul3A_591 : vector<32x512xf32>
    %slice3A_593 = vector.extract_strided_slice %get3A_96 {offsets = [160, 0], sizes = [32, 512], strides = [1, 1]} : vector<512x512xf32> to vector<32x512xf32>
    %slice3A_594 = vector.extract_strided_slice %max3A_91 {offsets = [86, 0], sizes = [1, 512], strides = [1, 1]} : vector<256x512xf32> to vector<1x512xf32>
    %mul3A_595 = vector.broadcast %slice3A_594 : vector<1x512xf32> to vector<32x512xf32>
    %mul3A_596 = arith.mulf %slice3A_593, %mul3A_595 : vector<32x512xf32>
    %add3A_597 = arith.addf %add3A_592, %mul3A_596 : vector<32x512xf32>
    %slice3A_598 = vector.extract_strided_slice %get3A_96 {offsets = [192, 0], sizes = [32, 512], strides = [1, 1]} : vector<512x512xf32> to vector<32x512xf32>
    %slice3A_599 = vector.extract_strided_slice %max3A_91 {offsets = [102, 0], sizes = [1, 512], strides = [1, 1]} : vector<256x512xf32> to vector<1x512xf32>
    %mul3A_600 = vector.broadcast %slice3A_599 : vector<1x512xf32> to vector<32x512xf32>
    %mul3A_601 = arith.mulf %slice3A_598, %mul3A_600 : vector<32x512xf32>
    %add3A_602 = arith.addf %add3A_597, %mul3A_601 : vector<32x512xf32>
    %slice3A_603 = vector.extract_strided_slice %get3A_96 {offsets = [224, 0], sizes = [32, 512], strides = [1, 1]} : vector<512x512xf32> to vector<32x512xf32>
    %slice3A_604 = vector.extract_strided_slice %max3A_91 {offsets = [118, 0], sizes = [1, 512], strides = [1, 1]} : vector<256x512xf32> to vector<1x512xf32>
    %mul3A_605 = vector.broadcast %slice3A_604 : vector<1x512xf32> to vector<32x512xf32>
    %mul3A_606 = arith.mulf %slice3A_603, %mul3A_605 : vector<32x512xf32>
    %add3A_607 = arith.addf %add3A_602, %mul3A_606 : vector<32x512xf32>
    %slice3A_608 = vector.extract_strided_slice %get3A_96 {offsets = [256, 0], sizes = [32, 512], strides = [1, 1]} : vector<512x512xf32> to vector<32x512xf32>
    %slice3A_609 = vector.extract_strided_slice %max3A_91 {offsets = [134, 0], sizes = [1, 512], strides = [1, 1]} : vector<256x512xf32> to vector<1x512xf32>
    %mul3A_610 = vector.broadcast %slice3A_609 : vector<1x512xf32> to vector<32x512xf32>
    %mul3A_611 = arith.mulf %slice3A_608, %mul3A_610 : vector<32x512xf32>
    %add3A_612 = arith.addf %add3A_607, %mul3A_611 : vector<32x512xf32>
    %slice3A_613 = vector.extract_strided_slice %get3A_96 {offsets = [288, 0], sizes = [32, 512], strides = [1, 1]} : vector<512x512xf32> to vector<32x512xf32>
    %slice3A_614 = vector.extract_strided_slice %max3A_91 {offsets = [150, 0], sizes = [1, 512], strides = [1, 1]} : vector<256x512xf32> to vector<1x512xf32>
    %mul3A_615 = vector.broadcast %slice3A_614 : vector<1x512xf32> to vector<32x512xf32>
    %mul3A_616 = arith.mulf %slice3A_613, %mul3A_615 : vector<32x512xf32>
    %add3A_617 = arith.addf %add3A_612, %mul3A_616 : vector<32x512xf32>
    %slice3A_618 = vector.extract_strided_slice %get3A_96 {offsets = [320, 0], sizes = [32, 512], strides = [1, 1]} : vector<512x512xf32> to vector<32x512xf32>
    %slice3A_619 = vector.extract_strided_slice %max3A_91 {offsets = [166, 0], sizes = [1, 512], strides = [1, 1]} : vector<256x512xf32> to vector<1x512xf32>
    %mul3A_620 = vector.broadcast %slice3A_619 : vector<1x512xf32> to vector<32x512xf32>
    %mul3A_621 = arith.mulf %slice3A_618, %mul3A_620 : vector<32x512xf32>
    %add3A_622 = arith.addf %add3A_617, %mul3A_621 : vector<32x512xf32>
    %slice3A_623 = vector.extract_strided_slice %get3A_96 {offsets = [352, 0], sizes = [32, 512], strides = [1, 1]} : vector<512x512xf32> to vector<32x512xf32>
    %slice3A_624 = vector.extract_strided_slice %max3A_91 {offsets = [182, 0], sizes = [1, 512], strides = [1, 1]} : vector<256x512xf32> to vector<1x512xf32>
    %mul3A_625 = vector.broadcast %slice3A_624 : vector<1x512xf32> to vector<32x512xf32>
    %mul3A_626 = arith.mulf %slice3A_623, %mul3A_625 : vector<32x512xf32>
    %add3A_627 = arith.addf %add3A_622, %mul3A_626 : vector<32x512xf32>
    %slice3A_628 = vector.extract_strided_slice %get3A_96 {offsets = [384, 0], sizes = [32, 512], strides = [1, 1]} : vector<512x512xf32> to vector<32x512xf32>
    %slice3A_629 = vector.extract_strided_slice %max3A_91 {offsets = [198, 0], sizes = [1, 512], strides = [1, 1]} : vector<256x512xf32> to vector<1x512xf32>
    %mul3A_630 = vector.broadcast %slice3A_629 : vector<1x512xf32> to vector<32x512xf32>
    %mul3A_631 = arith.mulf %slice3A_628, %mul3A_630 : vector<32x512xf32>
    %add3A_632 = arith.addf %add3A_627, %mul3A_631 : vector<32x512xf32>
    %slice3A_633 = vector.extract_strided_slice %get3A_96 {offsets = [416, 0], sizes = [32, 512], strides = [1, 1]} : vector<512x512xf32> to vector<32x512xf32>
    %slice3A_634 = vector.extract_strided_slice %max3A_91 {offsets = [214, 0], sizes = [1, 512], strides = [1, 1]} : vector<256x512xf32> to vector<1x512xf32>
    %mul3A_635 = vector.broadcast %slice3A_634 : vector<1x512xf32> to vector<32x512xf32>
    %mul3A_636 = arith.mulf %slice3A_633, %mul3A_635 : vector<32x512xf32>
    %add3A_637 = arith.addf %add3A_632, %mul3A_636 : vector<32x512xf32>
    %slice3A_638 = vector.extract_strided_slice %get3A_96 {offsets = [448, 0], sizes = [32, 512], strides = [1, 1]} : vector<512x512xf32> to vector<32x512xf32>
    %slice3A_639 = vector.extract_strided_slice %max3A_91 {offsets = [230, 0], sizes = [1, 512], strides = [1, 1]} : vector<256x512xf32> to vector<1x512xf32>
    %mul3A_640 = vector.broadcast %slice3A_639 : vector<1x512xf32> to vector<32x512xf32>
    %mul3A_641 = arith.mulf %slice3A_638, %mul3A_640 : vector<32x512xf32>
    %add3A_642 = arith.addf %add3A_637, %mul3A_641 : vector<32x512xf32>
    %slice3A_643 = vector.extract_strided_slice %get3A_96 {offsets = [480, 0], sizes = [32, 512], strides = [1, 1]} : vector<512x512xf32> to vector<32x512xf32>
    %slice3A_644 = vector.extract_strided_slice %max3A_91 {offsets = [246, 0], sizes = [1, 512], strides = [1, 1]} : vector<256x512xf32> to vector<1x512xf32>
    %mul3A_645 = vector.broadcast %slice3A_644 : vector<1x512xf32> to vector<32x512xf32>
    %mul3A_646 = arith.mulf %slice3A_643, %mul3A_645 : vector<32x512xf32>
    %add3A_647 = arith.addf %add3A_642, %mul3A_646 : vector<32x512xf32>
    %slice3A_648 = vector.extract_strided_slice %get3A_96 {offsets = [0, 0], sizes = [32, 512], strides = [1, 1]} : vector<512x512xf32> to vector<32x512xf32>
    %slice3A_649 = vector.extract_strided_slice %max3A_91 {offsets = [7, 0], sizes = [1, 512], strides = [1, 1]} : vector<256x512xf32> to vector<1x512xf32>
    %mul3A_650 = vector.broadcast %slice3A_649 : vector<1x512xf32> to vector<32x512xf32>
    %mul3A_651 = arith.mulf %slice3A_648, %mul3A_650 : vector<32x512xf32>
    %slice3A_652 = vector.extract_strided_slice %get3A_96 {offsets = [32, 0], sizes = [32, 512], strides = [1, 1]} : vector<512x512xf32> to vector<32x512xf32>
    %slice3A_653 = vector.extract_strided_slice %max3A_91 {offsets = [23, 0], sizes = [1, 512], strides = [1, 1]} : vector<256x512xf32> to vector<1x512xf32>
    %mul3A_654 = vector.broadcast %slice3A_653 : vector<1x512xf32> to vector<32x512xf32>
    %mul3A_655 = arith.mulf %slice3A_652, %mul3A_654 : vector<32x512xf32>
    %add3A_656 = arith.addf %mul3A_651, %mul3A_655 : vector<32x512xf32>
    %slice3A_657 = vector.extract_strided_slice %get3A_96 {offsets = [64, 0], sizes = [32, 512], strides = [1, 1]} : vector<512x512xf32> to vector<32x512xf32>
    %slice3A_658 = vector.extract_strided_slice %max3A_91 {offsets = [39, 0], sizes = [1, 512], strides = [1, 1]} : vector<256x512xf32> to vector<1x512xf32>
    %mul3A_659 = vector.broadcast %slice3A_658 : vector<1x512xf32> to vector<32x512xf32>
    %mul3A_660 = arith.mulf %slice3A_657, %mul3A_659 : vector<32x512xf32>
    %add3A_661 = arith.addf %add3A_656, %mul3A_660 : vector<32x512xf32>
    %slice3A_662 = vector.extract_strided_slice %get3A_96 {offsets = [96, 0], sizes = [32, 512], strides = [1, 1]} : vector<512x512xf32> to vector<32x512xf32>
    %slice3A_663 = vector.extract_strided_slice %max3A_91 {offsets = [55, 0], sizes = [1, 512], strides = [1, 1]} : vector<256x512xf32> to vector<1x512xf32>
    %mul3A_664 = vector.broadcast %slice3A_663 : vector<1x512xf32> to vector<32x512xf32>
    %mul3A_665 = arith.mulf %slice3A_662, %mul3A_664 : vector<32x512xf32>
    %add3A_666 = arith.addf %add3A_661, %mul3A_665 : vector<32x512xf32>
    %slice3A_667 = vector.extract_strided_slice %get3A_96 {offsets = [128, 0], sizes = [32, 512], strides = [1, 1]} : vector<512x512xf32> to vector<32x512xf32>
    %slice3A_668 = vector.extract_strided_slice %max3A_91 {offsets = [71, 0], sizes = [1, 512], strides = [1, 1]} : vector<256x512xf32> to vector<1x512xf32>
    %mul3A_669 = vector.broadcast %slice3A_668 : vector<1x512xf32> to vector<32x512xf32>
    %mul3A_670 = arith.mulf %slice3A_667, %mul3A_669 : vector<32x512xf32>
    %add3A_671 = arith.addf %add3A_666, %mul3A_670 : vector<32x512xf32>
    %slice3A_672 = vector.extract_strided_slice %get3A_96 {offsets = [160, 0], sizes = [32, 512], strides = [1, 1]} : vector<512x512xf32> to vector<32x512xf32>
    %slice3A_673 = vector.extract_strided_slice %max3A_91 {offsets = [87, 0], sizes = [1, 512], strides = [1, 1]} : vector<256x512xf32> to vector<1x512xf32>
    %mul3A_674 = vector.broadcast %slice3A_673 : vector<1x512xf32> to vector<32x512xf32>
    %mul3A_675 = arith.mulf %slice3A_672, %mul3A_674 : vector<32x512xf32>
    %add3A_676 = arith.addf %add3A_671, %mul3A_675 : vector<32x512xf32>
    %slice3A_677 = vector.extract_strided_slice %get3A_96 {offsets = [192, 0], sizes = [32, 512], strides = [1, 1]} : vector<512x512xf32> to vector<32x512xf32>
    %slice3A_678 = vector.extract_strided_slice %max3A_91 {offsets = [103, 0], sizes = [1, 512], strides = [1, 1]} : vector<256x512xf32> to vector<1x512xf32>
    %mul3A_679 = vector.broadcast %slice3A_678 : vector<1x512xf32> to vector<32x512xf32>
    %mul3A_680 = arith.mulf %slice3A_677, %mul3A_679 : vector<32x512xf32>
    %add3A_681 = arith.addf %add3A_676, %mul3A_680 : vector<32x512xf32>
    %slice3A_682 = vector.extract_strided_slice %get3A_96 {offsets = [224, 0], sizes = [32, 512], strides = [1, 1]} : vector<512x512xf32> to vector<32x512xf32>
    %slice3A_683 = vector.extract_strided_slice %max3A_91 {offsets = [119, 0], sizes = [1, 512], strides = [1, 1]} : vector<256x512xf32> to vector<1x512xf32>
    %mul3A_684 = vector.broadcast %slice3A_683 : vector<1x512xf32> to vector<32x512xf32>
    %mul3A_685 = arith.mulf %slice3A_682, %mul3A_684 : vector<32x512xf32>
    %add3A_686 = arith.addf %add3A_681, %mul3A_685 : vector<32x512xf32>
    %slice3A_687 = vector.extract_strided_slice %get3A_96 {offsets = [256, 0], sizes = [32, 512], strides = [1, 1]} : vector<512x512xf32> to vector<32x512xf32>
    %slice3A_688 = vector.extract_strided_slice %max3A_91 {offsets = [135, 0], sizes = [1, 512], strides = [1, 1]} : vector<256x512xf32> to vector<1x512xf32>
    %mul3A_689 = vector.broadcast %slice3A_688 : vector<1x512xf32> to vector<32x512xf32>
    %mul3A_690 = arith.mulf %slice3A_687, %mul3A_689 : vector<32x512xf32>
    %add3A_691 = arith.addf %add3A_686, %mul3A_690 : vector<32x512xf32>
    %slice3A_692 = vector.extract_strided_slice %get3A_96 {offsets = [288, 0], sizes = [32, 512], strides = [1, 1]} : vector<512x512xf32> to vector<32x512xf32>
    %slice3A_693 = vector.extract_strided_slice %max3A_91 {offsets = [151, 0], sizes = [1, 512], strides = [1, 1]} : vector<256x512xf32> to vector<1x512xf32>
    %mul3A_694 = vector.broadcast %slice3A_693 : vector<1x512xf32> to vector<32x512xf32>
    %mul3A_695 = arith.mulf %slice3A_692, %mul3A_694 : vector<32x512xf32>
    %add3A_696 = arith.addf %add3A_691, %mul3A_695 : vector<32x512xf32>
    %slice3A_697 = vector.extract_strided_slice %get3A_96 {offsets = [320, 0], sizes = [32, 512], strides = [1, 1]} : vector<512x512xf32> to vector<32x512xf32>
    %slice3A_698 = vector.extract_strided_slice %max3A_91 {offsets = [167, 0], sizes = [1, 512], strides = [1, 1]} : vector<256x512xf32> to vector<1x512xf32>
    %mul3A_699 = vector.broadcast %slice3A_698 : vector<1x512xf32> to vector<32x512xf32>
    %mul3A_700 = arith.mulf %slice3A_697, %mul3A_699 : vector<32x512xf32>
    %add3A_701 = arith.addf %add3A_696, %mul3A_700 : vector<32x512xf32>
    %slice3A_702 = vector.extract_strided_slice %get3A_96 {offsets = [352, 0], sizes = [32, 512], strides = [1, 1]} : vector<512x512xf32> to vector<32x512xf32>
    %slice3A_703 = vector.extract_strided_slice %max3A_91 {offsets = [183, 0], sizes = [1, 512], strides = [1, 1]} : vector<256x512xf32> to vector<1x512xf32>
    %mul3A_704 = vector.broadcast %slice3A_703 : vector<1x512xf32> to vector<32x512xf32>
    %mul3A_705 = arith.mulf %slice3A_702, %mul3A_704 : vector<32x512xf32>
    %add3A_706 = arith.addf %add3A_701, %mul3A_705 : vector<32x512xf32>
    %slice3A_707 = vector.extract_strided_slice %get3A_96 {offsets = [384, 0], sizes = [32, 512], strides = [1, 1]} : vector<512x512xf32> to vector<32x512xf32>
    %slice3A_708 = vector.extract_strided_slice %max3A_91 {offsets = [199, 0], sizes = [1, 512], strides = [1, 1]} : vector<256x512xf32> to vector<1x512xf32>
    %mul3A_709 = vector.broadcast %slice3A_708 : vector<1x512xf32> to vector<32x512xf32>
    %mul3A_710 = arith.mulf %slice3A_707, %mul3A_709 : vector<32x512xf32>
    %add3A_711 = arith.addf %add3A_706, %mul3A_710 : vector<32x512xf32>
    %slice3A_712 = vector.extract_strided_slice %get3A_96 {offsets = [416, 0], sizes = [32, 512], strides = [1, 1]} : vector<512x512xf32> to vector<32x512xf32>
    %slice3A_713 = vector.extract_strided_slice %max3A_91 {offsets = [215, 0], sizes = [1, 512], strides = [1, 1]} : vector<256x512xf32> to vector<1x512xf32>
    %mul3A_714 = vector.broadcast %slice3A_713 : vector<1x512xf32> to vector<32x512xf32>
    %mul3A_715 = arith.mulf %slice3A_712, %mul3A_714 : vector<32x512xf32>
    %add3A_716 = arith.addf %add3A_711, %mul3A_715 : vector<32x512xf32>
    %slice3A_717 = vector.extract_strided_slice %get3A_96 {offsets = [448, 0], sizes = [32, 512], strides = [1, 1]} : vector<512x512xf32> to vector<32x512xf32>
    %slice3A_718 = vector.extract_strided_slice %max3A_91 {offsets = [231, 0], sizes = [1, 512], strides = [1, 1]} : vector<256x512xf32> to vector<1x512xf32>
    %mul3A_719 = vector.broadcast %slice3A_718 : vector<1x512xf32> to vector<32x512xf32>
    %mul3A_720 = arith.mulf %slice3A_717, %mul3A_719 : vector<32x512xf32>
    %add3A_721 = arith.addf %add3A_716, %mul3A_720 : vector<32x512xf32>
    %slice3A_722 = vector.extract_strided_slice %get3A_96 {offsets = [480, 0], sizes = [32, 512], strides = [1, 1]} : vector<512x512xf32> to vector<32x512xf32>
    %slice3A_723 = vector.extract_strided_slice %max3A_91 {offsets = [247, 0], sizes = [1, 512], strides = [1, 1]} : vector<256x512xf32> to vector<1x512xf32>
    %mul3A_724 = vector.broadcast %slice3A_723 : vector<1x512xf32> to vector<32x512xf32>
    %mul3A_725 = arith.mulf %slice3A_722, %mul3A_724 : vector<32x512xf32>
    %add3A_726 = arith.addf %add3A_721, %mul3A_725 : vector<32x512xf32>
    %slice3A_727 = vector.extract_strided_slice %get3A_96 {offsets = [0, 0], sizes = [32, 512], strides = [1, 1]} : vector<512x512xf32> to vector<32x512xf32>
    %slice3A_728 = vector.extract_strided_slice %max3A_91 {offsets = [8, 0], sizes = [1, 512], strides = [1, 1]} : vector<256x512xf32> to vector<1x512xf32>
    %mul3A_729 = vector.broadcast %slice3A_728 : vector<1x512xf32> to vector<32x512xf32>
    %mul3A_730 = arith.mulf %slice3A_727, %mul3A_729 : vector<32x512xf32>
    %slice3A_731 = vector.extract_strided_slice %get3A_96 {offsets = [32, 0], sizes = [32, 512], strides = [1, 1]} : vector<512x512xf32> to vector<32x512xf32>
    %slice3A_732 = vector.extract_strided_slice %max3A_91 {offsets = [24, 0], sizes = [1, 512], strides = [1, 1]} : vector<256x512xf32> to vector<1x512xf32>
    %mul3A_733 = vector.broadcast %slice3A_732 : vector<1x512xf32> to vector<32x512xf32>
    %mul3A_734 = arith.mulf %slice3A_731, %mul3A_733 : vector<32x512xf32>
    %add3A_735 = arith.addf %mul3A_730, %mul3A_734 : vector<32x512xf32>
    %slice3A_736 = vector.extract_strided_slice %get3A_96 {offsets = [64, 0], sizes = [32, 512], strides = [1, 1]} : vector<512x512xf32> to vector<32x512xf32>
    %slice3A_737 = vector.extract_strided_slice %max3A_91 {offsets = [40, 0], sizes = [1, 512], strides = [1, 1]} : vector<256x512xf32> to vector<1x512xf32>
    %mul3A_738 = vector.broadcast %slice3A_737 : vector<1x512xf32> to vector<32x512xf32>
    %mul3A_739 = arith.mulf %slice3A_736, %mul3A_738 : vector<32x512xf32>
    %add3A_740 = arith.addf %add3A_735, %mul3A_739 : vector<32x512xf32>
    %slice3A_741 = vector.extract_strided_slice %get3A_96 {offsets = [96, 0], sizes = [32, 512], strides = [1, 1]} : vector<512x512xf32> to vector<32x512xf32>
    %slice3A_742 = vector.extract_strided_slice %max3A_91 {offsets = [56, 0], sizes = [1, 512], strides = [1, 1]} : vector<256x512xf32> to vector<1x512xf32>
    %mul3A_743 = vector.broadcast %slice3A_742 : vector<1x512xf32> to vector<32x512xf32>
    %mul3A_744 = arith.mulf %slice3A_741, %mul3A_743 : vector<32x512xf32>
    %add3A_745 = arith.addf %add3A_740, %mul3A_744 : vector<32x512xf32>
    %slice3A_746 = vector.extract_strided_slice %get3A_96 {offsets = [128, 0], sizes = [32, 512], strides = [1, 1]} : vector<512x512xf32> to vector<32x512xf32>
    %slice3A_747 = vector.extract_strided_slice %max3A_91 {offsets = [72, 0], sizes = [1, 512], strides = [1, 1]} : vector<256x512xf32> to vector<1x512xf32>
    %mul3A_748 = vector.broadcast %slice3A_747 : vector<1x512xf32> to vector<32x512xf32>
    %mul3A_749 = arith.mulf %slice3A_746, %mul3A_748 : vector<32x512xf32>
    %add3A_750 = arith.addf %add3A_745, %mul3A_749 : vector<32x512xf32>
    %slice3A_751 = vector.extract_strided_slice %get3A_96 {offsets = [160, 0], sizes = [32, 512], strides = [1, 1]} : vector<512x512xf32> to vector<32x512xf32>
    %slice3A_752 = vector.extract_strided_slice %max3A_91 {offsets = [88, 0], sizes = [1, 512], strides = [1, 1]} : vector<256x512xf32> to vector<1x512xf32>
    %mul3A_753 = vector.broadcast %slice3A_752 : vector<1x512xf32> to vector<32x512xf32>
    %mul3A_754 = arith.mulf %slice3A_751, %mul3A_753 : vector<32x512xf32>
    %add3A_755 = arith.addf %add3A_750, %mul3A_754 : vector<32x512xf32>
    %slice3A_756 = vector.extract_strided_slice %get3A_96 {offsets = [192, 0], sizes = [32, 512], strides = [1, 1]} : vector<512x512xf32> to vector<32x512xf32>
    %slice3A_757 = vector.extract_strided_slice %max3A_91 {offsets = [104, 0], sizes = [1, 512], strides = [1, 1]} : vector<256x512xf32> to vector<1x512xf32>
    %mul3A_758 = vector.broadcast %slice3A_757 : vector<1x512xf32> to vector<32x512xf32>
    %mul3A_759 = arith.mulf %slice3A_756, %mul3A_758 : vector<32x512xf32>
    %add3A_760 = arith.addf %add3A_755, %mul3A_759 : vector<32x512xf32>
    %slice3A_761 = vector.extract_strided_slice %get3A_96 {offsets = [224, 0], sizes = [32, 512], strides = [1, 1]} : vector<512x512xf32> to vector<32x512xf32>
    %slice3A_762 = vector.extract_strided_slice %max3A_91 {offsets = [120, 0], sizes = [1, 512], strides = [1, 1]} : vector<256x512xf32> to vector<1x512xf32>
    %mul3A_763 = vector.broadcast %slice3A_762 : vector<1x512xf32> to vector<32x512xf32>
    %mul3A_764 = arith.mulf %slice3A_761, %mul3A_763 : vector<32x512xf32>
    %add3A_765 = arith.addf %add3A_760, %mul3A_764 : vector<32x512xf32>
    %slice3A_766 = vector.extract_strided_slice %get3A_96 {offsets = [256, 0], sizes = [32, 512], strides = [1, 1]} : vector<512x512xf32> to vector<32x512xf32>
    %slice3A_767 = vector.extract_strided_slice %max3A_91 {offsets = [136, 0], sizes = [1, 512], strides = [1, 1]} : vector<256x512xf32> to vector<1x512xf32>
    %mul3A_768 = vector.broadcast %slice3A_767 : vector<1x512xf32> to vector<32x512xf32>
    %mul3A_769 = arith.mulf %slice3A_766, %mul3A_768 : vector<32x512xf32>
    %add3A_770 = arith.addf %add3A_765, %mul3A_769 : vector<32x512xf32>
    %slice3A_771 = vector.extract_strided_slice %get3A_96 {offsets = [288, 0], sizes = [32, 512], strides = [1, 1]} : vector<512x512xf32> to vector<32x512xf32>
    %slice3A_772 = vector.extract_strided_slice %max3A_91 {offsets = [152, 0], sizes = [1, 512], strides = [1, 1]} : vector<256x512xf32> to vector<1x512xf32>
    %mul3A_773 = vector.broadcast %slice3A_772 : vector<1x512xf32> to vector<32x512xf32>
    %mul3A_774 = arith.mulf %slice3A_771, %mul3A_773 : vector<32x512xf32>
    %add3A_775 = arith.addf %add3A_770, %mul3A_774 : vector<32x512xf32>
    %slice3A_776 = vector.extract_strided_slice %get3A_96 {offsets = [320, 0], sizes = [32, 512], strides = [1, 1]} : vector<512x512xf32> to vector<32x512xf32>
    %slice3A_777 = vector.extract_strided_slice %max3A_91 {offsets = [168, 0], sizes = [1, 512], strides = [1, 1]} : vector<256x512xf32> to vector<1x512xf32>
    %mul3A_778 = vector.broadcast %slice3A_777 : vector<1x512xf32> to vector<32x512xf32>
    %mul3A_779 = arith.mulf %slice3A_776, %mul3A_778 : vector<32x512xf32>
    %add3A_780 = arith.addf %add3A_775, %mul3A_779 : vector<32x512xf32>
    %slice3A_781 = vector.extract_strided_slice %get3A_96 {offsets = [352, 0], sizes = [32, 512], strides = [1, 1]} : vector<512x512xf32> to vector<32x512xf32>
    %slice3A_782 = vector.extract_strided_slice %max3A_91 {offsets = [184, 0], sizes = [1, 512], strides = [1, 1]} : vector<256x512xf32> to vector<1x512xf32>
    %mul3A_783 = vector.broadcast %slice3A_782 : vector<1x512xf32> to vector<32x512xf32>
    %mul3A_784 = arith.mulf %slice3A_781, %mul3A_783 : vector<32x512xf32>
    %add3A_785 = arith.addf %add3A_780, %mul3A_784 : vector<32x512xf32>
    %slice3A_786 = vector.extract_strided_slice %get3A_96 {offsets = [384, 0], sizes = [32, 512], strides = [1, 1]} : vector<512x512xf32> to vector<32x512xf32>
    %slice3A_787 = vector.extract_strided_slice %max3A_91 {offsets = [200, 0], sizes = [1, 512], strides = [1, 1]} : vector<256x512xf32> to vector<1x512xf32>
    %mul3A_788 = vector.broadcast %slice3A_787 : vector<1x512xf32> to vector<32x512xf32>
    %mul3A_789 = arith.mulf %slice3A_786, %mul3A_788 : vector<32x512xf32>
    %add3A_790 = arith.addf %add3A_785, %mul3A_789 : vector<32x512xf32>
    %slice3A_791 = vector.extract_strided_slice %get3A_96 {offsets = [416, 0], sizes = [32, 512], strides = [1, 1]} : vector<512x512xf32> to vector<32x512xf32>
    %slice3A_792 = vector.extract_strided_slice %max3A_91 {offsets = [216, 0], sizes = [1, 512], strides = [1, 1]} : vector<256x512xf32> to vector<1x512xf32>
    %mul3A_793 = vector.broadcast %slice3A_792 : vector<1x512xf32> to vector<32x512xf32>
    %mul3A_794 = arith.mulf %slice3A_791, %mul3A_793 : vector<32x512xf32>
    %add3A_795 = arith.addf %add3A_790, %mul3A_794 : vector<32x512xf32>
    %slice3A_796 = vector.extract_strided_slice %get3A_96 {offsets = [448, 0], sizes = [32, 512], strides = [1, 1]} : vector<512x512xf32> to vector<32x512xf32>
    %slice3A_797 = vector.extract_strided_slice %max3A_91 {offsets = [232, 0], sizes = [1, 512], strides = [1, 1]} : vector<256x512xf32> to vector<1x512xf32>
    %mul3A_798 = vector.broadcast %slice3A_797 : vector<1x512xf32> to vector<32x512xf32>
    %mul3A_799 = arith.mulf %slice3A_796, %mul3A_798 : vector<32x512xf32>
    %add3A_800 = arith.addf %add3A_795, %mul3A_799 : vector<32x512xf32>
    %slice3A_801 = vector.extract_strided_slice %get3A_96 {offsets = [480, 0], sizes = [32, 512], strides = [1, 1]} : vector<512x512xf32> to vector<32x512xf32>
    %slice3A_802 = vector.extract_strided_slice %max3A_91 {offsets = [248, 0], sizes = [1, 512], strides = [1, 1]} : vector<256x512xf32> to vector<1x512xf32>
    %mul3A_803 = vector.broadcast %slice3A_802 : vector<1x512xf32> to vector<32x512xf32>
    %mul3A_804 = arith.mulf %slice3A_801, %mul3A_803 : vector<32x512xf32>
    %add3A_805 = arith.addf %add3A_800, %mul3A_804 : vector<32x512xf32>
    %slice3A_806 = vector.extract_strided_slice %get3A_96 {offsets = [0, 0], sizes = [32, 512], strides = [1, 1]} : vector<512x512xf32> to vector<32x512xf32>
    %slice3A_807 = vector.extract_strided_slice %max3A_91 {offsets = [9, 0], sizes = [1, 512], strides = [1, 1]} : vector<256x512xf32> to vector<1x512xf32>
    %mul3A_808 = vector.broadcast %slice3A_807 : vector<1x512xf32> to vector<32x512xf32>
    %mul3A_809 = arith.mulf %slice3A_806, %mul3A_808 : vector<32x512xf32>
    %slice3A_810 = vector.extract_strided_slice %get3A_96 {offsets = [32, 0], sizes = [32, 512], strides = [1, 1]} : vector<512x512xf32> to vector<32x512xf32>
    %slice3A_811 = vector.extract_strided_slice %max3A_91 {offsets = [25, 0], sizes = [1, 512], strides = [1, 1]} : vector<256x512xf32> to vector<1x512xf32>
    %mul3A_812 = vector.broadcast %slice3A_811 : vector<1x512xf32> to vector<32x512xf32>
    %mul3A_813 = arith.mulf %slice3A_810, %mul3A_812 : vector<32x512xf32>
    %add3A_814 = arith.addf %mul3A_809, %mul3A_813 : vector<32x512xf32>
    %slice3A_815 = vector.extract_strided_slice %get3A_96 {offsets = [64, 0], sizes = [32, 512], strides = [1, 1]} : vector<512x512xf32> to vector<32x512xf32>
    %slice3A_816 = vector.extract_strided_slice %max3A_91 {offsets = [41, 0], sizes = [1, 512], strides = [1, 1]} : vector<256x512xf32> to vector<1x512xf32>
    %mul3A_817 = vector.broadcast %slice3A_816 : vector<1x512xf32> to vector<32x512xf32>
    %mul3A_818 = arith.mulf %slice3A_815, %mul3A_817 : vector<32x512xf32>
    %add3A_819 = arith.addf %add3A_814, %mul3A_818 : vector<32x512xf32>
    %slice3A_820 = vector.extract_strided_slice %get3A_96 {offsets = [96, 0], sizes = [32, 512], strides = [1, 1]} : vector<512x512xf32> to vector<32x512xf32>
    %slice3A_821 = vector.extract_strided_slice %max3A_91 {offsets = [57, 0], sizes = [1, 512], strides = [1, 1]} : vector<256x512xf32> to vector<1x512xf32>
    %mul3A_822 = vector.broadcast %slice3A_821 : vector<1x512xf32> to vector<32x512xf32>
    %mul3A_823 = arith.mulf %slice3A_820, %mul3A_822 : vector<32x512xf32>
    %add3A_824 = arith.addf %add3A_819, %mul3A_823 : vector<32x512xf32>
    %slice3A_825 = vector.extract_strided_slice %get3A_96 {offsets = [128, 0], sizes = [32, 512], strides = [1, 1]} : vector<512x512xf32> to vector<32x512xf32>
    %slice3A_826 = vector.extract_strided_slice %max3A_91 {offsets = [73, 0], sizes = [1, 512], strides = [1, 1]} : vector<256x512xf32> to vector<1x512xf32>
    %mul3A_827 = vector.broadcast %slice3A_826 : vector<1x512xf32> to vector<32x512xf32>
    %mul3A_828 = arith.mulf %slice3A_825, %mul3A_827 : vector<32x512xf32>
    %add3A_829 = arith.addf %add3A_824, %mul3A_828 : vector<32x512xf32>
    %slice3A_830 = vector.extract_strided_slice %get3A_96 {offsets = [160, 0], sizes = [32, 512], strides = [1, 1]} : vector<512x512xf32> to vector<32x512xf32>
    %slice3A_831 = vector.extract_strided_slice %max3A_91 {offsets = [89, 0], sizes = [1, 512], strides = [1, 1]} : vector<256x512xf32> to vector<1x512xf32>
    %mul3A_832 = vector.broadcast %slice3A_831 : vector<1x512xf32> to vector<32x512xf32>
    %mul3A_833 = arith.mulf %slice3A_830, %mul3A_832 : vector<32x512xf32>
    %add3A_834 = arith.addf %add3A_829, %mul3A_833 : vector<32x512xf32>
    %slice3A_835 = vector.extract_strided_slice %get3A_96 {offsets = [192, 0], sizes = [32, 512], strides = [1, 1]} : vector<512x512xf32> to vector<32x512xf32>
    %slice3A_836 = vector.extract_strided_slice %max3A_91 {offsets = [105, 0], sizes = [1, 512], strides = [1, 1]} : vector<256x512xf32> to vector<1x512xf32>
    %mul3A_837 = vector.broadcast %slice3A_836 : vector<1x512xf32> to vector<32x512xf32>
    %mul3A_838 = arith.mulf %slice3A_835, %mul3A_837 : vector<32x512xf32>
    %add3A_839 = arith.addf %add3A_834, %mul3A_838 : vector<32x512xf32>
    %slice3A_840 = vector.extract_strided_slice %get3A_96 {offsets = [224, 0], sizes = [32, 512], strides = [1, 1]} : vector<512x512xf32> to vector<32x512xf32>
    %slice3A_841 = vector.extract_strided_slice %max3A_91 {offsets = [121, 0], sizes = [1, 512], strides = [1, 1]} : vector<256x512xf32> to vector<1x512xf32>
    %mul3A_842 = vector.broadcast %slice3A_841 : vector<1x512xf32> to vector<32x512xf32>
    %mul3A_843 = arith.mulf %slice3A_840, %mul3A_842 : vector<32x512xf32>
    %add3A_844 = arith.addf %add3A_839, %mul3A_843 : vector<32x512xf32>
    %slice3A_845 = vector.extract_strided_slice %get3A_96 {offsets = [256, 0], sizes = [32, 512], strides = [1, 1]} : vector<512x512xf32> to vector<32x512xf32>
    %slice3A_846 = vector.extract_strided_slice %max3A_91 {offsets = [137, 0], sizes = [1, 512], strides = [1, 1]} : vector<256x512xf32> to vector<1x512xf32>
    %mul3A_847 = vector.broadcast %slice3A_846 : vector<1x512xf32> to vector<32x512xf32>
    %mul3A_848 = arith.mulf %slice3A_845, %mul3A_847 : vector<32x512xf32>
    %add3A_849 = arith.addf %add3A_844, %mul3A_848 : vector<32x512xf32>
    %slice3A_850 = vector.extract_strided_slice %get3A_96 {offsets = [288, 0], sizes = [32, 512], strides = [1, 1]} : vector<512x512xf32> to vector<32x512xf32>
    %slice3A_851 = vector.extract_strided_slice %max3A_91 {offsets = [153, 0], sizes = [1, 512], strides = [1, 1]} : vector<256x512xf32> to vector<1x512xf32>
    %mul3A_852 = vector.broadcast %slice3A_851 : vector<1x512xf32> to vector<32x512xf32>
    %mul3A_853 = arith.mulf %slice3A_850, %mul3A_852 : vector<32x512xf32>
    %add3A_854 = arith.addf %add3A_849, %mul3A_853 : vector<32x512xf32>
    %slice3A_855 = vector.extract_strided_slice %get3A_96 {offsets = [320, 0], sizes = [32, 512], strides = [1, 1]} : vector<512x512xf32> to vector<32x512xf32>
    %slice3A_856 = vector.extract_strided_slice %max3A_91 {offsets = [169, 0], sizes = [1, 512], strides = [1, 1]} : vector<256x512xf32> to vector<1x512xf32>
    %mul3A_857 = vector.broadcast %slice3A_856 : vector<1x512xf32> to vector<32x512xf32>
    %mul3A_858 = arith.mulf %slice3A_855, %mul3A_857 : vector<32x512xf32>
    %add3A_859 = arith.addf %add3A_854, %mul3A_858 : vector<32x512xf32>
    %slice3A_860 = vector.extract_strided_slice %get3A_96 {offsets = [352, 0], sizes = [32, 512], strides = [1, 1]} : vector<512x512xf32> to vector<32x512xf32>
    %slice3A_861 = vector.extract_strided_slice %max3A_91 {offsets = [185, 0], sizes = [1, 512], strides = [1, 1]} : vector<256x512xf32> to vector<1x512xf32>
    %mul3A_862 = vector.broadcast %slice3A_861 : vector<1x512xf32> to vector<32x512xf32>
    %mul3A_863 = arith.mulf %slice3A_860, %mul3A_862 : vector<32x512xf32>
    %add3A_864 = arith.addf %add3A_859, %mul3A_863 : vector<32x512xf32>
    %slice3A_865 = vector.extract_strided_slice %get3A_96 {offsets = [384, 0], sizes = [32, 512], strides = [1, 1]} : vector<512x512xf32> to vector<32x512xf32>
    %slice3A_866 = vector.extract_strided_slice %max3A_91 {offsets = [201, 0], sizes = [1, 512], strides = [1, 1]} : vector<256x512xf32> to vector<1x512xf32>
    %mul3A_867 = vector.broadcast %slice3A_866 : vector<1x512xf32> to vector<32x512xf32>
    %mul3A_868 = arith.mulf %slice3A_865, %mul3A_867 : vector<32x512xf32>
    %add3A_869 = arith.addf %add3A_864, %mul3A_868 : vector<32x512xf32>
    %slice3A_870 = vector.extract_strided_slice %get3A_96 {offsets = [416, 0], sizes = [32, 512], strides = [1, 1]} : vector<512x512xf32> to vector<32x512xf32>
    %slice3A_871 = vector.extract_strided_slice %max3A_91 {offsets = [217, 0], sizes = [1, 512], strides = [1, 1]} : vector<256x512xf32> to vector<1x512xf32>
    %mul3A_872 = vector.broadcast %slice3A_871 : vector<1x512xf32> to vector<32x512xf32>
    %mul3A_873 = arith.mulf %slice3A_870, %mul3A_872 : vector<32x512xf32>
    %add3A_874 = arith.addf %add3A_869, %mul3A_873 : vector<32x512xf32>
    %slice3A_875 = vector.extract_strided_slice %get3A_96 {offsets = [448, 0], sizes = [32, 512], strides = [1, 1]} : vector<512x512xf32> to vector<32x512xf32>
    %slice3A_876 = vector.extract_strided_slice %max3A_91 {offsets = [233, 0], sizes = [1, 512], strides = [1, 1]} : vector<256x512xf32> to vector<1x512xf32>
    %mul3A_877 = vector.broadcast %slice3A_876 : vector<1x512xf32> to vector<32x512xf32>
    %mul3A_878 = arith.mulf %slice3A_875, %mul3A_877 : vector<32x512xf32>
    %add3A_879 = arith.addf %add3A_874, %mul3A_878 : vector<32x512xf32>
    %slice3A_880 = vector.extract_strided_slice %get3A_96 {offsets = [480, 0], sizes = [32, 512], strides = [1, 1]} : vector<512x512xf32> to vector<32x512xf32>
    %slice3A_881 = vector.extract_strided_slice %max3A_91 {offsets = [249, 0], sizes = [1, 512], strides = [1, 1]} : vector<256x512xf32> to vector<1x512xf32>
    %mul3A_882 = vector.broadcast %slice3A_881 : vector<1x512xf32> to vector<32x512xf32>
    %mul3A_883 = arith.mulf %slice3A_880, %mul3A_882 : vector<32x512xf32>
    %add3A_884 = arith.addf %add3A_879, %mul3A_883 : vector<32x512xf32>
    %slice3A_885 = vector.extract_strided_slice %get3A_96 {offsets = [0, 0], sizes = [32, 512], strides = [1, 1]} : vector<512x512xf32> to vector<32x512xf32>
    %slice3A_886 = vector.extract_strided_slice %max3A_91 {offsets = [10, 0], sizes = [1, 512], strides = [1, 1]} : vector<256x512xf32> to vector<1x512xf32>
    %mul3A_887 = vector.broadcast %slice3A_886 : vector<1x512xf32> to vector<32x512xf32>
    %mul3A_888 = arith.mulf %slice3A_885, %mul3A_887 : vector<32x512xf32>
    %slice3A_889 = vector.extract_strided_slice %get3A_96 {offsets = [32, 0], sizes = [32, 512], strides = [1, 1]} : vector<512x512xf32> to vector<32x512xf32>
    %slice3A_890 = vector.extract_strided_slice %max3A_91 {offsets = [26, 0], sizes = [1, 512], strides = [1, 1]} : vector<256x512xf32> to vector<1x512xf32>
    %mul3A_891 = vector.broadcast %slice3A_890 : vector<1x512xf32> to vector<32x512xf32>
    %mul3A_892 = arith.mulf %slice3A_889, %mul3A_891 : vector<32x512xf32>
    %add3A_893 = arith.addf %mul3A_888, %mul3A_892 : vector<32x512xf32>
    %slice3A_894 = vector.extract_strided_slice %get3A_96 {offsets = [64, 0], sizes = [32, 512], strides = [1, 1]} : vector<512x512xf32> to vector<32x512xf32>
    %slice3A_895 = vector.extract_strided_slice %max3A_91 {offsets = [42, 0], sizes = [1, 512], strides = [1, 1]} : vector<256x512xf32> to vector<1x512xf32>
    %mul3A_896 = vector.broadcast %slice3A_895 : vector<1x512xf32> to vector<32x512xf32>
    %mul3A_897 = arith.mulf %slice3A_894, %mul3A_896 : vector<32x512xf32>
    %add3A_898 = arith.addf %add3A_893, %mul3A_897 : vector<32x512xf32>
    %slice3A_899 = vector.extract_strided_slice %get3A_96 {offsets = [96, 0], sizes = [32, 512], strides = [1, 1]} : vector<512x512xf32> to vector<32x512xf32>
    %slice3A_900 = vector.extract_strided_slice %max3A_91 {offsets = [58, 0], sizes = [1, 512], strides = [1, 1]} : vector<256x512xf32> to vector<1x512xf32>
    %mul3A_901 = vector.broadcast %slice3A_900 : vector<1x512xf32> to vector<32x512xf32>
    %mul3A_902 = arith.mulf %slice3A_899, %mul3A_901 : vector<32x512xf32>
    %add3A_903 = arith.addf %add3A_898, %mul3A_902 : vector<32x512xf32>
    %slice3A_904 = vector.extract_strided_slice %get3A_96 {offsets = [128, 0], sizes = [32, 512], strides = [1, 1]} : vector<512x512xf32> to vector<32x512xf32>
    %slice3A_905 = vector.extract_strided_slice %max3A_91 {offsets = [74, 0], sizes = [1, 512], strides = [1, 1]} : vector<256x512xf32> to vector<1x512xf32>
    %mul3A_906 = vector.broadcast %slice3A_905 : vector<1x512xf32> to vector<32x512xf32>
    %mul3A_907 = arith.mulf %slice3A_904, %mul3A_906 : vector<32x512xf32>
    %add3A_908 = arith.addf %add3A_903, %mul3A_907 : vector<32x512xf32>
    %slice3A_909 = vector.extract_strided_slice %get3A_96 {offsets = [160, 0], sizes = [32, 512], strides = [1, 1]} : vector<512x512xf32> to vector<32x512xf32>
    %slice3A_910 = vector.extract_strided_slice %max3A_91 {offsets = [90, 0], sizes = [1, 512], strides = [1, 1]} : vector<256x512xf32> to vector<1x512xf32>
    %mul3A_911 = vector.broadcast %slice3A_910 : vector<1x512xf32> to vector<32x512xf32>
    %mul3A_912 = arith.mulf %slice3A_909, %mul3A_911 : vector<32x512xf32>
    %add3A_913 = arith.addf %add3A_908, %mul3A_912 : vector<32x512xf32>
    %slice3A_914 = vector.extract_strided_slice %get3A_96 {offsets = [192, 0], sizes = [32, 512], strides = [1, 1]} : vector<512x512xf32> to vector<32x512xf32>
    %slice3A_915 = vector.extract_strided_slice %max3A_91 {offsets = [106, 0], sizes = [1, 512], strides = [1, 1]} : vector<256x512xf32> to vector<1x512xf32>
    %mul3A_916 = vector.broadcast %slice3A_915 : vector<1x512xf32> to vector<32x512xf32>
    %mul3A_917 = arith.mulf %slice3A_914, %mul3A_916 : vector<32x512xf32>
    %add3A_918 = arith.addf %add3A_913, %mul3A_917 : vector<32x512xf32>
    %slice3A_919 = vector.extract_strided_slice %get3A_96 {offsets = [224, 0], sizes = [32, 512], strides = [1, 1]} : vector<512x512xf32> to vector<32x512xf32>
    %slice3A_920 = vector.extract_strided_slice %max3A_91 {offsets = [122, 0], sizes = [1, 512], strides = [1, 1]} : vector<256x512xf32> to vector<1x512xf32>
    %mul3A_921 = vector.broadcast %slice3A_920 : vector<1x512xf32> to vector<32x512xf32>
    %mul3A_922 = arith.mulf %slice3A_919, %mul3A_921 : vector<32x512xf32>
    %add3A_923 = arith.addf %add3A_918, %mul3A_922 : vector<32x512xf32>
    %slice3A_924 = vector.extract_strided_slice %get3A_96 {offsets = [256, 0], sizes = [32, 512], strides = [1, 1]} : vector<512x512xf32> to vector<32x512xf32>
    %slice3A_925 = vector.extract_strided_slice %max3A_91 {offsets = [138, 0], sizes = [1, 512], strides = [1, 1]} : vector<256x512xf32> to vector<1x512xf32>
    %mul3A_926 = vector.broadcast %slice3A_925 : vector<1x512xf32> to vector<32x512xf32>
    %mul3A_927 = arith.mulf %slice3A_924, %mul3A_926 : vector<32x512xf32>
    %add3A_928 = arith.addf %add3A_923, %mul3A_927 : vector<32x512xf32>
    %slice3A_929 = vector.extract_strided_slice %get3A_96 {offsets = [288, 0], sizes = [32, 512], strides = [1, 1]} : vector<512x512xf32> to vector<32x512xf32>
    %slice3A_930 = vector.extract_strided_slice %max3A_91 {offsets = [154, 0], sizes = [1, 512], strides = [1, 1]} : vector<256x512xf32> to vector<1x512xf32>
    %mul3A_931 = vector.broadcast %slice3A_930 : vector<1x512xf32> to vector<32x512xf32>
    %mul3A_932 = arith.mulf %slice3A_929, %mul3A_931 : vector<32x512xf32>
    %add3A_933 = arith.addf %add3A_928, %mul3A_932 : vector<32x512xf32>
    %slice3A_934 = vector.extract_strided_slice %get3A_96 {offsets = [320, 0], sizes = [32, 512], strides = [1, 1]} : vector<512x512xf32> to vector<32x512xf32>
    %slice3A_935 = vector.extract_strided_slice %max3A_91 {offsets = [170, 0], sizes = [1, 512], strides = [1, 1]} : vector<256x512xf32> to vector<1x512xf32>
    %mul3A_936 = vector.broadcast %slice3A_935 : vector<1x512xf32> to vector<32x512xf32>
    %mul3A_937 = arith.mulf %slice3A_934, %mul3A_936 : vector<32x512xf32>
    %add3A_938 = arith.addf %add3A_933, %mul3A_937 : vector<32x512xf32>
    %slice3A_939 = vector.extract_strided_slice %get3A_96 {offsets = [352, 0], sizes = [32, 512], strides = [1, 1]} : vector<512x512xf32> to vector<32x512xf32>
    %slice3A_940 = vector.extract_strided_slice %max3A_91 {offsets = [186, 0], sizes = [1, 512], strides = [1, 1]} : vector<256x512xf32> to vector<1x512xf32>
    %mul3A_941 = vector.broadcast %slice3A_940 : vector<1x512xf32> to vector<32x512xf32>
    %mul3A_942 = arith.mulf %slice3A_939, %mul3A_941 : vector<32x512xf32>
    %add3A_943 = arith.addf %add3A_938, %mul3A_942 : vector<32x512xf32>
    %slice3A_944 = vector.extract_strided_slice %get3A_96 {offsets = [384, 0], sizes = [32, 512], strides = [1, 1]} : vector<512x512xf32> to vector<32x512xf32>
    %slice3A_945 = vector.extract_strided_slice %max3A_91 {offsets = [202, 0], sizes = [1, 512], strides = [1, 1]} : vector<256x512xf32> to vector<1x512xf32>
    %mul3A_946 = vector.broadcast %slice3A_945 : vector<1x512xf32> to vector<32x512xf32>
    %mul3A_947 = arith.mulf %slice3A_944, %mul3A_946 : vector<32x512xf32>
    %add3A_948 = arith.addf %add3A_943, %mul3A_947 : vector<32x512xf32>
    %slice3A_949 = vector.extract_strided_slice %get3A_96 {offsets = [416, 0], sizes = [32, 512], strides = [1, 1]} : vector<512x512xf32> to vector<32x512xf32>
    %slice3A_950 = vector.extract_strided_slice %max3A_91 {offsets = [218, 0], sizes = [1, 512], strides = [1, 1]} : vector<256x512xf32> to vector<1x512xf32>
    %mul3A_951 = vector.broadcast %slice3A_950 : vector<1x512xf32> to vector<32x512xf32>
    %mul3A_952 = arith.mulf %slice3A_949, %mul3A_951 : vector<32x512xf32>
    %add3A_953 = arith.addf %add3A_948, %mul3A_952 : vector<32x512xf32>
    %slice3A_954 = vector.extract_strided_slice %get3A_96 {offsets = [448, 0], sizes = [32, 512], strides = [1, 1]} : vector<512x512xf32> to vector<32x512xf32>
    %slice3A_955 = vector.extract_strided_slice %max3A_91 {offsets = [234, 0], sizes = [1, 512], strides = [1, 1]} : vector<256x512xf32> to vector<1x512xf32>
    %mul3A_956 = vector.broadcast %slice3A_955 : vector<1x512xf32> to vector<32x512xf32>
    %mul3A_957 = arith.mulf %slice3A_954, %mul3A_956 : vector<32x512xf32>
    %add3A_958 = arith.addf %add3A_953, %mul3A_957 : vector<32x512xf32>
    %slice3A_959 = vector.extract_strided_slice %get3A_96 {offsets = [480, 0], sizes = [32, 512], strides = [1, 1]} : vector<512x512xf32> to vector<32x512xf32>
    %slice3A_960 = vector.extract_strided_slice %max3A_91 {offsets = [250, 0], sizes = [1, 512], strides = [1, 1]} : vector<256x512xf32> to vector<1x512xf32>
    %mul3A_961 = vector.broadcast %slice3A_960 : vector<1x512xf32> to vector<32x512xf32>
    %mul3A_962 = arith.mulf %slice3A_959, %mul3A_961 : vector<32x512xf32>
    %add3A_963 = arith.addf %add3A_958, %mul3A_962 : vector<32x512xf32>
    %slice3A_964 = vector.extract_strided_slice %get3A_96 {offsets = [0, 0], sizes = [32, 512], strides = [1, 1]} : vector<512x512xf32> to vector<32x512xf32>
    %slice3A_965 = vector.extract_strided_slice %max3A_91 {offsets = [11, 0], sizes = [1, 512], strides = [1, 1]} : vector<256x512xf32> to vector<1x512xf32>
    %mul3A_966 = vector.broadcast %slice3A_965 : vector<1x512xf32> to vector<32x512xf32>
    %mul3A_967 = arith.mulf %slice3A_964, %mul3A_966 : vector<32x512xf32>
    %slice3A_968 = vector.extract_strided_slice %get3A_96 {offsets = [32, 0], sizes = [32, 512], strides = [1, 1]} : vector<512x512xf32> to vector<32x512xf32>
    %slice3A_969 = vector.extract_strided_slice %max3A_91 {offsets = [27, 0], sizes = [1, 512], strides = [1, 1]} : vector<256x512xf32> to vector<1x512xf32>
    %mul3A_970 = vector.broadcast %slice3A_969 : vector<1x512xf32> to vector<32x512xf32>
    %mul3A_971 = arith.mulf %slice3A_968, %mul3A_970 : vector<32x512xf32>
    %add3A_972 = arith.addf %mul3A_967, %mul3A_971 : vector<32x512xf32>
    %slice3A_973 = vector.extract_strided_slice %get3A_96 {offsets = [64, 0], sizes = [32, 512], strides = [1, 1]} : vector<512x512xf32> to vector<32x512xf32>
    %slice3A_974 = vector.extract_strided_slice %max3A_91 {offsets = [43, 0], sizes = [1, 512], strides = [1, 1]} : vector<256x512xf32> to vector<1x512xf32>
    %mul3A_975 = vector.broadcast %slice3A_974 : vector<1x512xf32> to vector<32x512xf32>
    %mul3A_976 = arith.mulf %slice3A_973, %mul3A_975 : vector<32x512xf32>
    %add3A_977 = arith.addf %add3A_972, %mul3A_976 : vector<32x512xf32>
    %slice3A_978 = vector.extract_strided_slice %get3A_96 {offsets = [96, 0], sizes = [32, 512], strides = [1, 1]} : vector<512x512xf32> to vector<32x512xf32>
    %slice3A_979 = vector.extract_strided_slice %max3A_91 {offsets = [59, 0], sizes = [1, 512], strides = [1, 1]} : vector<256x512xf32> to vector<1x512xf32>
    %mul3A_980 = vector.broadcast %slice3A_979 : vector<1x512xf32> to vector<32x512xf32>
    %mul3A_981 = arith.mulf %slice3A_978, %mul3A_980 : vector<32x512xf32>
    %add3A_982 = arith.addf %add3A_977, %mul3A_981 : vector<32x512xf32>
    %slice3A_983 = vector.extract_strided_slice %get3A_96 {offsets = [128, 0], sizes = [32, 512], strides = [1, 1]} : vector<512x512xf32> to vector<32x512xf32>
    %slice3A_984 = vector.extract_strided_slice %max3A_91 {offsets = [75, 0], sizes = [1, 512], strides = [1, 1]} : vector<256x512xf32> to vector<1x512xf32>
    %mul3A_985 = vector.broadcast %slice3A_984 : vector<1x512xf32> to vector<32x512xf32>
    %mul3A_986 = arith.mulf %slice3A_983, %mul3A_985 : vector<32x512xf32>
    %add3A_987 = arith.addf %add3A_982, %mul3A_986 : vector<32x512xf32>
    %slice3A_988 = vector.extract_strided_slice %get3A_96 {offsets = [160, 0], sizes = [32, 512], strides = [1, 1]} : vector<512x512xf32> to vector<32x512xf32>
    %slice3A_989 = vector.extract_strided_slice %max3A_91 {offsets = [91, 0], sizes = [1, 512], strides = [1, 1]} : vector<256x512xf32> to vector<1x512xf32>
    %mul3A_990 = vector.broadcast %slice3A_989 : vector<1x512xf32> to vector<32x512xf32>
    %mul3A_991 = arith.mulf %slice3A_988, %mul3A_990 : vector<32x512xf32>
    %add3A_992 = arith.addf %add3A_987, %mul3A_991 : vector<32x512xf32>
    %slice3A_993 = vector.extract_strided_slice %get3A_96 {offsets = [192, 0], sizes = [32, 512], strides = [1, 1]} : vector<512x512xf32> to vector<32x512xf32>
    %slice3A_994 = vector.extract_strided_slice %max3A_91 {offsets = [107, 0], sizes = [1, 512], strides = [1, 1]} : vector<256x512xf32> to vector<1x512xf32>
    %mul3A_995 = vector.broadcast %slice3A_994 : vector<1x512xf32> to vector<32x512xf32>
    %mul3A_996 = arith.mulf %slice3A_993, %mul3A_995 : vector<32x512xf32>
    %add3A_997 = arith.addf %add3A_992, %mul3A_996 : vector<32x512xf32>
    %slice3A_998 = vector.extract_strided_slice %get3A_96 {offsets = [224, 0], sizes = [32, 512], strides = [1, 1]} : vector<512x512xf32> to vector<32x512xf32>
    %slice3A_999 = vector.extract_strided_slice %max3A_91 {offsets = [123, 0], sizes = [1, 512], strides = [1, 1]} : vector<256x512xf32> to vector<1x512xf32>
    %mul3A_1000 = vector.broadcast %slice3A_999 : vector<1x512xf32> to vector<32x512xf32>
    %mul3A_1001 = arith.mulf %slice3A_998, %mul3A_1000 : vector<32x512xf32>
    %add3A_1002 = arith.addf %add3A_997, %mul3A_1001 : vector<32x512xf32>
    %slice3A_1003 = vector.extract_strided_slice %get3A_96 {offsets = [256, 0], sizes = [32, 512], strides = [1, 1]} : vector<512x512xf32> to vector<32x512xf32>
    %slice3A_1004 = vector.extract_strided_slice %max3A_91 {offsets = [139, 0], sizes = [1, 512], strides = [1, 1]} : vector<256x512xf32> to vector<1x512xf32>
    %mul3A_1005 = vector.broadcast %slice3A_1004 : vector<1x512xf32> to vector<32x512xf32>
    %mul3A_1006 = arith.mulf %slice3A_1003, %mul3A_1005 : vector<32x512xf32>
    %add3A_1007 = arith.addf %add3A_1002, %mul3A_1006 : vector<32x512xf32>
    %slice3A_1008 = vector.extract_strided_slice %get3A_96 {offsets = [288, 0], sizes = [32, 512], strides = [1, 1]} : vector<512x512xf32> to vector<32x512xf32>
    %slice3A_1009 = vector.extract_strided_slice %max3A_91 {offsets = [155, 0], sizes = [1, 512], strides = [1, 1]} : vector<256x512xf32> to vector<1x512xf32>
    %mul3A_1010 = vector.broadcast %slice3A_1009 : vector<1x512xf32> to vector<32x512xf32>
    %mul3A_1011 = arith.mulf %slice3A_1008, %mul3A_1010 : vector<32x512xf32>
    %add3A_1012 = arith.addf %add3A_1007, %mul3A_1011 : vector<32x512xf32>
    %slice3A_1013 = vector.extract_strided_slice %get3A_96 {offsets = [320, 0], sizes = [32, 512], strides = [1, 1]} : vector<512x512xf32> to vector<32x512xf32>
    %slice3A_1014 = vector.extract_strided_slice %max3A_91 {offsets = [171, 0], sizes = [1, 512], strides = [1, 1]} : vector<256x512xf32> to vector<1x512xf32>
    %mul3A_1015 = vector.broadcast %slice3A_1014 : vector<1x512xf32> to vector<32x512xf32>
    %mul3A_1016 = arith.mulf %slice3A_1013, %mul3A_1015 : vector<32x512xf32>
    %add3A_1017 = arith.addf %add3A_1012, %mul3A_1016 : vector<32x512xf32>
    %slice3A_1018 = vector.extract_strided_slice %get3A_96 {offsets = [352, 0], sizes = [32, 512], strides = [1, 1]} : vector<512x512xf32> to vector<32x512xf32>
    %slice3A_1019 = vector.extract_strided_slice %max3A_91 {offsets = [187, 0], sizes = [1, 512], strides = [1, 1]} : vector<256x512xf32> to vector<1x512xf32>
    %mul3A_1020 = vector.broadcast %slice3A_1019 : vector<1x512xf32> to vector<32x512xf32>
    %mul3A_1021 = arith.mulf %slice3A_1018, %mul3A_1020 : vector<32x512xf32>
    %add3A_1022 = arith.addf %add3A_1017, %mul3A_1021 : vector<32x512xf32>
    %slice3A_1023 = vector.extract_strided_slice %get3A_96 {offsets = [384, 0], sizes = [32, 512], strides = [1, 1]} : vector<512x512xf32> to vector<32x512xf32>
    %slice3A_1024 = vector.extract_strided_slice %max3A_91 {offsets = [203, 0], sizes = [1, 512], strides = [1, 1]} : vector<256x512xf32> to vector<1x512xf32>
    %mul3A_1025 = vector.broadcast %slice3A_1024 : vector<1x512xf32> to vector<32x512xf32>
    %mul3A_1026 = arith.mulf %slice3A_1023, %mul3A_1025 : vector<32x512xf32>
    %add3A_1027 = arith.addf %add3A_1022, %mul3A_1026 : vector<32x512xf32>
    %slice3A_1028 = vector.extract_strided_slice %get3A_96 {offsets = [416, 0], sizes = [32, 512], strides = [1, 1]} : vector<512x512xf32> to vector<32x512xf32>
    %slice3A_1029 = vector.extract_strided_slice %max3A_91 {offsets = [219, 0], sizes = [1, 512], strides = [1, 1]} : vector<256x512xf32> to vector<1x512xf32>
    %mul3A_1030 = vector.broadcast %slice3A_1029 : vector<1x512xf32> to vector<32x512xf32>
    %mul3A_1031 = arith.mulf %slice3A_1028, %mul3A_1030 : vector<32x512xf32>
    %add3A_1032 = arith.addf %add3A_1027, %mul3A_1031 : vector<32x512xf32>
    %slice3A_1033 = vector.extract_strided_slice %get3A_96 {offsets = [448, 0], sizes = [32, 512], strides = [1, 1]} : vector<512x512xf32> to vector<32x512xf32>
    %slice3A_1034 = vector.extract_strided_slice %max3A_91 {offsets = [235, 0], sizes = [1, 512], strides = [1, 1]} : vector<256x512xf32> to vector<1x512xf32>
    %mul3A_1035 = vector.broadcast %slice3A_1034 : vector<1x512xf32> to vector<32x512xf32>
    %mul3A_1036 = arith.mulf %slice3A_1033, %mul3A_1035 : vector<32x512xf32>
    %add3A_1037 = arith.addf %add3A_1032, %mul3A_1036 : vector<32x512xf32>
    %slice3A_1038 = vector.extract_strided_slice %get3A_96 {offsets = [480, 0], sizes = [32, 512], strides = [1, 1]} : vector<512x512xf32> to vector<32x512xf32>
    %slice3A_1039 = vector.extract_strided_slice %max3A_91 {offsets = [251, 0], sizes = [1, 512], strides = [1, 1]} : vector<256x512xf32> to vector<1x512xf32>
    %mul3A_1040 = vector.broadcast %slice3A_1039 : vector<1x512xf32> to vector<32x512xf32>
    %mul3A_1041 = arith.mulf %slice3A_1038, %mul3A_1040 : vector<32x512xf32>
    %add3A_1042 = arith.addf %add3A_1037, %mul3A_1041 : vector<32x512xf32>
    %slice3A_1043 = vector.extract_strided_slice %get3A_96 {offsets = [0, 0], sizes = [32, 512], strides = [1, 1]} : vector<512x512xf32> to vector<32x512xf32>
    %slice3A_1044 = vector.extract_strided_slice %max3A_91 {offsets = [12, 0], sizes = [1, 512], strides = [1, 1]} : vector<256x512xf32> to vector<1x512xf32>
    %mul3A_1045 = vector.broadcast %slice3A_1044 : vector<1x512xf32> to vector<32x512xf32>
    %mul3A_1046 = arith.mulf %slice3A_1043, %mul3A_1045 : vector<32x512xf32>
    %slice3A_1047 = vector.extract_strided_slice %get3A_96 {offsets = [32, 0], sizes = [32, 512], strides = [1, 1]} : vector<512x512xf32> to vector<32x512xf32>
    %slice3A_1048 = vector.extract_strided_slice %max3A_91 {offsets = [28, 0], sizes = [1, 512], strides = [1, 1]} : vector<256x512xf32> to vector<1x512xf32>
    %mul3A_1049 = vector.broadcast %slice3A_1048 : vector<1x512xf32> to vector<32x512xf32>
    %mul3A_1050 = arith.mulf %slice3A_1047, %mul3A_1049 : vector<32x512xf32>
    %add3A_1051 = arith.addf %mul3A_1046, %mul3A_1050 : vector<32x512xf32>
    %slice3A_1052 = vector.extract_strided_slice %get3A_96 {offsets = [64, 0], sizes = [32, 512], strides = [1, 1]} : vector<512x512xf32> to vector<32x512xf32>
    %slice3A_1053 = vector.extract_strided_slice %max3A_91 {offsets = [44, 0], sizes = [1, 512], strides = [1, 1]} : vector<256x512xf32> to vector<1x512xf32>
    %mul3A_1054 = vector.broadcast %slice3A_1053 : vector<1x512xf32> to vector<32x512xf32>
    %mul3A_1055 = arith.mulf %slice3A_1052, %mul3A_1054 : vector<32x512xf32>
    %add3A_1056 = arith.addf %add3A_1051, %mul3A_1055 : vector<32x512xf32>
    %slice3A_1057 = vector.extract_strided_slice %get3A_96 {offsets = [96, 0], sizes = [32, 512], strides = [1, 1]} : vector<512x512xf32> to vector<32x512xf32>
    %slice3A_1058 = vector.extract_strided_slice %max3A_91 {offsets = [60, 0], sizes = [1, 512], strides = [1, 1]} : vector<256x512xf32> to vector<1x512xf32>
    %mul3A_1059 = vector.broadcast %slice3A_1058 : vector<1x512xf32> to vector<32x512xf32>
    %mul3A_1060 = arith.mulf %slice3A_1057, %mul3A_1059 : vector<32x512xf32>
    %add3A_1061 = arith.addf %add3A_1056, %mul3A_1060 : vector<32x512xf32>
    %slice3A_1062 = vector.extract_strided_slice %get3A_96 {offsets = [128, 0], sizes = [32, 512], strides = [1, 1]} : vector<512x512xf32> to vector<32x512xf32>
    %slice3A_1063 = vector.extract_strided_slice %max3A_91 {offsets = [76, 0], sizes = [1, 512], strides = [1, 1]} : vector<256x512xf32> to vector<1x512xf32>
    %mul3A_1064 = vector.broadcast %slice3A_1063 : vector<1x512xf32> to vector<32x512xf32>
    %mul3A_1065 = arith.mulf %slice3A_1062, %mul3A_1064 : vector<32x512xf32>
    %add3A_1066 = arith.addf %add3A_1061, %mul3A_1065 : vector<32x512xf32>
    %slice3A_1067 = vector.extract_strided_slice %get3A_96 {offsets = [160, 0], sizes = [32, 512], strides = [1, 1]} : vector<512x512xf32> to vector<32x512xf32>
    %slice3A_1068 = vector.extract_strided_slice %max3A_91 {offsets = [92, 0], sizes = [1, 512], strides = [1, 1]} : vector<256x512xf32> to vector<1x512xf32>
    %mul3A_1069 = vector.broadcast %slice3A_1068 : vector<1x512xf32> to vector<32x512xf32>
    %mul3A_1070 = arith.mulf %slice3A_1067, %mul3A_1069 : vector<32x512xf32>
    %add3A_1071 = arith.addf %add3A_1066, %mul3A_1070 : vector<32x512xf32>
    %slice3A_1072 = vector.extract_strided_slice %get3A_96 {offsets = [192, 0], sizes = [32, 512], strides = [1, 1]} : vector<512x512xf32> to vector<32x512xf32>
    %slice3A_1073 = vector.extract_strided_slice %max3A_91 {offsets = [108, 0], sizes = [1, 512], strides = [1, 1]} : vector<256x512xf32> to vector<1x512xf32>
    %mul3A_1074 = vector.broadcast %slice3A_1073 : vector<1x512xf32> to vector<32x512xf32>
    %mul3A_1075 = arith.mulf %slice3A_1072, %mul3A_1074 : vector<32x512xf32>
    %add3A_1076 = arith.addf %add3A_1071, %mul3A_1075 : vector<32x512xf32>
    %slice3A_1077 = vector.extract_strided_slice %get3A_96 {offsets = [224, 0], sizes = [32, 512], strides = [1, 1]} : vector<512x512xf32> to vector<32x512xf32>
    %slice3A_1078 = vector.extract_strided_slice %max3A_91 {offsets = [124, 0], sizes = [1, 512], strides = [1, 1]} : vector<256x512xf32> to vector<1x512xf32>
    %mul3A_1079 = vector.broadcast %slice3A_1078 : vector<1x512xf32> to vector<32x512xf32>
    %mul3A_1080 = arith.mulf %slice3A_1077, %mul3A_1079 : vector<32x512xf32>
    %add3A_1081 = arith.addf %add3A_1076, %mul3A_1080 : vector<32x512xf32>
    %slice3A_1082 = vector.extract_strided_slice %get3A_96 {offsets = [256, 0], sizes = [32, 512], strides = [1, 1]} : vector<512x512xf32> to vector<32x512xf32>
    %slice3A_1083 = vector.extract_strided_slice %max3A_91 {offsets = [140, 0], sizes = [1, 512], strides = [1, 1]} : vector<256x512xf32> to vector<1x512xf32>
    %mul3A_1084 = vector.broadcast %slice3A_1083 : vector<1x512xf32> to vector<32x512xf32>
    %mul3A_1085 = arith.mulf %slice3A_1082, %mul3A_1084 : vector<32x512xf32>
    %add3A_1086 = arith.addf %add3A_1081, %mul3A_1085 : vector<32x512xf32>
    %slice3A_1087 = vector.extract_strided_slice %get3A_96 {offsets = [288, 0], sizes = [32, 512], strides = [1, 1]} : vector<512x512xf32> to vector<32x512xf32>
    %slice3A_1088 = vector.extract_strided_slice %max3A_91 {offsets = [156, 0], sizes = [1, 512], strides = [1, 1]} : vector<256x512xf32> to vector<1x512xf32>
    %mul3A_1089 = vector.broadcast %slice3A_1088 : vector<1x512xf32> to vector<32x512xf32>
    %mul3A_1090 = arith.mulf %slice3A_1087, %mul3A_1089 : vector<32x512xf32>
    %add3A_1091 = arith.addf %add3A_1086, %mul3A_1090 : vector<32x512xf32>
    %slice3A_1092 = vector.extract_strided_slice %get3A_96 {offsets = [320, 0], sizes = [32, 512], strides = [1, 1]} : vector<512x512xf32> to vector<32x512xf32>
    %slice3A_1093 = vector.extract_strided_slice %max3A_91 {offsets = [172, 0], sizes = [1, 512], strides = [1, 1]} : vector<256x512xf32> to vector<1x512xf32>
    %mul3A_1094 = vector.broadcast %slice3A_1093 : vector<1x512xf32> to vector<32x512xf32>
    %mul3A_1095 = arith.mulf %slice3A_1092, %mul3A_1094 : vector<32x512xf32>
    %add3A_1096 = arith.addf %add3A_1091, %mul3A_1095 : vector<32x512xf32>
    %slice3A_1097 = vector.extract_strided_slice %get3A_96 {offsets = [352, 0], sizes = [32, 512], strides = [1, 1]} : vector<512x512xf32> to vector<32x512xf32>
    %slice3A_1098 = vector.extract_strided_slice %max3A_91 {offsets = [188, 0], sizes = [1, 512], strides = [1, 1]} : vector<256x512xf32> to vector<1x512xf32>
    %mul3A_1099 = vector.broadcast %slice3A_1098 : vector<1x512xf32> to vector<32x512xf32>
    %mul3A_1100 = arith.mulf %slice3A_1097, %mul3A_1099 : vector<32x512xf32>
    %add3A_1101 = arith.addf %add3A_1096, %mul3A_1100 : vector<32x512xf32>
    %slice3A_1102 = vector.extract_strided_slice %get3A_96 {offsets = [384, 0], sizes = [32, 512], strides = [1, 1]} : vector<512x512xf32> to vector<32x512xf32>
    %slice3A_1103 = vector.extract_strided_slice %max3A_91 {offsets = [204, 0], sizes = [1, 512], strides = [1, 1]} : vector<256x512xf32> to vector<1x512xf32>
    %mul3A_1104 = vector.broadcast %slice3A_1103 : vector<1x512xf32> to vector<32x512xf32>
    %mul3A_1105 = arith.mulf %slice3A_1102, %mul3A_1104 : vector<32x512xf32>
    %add3A_1106 = arith.addf %add3A_1101, %mul3A_1105 : vector<32x512xf32>
    %slice3A_1107 = vector.extract_strided_slice %get3A_96 {offsets = [416, 0], sizes = [32, 512], strides = [1, 1]} : vector<512x512xf32> to vector<32x512xf32>
    %slice3A_1108 = vector.extract_strided_slice %max3A_91 {offsets = [220, 0], sizes = [1, 512], strides = [1, 1]} : vector<256x512xf32> to vector<1x512xf32>
    %mul3A_1109 = vector.broadcast %slice3A_1108 : vector<1x512xf32> to vector<32x512xf32>
    %mul3A_1110 = arith.mulf %slice3A_1107, %mul3A_1109 : vector<32x512xf32>
    %add3A_1111 = arith.addf %add3A_1106, %mul3A_1110 : vector<32x512xf32>
    %slice3A_1112 = vector.extract_strided_slice %get3A_96 {offsets = [448, 0], sizes = [32, 512], strides = [1, 1]} : vector<512x512xf32> to vector<32x512xf32>
    %slice3A_1113 = vector.extract_strided_slice %max3A_91 {offsets = [236, 0], sizes = [1, 512], strides = [1, 1]} : vector<256x512xf32> to vector<1x512xf32>
    %mul3A_1114 = vector.broadcast %slice3A_1113 : vector<1x512xf32> to vector<32x512xf32>
    %mul3A_1115 = arith.mulf %slice3A_1112, %mul3A_1114 : vector<32x512xf32>
    %add3A_1116 = arith.addf %add3A_1111, %mul3A_1115 : vector<32x512xf32>
    %slice3A_1117 = vector.extract_strided_slice %get3A_96 {offsets = [480, 0], sizes = [32, 512], strides = [1, 1]} : vector<512x512xf32> to vector<32x512xf32>
    %slice3A_1118 = vector.extract_strided_slice %max3A_91 {offsets = [252, 0], sizes = [1, 512], strides = [1, 1]} : vector<256x512xf32> to vector<1x512xf32>
    %mul3A_1119 = vector.broadcast %slice3A_1118 : vector<1x512xf32> to vector<32x512xf32>
    %mul3A_1120 = arith.mulf %slice3A_1117, %mul3A_1119 : vector<32x512xf32>
    %add3A_1121 = arith.addf %add3A_1116, %mul3A_1120 : vector<32x512xf32>
    %slice3A_1122 = vector.extract_strided_slice %get3A_96 {offsets = [0, 0], sizes = [32, 512], strides = [1, 1]} : vector<512x512xf32> to vector<32x512xf32>
    %slice3A_1123 = vector.extract_strided_slice %max3A_91 {offsets = [13, 0], sizes = [1, 512], strides = [1, 1]} : vector<256x512xf32> to vector<1x512xf32>
    %mul3A_1124 = vector.broadcast %slice3A_1123 : vector<1x512xf32> to vector<32x512xf32>
    %mul3A_1125 = arith.mulf %slice3A_1122, %mul3A_1124 : vector<32x512xf32>
    %slice3A_1126 = vector.extract_strided_slice %get3A_96 {offsets = [32, 0], sizes = [32, 512], strides = [1, 1]} : vector<512x512xf32> to vector<32x512xf32>
    %slice3A_1127 = vector.extract_strided_slice %max3A_91 {offsets = [29, 0], sizes = [1, 512], strides = [1, 1]} : vector<256x512xf32> to vector<1x512xf32>
    %mul3A_1128 = vector.broadcast %slice3A_1127 : vector<1x512xf32> to vector<32x512xf32>
    %mul3A_1129 = arith.mulf %slice3A_1126, %mul3A_1128 : vector<32x512xf32>
    %add3A_1130 = arith.addf %mul3A_1125, %mul3A_1129 : vector<32x512xf32>
    %slice3A_1131 = vector.extract_strided_slice %get3A_96 {offsets = [64, 0], sizes = [32, 512], strides = [1, 1]} : vector<512x512xf32> to vector<32x512xf32>
    %slice3A_1132 = vector.extract_strided_slice %max3A_91 {offsets = [45, 0], sizes = [1, 512], strides = [1, 1]} : vector<256x512xf32> to vector<1x512xf32>
    %mul3A_1133 = vector.broadcast %slice3A_1132 : vector<1x512xf32> to vector<32x512xf32>
    %mul3A_1134 = arith.mulf %slice3A_1131, %mul3A_1133 : vector<32x512xf32>
    %add3A_1135 = arith.addf %add3A_1130, %mul3A_1134 : vector<32x512xf32>
    %slice3A_1136 = vector.extract_strided_slice %get3A_96 {offsets = [96, 0], sizes = [32, 512], strides = [1, 1]} : vector<512x512xf32> to vector<32x512xf32>
    %slice3A_1137 = vector.extract_strided_slice %max3A_91 {offsets = [61, 0], sizes = [1, 512], strides = [1, 1]} : vector<256x512xf32> to vector<1x512xf32>
    %mul3A_1138 = vector.broadcast %slice3A_1137 : vector<1x512xf32> to vector<32x512xf32>
    %mul3A_1139 = arith.mulf %slice3A_1136, %mul3A_1138 : vector<32x512xf32>
    %add3A_1140 = arith.addf %add3A_1135, %mul3A_1139 : vector<32x512xf32>
    %slice3A_1141 = vector.extract_strided_slice %get3A_96 {offsets = [128, 0], sizes = [32, 512], strides = [1, 1]} : vector<512x512xf32> to vector<32x512xf32>
    %slice3A_1142 = vector.extract_strided_slice %max3A_91 {offsets = [77, 0], sizes = [1, 512], strides = [1, 1]} : vector<256x512xf32> to vector<1x512xf32>
    %mul3A_1143 = vector.broadcast %slice3A_1142 : vector<1x512xf32> to vector<32x512xf32>
    %mul3A_1144 = arith.mulf %slice3A_1141, %mul3A_1143 : vector<32x512xf32>
    %add3A_1145 = arith.addf %add3A_1140, %mul3A_1144 : vector<32x512xf32>
    %slice3A_1146 = vector.extract_strided_slice %get3A_96 {offsets = [160, 0], sizes = [32, 512], strides = [1, 1]} : vector<512x512xf32> to vector<32x512xf32>
    %slice3A_1147 = vector.extract_strided_slice %max3A_91 {offsets = [93, 0], sizes = [1, 512], strides = [1, 1]} : vector<256x512xf32> to vector<1x512xf32>
    %mul3A_1148 = vector.broadcast %slice3A_1147 : vector<1x512xf32> to vector<32x512xf32>
    %mul3A_1149 = arith.mulf %slice3A_1146, %mul3A_1148 : vector<32x512xf32>
    %add3A_1150 = arith.addf %add3A_1145, %mul3A_1149 : vector<32x512xf32>
    %slice3A_1151 = vector.extract_strided_slice %get3A_96 {offsets = [192, 0], sizes = [32, 512], strides = [1, 1]} : vector<512x512xf32> to vector<32x512xf32>
    %slice3A_1152 = vector.extract_strided_slice %max3A_91 {offsets = [109, 0], sizes = [1, 512], strides = [1, 1]} : vector<256x512xf32> to vector<1x512xf32>
    %mul3A_1153 = vector.broadcast %slice3A_1152 : vector<1x512xf32> to vector<32x512xf32>
    %mul3A_1154 = arith.mulf %slice3A_1151, %mul3A_1153 : vector<32x512xf32>
    %add3A_1155 = arith.addf %add3A_1150, %mul3A_1154 : vector<32x512xf32>
    %slice3A_1156 = vector.extract_strided_slice %get3A_96 {offsets = [224, 0], sizes = [32, 512], strides = [1, 1]} : vector<512x512xf32> to vector<32x512xf32>
    %slice3A_1157 = vector.extract_strided_slice %max3A_91 {offsets = [125, 0], sizes = [1, 512], strides = [1, 1]} : vector<256x512xf32> to vector<1x512xf32>
    %mul3A_1158 = vector.broadcast %slice3A_1157 : vector<1x512xf32> to vector<32x512xf32>
    %mul3A_1159 = arith.mulf %slice3A_1156, %mul3A_1158 : vector<32x512xf32>
    %add3A_1160 = arith.addf %add3A_1155, %mul3A_1159 : vector<32x512xf32>
    %slice3A_1161 = vector.extract_strided_slice %get3A_96 {offsets = [256, 0], sizes = [32, 512], strides = [1, 1]} : vector<512x512xf32> to vector<32x512xf32>
    %slice3A_1162 = vector.extract_strided_slice %max3A_91 {offsets = [141, 0], sizes = [1, 512], strides = [1, 1]} : vector<256x512xf32> to vector<1x512xf32>
    %mul3A_1163 = vector.broadcast %slice3A_1162 : vector<1x512xf32> to vector<32x512xf32>
    %mul3A_1164 = arith.mulf %slice3A_1161, %mul3A_1163 : vector<32x512xf32>
    %add3A_1165 = arith.addf %add3A_1160, %mul3A_1164 : vector<32x512xf32>
    %slice3A_1166 = vector.extract_strided_slice %get3A_96 {offsets = [288, 0], sizes = [32, 512], strides = [1, 1]} : vector<512x512xf32> to vector<32x512xf32>
    %slice3A_1167 = vector.extract_strided_slice %max3A_91 {offsets = [157, 0], sizes = [1, 512], strides = [1, 1]} : vector<256x512xf32> to vector<1x512xf32>
    %mul3A_1168 = vector.broadcast %slice3A_1167 : vector<1x512xf32> to vector<32x512xf32>
    %mul3A_1169 = arith.mulf %slice3A_1166, %mul3A_1168 : vector<32x512xf32>
    %add3A_1170 = arith.addf %add3A_1165, %mul3A_1169 : vector<32x512xf32>
    %slice3A_1171 = vector.extract_strided_slice %get3A_96 {offsets = [320, 0], sizes = [32, 512], strides = [1, 1]} : vector<512x512xf32> to vector<32x512xf32>
    %slice3A_1172 = vector.extract_strided_slice %max3A_91 {offsets = [173, 0], sizes = [1, 512], strides = [1, 1]} : vector<256x512xf32> to vector<1x512xf32>
    %mul3A_1173 = vector.broadcast %slice3A_1172 : vector<1x512xf32> to vector<32x512xf32>
    %mul3A_1174 = arith.mulf %slice3A_1171, %mul3A_1173 : vector<32x512xf32>
    %add3A_1175 = arith.addf %add3A_1170, %mul3A_1174 : vector<32x512xf32>
    %slice3A_1176 = vector.extract_strided_slice %get3A_96 {offsets = [352, 0], sizes = [32, 512], strides = [1, 1]} : vector<512x512xf32> to vector<32x512xf32>
    %slice3A_1177 = vector.extract_strided_slice %max3A_91 {offsets = [189, 0], sizes = [1, 512], strides = [1, 1]} : vector<256x512xf32> to vector<1x512xf32>
    %mul3A_1178 = vector.broadcast %slice3A_1177 : vector<1x512xf32> to vector<32x512xf32>
    %mul3A_1179 = arith.mulf %slice3A_1176, %mul3A_1178 : vector<32x512xf32>
    %add3A_1180 = arith.addf %add3A_1175, %mul3A_1179 : vector<32x512xf32>
    %slice3A_1181 = vector.extract_strided_slice %get3A_96 {offsets = [384, 0], sizes = [32, 512], strides = [1, 1]} : vector<512x512xf32> to vector<32x512xf32>
    %slice3A_1182 = vector.extract_strided_slice %max3A_91 {offsets = [205, 0], sizes = [1, 512], strides = [1, 1]} : vector<256x512xf32> to vector<1x512xf32>
    %mul3A_1183 = vector.broadcast %slice3A_1182 : vector<1x512xf32> to vector<32x512xf32>
    %mul3A_1184 = arith.mulf %slice3A_1181, %mul3A_1183 : vector<32x512xf32>
    %add3A_1185 = arith.addf %add3A_1180, %mul3A_1184 : vector<32x512xf32>
    %slice3A_1186 = vector.extract_strided_slice %get3A_96 {offsets = [416, 0], sizes = [32, 512], strides = [1, 1]} : vector<512x512xf32> to vector<32x512xf32>
    %slice3A_1187 = vector.extract_strided_slice %max3A_91 {offsets = [221, 0], sizes = [1, 512], strides = [1, 1]} : vector<256x512xf32> to vector<1x512xf32>
    %mul3A_1188 = vector.broadcast %slice3A_1187 : vector<1x512xf32> to vector<32x512xf32>
    %mul3A_1189 = arith.mulf %slice3A_1186, %mul3A_1188 : vector<32x512xf32>
    %add3A_1190 = arith.addf %add3A_1185, %mul3A_1189 : vector<32x512xf32>
    %slice3A_1191 = vector.extract_strided_slice %get3A_96 {offsets = [448, 0], sizes = [32, 512], strides = [1, 1]} : vector<512x512xf32> to vector<32x512xf32>
    %slice3A_1192 = vector.extract_strided_slice %max3A_91 {offsets = [237, 0], sizes = [1, 512], strides = [1, 1]} : vector<256x512xf32> to vector<1x512xf32>
    %mul3A_1193 = vector.broadcast %slice3A_1192 : vector<1x512xf32> to vector<32x512xf32>
    %mul3A_1194 = arith.mulf %slice3A_1191, %mul3A_1193 : vector<32x512xf32>
    %add3A_1195 = arith.addf %add3A_1190, %mul3A_1194 : vector<32x512xf32>
    %slice3A_1196 = vector.extract_strided_slice %get3A_96 {offsets = [480, 0], sizes = [32, 512], strides = [1, 1]} : vector<512x512xf32> to vector<32x512xf32>
    %slice3A_1197 = vector.extract_strided_slice %max3A_91 {offsets = [253, 0], sizes = [1, 512], strides = [1, 1]} : vector<256x512xf32> to vector<1x512xf32>
    %mul3A_1198 = vector.broadcast %slice3A_1197 : vector<1x512xf32> to vector<32x512xf32>
    %mul3A_1199 = arith.mulf %slice3A_1196, %mul3A_1198 : vector<32x512xf32>
    %add3A_1200 = arith.addf %add3A_1195, %mul3A_1199 : vector<32x512xf32>
    %slice3A_1201 = vector.extract_strided_slice %get3A_96 {offsets = [0, 0], sizes = [32, 512], strides = [1, 1]} : vector<512x512xf32> to vector<32x512xf32>
    %slice3A_1202 = vector.extract_strided_slice %max3A_91 {offsets = [14, 0], sizes = [1, 512], strides = [1, 1]} : vector<256x512xf32> to vector<1x512xf32>
    %mul3A_1203 = vector.broadcast %slice3A_1202 : vector<1x512xf32> to vector<32x512xf32>
    %mul3A_1204 = arith.mulf %slice3A_1201, %mul3A_1203 : vector<32x512xf32>
    %slice3A_1205 = vector.extract_strided_slice %get3A_96 {offsets = [32, 0], sizes = [32, 512], strides = [1, 1]} : vector<512x512xf32> to vector<32x512xf32>
    %slice3A_1206 = vector.extract_strided_slice %max3A_91 {offsets = [30, 0], sizes = [1, 512], strides = [1, 1]} : vector<256x512xf32> to vector<1x512xf32>
    %mul3A_1207 = vector.broadcast %slice3A_1206 : vector<1x512xf32> to vector<32x512xf32>
    %mul3A_1208 = arith.mulf %slice3A_1205, %mul3A_1207 : vector<32x512xf32>
    %add3A_1209 = arith.addf %mul3A_1204, %mul3A_1208 : vector<32x512xf32>
    %slice3A_1210 = vector.extract_strided_slice %get3A_96 {offsets = [64, 0], sizes = [32, 512], strides = [1, 1]} : vector<512x512xf32> to vector<32x512xf32>
    %slice3A_1211 = vector.extract_strided_slice %max3A_91 {offsets = [46, 0], sizes = [1, 512], strides = [1, 1]} : vector<256x512xf32> to vector<1x512xf32>
    %mul3A_1212 = vector.broadcast %slice3A_1211 : vector<1x512xf32> to vector<32x512xf32>
    %mul3A_1213 = arith.mulf %slice3A_1210, %mul3A_1212 : vector<32x512xf32>
    %add3A_1214 = arith.addf %add3A_1209, %mul3A_1213 : vector<32x512xf32>
    %slice3A_1215 = vector.extract_strided_slice %get3A_96 {offsets = [96, 0], sizes = [32, 512], strides = [1, 1]} : vector<512x512xf32> to vector<32x512xf32>
    %slice3A_1216 = vector.extract_strided_slice %max3A_91 {offsets = [62, 0], sizes = [1, 512], strides = [1, 1]} : vector<256x512xf32> to vector<1x512xf32>
    %mul3A_1217 = vector.broadcast %slice3A_1216 : vector<1x512xf32> to vector<32x512xf32>
    %mul3A_1218 = arith.mulf %slice3A_1215, %mul3A_1217 : vector<32x512xf32>
    %add3A_1219 = arith.addf %add3A_1214, %mul3A_1218 : vector<32x512xf32>
    %slice3A_1220 = vector.extract_strided_slice %get3A_96 {offsets = [128, 0], sizes = [32, 512], strides = [1, 1]} : vector<512x512xf32> to vector<32x512xf32>
    %slice3A_1221 = vector.extract_strided_slice %max3A_91 {offsets = [78, 0], sizes = [1, 512], strides = [1, 1]} : vector<256x512xf32> to vector<1x512xf32>
    %mul3A_1222 = vector.broadcast %slice3A_1221 : vector<1x512xf32> to vector<32x512xf32>
    %mul3A_1223 = arith.mulf %slice3A_1220, %mul3A_1222 : vector<32x512xf32>
    %add3A_1224 = arith.addf %add3A_1219, %mul3A_1223 : vector<32x512xf32>
    %slice3A_1225 = vector.extract_strided_slice %get3A_96 {offsets = [160, 0], sizes = [32, 512], strides = [1, 1]} : vector<512x512xf32> to vector<32x512xf32>
    %slice3A_1226 = vector.extract_strided_slice %max3A_91 {offsets = [94, 0], sizes = [1, 512], strides = [1, 1]} : vector<256x512xf32> to vector<1x512xf32>
    %mul3A_1227 = vector.broadcast %slice3A_1226 : vector<1x512xf32> to vector<32x512xf32>
    %mul3A_1228 = arith.mulf %slice3A_1225, %mul3A_1227 : vector<32x512xf32>
    %add3A_1229 = arith.addf %add3A_1224, %mul3A_1228 : vector<32x512xf32>
    %slice3A_1230 = vector.extract_strided_slice %get3A_96 {offsets = [192, 0], sizes = [32, 512], strides = [1, 1]} : vector<512x512xf32> to vector<32x512xf32>
    %slice3A_1231 = vector.extract_strided_slice %max3A_91 {offsets = [110, 0], sizes = [1, 512], strides = [1, 1]} : vector<256x512xf32> to vector<1x512xf32>
    %mul3A_1232 = vector.broadcast %slice3A_1231 : vector<1x512xf32> to vector<32x512xf32>
    %mul3A_1233 = arith.mulf %slice3A_1230, %mul3A_1232 : vector<32x512xf32>
    %add3A_1234 = arith.addf %add3A_1229, %mul3A_1233 : vector<32x512xf32>
    %slice3A_1235 = vector.extract_strided_slice %get3A_96 {offsets = [224, 0], sizes = [32, 512], strides = [1, 1]} : vector<512x512xf32> to vector<32x512xf32>
    %slice3A_1236 = vector.extract_strided_slice %max3A_91 {offsets = [126, 0], sizes = [1, 512], strides = [1, 1]} : vector<256x512xf32> to vector<1x512xf32>
    %mul3A_1237 = vector.broadcast %slice3A_1236 : vector<1x512xf32> to vector<32x512xf32>
    %mul3A_1238 = arith.mulf %slice3A_1235, %mul3A_1237 : vector<32x512xf32>
    %add3A_1239 = arith.addf %add3A_1234, %mul3A_1238 : vector<32x512xf32>
    %slice3A_1240 = vector.extract_strided_slice %get3A_96 {offsets = [256, 0], sizes = [32, 512], strides = [1, 1]} : vector<512x512xf32> to vector<32x512xf32>
    %slice3A_1241 = vector.extract_strided_slice %max3A_91 {offsets = [142, 0], sizes = [1, 512], strides = [1, 1]} : vector<256x512xf32> to vector<1x512xf32>
    %mul3A_1242 = vector.broadcast %slice3A_1241 : vector<1x512xf32> to vector<32x512xf32>
    %mul3A_1243 = arith.mulf %slice3A_1240, %mul3A_1242 : vector<32x512xf32>
    %add3A_1244 = arith.addf %add3A_1239, %mul3A_1243 : vector<32x512xf32>
    %slice3A_1245 = vector.extract_strided_slice %get3A_96 {offsets = [288, 0], sizes = [32, 512], strides = [1, 1]} : vector<512x512xf32> to vector<32x512xf32>
    %slice3A_1246 = vector.extract_strided_slice %max3A_91 {offsets = [158, 0], sizes = [1, 512], strides = [1, 1]} : vector<256x512xf32> to vector<1x512xf32>
    %mul3A_1247 = vector.broadcast %slice3A_1246 : vector<1x512xf32> to vector<32x512xf32>
    %mul3A_1248 = arith.mulf %slice3A_1245, %mul3A_1247 : vector<32x512xf32>
    %add3A_1249 = arith.addf %add3A_1244, %mul3A_1248 : vector<32x512xf32>
    %slice3A_1250 = vector.extract_strided_slice %get3A_96 {offsets = [320, 0], sizes = [32, 512], strides = [1, 1]} : vector<512x512xf32> to vector<32x512xf32>
    %slice3A_1251 = vector.extract_strided_slice %max3A_91 {offsets = [174, 0], sizes = [1, 512], strides = [1, 1]} : vector<256x512xf32> to vector<1x512xf32>
    %mul3A_1252 = vector.broadcast %slice3A_1251 : vector<1x512xf32> to vector<32x512xf32>
    %mul3A_1253 = arith.mulf %slice3A_1250, %mul3A_1252 : vector<32x512xf32>
    %add3A_1254 = arith.addf %add3A_1249, %mul3A_1253 : vector<32x512xf32>
    %slice3A_1255 = vector.extract_strided_slice %get3A_96 {offsets = [352, 0], sizes = [32, 512], strides = [1, 1]} : vector<512x512xf32> to vector<32x512xf32>
    %slice3A_1256 = vector.extract_strided_slice %max3A_91 {offsets = [190, 0], sizes = [1, 512], strides = [1, 1]} : vector<256x512xf32> to vector<1x512xf32>
    %mul3A_1257 = vector.broadcast %slice3A_1256 : vector<1x512xf32> to vector<32x512xf32>
    %mul3A_1258 = arith.mulf %slice3A_1255, %mul3A_1257 : vector<32x512xf32>
    %add3A_1259 = arith.addf %add3A_1254, %mul3A_1258 : vector<32x512xf32>
    %slice3A_1260 = vector.extract_strided_slice %get3A_96 {offsets = [384, 0], sizes = [32, 512], strides = [1, 1]} : vector<512x512xf32> to vector<32x512xf32>
    %slice3A_1261 = vector.extract_strided_slice %max3A_91 {offsets = [206, 0], sizes = [1, 512], strides = [1, 1]} : vector<256x512xf32> to vector<1x512xf32>
    %mul3A_1262 = vector.broadcast %slice3A_1261 : vector<1x512xf32> to vector<32x512xf32>
    %mul3A_1263 = arith.mulf %slice3A_1260, %mul3A_1262 : vector<32x512xf32>
    %add3A_1264 = arith.addf %add3A_1259, %mul3A_1263 : vector<32x512xf32>
    %slice3A_1265 = vector.extract_strided_slice %get3A_96 {offsets = [416, 0], sizes = [32, 512], strides = [1, 1]} : vector<512x512xf32> to vector<32x512xf32>
    %slice3A_1266 = vector.extract_strided_slice %max3A_91 {offsets = [222, 0], sizes = [1, 512], strides = [1, 1]} : vector<256x512xf32> to vector<1x512xf32>
    %mul3A_1267 = vector.broadcast %slice3A_1266 : vector<1x512xf32> to vector<32x512xf32>
    %mul3A_1268 = arith.mulf %slice3A_1265, %mul3A_1267 : vector<32x512xf32>
    %add3A_1269 = arith.addf %add3A_1264, %mul3A_1268 : vector<32x512xf32>
    %slice3A_1270 = vector.extract_strided_slice %get3A_96 {offsets = [448, 0], sizes = [32, 512], strides = [1, 1]} : vector<512x512xf32> to vector<32x512xf32>
    %slice3A_1271 = vector.extract_strided_slice %max3A_91 {offsets = [238, 0], sizes = [1, 512], strides = [1, 1]} : vector<256x512xf32> to vector<1x512xf32>
    %mul3A_1272 = vector.broadcast %slice3A_1271 : vector<1x512xf32> to vector<32x512xf32>
    %mul3A_1273 = arith.mulf %slice3A_1270, %mul3A_1272 : vector<32x512xf32>
    %add3A_1274 = arith.addf %add3A_1269, %mul3A_1273 : vector<32x512xf32>
    %slice3A_1275 = vector.extract_strided_slice %get3A_96 {offsets = [480, 0], sizes = [32, 512], strides = [1, 1]} : vector<512x512xf32> to vector<32x512xf32>
    %slice3A_1276 = vector.extract_strided_slice %max3A_91 {offsets = [254, 0], sizes = [1, 512], strides = [1, 1]} : vector<256x512xf32> to vector<1x512xf32>
    %mul3A_1277 = vector.broadcast %slice3A_1276 : vector<1x512xf32> to vector<32x512xf32>
    %mul3A_1278 = arith.mulf %slice3A_1275, %mul3A_1277 : vector<32x512xf32>
    %add3A_1279 = arith.addf %add3A_1274, %mul3A_1278 : vector<32x512xf32>
    %slice3A_1280 = vector.extract_strided_slice %get3A_96 {offsets = [0, 0], sizes = [32, 512], strides = [1, 1]} : vector<512x512xf32> to vector<32x512xf32>
    %slice3A_1281 = vector.extract_strided_slice %max3A_91 {offsets = [15, 0], sizes = [1, 512], strides = [1, 1]} : vector<256x512xf32> to vector<1x512xf32>
    %mul3A_1282 = vector.broadcast %slice3A_1281 : vector<1x512xf32> to vector<32x512xf32>
    %mul3A_1283 = arith.mulf %slice3A_1280, %mul3A_1282 : vector<32x512xf32>
    %slice3A_1284 = vector.extract_strided_slice %get3A_96 {offsets = [32, 0], sizes = [32, 512], strides = [1, 1]} : vector<512x512xf32> to vector<32x512xf32>
    %slice3A_1285 = vector.extract_strided_slice %max3A_91 {offsets = [31, 0], sizes = [1, 512], strides = [1, 1]} : vector<256x512xf32> to vector<1x512xf32>
    %mul3A_1286 = vector.broadcast %slice3A_1285 : vector<1x512xf32> to vector<32x512xf32>
    %mul3A_1287 = arith.mulf %slice3A_1284, %mul3A_1286 : vector<32x512xf32>
    %add3A_1288 = arith.addf %mul3A_1283, %mul3A_1287 : vector<32x512xf32>
    %slice3A_1289 = vector.extract_strided_slice %get3A_96 {offsets = [64, 0], sizes = [32, 512], strides = [1, 1]} : vector<512x512xf32> to vector<32x512xf32>
    %slice3A_1290 = vector.extract_strided_slice %max3A_91 {offsets = [47, 0], sizes = [1, 512], strides = [1, 1]} : vector<256x512xf32> to vector<1x512xf32>
    %mul3A_1291 = vector.broadcast %slice3A_1290 : vector<1x512xf32> to vector<32x512xf32>
    %mul3A_1292 = arith.mulf %slice3A_1289, %mul3A_1291 : vector<32x512xf32>
    %add3A_1293 = arith.addf %add3A_1288, %mul3A_1292 : vector<32x512xf32>
    %slice3A_1294 = vector.extract_strided_slice %get3A_96 {offsets = [96, 0], sizes = [32, 512], strides = [1, 1]} : vector<512x512xf32> to vector<32x512xf32>
    %slice3A_1295 = vector.extract_strided_slice %max3A_91 {offsets = [63, 0], sizes = [1, 512], strides = [1, 1]} : vector<256x512xf32> to vector<1x512xf32>
    %mul3A_1296 = vector.broadcast %slice3A_1295 : vector<1x512xf32> to vector<32x512xf32>
    %mul3A_1297 = arith.mulf %slice3A_1294, %mul3A_1296 : vector<32x512xf32>
    %add3A_1298 = arith.addf %add3A_1293, %mul3A_1297 : vector<32x512xf32>
    %slice3A_1299 = vector.extract_strided_slice %get3A_96 {offsets = [128, 0], sizes = [32, 512], strides = [1, 1]} : vector<512x512xf32> to vector<32x512xf32>
    %slice3A_1300 = vector.extract_strided_slice %max3A_91 {offsets = [79, 0], sizes = [1, 512], strides = [1, 1]} : vector<256x512xf32> to vector<1x512xf32>
    %mul3A_1301 = vector.broadcast %slice3A_1300 : vector<1x512xf32> to vector<32x512xf32>
    %mul3A_1302 = arith.mulf %slice3A_1299, %mul3A_1301 : vector<32x512xf32>
    %add3A_1303 = arith.addf %add3A_1298, %mul3A_1302 : vector<32x512xf32>
    %slice3A_1304 = vector.extract_strided_slice %get3A_96 {offsets = [160, 0], sizes = [32, 512], strides = [1, 1]} : vector<512x512xf32> to vector<32x512xf32>
    %slice3A_1305 = vector.extract_strided_slice %max3A_91 {offsets = [95, 0], sizes = [1, 512], strides = [1, 1]} : vector<256x512xf32> to vector<1x512xf32>
    %mul3A_1306 = vector.broadcast %slice3A_1305 : vector<1x512xf32> to vector<32x512xf32>
    %mul3A_1307 = arith.mulf %slice3A_1304, %mul3A_1306 : vector<32x512xf32>
    %add3A_1308 = arith.addf %add3A_1303, %mul3A_1307 : vector<32x512xf32>
    %slice3A_1309 = vector.extract_strided_slice %get3A_96 {offsets = [192, 0], sizes = [32, 512], strides = [1, 1]} : vector<512x512xf32> to vector<32x512xf32>
    %slice3A_1310 = vector.extract_strided_slice %max3A_91 {offsets = [111, 0], sizes = [1, 512], strides = [1, 1]} : vector<256x512xf32> to vector<1x512xf32>
    %mul3A_1311 = vector.broadcast %slice3A_1310 : vector<1x512xf32> to vector<32x512xf32>
    %mul3A_1312 = arith.mulf %slice3A_1309, %mul3A_1311 : vector<32x512xf32>
    %add3A_1313 = arith.addf %add3A_1308, %mul3A_1312 : vector<32x512xf32>
    %slice3A_1314 = vector.extract_strided_slice %get3A_96 {offsets = [224, 0], sizes = [32, 512], strides = [1, 1]} : vector<512x512xf32> to vector<32x512xf32>
    %slice3A_1315 = vector.extract_strided_slice %max3A_91 {offsets = [127, 0], sizes = [1, 512], strides = [1, 1]} : vector<256x512xf32> to vector<1x512xf32>
    %mul3A_1316 = vector.broadcast %slice3A_1315 : vector<1x512xf32> to vector<32x512xf32>
    %mul3A_1317 = arith.mulf %slice3A_1314, %mul3A_1316 : vector<32x512xf32>
    %add3A_1318 = arith.addf %add3A_1313, %mul3A_1317 : vector<32x512xf32>
    %slice3A_1319 = vector.extract_strided_slice %get3A_96 {offsets = [256, 0], sizes = [32, 512], strides = [1, 1]} : vector<512x512xf32> to vector<32x512xf32>
    %slice3A_1320 = vector.extract_strided_slice %max3A_91 {offsets = [143, 0], sizes = [1, 512], strides = [1, 1]} : vector<256x512xf32> to vector<1x512xf32>
    %mul3A_1321 = vector.broadcast %slice3A_1320 : vector<1x512xf32> to vector<32x512xf32>
    %mul3A_1322 = arith.mulf %slice3A_1319, %mul3A_1321 : vector<32x512xf32>
    %add3A_1323 = arith.addf %add3A_1318, %mul3A_1322 : vector<32x512xf32>
    %slice3A_1324 = vector.extract_strided_slice %get3A_96 {offsets = [288, 0], sizes = [32, 512], strides = [1, 1]} : vector<512x512xf32> to vector<32x512xf32>
    %slice3A_1325 = vector.extract_strided_slice %max3A_91 {offsets = [159, 0], sizes = [1, 512], strides = [1, 1]} : vector<256x512xf32> to vector<1x512xf32>
    %mul3A_1326 = vector.broadcast %slice3A_1325 : vector<1x512xf32> to vector<32x512xf32>
    %mul3A_1327 = arith.mulf %slice3A_1324, %mul3A_1326 : vector<32x512xf32>
    %add3A_1328 = arith.addf %add3A_1323, %mul3A_1327 : vector<32x512xf32>
    %slice3A_1329 = vector.extract_strided_slice %get3A_96 {offsets = [320, 0], sizes = [32, 512], strides = [1, 1]} : vector<512x512xf32> to vector<32x512xf32>
    %slice3A_1330 = vector.extract_strided_slice %max3A_91 {offsets = [175, 0], sizes = [1, 512], strides = [1, 1]} : vector<256x512xf32> to vector<1x512xf32>
    %mul3A_1331 = vector.broadcast %slice3A_1330 : vector<1x512xf32> to vector<32x512xf32>
    %mul3A_1332 = arith.mulf %slice3A_1329, %mul3A_1331 : vector<32x512xf32>
    %add3A_1333 = arith.addf %add3A_1328, %mul3A_1332 : vector<32x512xf32>
    %slice3A_1334 = vector.extract_strided_slice %get3A_96 {offsets = [352, 0], sizes = [32, 512], strides = [1, 1]} : vector<512x512xf32> to vector<32x512xf32>
    %slice3A_1335 = vector.extract_strided_slice %max3A_91 {offsets = [191, 0], sizes = [1, 512], strides = [1, 1]} : vector<256x512xf32> to vector<1x512xf32>
    %mul3A_1336 = vector.broadcast %slice3A_1335 : vector<1x512xf32> to vector<32x512xf32>
    %mul3A_1337 = arith.mulf %slice3A_1334, %mul3A_1336 : vector<32x512xf32>
    %add3A_1338 = arith.addf %add3A_1333, %mul3A_1337 : vector<32x512xf32>
    %slice3A_1339 = vector.extract_strided_slice %get3A_96 {offsets = [384, 0], sizes = [32, 512], strides = [1, 1]} : vector<512x512xf32> to vector<32x512xf32>
    %slice3A_1340 = vector.extract_strided_slice %max3A_91 {offsets = [207, 0], sizes = [1, 512], strides = [1, 1]} : vector<256x512xf32> to vector<1x512xf32>
    %mul3A_1341 = vector.broadcast %slice3A_1340 : vector<1x512xf32> to vector<32x512xf32>
    %mul3A_1342 = arith.mulf %slice3A_1339, %mul3A_1341 : vector<32x512xf32>
    %add3A_1343 = arith.addf %add3A_1338, %mul3A_1342 : vector<32x512xf32>
    %slice3A_1344 = vector.extract_strided_slice %get3A_96 {offsets = [416, 0], sizes = [32, 512], strides = [1, 1]} : vector<512x512xf32> to vector<32x512xf32>
    %slice3A_1345 = vector.extract_strided_slice %max3A_91 {offsets = [223, 0], sizes = [1, 512], strides = [1, 1]} : vector<256x512xf32> to vector<1x512xf32>
    %mul3A_1346 = vector.broadcast %slice3A_1345 : vector<1x512xf32> to vector<32x512xf32>
    %mul3A_1347 = arith.mulf %slice3A_1344, %mul3A_1346 : vector<32x512xf32>
    %add3A_1348 = arith.addf %add3A_1343, %mul3A_1347 : vector<32x512xf32>
    %slice3A_1349 = vector.extract_strided_slice %get3A_96 {offsets = [448, 0], sizes = [32, 512], strides = [1, 1]} : vector<512x512xf32> to vector<32x512xf32>
    %slice3A_1350 = vector.extract_strided_slice %max3A_91 {offsets = [239, 0], sizes = [1, 512], strides = [1, 1]} : vector<256x512xf32> to vector<1x512xf32>
    %mul3A_1351 = vector.broadcast %slice3A_1350 : vector<1x512xf32> to vector<32x512xf32>
    %mul3A_1352 = arith.mulf %slice3A_1349, %mul3A_1351 : vector<32x512xf32>
    %add3A_1353 = arith.addf %add3A_1348, %mul3A_1352 : vector<32x512xf32>
    %slice3A_1354 = vector.extract_strided_slice %get3A_96 {offsets = [480, 0], sizes = [32, 512], strides = [1, 1]} : vector<512x512xf32> to vector<32x512xf32>
    %slice3A_1355 = vector.extract_strided_slice %max3A_91 {offsets = [255, 0], sizes = [1, 512], strides = [1, 1]} : vector<256x512xf32> to vector<1x512xf32>
    %mul3A_1356 = vector.broadcast %slice3A_1355 : vector<1x512xf32> to vector<32x512xf32>
    %mul3A_1357 = arith.mulf %slice3A_1354, %mul3A_1356 : vector<32x512xf32>
    %add3A_1358 = arith.addf %add3A_1353, %mul3A_1357 : vector<32x512xf32>
    %get3A_1359 = arith.constant 0 : index
    %get3A_1360 = arith.constant 0 : index
    %get3A_1361 = arith.constant 0 : index
    %get3A_1362 = vector.load %arg5[%get3A_1359, %get3A_1360, %get3A_1361] : memref<1x64x512xf32, #tpu.memory_space<vmem>>, vector<1x64x512xf32>
    %get3A_1363 = vector.shape_cast %get3A_1362 : vector<1x64x512xf32> to vector<64x512xf32>
    %concatenate3A = tpu.concatenate %add3A_173, %add3A_252, %add3A_331, %add3A_410, %add3A_489, %add3A_568, %add3A_647, %add3A_726, %add3A_805, %add3A_884, %add3A_963, %add3A_1042, %add3A_1121, %add3A_1200, %add3A_1279, %add3A_1358, %get3A_1363 in 0 : vector<32x512xf32>, vector<32x512xf32>, vector<32x512xf32>, vector<32x512xf32>, vector<32x512xf32>, vector<32x512xf32>, vector<32x512xf32>, vector<32x512xf32>, vector<32x512xf32>, vector<32x512xf32>, vector<32x512xf32>, vector<32x512xf32>, vector<32x512xf32>, vector<32x512xf32>, vector<32x512xf32>, vector<32x512xf32>, vector<64x512xf32> -> vector<576x512xf32>
    %get3A_1364 = arith.constant 0 : index
    %get3A_1365 = arith.constant 0 : index
    %get3A_1366 = vector.load %arg12[%get3A_1364, %get3A_1365] : memref<64x576xf32, #tpu.memory_space<vmem>>, vector<64x576xf32>
    %convert_element_type3A_1367 = arith.truncf %get3A_1366 : vector<64x576xf32> to vector<64x576xbf16>
    %convert_element_type3A_1368 = arith.extf %convert_element_type3A_1367 : vector<64x576xbf16> to vector<64x576xf32>
    %sub3A_1369 = arith.subf %get3A_1366, %convert_element_type3A_1368 : vector<64x576xf32>
    %convert_element_type3A_1370 = arith.truncf %sub3A_1369 : vector<64x576xf32> to vector<64x576xbf16>
    %convert_element_type3A_1371 = arith.truncf %concatenate3A : vector<576x512xf32> to vector<576x512xbf16>
    %convert_element_type3A_1372 = arith.extf %convert_element_type3A_1371 : vector<576x512xbf16> to vector<576x512xf32>
    %sub3A_1373 = arith.subf %concatenate3A, %convert_element_type3A_1372 : vector<576x512xf32>
    %convert_element_type3A_1374 = arith.truncf %sub3A_1373 : vector<576x512xf32> to vector<576x512xbf16>
    %dot_general3A_1375 = arith.constant dense<0.000000e+00> : vector<64x512xf32>
    %dot_general3A_1376 = tpu.matmul %convert_element_type3A_1367, %convert_element_type3A_1371, %dot_general3A_1375 {dimension_numbers = #tpu.dot_dimension_numbers<[1], [0], [0], [1], [0, 0, 1, 1], [], []>, transpose_lhs_hint = false} : vector<64x576xbf16>, vector<576x512xbf16>, vector<64x512xf32> -> vector<64x512xf32>
    %dot_general3A_1377 = arith.constant dense<0.000000e+00> : vector<64x512xf32>
    %dot_general3A_1378 = tpu.matmul %convert_element_type3A_1367, %convert_element_type3A_1374, %dot_general3A_1377 {dimension_numbers = #tpu.dot_dimension_numbers<[1], [0], [0], [1], [0, 0, 1, 1], [], []>, transpose_lhs_hint = false} : vector<64x576xbf16>, vector<576x512xbf16>, vector<64x512xf32> -> vector<64x512xf32>
    %dot_general3A_1379 = arith.constant dense<0.000000e+00> : vector<64x512xf32>
    %dot_general3A_1380 = tpu.matmul %convert_element_type3A_1370, %convert_element_type3A_1371, %dot_general3A_1379 {dimension_numbers = #tpu.dot_dimension_numbers<[1], [0], [0], [1], [0, 0, 1, 1], [], []>, transpose_lhs_hint = false} : vector<64x576xbf16>, vector<576x512xbf16>, vector<64x512xf32> -> vector<64x512xf32>
    %add3A_1381 = arith.addf %dot_general3A_1378, %dot_general3A_1380 : vector<64x512xf32>
    %add3A_1382 = arith.addf %dot_general3A_1376, %add3A_1381 : vector<64x512xf32>
    %swap3A = arith.constant 0 : index
    %swap3A_1383 = arith.constant 0 : index
    %swap3A_1384 = arith.constant 0 : index
    %swap3A_1385 = vector.load %arg13[%swap3A, %swap3A_1383, %swap3A_1384] : memref<1x64x512xf32, #tpu.memory_space<vmem>>, vector<1x64x512xf32>
    %swap3A_1386 = vector.shape_cast %swap3A_1385 : vector<1x64x512xf32> to vector<64x512xf32>
    %swap3A_1387 = vector.shape_cast %add3A_1382 : vector<64x512xf32> to vector<1x64x512xf32>
    tpu.vector_store %arg13[%swap3A, %swap3A_1383, %swap3A_1384], %swap3A_1387 {strides = array<i32>} : memref<1x64x512xf32, #tpu.memory_space<vmem>>, vector<1x64x512xf32>,
    %reduce_sum3A = arith.constant dense<0.000000e+00> : vector<64xf32>
    %reduce_sum3A_1388 = vector.multi_reduction <add>, %add3A_1382, %reduce_sum3A [1] : vector<64x512xf32> to vector<64xf32>
    %mul3A_1389 = arith.mulf %add3A_1382, %add3A_1382 : vector<64x512xf32>
    %reduce_sum3A_1390 = arith.constant dense<0.000000e+00> : vector<64xf32>
    %reduce_sum3A_1391 = vector.multi_reduction <add>, %mul3A_1389, %reduce_sum3A_1390 [1] : vector<64x512xf32> to vector<64xf32>
    %stack3A = vector.shape_cast %reduce_sum3A_1388 : vector<64xf32> to vector<1x64xf32>
    %stack3A_1392 = vector.shape_cast %reduce_sum3A_1391 : vector<64xf32> to vector<1x64xf32>
    %stack3A_1393 = tpu.concatenate %stack3A, %stack3A_1392 in 0 : vector<1x64xf32>, vector<1x64xf32> -> vector<2x64xf32>
    %convert_element_type3A_1394 = arith.extui %and3A : i1 to i32
    %cond3A = arith.constant 0 : i32
    %cond3A_1395 = arith.cmpi ne, %convert_element_type3A_1394, %cond3A : i32
    scf.if %cond3A_1395 {
      %broadcast_in_dim3A = arith.constant 0.000000e+00 : f32
      %broadcast_in_dim3A_1403 = vector.broadcast %broadcast_in_dim3A : f32 to vector<2x64xf32>
      %swap3A_1404 = arith.constant 0 : index
      %swap3A_1405 = arith.constant 0 : index
      %swap3A_1406 = vector.load %arg14[%swap3A_1404, %swap3A_1405] : memref<2x64xf32, #tpu.memory_space<vmem>>, vector<2x64xf32>
      tpu.vector_store %arg14[%swap3A_1404, %swap3A_1405], %broadcast_in_dim3A_1403 {strides = array<i32>} : memref<2x64xf32, #tpu.memory_space<vmem>>, vector<2x64xf32>,
    } else {
    }
    %get3A_1396 = arith.constant 0 : index
    %get3A_1397 = arith.constant 0 : index
    %get3A_1398 = vector.load %arg14[%get3A_1396, %get3A_1397] : memref<2x64xf32, #tpu.memory_space<vmem>>, vector<2x64xf32>
    %add3A_1399 = arith.addf %get3A_1398, %stack3A_1393 : vector<2x64xf32>
    %swap3A_1400 = arith.constant 0 : index
    %swap3A_1401 = arith.constant 0 : index
    %swap3A_1402 = vector.load %arg14[%swap3A_1400, %swap3A_1401] : memref<2x64xf32, #tpu.memory_space<vmem>>, vector<2x64xf32>
    tpu.vector_store %arg14[%swap3A_1400, %swap3A_1401], %add3A_1399 {strides = array<i32>} : memref<2x64xf32, #tpu.memory_space<vmem>>, vector<2x64xf32>,
    return
  }
  func.func @transform_0(%arg0: i32, %arg1: i32) -> (i32, i32, i32) {
    %c0_i32 = arith.constant 0 : i32
    %c0_i32_0 = arith.constant 0 : i32
    return %arg0, %c0_i32, %arg1 : i32, i32, i32
  }
  func.func @transform_1(%arg0: i32, %arg1: i32) -> (i32, i32, i32) {
    %c0_i32 = arith.constant 0 : i32
    %c0_i32_0 = arith.constant 0 : i32
    return %arg0, %c0_i32, %arg1 : i32, i32, i32
  }
  func.func @transform_2(%arg0: i32, %arg1: i32) -> (i32, i32, i32) {
    %c0_i32 = arith.constant 0 : i32
    %c0_i32_0 = arith.constant 0 : i32
    return %arg0, %c0_i32, %arg1 : i32, i32, i32
  }
  func.func @transform_3(%arg0: i32, %arg1: i32) -> (i32, i32, i32) {
    %c0_i32 = arith.constant 0 : i32
    %c0_i32_0 = arith.constant 0 : i32
    return %arg0, %c0_i32, %arg1 : i32, i32, i32
  }
  func.func @transform_4(%arg0: i32, %arg1: i32) -> (i32, i32) {
    %c0_i32 = arith.constant 0 : i32
    %c0_i32_0 = arith.constant 0 : i32
    %c0_i32_1 = arith.constant 0 : i32
    return %c0_i32, %c0_i32_0 : i32, i32
  }
  func.func @transform_5(%arg0: i32, %arg1: i32) -> (i32, i32) {
    %c0_i32 = arith.constant 0 : i32
    %c0_i32_0 = arith.constant 0 : i32
    %c0_i32_1 = arith.constant 0 : i32
    return %c0_i32, %c0_i32_0 : i32, i32
  }
  func.func @transform_6(%arg0: i32, %arg1: i32) -> (i32, i32) {
    %c0_i32 = arith.constant 0 : i32
    %c0_i32_0 = arith.constant 0 : i32
    %c0_i32_1 = arith.constant 0 : i32
    return %c0_i32, %c0_i32_0 : i32, i32
  }
  func.func @transform_7(%arg0: i32, %arg1: i32) -> (i32, i32) {
    %c0_i32 = arith.constant 0 : i32
    %c0_i32_0 = arith.constant 0 : i32
    %c0_i32_1 = arith.constant 0 : i32
    return %c0_i32, %c0_i32_0 : i32, i32
  }
  func.func @transform_8(%arg0: i32, %arg1: i32) -> (i32, i32) {
    %c0_i32 = arith.constant 0 : i32
    %c0_i32_0 = arith.constant 0 : i32
    %c0_i32_1 = arith.constant 0 : i32
    return %c0_i32, %c0_i32_0 : i32, i32
  }
  func.func @transform_9(%arg0: i32, %arg1: i32) -> (i32, i32) {
    %c0_i32 = arith.constant 0 : i32
    %c0_i32_0 = arith.constant 0 : i32
    %c0_i32_1 = arith.constant 0 : i32
    return %c0_i32, %c0_i32_0 : i32, i32
  }
  func.func @transform_10(%arg0: i32, %arg1: i32) -> (i32, i32) {
    %c0_i32 = arith.constant 0 : i32
    %c0_i32_0 = arith.constant 0 : i32
    %c0_i32_1 = arith.constant 0 : i32
    return %c0_i32, %c0_i32_0 : i32, i32
  }
  func.func @transform_11(%arg0: i32, %arg1: i32) -> (i32, i32, i32) {
    %c0_i32 = arith.constant 0 : i32
    %c0_i32_0 = arith.constant 0 : i32
    return %arg0, %c0_i32, %arg1 : i32, i32, i32
  }
  func.func @transform_12(%arg0: i32, %arg1: i32) -> (i32, i32) {
    %c0_i32 = arith.constant 0 : i32
    %c0_i32_0 = arith.constant 0 : i32
    %c0_i32_1 = arith.constant 0 : i32
    return %c0_i32, %c0_i32_0 : i32, i32
  }
}

module attributes {stable_mosaic.version = 14 : i64} {
  func.func @_final_body(%arg0: i32, %arg1: i32, %arg2: memref<1x64x512xf32, #tpu.memory_space<vmem>>, %arg3: memref<64x1xf32, #tpu.memory_space<vmem>>, %arg4: memref<64x1xf32, #tpu.memory_space<vmem>>, %arg5: memref<1x64x512xf32, #tpu.memory_space<vmem>>) attributes {dimension_semantics = [#tpu.dimension_semantics<arbitrary>, #tpu.dimension_semantics<arbitrary>], iteration_bounds = array<i64: 4, 16>, scalar_prefetch = 0 : i64, scratch_operands = 0 : i64, tpu.core_type = #tpu.core_type<tc>, window_params = [{transform_indices = @transform_0, window_bounds = array<i64: 1, 64, 512>}, {pipeline_mode = #tpu.pipeline_mode<synchronous>, transform_indices = @transform_1, window_bounds = array<i64: 64, 1>}, {pipeline_mode = #tpu.pipeline_mode<synchronous>, transform_indices = @transform_2, window_bounds = array<i64: 64, 1>}, {transform_indices = @transform_3, window_bounds = array<i64: 1, 64, 512>}]} {
    %get3A = arith.constant 0 : index
    %get3A_0 = arith.constant 0 : index
    %get3A_1 = arith.constant 0 : index
    %get3A_2 = vector.load %arg2[%get3A, %get3A_0, %get3A_1] : memref<1x64x512xf32, #tpu.memory_space<vmem>>, vector<1x64x512xf32>
    %get3A_3 = vector.shape_cast %get3A_2 : vector<1x64x512xf32> to vector<64x512xf32>
    %get3A_4 = arith.constant 0 : index
    %get3A_5 = arith.constant 0 : index
    %get3A_6 = vector.load %arg3[%get3A_4, %get3A_5] : memref<64x1xf32, #tpu.memory_space<vmem>>, vector<64x1xf32>
    %mul3A = vector.broadcast %get3A_6 : vector<64x1xf32> to vector<64x512xf32>
    %mul3A_7 = arith.mulf %get3A_3, %mul3A : vector<64x512xf32>
    %get3A_8 = arith.constant 0 : index
    %get3A_9 = arith.constant 0 : index
    %get3A_10 = vector.load %arg4[%get3A_8, %get3A_9] : memref<64x1xf32, #tpu.memory_space<vmem>>, vector<64x1xf32>
    %add3A = vector.broadcast %get3A_10 : vector<64x1xf32> to vector<64x512xf32>
    %add3A_11 = arith.addf %mul3A_7, %add3A : vector<64x512xf32>
    %max3A = arith.constant 0.000000e+00 : f32
    %max3A_12 = vector.broadcast %max3A : f32 to vector<64x512xf32>
    %max3A_13 = arith.maximumf %add3A_11, %max3A_12 : vector<64x512xf32>
    %swap3A = arith.constant 0 : index
    %swap3A_14 = arith.constant 0 : index
    %swap3A_15 = arith.constant 0 : index
    %swap3A_16 = vector.load %arg5[%swap3A, %swap3A_14, %swap3A_15] : memref<1x64x512xf32, #tpu.memory_space<vmem>>, vector<1x64x512xf32>
    %swap3A_17 = vector.shape_cast %swap3A_16 : vector<1x64x512xf32> to vector<64x512xf32>
    %swap3A_18 = vector.shape_cast %max3A_13 : vector<64x512xf32> to vector<1x64x512xf32>
    tpu.vector_store %arg5[%swap3A, %swap3A_14, %swap3A_15], %swap3A_18 {strides = array<i32>} : memref<1x64x512xf32, #tpu.memory_space<vmem>>, vector<1x64x512xf32>,
    return
  }
  func.func @transform_0(%arg0: i32, %arg1: i32) -> (i32, i32, i32) {
    %c0_i32 = arith.constant 0 : i32
    %c0_i32_0 = arith.constant 0 : i32
    return %arg0, %c0_i32, %arg1 : i32, i32, i32
  }
  func.func @transform_1(%arg0: i32, %arg1: i32) -> (i32, i32) {
    %c0_i32 = arith.constant 0 : i32
    %c0_i32_0 = arith.constant 0 : i32
    %c0_i32_1 = arith.constant 0 : i32
    return %c0_i32, %c0_i32_0 : i32, i32
  }
  func.func @transform_2(%arg0: i32, %arg1: i32) -> (i32, i32) {
    %c0_i32 = arith.constant 0 : i32
    %c0_i32_0 = arith.constant 0 : i32
    %c0_i32_1 = arith.constant 0 : i32
    return %c0_i32, %c0_i32_0 : i32, i32
  }
  func.func @transform_3(%arg0: i32, %arg1: i32) -> (i32, i32, i32) {
    %c0_i32 = arith.constant 0 : i32
    %c0_i32_0 = arith.constant 0 : i32
    return %arg0, %c0_i32, %arg1 : i32, i32, i32
  }
}

</mosaic_0001>

<sc_bundles>
// kernel: kernel.9.cloned.1.call-start
scs
__scs_entry_jumppad:
0x0: {  	(pc) =	sbr.rel $0x88, $3  }
0x1: {  	(tag) =	ssettag $0x0;
	lr =	simm.s32 $0x1  }
0x2: {  	[smem:$0x3F91] =	sst lr;
	_ =	strace $0xD0000000  }
0x3: {  	_ = 	snop  }
0x4: {  	_ = 	snop  }
0x5: {  	_ = 	snop  }
0x6: {  	_ = 	snop  }
0x7: {  	_ = 	snop  }
__scs_overlays_trampoline_lowered:
0x8: {  	[smem:$0x3FA0] =	sst s0  }
0x9: {  	[smem:$0x3FA1] =	sst s1  }
0xa: {  	[smem:$0x3FA2] =	sst s2  }
0xb: {  	[smem:$0x3FA3] =	sst s3  }
0xc: {  	[smem:$0x3FA4] =	sst s4  }
0xd: {  	[smem:$0x3FA5] =	sst s5  }
0xe: {  	[smem:$0x3FA6] =	sst s6  }
0xf: {  	[smem:$0x3FA7] =	sst s7  }
0x10: {  	[smem:$0x3FA8] =	sst s8  }
0x11: {  	[smem:$0x3FA9] =	sst s9;
	s0 =	simm.s32 @!p0 $0x0  }
0x12: {  	s1 =	sld [smem:$0x3F8F];
	s0 =	simm.s32 @p0 $0x1  }
0x13: {  	[smem:$0x3FAA] =	sst s0;
	s0 =	simm.s32 @!p1 $0x0  }
0x14: {  	s2 =	sld [smem:$0x3F8E];
	s0 =	simm.s32 @p1 $0x1  }
0x15: {  	[smem:$0x3FAB] =	sst s0;
	s0 =	simm.s32 @!p2 $0x0  }
0x16: {  	s3 =	sld [smem:$0x3FDB];
	s0 =	simm.s32 @p2 $0x1  }
0x17: {  	s4 =	simm.s32 $0x1BF5;
	[smem:$0x3FAD] =	sst s0  }
0x18: {  	s0 =	sld [smem:$0x3F90];
	_ =	swait.ge [sflag:s4], $0x0  }
0x19: {  	s7 =	sld [smem:$0x3F91]  }
0x1a: {  	s8 =	sadd.s32 $0xFFFFE003, lr  }
0x1b: {  	s9 =	sadd.s32 $0xFFFFFEF7, lr;
	s5 =	simm.s32 $0xFFFFFFFF;
	p2 =	slt.u32 s8, $0xFFFFF086  }
0x1c: {  	p1 =	slt.u32 s9, $0xF7A;
	s5 =	simm.s32 @!p2 $0x0  }
0x1d: {  	s5 =	simm.s32 @p1 $0x1;
	p0 =	seq.s32 s7, s2  }
0x1e: {  	s7 =	smul.u32 @!p0 $0xF7A, s2;
	p2 =	seq.s32 @!p0 s5, $0x0  }
0x1f: {  	s9 =	smul.u32 $0xF7A, s1;
	s8 =	simm.s32 @!p0 $0x1BF5;
	p2 =	por !p2, p0  }
0x20: {  	[sflag:s8] =	ssyncset.s32 @!p0 $0xFFFFF086;
	s6 =	sadd.s32 @!p0 s3, s7;
	s7 =	simm.s32 @!p0 $0x108  }
0x21: {  	s3 =	sadd.s32 s3, s9;
	s6 =	sadd.s32 @!p0 $0x88, s6;
	s7 =	simm.s32 @p2 $0x1082  }
0x22: {  	[simem:s7], [sflag:s8] =	dma.local @!p0 [hbm:s6], $0xF7A  }
0x23: {  	s9 =	sor.u32 $0xD0000000, s2;
	s6 =	simm.s32 $0x108;
	_ =	swait.ge @!p0 [sflag:s8], $0x0  }
0x24: {  	s3 =	sadd.s32 $0x88, s3;
	s6 =	simm.s32 @!p1 $0x1082;
	[sflag:s4] =	ssyncset.s32 $0xFFFFF086  }
0x25: {  	[simem:s6], [sflag:s4] =	dma.local [hbm:s3], $0xF7A  }
0x26: {  	[smem:$0x3F91] =	sst s1;
	(tag) =	ssettag s2;
	_ =	strace s9  }
0x27: {  	s1 =	sld [smem:$0x3FA1]  }
0x28: {  	s2 =	sld [smem:$0x3FA2]  }
0x29: {  	s4 =	sld [smem:$0x3FA4]  }
0x2a: {  	p0 =	seq.s32 s5, $0x0;
	s5 =	sld [smem:$0x3FA5]  }
0x2b: {  	s6 =	sld [smem:$0x3FA6]  }
0x2c: {  	s7 =	sld [smem:$0x3FA7]  }
0x2d: {  	s3 =	simm.s32 $0x108;
	s8 =	sld [smem:$0x3FA8]  }
0x2e: {  	s3 =	simm.s32 @!p0 $0x1082;
	s9 =	sld [smem:$0x3FA9]  }
0x2f: {  	lr =	sadd.s32 s0, s3;
	s0 =	sld [smem:$0x3FA0]  }
0x30: {  	s3 =	sld [smem:$0x3FA3]  }
0x31: {  	[smem:$0x3FAC] =	sst s10  }
0x32: {  	s10 =	sld [smem:$0x3FAA];
	_ =	sdelay $0x3  }
0x33: {  	p0 =	seq.s32 s10, $0x1;
	s10 =	sld [smem:$0x3FAC];
	_ =	sdelay $0x3  }
0x34: {  	[smem:$0x3FAC] =	sst s10  }
0x35: {  	s10 =	sld [smem:$0x3FAB];
	_ =	sdelay $0x3  }
0x36: {  	p1 =	seq.s32 s10, $0x1;
	s10 =	sld [smem:$0x3FAC];
	_ =	sdelay $0x3  }
0x37: {  	[smem:$0x3FAC] =	sst s10  }
0x38: {  	s10 =	sld [smem:$0x3FAD]  }
0x39: {  	_ = 	snop;
	(pc) =	sbr.ind lr, $3  }
0x3a: {  	_ = 	snop  }
0x3b: {  	_ = 	snop  }
0x3c: {  	p2 =	seq.s32 s10, $0x1;
	s10 =	sld [smem:$0x3FAC]  }
0x3d: {  	_ =	shalt  }
0x3e: {  	_ =	shalt  }
0x3f: {  	_ =	shalt  }
0x40: {  	_ =	shalt  }
0x41: {  	_ =	shalt  }
0x42: {  	_ =	shalt  }
0x43: {  	_ =	shalt  }
0x44: {  	_ =	shalt  }
0x45: {  	_ =	shalt  }
0x46: {  	_ =	shalt  }
0x47: {  	_ =	shalt  }
0x48: {  	_ =	shalt  }
0x49: {  	_ =	shalt  }
0x4a: {  	_ =	shalt  }
0x4b: {  	_ =	shalt  }
0x4c: {  	_ =	shalt  }
0x4d: {  	_ =	shalt  }
0x4e: {  	_ =	shalt  }
0x4f: {  	_ =	shalt  }
0x50: {  	_ =	shalt  }
0x51: {  	_ =	shalt  }
0x52: {  	_ =	shalt  }
0x53: {  	_ =	shalt  }
0x54: {  	_ =	shalt  }
0x55: {  	_ =	shalt  }
0x56: {  	_ =	shalt  }
0x57: {  	_ =	shalt  }
0x58: {  	_ =	shalt  }
0x59: {  	_ =	shalt  }
0x5a: {  	_ =	shalt  }
0x5b: {  	_ =	shalt  }
0x5c: {  	_ =	shalt  }
0x5d: {  	_ =	shalt  }
0x5e: {  	_ =	shalt  }
0x5f: {  	_ =	shalt  }
0x60: {  	_ =	shalt  }
0x61: {  	_ =	shalt  }
0x62: {  	_ =	shalt  }
0x63: {  	_ =	shalt  }
0x64: {  	_ =	shalt  }
0x65: {  	_ =	shalt  }
0x66: {  	_ =	shalt  }
0x67: {  	_ =	shalt  }
0x68: {  	_ =	shalt  }
0x69: {  	_ =	shalt  }
0x6a: {  	_ =	shalt  }
0x6b: {  	_ =	shalt  }
0x6c: {  	_ =	shalt  }
0x6d: {  	_ =	shalt  }
0x6e: {  	_ =	shalt  }
0x6f: {  	_ =	shalt  }
0x70: {  	_ =	shalt  }
0x71: {  	_ =	shalt  }
0x72: {  	_ =	shalt  }
0x73: {  	_ =	shalt  }
0x74: {  	_ =	shalt  }
0x75: {  	_ =	shalt  }
0x76: {  	_ =	shalt  }
0x77: {  	_ =	shalt  }
0x78: {  	_ =	shalt  }
0x79: {  	_ =	shalt  }
0x7a: {  	_ =	shalt  }
0x7b: {  	_ =	shalt  }
0x7c: {  	_ =	shalt  }
0x7d: {  	_ =	shalt  }
0x7e: {  	_ =	shalt  }
0x7f: {  	_ =	shalt  }
0x80: {  	_ =	shalt  }
0x81: {  	_ =	shalt  }
0x82: {  	_ =	shalt  }
0x83: {  	_ =	shalt  }
0x84: {  	_ =	shalt  }
0x85: {  	_ =	shalt  }
0x86: {  	_ =	shalt  }
0x87: {  	_ =	shalt  }
.Lfunc_end0:
.L_simem_size_0:
called_computation_lowered:
.L_overlay_start_0:
0x88: {  	s2 =	sld [smem:$0x3FD9]  }
0x89: {  	s3 =	sld [smem:$0x3FFE];
	_ =	sdelay $0x1  }
0x8a: {  	s1 =	srdreg.scid  }
0x8b: {  	s0 =	sand.u32 $0x1, s1  }
0x8c: {  	s16 =	sshll.u32 s0, $0xA;
	s2 =	sadd.s32 s3, s2  }
0x8d: {  	s2 =	sadd.s32 s2, s16  }
0x8e: {  	[smem:$0x3FB8] =	sst s2  }
0x8f: {  	_ = 	snop  }
0x90: {  	(tm) =	ssettm $0x1  }
0x91: {  	s17 =	sld [smem:$0x3FFB];
	_ =	sdelay $0x3  }
0x92: {  	_ =	strace s17  }
0x93: {  	s2 =	sld [smem:$0x3FFC];
	_ =	sdelay $0x3  }
0x94: {  	_ =	strace s2  }
0x95: {  	s2 =	sld [smem:$0x3FFD];
	_ =	sdelay $0x3  }
0x96: {  	_ =	strace s2  }
0x97: {  	_ =	strace $0x8FFFFFFF  }
0x98: {  	s18 =	sld [smem:$0x3FDB];
	_ =	sdelay $0x1  }
0x99: {  	s19 =	simm.s32 $_scs_section_size  }
0x9a: {  	s4 =	simm.s32 $_size__tile_overlayer_lowered;
	s5 =	simm.s32 $_tile_overlayer_lowered  }
0x9b: {  	s22 =	simm.s32 $0x1BFF;
	s21 =	sshll.u32 s5, $0x1;
	s2 =	sadd.s32 s19, s18  }
0x9c: {  	s6 =	simm.s32 $0x0;
	s20 =	sshll.u32 s4, $0x1;
	s4 =	sadd.s32 s21, s2  }
0x9d: {  	[timem:s6], [sflag:s22] =	dma.local [hbm:s4], s20  }
0x9e: {  	_ =	swait.ge [sflag:s22], s20  }
0x9f: {  	s3 =	ssub.s32 $0x0, s20;
	[sflag:s22] =	ssyncset.done $0x0  }
0xa0: {  	[sflag:s22] =	ssyncadd.s32 s3;
	_ =	sdelay $0x1  }
0xa1: {  	s23 =	simm.s32 $0x1B8B  }
0xa2: {  	_ =	swait.ge [sflag:s23], $0x1  }
0xa3: {  	[sflag:s23] =	ssyncset.done $0x0  }
0xa4: {  	s25 =	simm.s32 $0x1B8E;
	s24 =	sld [smem:$0x3FFE];
	[sflag:s23] =	ssyncadd.s32 $0xFFFFFFFF  }
0xa5: {  	s26 =	simm.s32 $execute0_lowered;
	[smem:$0x3FD2] =	sst s25  }
0xa6: {  	s4 =	sshll.u32 s26, $0x1;
	_ =	strace $0x80000046;
	[dreg:$0x1] =	wrdreg $0xFFFFFFFF  }
0xa7: {  	s28 =	simm.s32 $_size_execute0_lowered;
	s2 =	sadd.s32 s2, s4;
	[dreg:$0x0] =	wrdreg $0x0  }
0xa8: {  	s4 =	sshll.u32 s28, $0x1;
	[dreg:$0x2] =	wrdreg s2  }
0xa9: {  	[dreg:$0x3] =	wrdreg s4  }
0xaa: {  	[dreg:$0x4] =	wrdreg $0xC0  }
0xab: {  	_ =	task [dreg:s6], $0x5FFFF  }
0xac: {  	[dreg:$0x1] =	wrdreg $0xFFFFFFFF  }
0xad: {  	[dreg:$0x0] =	wrdreg $0x60  }
0xae: {  	[dreg:$0x2] =	wrdreg s24  }
0xaf: {  	[dreg:$0x3] =	wrdreg $0x9  }
0xb0: {  	_ =	task.clear_ibuf [dreg:s6], $0x4FFFF;
	_ =	strace $0x90000046  }
0xb1: {  	s29 =	simm.s32 $0x9;
	_ =	strace $0x80000048  }
0xb2: {  	_ =	swait.ge [sflag:s29], $0x1  }
0xb3: {  	[sflag:s29] =	ssyncadd.s32 $0xFFFFFFFF  }
0xb4: {  	_ =	strace $0x90000048  }
0xb5: {  	_ =	sfence  }
0xb6: {  	s30 =	sld [smem:$0x0];
	_ =	sdelay $0x2  }
0xb7: {  	s31 =	sshll.u32 s1, $0xD;
	s1 =	sshrl.u32 s1, $0x2  }
0xb8: {  	s3 =	sand.u32 $0x4000, s31;
	s1 =	sadd.s32 s1, s30  }
0xb9: {  	s0 =	sor.u32 s3, s0;
	s1 =	sshll.u32 s1, $0x11  }
0xba: {  	s0 =	sor.u32 s1, s0  }
0xbb: {  	s0 =	sadd.s32 $0x8F2B, s0  }
0xbc: {  	[sflag:s0] =	ssyncadd.remote.s32 $0x1  }
0xbd: {  	_ =	sfence.sel $0xFFFF  }
0xbe: {  	[dreg:$0x0] =	wrdreg $0xFFFFFFFF;
	(pc) =	sbr.abs _section_cstart, $3  }
0xbf: {  	[dreg:$0x1] =	wrdreg $0xFFFFFFFF  }
0xc0: {  	_ =	task.clear_ibuf [dreg:s6], $0x2FFFF;
	_ =	strace $0x9FFFFFFF  }
0xc1: {  	(tm) =	ssettm $0x7FFFFFFF  }
tec
execute0_lowered:
.L_overlay_start_1:
0x0: {  	(tag) =	ssettag $0x1  }
0x1: {  	s4 =	rddreg [dreg:$0x0]  }
0x2: {  	s0 =	rddreg [dreg:$0x1]  }
0x3: {  	s2 =	simm.s32 $0x0;
	s1 =	stileid.u32;
	s26 =	srdreg.scid  }
0x4: {  	s13 =	simm.s32 $0x11800;
	s14 =	simm.s32 $0x1000;
	s15 =	simm.s32 $0x10000  }
0x5: {  	s16 =	simm.s32 $0x11C00;
	s17 =	simm.s32 $0x15C00;
	s18 =	simm.s32 $0x0  }
0x6: {  	[smem:$0x7FF] =	sst s2;
	s7 =	sshrl.u32 s1, $0x2;
	s6 =	sshll.u32 s1, $0x1  }
0x7: {  	_ =	strace $0x80000047;
	s3 =	sshll.u32 s7, $0x4;
	s8 =	sshll.u32 s7, $0xE  }
0x8: {  	s6 =	sand.u32 $0x6, s6;
	s30 =	sshll.u32 s7, $0x16;
	s12 =	sshll.u32 s7, $0x13  }
0x9: {  	s5 =	sadd.s32 s3, s4;
	s3 =	sand.u32 $0x1, s26;
	s8 =	sadd.s32 s8, s4  }
0xa: {  	s9 =	ssub.s32 $0x2, s3;
	s10 =	sor.u32 s3, s6;
	s3 =	sadd.s32 $0x1B800, s4  }
0xb: {  	s4 =	sadd.s32 $0x5B800, s4;
	s5 =	sadd.s32 $0x2C00, s5;
	s28 =	sshrl.u32 s9, $0x1  }
0xc: {  	s11 =	sshll.u32 s10, $0xB;
	s31 =	sshll.u32 s10, $0x13;
	s10 =	sshll.u32 s10, $0x10  }
0xd: {  	s9 =	ssub.s32 s9, s28;
	s29 =	sadd.s32 s11, s8;
	s7 =	sor.u32 s30, s31  }
0xe: {  	s8 =	sor.u32 s12, s10;
	s10 =	simm.s32 $0x80;
	s11 =	simm.s32 $0x200  }
0xf: {  	s12 =	simm.s32 $0x1;
	s6 =	sadd.s32 $0xB800, s29;
	s9 =	smax.u32 s9, $0x1  }
.LBB2_1:
0x10: {  	[tilespmem:s2], [sflag:$0x1] =	stream.strided.gather [hbm4b:s5+s10], $0x11800, s11, s10, $0x38;
	[tilespmem:$0x16C00] =	vst v63  }
0x11: {  	_ =	swait.ge [sflag:s12], $0x11800  }
0x12: {  	[sflag:s12] =	ssyncset.done $0x0  }
0x13: {  	s19 =	simm.s32 $0x0;
	[sflag:s12] =	ssyncadd.s32 $0xFFFEE800  }
.LBB2_2:
0x14: {  	s20 =	sshll.u32 s19, $0x7  }
0x15: {  	s21 =	simm.s32 $0x0;
	s20 =	sadd.s32 s20, s6  }
0x16: {  	[tilespmem:s13], [sflag:$0x1] =	stream.linear.gather [hbm4b:s20+s21], $0x400, $0x38;
	[tilespmem:$0x16C00] =	vst v63  }
0x17: {  	s22 =	sand.u32 $0xC00, s21;
	_ =	swait.ge [sflag:s12], $0x400  }
0x18: {  	s29 =	sand.u32 $0x70, s21;
	s23 =	sshrl.u32 s22, $0x2;
	[sflag:s12] =	ssyncset.done $0x0  }
0x19: {  	s23 =	sor.u32 s29, s23;
	[sflag:s12] =	ssyncadd.s32 $0xFFFFFC00  }
0x1a: {  	v0 =	vld [tilespmem:s23+$0x11800];
	_ =	sdelay $0x7  }
0x1b: {  	v1 =	vld.idx.msk [tilespmem:v0+s2+$0x0], $0xffff  }
0x1c: {  	v2 =	vadd.s32 $0x800, v0;
	_ =	sdelay $0x2  }
0x1d: {  	s20 =	sor.u32 s29, s22  }
0x1e: {  	[tilespmem:s20+$0x15C00] =	vst v1  }
0x1f: {  	v1 =	vld.idx.msk [tilespmem:v2+s2+$0x0], $0xffff  }
0x20: {  	v2 =	vadd.s32 $0x1000, v0;
	_ =	sdelay $0x3  }
0x21: {  	[tilespmem:s20+$0x15C80] =	vst v1  }
0x22: {  	v1 =	vld.idx.msk [tilespmem:v2+s2+$0x0], $0xffff  }
0x23: {  	v2 =	vadd.s32 $0x1800, v0;
	_ =	sdelay $0x3  }
0x24: {  	[tilespmem:s20+$0x15D00] =	vst v1  }
0x25: {  	v1 =	vld.idx.msk [tilespmem:v2+s2+$0x0], $0xffff;
	_ =	sdelay $0x1  }
0x26: {  	v2 =	vadd.s32 $0x2000, v0;
	_ =	sdelay $0x1  }
0x27: {  	s21 =	sor.u32 s22, s21  }
0x28: {  	s21 =	sor.u32 $0x180, s21;
	[tilespmem:s20+$0x11C00] =	vst v1  }
0x29: {  	[tilespmem:s21+$0x15C00] =	vst v1  }
0x2a: {  	v1 =	vld.idx.msk [tilespmem:v2+s2+$0x0], $0xffff  }
0x2b: {  	v2 =	vadd.s32 $0x2800, v0;
	_ =	sdelay $0x3  }
0x2c: {  	[tilespmem:s20+$0x11C80] =	vst v1  }
0x2d: {  	v1 =	vld.idx.msk [tilespmem:v2+s2+$0x0], $0xffff  }
0x2e: {  	v2 =	vadd.s32 $0x3000, v0;
	_ =	sdelay $0x3  }
0x2f: {  	[tilespmem:s20+$0x11D00] =	vst v1  }
0x30: {  	v1 =	vld.idx.msk [tilespmem:v2+s2+$0x0], $0xffff  }
0x31: {  	v2 =	vadd.s32 $0x3800, v0;
	_ =	sdelay $0x3  }
0x32: {  	[tilespmem:s21+$0x11C00] =	vst v1  }
0x33: {  	v1 =	vld.idx.msk [tilespmem:v2+s2+$0x0], $0xffff  }
0x34: {  	v2 =	vadd.s32 $0x4000, v0;
	_ =	sdelay $0x2  }
0x35: {  	s30 =	sadd.s32 $0x11C00, s20  }
0x36: {  	[tilespmem:s30+$0x200] =	vst v1  }
0x37: {  	v1 =	vld.idx.msk [tilespmem:v2+s2+$0x0], $0xffff  }
0x38: {  	v2 =	vadd.s32 $0x4800, v0;
	_ =	sdelay $0x3  }
0x39: {  	[tilespmem:s30+$0x280] =	vst v1  }
0x3a: {  	v1 =	vld.idx.msk [tilespmem:v2+s2+$0x0], $0xffff  }
0x3b: {  	v2 =	vadd.s32 $0x5000, v0;
	_ =	sdelay $0x3  }
0x3c: {  	[tilespmem:s30+$0x300] =	vst v1  }
0x3d: {  	v1 =	vld.idx.msk [tilespmem:v2+s2+$0x0], $0xffff  }
0x3e: {  	v2 =	vadd.s32 $0x5800, v0;
	_ =	sdelay $0x3  }
0x3f: {  	[tilespmem:s30+$0x380] =	vst v1  }
0x40: {  	v1 =	vld.idx.msk [tilespmem:v2+s2+$0x0], $0xffff  }
0x41: {  	v2 =	vadd.s32 $0x6000, v0;
	_ =	sdelay $0x3  }
0x42: {  	[tilespmem:s20+$0x12C00] =	vst v1  }
0x43: {  	v1 =	vld.idx.msk [tilespmem:v2+s2+$0x0], $0xffff  }
0x44: {  	v2 =	vadd.s32 $0x6800, v0;
	_ =	sdelay $0x3  }
0x45: {  	[tilespmem:s20+$0x12C80] =	vst v1  }
0x46: {  	v1 =	vld.idx.msk [tilespmem:v2+s2+$0x0], $0xffff  }
0x47: {  	v2 =	vadd.s32 $0x7000, v0;
	_ =	sdelay $0x3  }
0x48: {  	[tilespmem:s20+$0x12D00] =	vst v1  }
0x49: {  	v1 =	vld.idx.msk [tilespmem:v2+s2+$0x0], $0xffff  }
0x4a: {  	v2 =	vadd.s32 $0x7800, v0;
	_ =	sdelay $0x3  }
0x4b: {  	[tilespmem:s20+$0x12D80] =	vst v1  }
0x4c: {  	v1 =	vld.idx.msk [tilespmem:v2+s2+$0x0], $0xffff  }
0x4d: {  	v2 =	vadd.s32 $0x8000, v0;
	_ =	sdelay $0x3  }
0x4e: {  	[tilespmem:s20+$0x12E00] =	vst v1  }
0x4f: {  	v1 =	vld.idx.msk [tilespmem:v2+s2+$0x0], $0xffff  }
0x50: {  	v2 =	vadd.s32 $0x8800, v0;
	_ =	sdelay $0x3  }
0x51: {  	[tilespmem:s20+$0x12E80] =	vst v1  }
0x52: {  	v1 =	vld.idx.msk [tilespmem:v2+s2+$0x0], $0xffff  }
0x53: {  	v2 =	vadd.s32 $0x9000, v0;
	_ =	sdelay $0x3  }
0x54: {  	[tilespmem:s20+$0x12F00] =	vst v1  }
0x55: {  	v1 =	vld.idx.msk [tilespmem:v2+s2+$0x0], $0xffff  }
0x56: {  	v2 =	vadd.s32 $0x9800, v0;
	_ =	sdelay $0x3  }
0x57: {  	[tilespmem:s20+$0x12F80] =	vst v1  }
0x58: {  	v1 =	vld.idx.msk [tilespmem:v2+s2+$0x0], $0xffff  }
0x59: {  	v2 =	vadd.s32 $0xA000, v0;
	_ =	sdelay $0x3  }
0x5a: {  	[tilespmem:s20+$0x13C00] =	vst v1  }
0x5b: {  	v1 =	vld.idx.msk [tilespmem:v2+s2+$0x0], $0xffff  }
0x5c: {  	v2 =	vadd.s32 $0xA800, v0;
	_ =	sdelay $0x3  }
0x5d: {  	[tilespmem:s20+$0x13C80] =	vst v1  }
0x5e: {  	v1 =	vld.idx.msk [tilespmem:v2+s2+$0x0], $0xffff  }
0x5f: {  	v2 =	vadd.s32 $0xB000, v0;
	_ =	sdelay $0x3  }
0x60: {  	[tilespmem:s20+$0x13D00] =	vst v1  }
0x61: {  	v1 =	vld.idx.msk [tilespmem:v2+s2+$0x0], $0xffff  }
0x62: {  	v2 =	vadd.s32 $0xB800, v0;
	_ =	sdelay $0x3  }
0x63: {  	[tilespmem:s20+$0x13D80] =	vst v1  }
0x64: {  	v1 =	vld.idx.msk [tilespmem:v2+s2+$0x0], $0xffff  }
0x65: {  	v2 =	vadd.s32 $0xC000, v0;
	_ =	sdelay $0x3  }
0x66: {  	[tilespmem:s20+$0x13E00] =	vst v1  }
0x67: {  	v1 =	vld.idx.msk [tilespmem:v2+s2+$0x0], $0xffff  }
0x68: {  	v2 =	vadd.s32 $0xC800, v0;
	_ =	sdelay $0x3  }
0x69: {  	[tilespmem:s20+$0x13E80] =	vst v1  }
0x6a: {  	v1 =	vld.idx.msk [tilespmem:v2+s2+$0x0], $0xffff  }
0x6b: {  	v2 =	vadd.s32 $0xD000, v0;
	_ =	sdelay $0x3  }
0x6c: {  	[tilespmem:s20+$0x13F00] =	vst v1  }
0x6d: {  	v1 =	vld.idx.msk [tilespmem:v2+s2+$0x0], $0xffff  }
0x6e: {  	v2 =	vadd.s32 $0xD800, v0;
	_ =	sdelay $0x3  }
0x6f: {  	[tilespmem:s20+$0x13F80] =	vst v1  }
0x70: {  	v1 =	vld.idx.msk [tilespmem:v2+s2+$0x0], $0xffff  }
0x71: {  	v2 =	vadd.s32 $0xE000, v0;
	_ =	sdelay $0x3  }
0x72: {  	[tilespmem:s20+$0x14C00] =	vst v1  }
0x73: {  	v1 =	vld.idx.msk [tilespmem:v2+s2+$0x0], $0xffff  }
0x74: {  	v2 =	vadd.s32 $0xE800, v0;
	_ =	sdelay $0x3  }
0x75: {  	[tilespmem:s20+$0x14C80] =	vst v1  }
0x76: {  	v1 =	vld.idx.msk [tilespmem:v2+s2+$0x0], $0xffff  }
0x77: {  	v2 =	vadd.s32 $0xF000, v0;
	_ =	sdelay $0x3  }
0x78: {  	[tilespmem:s20+$0x14D00] =	vst v1  }
0x79: {  	v1 =	vld.idx.msk [tilespmem:v2+s2+$0x0], $0xffff  }
0x7a: {  	v2 =	vadd.s32 $0xF800, v0;
	_ =	sdelay $0x3  }
0x7b: {  	[tilespmem:s20+$0x14D80] =	vst v1  }
0x7c: {  	v1 =	vld.idx.msk [tilespmem:v2+s2+$0x0], $0xffff  }
0x7d: {  	v2 =	vadd.s32 $0x10000, v0;
	_ =	sdelay $0x3  }
0x7e: {  	[tilespmem:s20+$0x14E00] =	vst v1  }
0x7f: {  	v1 =	vld.idx.msk [tilespmem:v2+s2+$0x0], $0xffff  }
0x80: {  	v2 =	vadd.s32 $0x10800, v0;
	_ =	sdelay $0x3  }
0x81: {  	[tilespmem:s20+$0x14E80] =	vst v1  }
0x82: {  	v1 =	vld.idx.msk [tilespmem:v2+s2+$0x0], $0xffff  }
0x83: {  	v0 =	vadd.s32 $0x11000, v0;
	_ =	sdelay $0x3  }
0x84: {  	[tilespmem:s20+$0x14F00] =	vst v1  }
0x85: {  	v0 =	vld.idx.msk [tilespmem:v0+s2+$0x0], $0xffff  }
0x86: {  	s31 =	simm.s32 $0x80;
	s22 =	simm.s32 $0x10  }
0x87: {  	s25 =	sand.u32 $0xC00, s31;
	s26 =	sand.u32 $0x70, s22  }
0x88: {  	s24 =	sor.u32 s25, s22;
	s23 =	sshrl.u32 s25, $0x2;
	s21 =	simm.s32 $0x100  }
.LBB2_3:
0x89: {  	p0 =	sne.s32 s21, $0xF80  }
0x8a: {  	s28 =	sor.u32 s26, s23;
	[tilespmem:s20+$0x14F80] =	vst v0;
	s23 =	smov.u32 s21;
	s21 =	sadd.s32 $0x80, s21  }
0x8b: {  	v0 =	vld [tilespmem:s28+$0x11800];
	_ =	sdelay $0x7  }
0x8c: {  	v1 =	vld.idx.msk [tilespmem:v0+s2+$0x0], $0xffff;
	_ =	sdelay $0x1  }
0x8d: {  	v2 =	vadd.s32 $0x800, v0;
	_ =	sdelay $0x2  }
0x8e: {  	s20 =	sor.u32 s26, s25  }
0x8f: {  	[tilespmem:s20+$0x15C00] =	vst v1  }
0x90: {  	v1 =	vld.idx.msk [tilespmem:v2+s2+$0x0], $0xffff;
	_ =	sdelay $0x1  }
0x91: {  	v2 =	vadd.s32 $0x1000, v0;
	_ =	sdelay $0x3  }
0x92: {  	[tilespmem:s20+$0x15C80] =	vst v1  }
0x93: {  	v1 =	vld.idx.msk [tilespmem:v2+s2+$0x0], $0xffff;
	_ =	sdelay $0x1  }
0x94: {  	v2 =	vadd.s32 $0x1800, v0;
	_ =	sdelay $0x3  }
0x95: {  	[tilespmem:s20+$0x15D00] =	vst v1  }
0x96: {  	v1 =	vld.idx.msk [tilespmem:v2+s2+$0x0], $0xffff;
	_ =	sdelay $0x2  }
0x97: {  	v2 =	vadd.s32 $0x2000, v0;
	_ =	sdelay $0x2  }
0x98: {  	s24 =	sor.u32 $0x180, s24;
	[tilespmem:s20+$0x11C00] =	vst v1  }
0x99: {  	[tilespmem:s24+$0x15C00] =	vst v1  }
0x9a: {  	v1 =	vld.idx.msk [tilespmem:v2+s2+$0x0], $0xffff;
	_ =	sdelay $0x1  }
0x9b: {  	v2 =	vadd.s32 $0x2800, v0;
	_ =	sdelay $0x3  }
0x9c: {  	[tilespmem:s20+$0x11C80] =	vst v1  }
0x9d: {  	v1 =	vld.idx.msk [tilespmem:v2+s2+$0x0], $0xffff;
	_ =	sdelay $0x1  }
0x9e: {  	v2 =	vadd.s32 $0x3000, v0;
	_ =	sdelay $0x3  }
0x9f: {  	[tilespmem:s20+$0x11D00] =	vst v1  }
0xa0: {  	v1 =	vld.idx.msk [tilespmem:v2+s2+$0x0], $0xffff;
	_ =	sdelay $0x1  }
0xa1: {  	v2 =	vadd.s32 $0x3800, v0;
	_ =	sdelay $0x3  }
0xa2: {  	[tilespmem:s24+$0x11C00] =	vst v1  }
0xa3: {  	v1 =	vld.idx.msk [tilespmem:v2+s2+$0x0], $0xffff;
	_ =	sdelay $0x1  }
0xa4: {  	v2 =	vadd.s32 $0x4000, v0;
	_ =	sdelay $0x2  }
0xa5: {  	s24 =	sadd.s32 $0x11C00, s20  }
0xa6: {  	[tilespmem:s24+$0x200] =	vst v1  }
0xa7: {  	v1 =	vld.idx.msk [tilespmem:v2+s2+$0x0], $0xffff;
	_ =	sdelay $0x1  }
0xa8: {  	v2 =	vadd.s32 $0x4800, v0;
	_ =	sdelay $0x3  }
0xa9: {  	[tilespmem:s24+$0x280] =	vst v1  }
0xaa: {  	v1 =	vld.idx.msk [tilespmem:v2+s2+$0x0], $0xffff;
	_ =	sdelay $0x1  }
0xab: {  	v2 =	vadd.s32 $0x5000, v0;
	_ =	sdelay $0x3  }
0xac: {  	[tilespmem:s24+$0x300] =	vst v1  }
0xad: {  	v1 =	vld.idx.msk [tilespmem:v2+s2+$0x0], $0xffff;
	_ =	sdelay $0x1  }
0xae: {  	v2 =	vadd.s32 $0x5800, v0;
	_ =	sdelay $0x3  }
0xaf: {  	[tilespmem:s24+$0x380] =	vst v1  }
0xb0: {  	v1 =	vld.idx.msk [tilespmem:v2+s2+$0x0], $0xffff;
	_ =	sdelay $0x1  }
0xb1: {  	v2 =	vadd.s32 $0x6000, v0;
	_ =	sdelay $0x3  }
0xb2: {  	[tilespmem:s20+$0x12C00] =	vst v1  }
0xb3: {  	v1 =	vld.idx.msk [tilespmem:v2+s2+$0x0], $0xffff;
	_ =	sdelay $0x1  }
0xb4: {  	v2 =	vadd.s32 $0x6800, v0;
	_ =	sdelay $0x3  }
0xb5: {  	[tilespmem:s20+$0x12C80] =	vst v1  }
0xb6: {  	v1 =	vld.idx.msk [tilespmem:v2+s2+$0x0], $0xffff;
	_ =	sdelay $0x1  }
0xb7: {  	v2 =	vadd.s32 $0x7000, v0;
	_ =	sdelay $0x3  }
0xb8: {  	[tilespmem:s20+$0x12D00] =	vst v1  }
0xb9: {  	v1 =	vld.idx.msk [tilespmem:v2+s2+$0x0], $0xffff;
	_ =	sdelay $0x1  }
0xba: {  	v2 =	vadd.s32 $0x7800, v0;
	_ =	sdelay $0x3  }
0xbb: {  	[tilespmem:s20+$0x12D80] =	vst v1  }
0xbc: {  	v1 =	vld.idx.msk [tilespmem:v2+s2+$0x0], $0xffff;
	_ =	sdelay $0x1  }
0xbd: {  	v2 =	vadd.s32 $0x8000, v0;
	_ =	sdelay $0x3  }
0xbe: {  	[tilespmem:s20+$0x12E00] =	vst v1  }
0xbf: {  	v1 =	vld.idx.msk [tilespmem:v2+s2+$0x0], $0xffff;
	_ =	sdelay $0x1  }
0xc0: {  	v2 =	vadd.s32 $0x8800, v0;
	_ =	sdelay $0x3  }
0xc1: {  	[tilespmem:s20+$0x12E80] =	vst v1  }
0xc2: {  	v1 =	vld.idx.msk [tilespmem:v2+s2+$0x0], $0xffff;
	_ =	sdelay $0x1  }
0xc3: {  	v2 =	vadd.s32 $0x9000, v0;
	_ =	sdelay $0x3  }
0xc4: {  	[tilespmem:s20+$0x12F00] =	vst v1  }
0xc5: {  	v1 =	vld.idx.msk [tilespmem:v2+s2+$0x0], $0xffff;
	_ =	sdelay $0x1  }
0xc6: {  	v2 =	vadd.s32 $0x9800, v0;
	_ =	sdelay $0x3  }
0xc7: {  	[tilespmem:s20+$0x12F80] =	vst v1  }
0xc8: {  	v1 =	vld.idx.msk [tilespmem:v2+s2+$0x0], $0xffff;
	_ =	sdelay $0x1  }
0xc9: {  	v2 =	vadd.s32 $0xA000, v0;
	_ =	sdelay $0x3  }
0xca: {  	[tilespmem:s20+$0x13C00] =	vst v1  }
0xcb: {  	v1 =	vld.idx.msk [tilespmem:v2+s2+$0x0], $0xffff;
	_ =	sdelay $0x1  }
0xcc: {  	v2 =	vadd.s32 $0xA800, v0;
	_ =	sdelay $0x3  }
0xcd: {  	[tilespmem:s20+$0x13C80] =	vst v1  }
0xce: {  	v1 =	vld.idx.msk [tilespmem:v2+s2+$0x0], $0xffff;
	_ =	sdelay $0x1  }
0xcf: {  	v2 =	vadd.s32 $0xB000, v0;
	_ =	sdelay $0x3  }
0xd0: {  	[tilespmem:s20+$0x13D00] =	vst v1  }
0xd1: {  	v1 =	vld.idx.msk [tilespmem:v2+s2+$0x0], $0xffff;
	_ =	sdelay $0x1  }
0xd2: {  	v2 =	vadd.s32 $0xB800, v0;
	_ =	sdelay $0x3  }
0xd3: {  	[tilespmem:s20+$0x13D80] =	vst v1  }
0xd4: {  	v1 =	vld.idx.msk [tilespmem:v2+s2+$0x0], $0xffff;
	_ =	sdelay $0x1  }
0xd5: {  	v2 =	vadd.s32 $0xC000, v0;
	_ =	sdelay $0x3  }
0xd6: {  	[tilespmem:s20+$0x13E00] =	vst v1  }
0xd7: {  	v1 =	vld.idx.msk [tilespmem:v2+s2+$0x0], $0xffff;
	_ =	sdelay $0x1  }
0xd8: {  	v2 =	vadd.s32 $0xC800, v0;
	_ =	sdelay $0x3  }
0xd9: {  	[tilespmem:s20+$0x13E80] =	vst v1  }
0xda: {  	v1 =	vld.idx.msk [tilespmem:v2+s2+$0x0], $0xffff;
	_ =	sdelay $0x1  }
0xdb: {  	v2 =	vadd.s32 $0xD000, v0;
	_ =	sdelay $0x3  }
0xdc: {  	[tilespmem:s20+$0x13F00] =	vst v1  }
0xdd: {  	v1 =	vld.idx.msk [tilespmem:v2+s2+$0x0], $0xffff;
	_ =	sdelay $0x1  }
0xde: {  	v2 =	vadd.s32 $0xD800, v0;
	_ =	sdelay $0x3  }
0xdf: {  	[tilespmem:s20+$0x13F80] =	vst v1  }
0xe0: {  	v1 =	vld.idx.msk [tilespmem:v2+s2+$0x0], $0xffff;
	_ =	sdelay $0x1  }
0xe1: {  	v2 =	vadd.s32 $0xE000, v0;
	_ =	sdelay $0x3  }
0xe2: {  	[tilespmem:s20+$0x14C00] =	vst v1  }
0xe3: {  	v1 =	vld.idx.msk [tilespmem:v2+s2+$0x0], $0xffff;
	_ =	sdelay $0x1  }
0xe4: {  	v2 =	vadd.s32 $0xE800, v0;
	_ =	sdelay $0x3  }
0xe5: {  	[tilespmem:s20+$0x14C80] =	vst v1  }
0xe6: {  	v1 =	vld.idx.msk [tilespmem:v2+s2+$0x0], $0xffff;
	_ =	sdelay $0x1  }
0xe7: {  	v2 =	vadd.s32 $0xF000, v0;
	_ =	sdelay $0x3  }
0xe8: {  	[tilespmem:s20+$0x14D00] =	vst v1  }
0xe9: {  	v1 =	vld.idx.msk [tilespmem:v2+s2+$0x0], $0xffff;
	_ =	sdelay $0x1  }
0xea: {  	v2 =	vadd.s32 $0xF800, v0;
	_ =	sdelay $0x3  }
0xeb: {  	[tilespmem:s20+$0x14D80] =	vst v1  }
0xec: {  	v1 =	vld.idx.msk [tilespmem:v2+s2+$0x0], $0xffff;
	_ =	sdelay $0x1  }
0xed: {  	v2 =	vadd.s32 $0x10000, v0;
	_ =	sdelay $0x3  }
0xee: {  	[tilespmem:s20+$0x14E00] =	vst v1  }
0xef: {  	v1 =	vld.idx.msk [tilespmem:v2+s2+$0x0], $0xffff;
	_ =	sdelay $0x1  }
0xf0: {  	v2 =	vadd.s32 $0x10800, v0;
	_ =	sdelay $0x3  }
0xf1: {  	[tilespmem:s20+$0x14E80] =	vst v1  }
0xf2: {  	v1 =	vld.idx.msk [tilespmem:v2+s2+$0x0], $0xffff;
	_ =	sdelay $0x1  }
0xf3: {  	v0 =	vadd.s32 $0x11000, v0;
	_ =	sdelay $0x3  }
0xf4: {  	[tilespmem:s20+$0x14F00] =	vst v1  }
0xf5: {  	v0 =	vld.idx.msk [tilespmem:v0+s2+$0x0], $0xffff  }
.Ltmp0:
0xf6: {  	(pc) =	sbr.rel @p0 .LBB2_3-.Ltmp0, $3  }
0xf7: {  	_ =	sdelay $0x1  }
0xf8: {  	s22 =	sadd.s32 $0x10, s22;
	s25 =	sand.u32 $0xC00, s23  }
0xf9: {  	s26 =	sand.u32 $0x70, s22;
	s23 =	sshrl.u32 s25, $0x2;
	s24 =	sor.u32 s25, s22  }
0xfa: {  	s21 =	sor.u32 s26, s23;
	[tilespmem:s20+$0x14F80] =	vst v0  }
0xfb: {  	v0 =	vld [tilespmem:s21+$0x11800];
	_ =	sdelay $0x7  }
0xfc: {  	v1 =	vld.idx.msk [tilespmem:v0+s2+$0x0], $0xffff  }
0xfd: {  	v2 =	vadd.s32 $0x800, v0;
	_ =	sdelay $0x2  }
0xfe: {  	s22 =	sor.u32 s26, s25  }
0xff: {  	[tilespmem:s22+$0x15C00] =	vst v1  }
0x100: {  	v1 =	vld.idx.msk [tilespmem:v2+s2+$0x0], $0xffff  }
0x101: {  	v2 =	vadd.s32 $0x1000, v0;
	_ =	sdelay $0x3  }
0x102: {  	[tilespmem:s22+$0x15C80] =	vst v1  }
0x103: {  	v1 =	vld.idx.msk [tilespmem:v2+s2+$0x0], $0xffff  }
0x104: {  	v2 =	vadd.s32 $0x1800, v0;
	_ =	sdelay $0x3  }
0x105: {  	[tilespmem:s22+$0x15D00] =	vst v1  }
0x106: {  	v1 =	vld.idx.msk [tilespmem:v2+s2+$0x0], $0xffff;
	_ =	sdelay $0x1  }
0x107: {  	v2 =	vadd.s32 $0x2000, v0;
	_ =	sdelay $0x2  }
0x108: {  	s21 =	sor.u32 $0x180, s24;
	[tilespmem:s22+$0x11C00] =	vst v1  }
0x109: {  	[tilespmem:s21+$0x15C00] =	vst v1  }
0x10a: {  	v1 =	vld.idx.msk [tilespmem:v2+s2+$0x0], $0xffff  }
0x10b: {  	v2 =	vadd.s32 $0x2800, v0;
	_ =	sdelay $0x3  }
0x10c: {  	[tilespmem:s22+$0x11C80] =	vst v1  }
0x10d: {  	v1 =	vld.idx.msk [tilespmem:v2+s2+$0x0], $0xffff  }
0x10e: {  	v2 =	vadd.s32 $0x3000, v0;
	_ =	sdelay $0x3  }
0x10f: {  	[tilespmem:s22+$0x11D00] =	vst v1  }
0x110: {  	v1 =	vld.idx.msk [tilespmem:v2+s2+$0x0], $0xffff  }
0x111: {  	v2 =	vadd.s32 $0x3800, v0;
	_ =	sdelay $0x3  }
0x112: {  	[tilespmem:s21+$0x11C00] =	vst v1  }
0x113: {  	v1 =	vld.idx.msk [tilespmem:v2+s2+$0x0], $0xffff  }
0x114: {  	v2 =	vadd.s32 $0x4000, v0;
	_ =	sdelay $0x2  }
0x115: {  	s23 =	sadd.s32 $0x11C00, s22  }
0x116: {  	[tilespmem:s23+$0x200] =	vst v1  }
0x117: {  	v1 =	vld.idx.msk [tilespmem:v2+s2+$0x0], $0xffff  }
0x118: {  	v2 =	vadd.s32 $0x4800, v0;
	_ =	sdelay $0x3  }
0x119: {  	[tilespmem:s23+$0x280] =	vst v1  }
0x11a: {  	v1 =	vld.idx.msk [tilespmem:v2+s2+$0x0], $0xffff  }
0x11b: {  	v2 =	vadd.s32 $0x5000, v0;
	_ =	sdelay $0x3  }
0x11c: {  	[tilespmem:s23+$0x300] =	vst v1  }
0x11d: {  	v1 =	vld.idx.msk [tilespmem:v2+s2+$0x0], $0xffff  }
0x11e: {  	v2 =	vadd.s32 $0x5800, v0;
	_ =	sdelay $0x3  }
0x11f: {  	[tilespmem:s23+$0x380] =	vst v1  }
0x120: {  	v1 =	vld.idx.msk [tilespmem:v2+s2+$0x0], $0xffff  }
0x121: {  	v2 =	vadd.s32 $0x6000, v0;
	_ =	sdelay $0x3  }
0x122: {  	[tilespmem:s22+$0x12C00] =	vst v1  }
0x123: {  	v1 =	vld.idx.msk [tilespmem:v2+s2+$0x0], $0xffff  }
0x124: {  	v2 =	vadd.s32 $0x6800, v0;
	_ =	sdelay $0x3  }
0x125: {  	[tilespmem:s22+$0x12C80] =	vst v1  }
0x126: {  	v1 =	vld.idx.msk [tilespmem:v2+s2+$0x0], $0xffff  }
0x127: {  	v2 =	vadd.s32 $0x7000, v0;
	_ =	sdelay $0x3  }
0x128: {  	[tilespmem:s22+$0x12D00] =	vst v1  }
0x129: {  	v1 =	vld.idx.msk [tilespmem:v2+s2+$0x0], $0xffff  }
0x12a: {  	v2 =	vadd.s32 $0x7800, v0;
	_ =	sdelay $0x3  }
0x12b: {  	[tilespmem:s22+$0x12D80] =	vst v1  }
0x12c: {  	v1 =	vld.idx.msk [tilespmem:v2+s2+$0x0], $0xffff  }
0x12d: {  	v2 =	vadd.s32 $0x8000, v0;
	_ =	sdelay $0x3  }
0x12e: {  	[tilespmem:s22+$0x12E00] =	vst v1  }
0x12f: {  	v1 =	vld.idx.msk [tilespmem:v2+s2+$0x0], $0xffff  }
0x130: {  	v2 =	vadd.s32 $0x8800, v0;
	_ =	sdelay $0x3  }
0x131: {  	[tilespmem:s22+$0x12E80] =	vst v1  }
0x132: {  	v1 =	vld.idx.msk [tilespmem:v2+s2+$0x0], $0xffff  }
0x133: {  	v2 =	vadd.s32 $0x9000, v0;
	_ =	sdelay $0x3  }
0x134: {  	[tilespmem:s22+$0x12F00] =	vst v1  }
0x135: {  	v1 =	vld.idx.msk [tilespmem:v2+s2+$0x0], $0xffff  }
0x136: {  	v2 =	vadd.s32 $0x9800, v0;
	_ =	sdelay $0x3  }
0x137: {  	[tilespmem:s22+$0x12F80] =	vst v1  }
0x138: {  	v1 =	vld.idx.msk [tilespmem:v2+s2+$0x0], $0xffff  }
0x139: {  	v2 =	vadd.s32 $0xA000, v0;
	_ =	sdelay $0x3  }
0x13a: {  	[tilespmem:s22+$0x13C00] =	vst v1  }
0x13b: {  	v1 =	vld.idx.msk [tilespmem:v2+s2+$0x0], $0xffff  }
0x13c: {  	v2 =	vadd.s32 $0xA800, v0;
	_ =	sdelay $0x3  }
0x13d: {  	[tilespmem:s22+$0x13C80] =	vst v1  }
0x13e: {  	v1 =	vld.idx.msk [tilespmem:v2+s2+$0x0], $0xffff  }
0x13f: {  	v2 =	vadd.s32 $0xB000, v0;
	_ =	sdelay $0x3  }
0x140: {  	[tilespmem:s22+$0x13D00] =	vst v1  }
0x141: {  	v1 =	vld.idx.msk [tilespmem:v2+s2+$0x0], $0xffff  }
0x142: {  	v2 =	vadd.s32 $0xB800, v0;
	_ =	sdelay $0x3  }
0x143: {  	[tilespmem:s22+$0x13D80] =	vst v1  }
0x144: {  	v1 =	vld.idx.msk [tilespmem:v2+s2+$0x0], $0xffff  }
0x145: {  	v2 =	vadd.s32 $0xC000, v0;
	_ =	sdelay $0x3  }
0x146: {  	[tilespmem:s22+$0x13E00] =	vst v1  }
0x147: {  	v1 =	vld.idx.msk [tilespmem:v2+s2+$0x0], $0xffff  }
0x148: {  	v2 =	vadd.s32 $0xC800, v0;
	_ =	sdelay $0x3  }
0x149: {  	[tilespmem:s22+$0x13E80] =	vst v1  }
0x14a: {  	v1 =	vld.idx.msk [tilespmem:v2+s2+$0x0], $0xffff  }
0x14b: {  	v2 =	vadd.s32 $0xD000, v0;
	_ =	sdelay $0x3  }
0x14c: {  	[tilespmem:s22+$0x13F00] =	vst v1  }
0x14d: {  	v1 =	vld.idx.msk [tilespmem:v2+s2+$0x0], $0xffff  }
0x14e: {  	v2 =	vadd.s32 $0xD800, v0;
	_ =	sdelay $0x3  }
0x14f: {  	[tilespmem:s22+$0x13F80] =	vst v1  }
0x150: {  	v1 =	vld.idx.msk [tilespmem:v2+s2+$0x0], $0xffff  }
0x151: {  	v2 =	vadd.s32 $0xE000, v0;
	_ =	sdelay $0x3  }
0x152: {  	[tilespmem:s22+$0x14C00] =	vst v1  }
0x153: {  	v1 =	vld.idx.msk [tilespmem:v2+s2+$0x0], $0xffff  }
0x154: {  	v2 =	vadd.s32 $0xE800, v0;
	_ =	sdelay $0x3  }
0x155: {  	[tilespmem:s22+$0x14C80] =	vst v1  }
0x156: {  	v1 =	vld.idx.msk [tilespmem:v2+s2+$0x0], $0xffff  }
0x157: {  	v2 =	vadd.s32 $0xF000, v0;
	_ =	sdelay $0x3  }
0x158: {  	[tilespmem:s22+$0x14D00] =	vst v1  }
0x159: {  	v1 =	vld.idx.msk [tilespmem:v2+s2+$0x0], $0xffff  }
0x15a: {  	v2 =	vadd.s32 $0xF800, v0;
	_ =	sdelay $0x3  }
0x15b: {  	[tilespmem:s22+$0x14D80] =	vst v1  }
0x15c: {  	v1 =	vld.idx.msk [tilespmem:v2+s2+$0x0], $0xffff  }
0x15d: {  	v2 =	vadd.s32 $0x10000, v0;
	_ =	sdelay $0x3  }
0x15e: {  	[tilespmem:s22+$0x14E00] =	vst v1  }
0x15f: {  	v1 =	vld.idx.msk [tilespmem:v2+s2+$0x0], $0xffff  }
0x160: {  	v2 =	vadd.s32 $0x10800, v0;
	_ =	sdelay $0x3  }
0x161: {  	[tilespmem:s22+$0x14E80] =	vst v1  }
0x162: {  	v1 =	vld.idx.msk [tilespmem:v2+s2+$0x0], $0xffff  }
0x163: {  	v0 =	vadd.s32 $0x11000, v0;
	_ =	sdelay $0x3  }
0x164: {  	[tilespmem:s22+$0x14F00] =	vst v1  }
0x165: {  	v0 =	vld.idx.msk [tilespmem:v0+s2+$0x0], $0xffff;
	_ =	sdelay $0x1  }
0x166: {  	s20 =	sshll.u32 s19, $0xC  }
0x167: {  	s24 =	sor.u32 s20, s7  }
0x168: {  	s21 =	sshrl.u32 s24, $0x3  }
0x169: {  	s25 =	sadd.s32 s4, s21;
	s23 =	simm.s32 $0x0;
	[tilespmem:s22+$0x14F80] =	vst v0  }
0x16a: {  	[hbm4b:s25+s14] =	stream.strided.scatter [tilespmem:s16], [sflag:$0x1], $0x4000, s15, s14, $0x38;
	[tilespmem:$0x16C00] =	vst v63  }
0x16b: {  	s26 =	sand.u32 $0xC00, s23;
	_ =	swait.ge [sflag:s12], $0x4000  }
0x16c: {  	s30 =	sand.u32 $0x70, s23;
	s31 =	sshrl.u32 s26, $0x2;
	[sflag:s12] =	ssyncset.done $0x0  }
0x16d: {  	s25 =	sor.u32 s30, s31;
	[sflag:s12] =	ssyncadd.s32 $0xFFFFC000  }
0x16e: {  	v0 =	vld [tilespmem:s25+$0x11880];
	_ =	sdelay $0x7  }
0x16f: {  	v1 =	vld.idx.msk [tilespmem:v0+s2+$0x0], $0xffff  }
0x170: {  	v2 =	vadd.s32 $0x800, v0;
	_ =	sdelay $0x2  }
0x171: {  	s22 =	sor.u32 s30, s26  }
0x172: {  	[tilespmem:s22+$0x15E00] =	vst v1  }
0x173: {  	v1 =	vld.idx.msk [tilespmem:v2+s2+$0x0], $0xffff  }
0x174: {  	v2 =	vadd.s32 $0x1000, v0;
	_ =	sdelay $0x3  }
0x175: {  	[tilespmem:s22+$0x15E80] =	vst v1  }
0x176: {  	v1 =	vld.idx.msk [tilespmem:v2+s2+$0x0], $0xffff  }
0x177: {  	v2 =	vadd.s32 $0x1800, v0;
	_ =	sdelay $0x3  }
0x178: {  	[tilespmem:s22+$0x15F00] =	vst v1  }
0x179: {  	v1 =	vld.idx.msk [tilespmem:v2+s2+$0x0], $0xffff;
	_ =	sdelay $0x1  }
0x17a: {  	v2 =	vadd.s32 $0x2000, v0;
	_ =	sdelay $0x1  }
0x17b: {  	s23 =	sor.u32 s23, s23  }
0x17c: {  	s23 =	sor.u32 $0x380, s23;
	[tilespmem:s22+$0x11C00] =	vst v1  }
0x17d: {  	[tilespmem:s23+$0x15C00] =	vst v1  }
0x17e: {  	v1 =	vld.idx.msk [tilespmem:v2+s2+$0x0], $0xffff  }
0x17f: {  	v2 =	vadd.s32 $0x2800, v0;
	_ =	sdelay $0x2  }
0x180: {  	s24 =	sadd.s32 $0x11C00, s22  }
0x181: {  	[tilespmem:s24+$0x80] =	vst v1  }
0x182: {  	v1 =	vld.idx.msk [tilespmem:v2+s2+$0x0], $0xffff  }
0x183: {  	v2 =	vadd.s32 $0x3000, v0;
	_ =	sdelay $0x3  }
0x184: {  	[tilespmem:s24+$0x100] =	vst v1  }
0x185: {  	v1 =	vld.idx.msk [tilespmem:v2+s2+$0x0], $0xffff  }
0x186: {  	v2 =	vadd.s32 $0x3800, v0;
	_ =	sdelay $0x3  }
0x187: {  	[tilespmem:s24+$0x180] =	vst v1  }
0x188: {  	v1 =	vld.idx.msk [tilespmem:v2+s2+$0x0], $0xffff  }
0x189: {  	v2 =	vadd.s32 $0x4000, v0;
	_ =	sdelay $0x3  }
0x18a: {  	[tilespmem:s22+$0x11E00] =	vst v1  }
0x18b: {  	v1 =	vld.idx.msk [tilespmem:v2+s2+$0x0], $0xffff  }
0x18c: {  	v2 =	vadd.s32 $0x4800, v0;
	_ =	sdelay $0x3  }
0x18d: {  	[tilespmem:s22+$0x11E80] =	vst v1  }
0x18e: {  	v1 =	vld.idx.msk [tilespmem:v2+s2+$0x0], $0xffff  }
0x18f: {  	v2 =	vadd.s32 $0x5000, v0;
	_ =	sdelay $0x3  }
0x190: {  	[tilespmem:s22+$0x11F00] =	vst v1  }
0x191: {  	v1 =	vld.idx.msk [tilespmem:v2+s2+$0x0], $0xffff  }
0x192: {  	v2 =	vadd.s32 $0x5800, v0;
	_ =	sdelay $0x3  }
0x193: {  	[tilespmem:s23+$0x11C00] =	vst v1  }
0x194: {  	v1 =	vld.idx.msk [tilespmem:v2+s2+$0x0], $0xffff  }
0x195: {  	v2 =	vadd.s32 $0x6000, v0;
	_ =	sdelay $0x3  }
0x196: {  	[tilespmem:s22+$0x12C00] =	vst v1  }
0x197: {  	v1 =	vld.idx.msk [tilespmem:v2+s2+$0x0], $0xffff  }
0x198: {  	v2 =	vadd.s32 $0x6800, v0;
	_ =	sdelay $0x3  }
0x199: {  	[tilespmem:s22+$0x12C80] =	vst v1  }
0x19a: {  	v1 =	vld.idx.msk [tilespmem:v2+s2+$0x0], $0xffff  }
0x19b: {  	v2 =	vadd.s32 $0x7000, v0;
	_ =	sdelay $0x3  }
0x19c: {  	[tilespmem:s22+$0x12D00] =	vst v1  }
0x19d: {  	v1 =	vld.idx.msk [tilespmem:v2+s2+$0x0], $0xffff  }
0x19e: {  	v2 =	vadd.s32 $0x7800, v0;
	_ =	sdelay $0x3  }
0x19f: {  	[tilespmem:s22+$0x12D80] =	vst v1  }
0x1a0: {  	v1 =	vld.idx.msk [tilespmem:v2+s2+$0x0], $0xffff  }
0x1a1: {  	v2 =	vadd.s32 $0x8000, v0;
	_ =	sdelay $0x3  }
0x1a2: {  	[tilespmem:s22+$0x12E00] =	vst v1  }
0x1a3: {  	v1 =	vld.idx.msk [tilespmem:v2+s2+$0x0], $0xffff  }
0x1a4: {  	v2 =	vadd.s32 $0x8800, v0;
	_ =	sdelay $0x3  }
0x1a5: {  	[tilespmem:s22+$0x12E80] =	vst v1  }
0x1a6: {  	v1 =	vld.idx.msk [tilespmem:v2+s2+$0x0], $0xffff  }
0x1a7: {  	v2 =	vadd.s32 $0x9000, v0;
	_ =	sdelay $0x3  }
0x1a8: {  	[tilespmem:s22+$0x12F00] =	vst v1  }
0x1a9: {  	v1 =	vld.idx.msk [tilespmem:v2+s2+$0x0], $0xffff  }
0x1aa: {  	v2 =	vadd.s32 $0x9800, v0;
	_ =	sdelay $0x3  }
0x1ab: {  	[tilespmem:s22+$0x12F80] =	vst v1  }
0x1ac: {  	v1 =	vld.idx.msk [tilespmem:v2+s2+$0x0], $0xffff  }
0x1ad: {  	v2 =	vadd.s32 $0xA000, v0;
	_ =	sdelay $0x3  }
0x1ae: {  	[tilespmem:s22+$0x13C00] =	vst v1  }
0x1af: {  	v1 =	vld.idx.msk [tilespmem:v2+s2+$0x0], $0xffff  }
0x1b0: {  	v2 =	vadd.s32 $0xA800, v0;
	_ =	sdelay $0x3  }
0x1b1: {  	[tilespmem:s22+$0x13C80] =	vst v1  }
0x1b2: {  	v1 =	vld.idx.msk [tilespmem:v2+s2+$0x0], $0xffff  }
0x1b3: {  	v2 =	vadd.s32 $0xB000, v0;
	_ =	sdelay $0x3  }
0x1b4: {  	[tilespmem:s22+$0x13D00] =	vst v1  }
0x1b5: {  	v1 =	vld.idx.msk [tilespmem:v2+s2+$0x0], $0xffff  }
0x1b6: {  	v2 =	vadd.s32 $0xB800, v0;
	_ =	sdelay $0x3  }
0x1b7: {  	[tilespmem:s22+$0x13D80] =	vst v1  }
0x1b8: {  	v1 =	vld.idx.msk [tilespmem:v2+s2+$0x0], $0xffff  }
0x1b9: {  	v2 =	vadd.s32 $0xC000, v0;
	_ =	sdelay $0x3  }
0x1ba: {  	[tilespmem:s22+$0x13E00] =	vst v1  }
0x1bb: {  	v1 =	vld.idx.msk [tilespmem:v2+s2+$0x0], $0xffff  }
0x1bc: {  	v2 =	vadd.s32 $0xC800, v0;
	_ =	sdelay $0x3  }
0x1bd: {  	[tilespmem:s22+$0x13E80] =	vst v1  }
0x1be: {  	v1 =	vld.idx.msk [tilespmem:v2+s2+$0x0], $0xffff  }
0x1bf: {  	v2 =	vadd.s32 $0xD000, v0;
	_ =	sdelay $0x3  }
0x1c0: {  	[tilespmem:s22+$0x13F00] =	vst v1  }
0x1c1: {  	v1 =	vld.idx.msk [tilespmem:v2+s2+$0x0], $0xffff  }
0x1c2: {  	v2 =	vadd.s32 $0xD800, v0;
	_ =	sdelay $0x3  }
0x1c3: {  	[tilespmem:s22+$0x13F80] =	vst v1  }
0x1c4: {  	v1 =	vld.idx.msk [tilespmem:v2+s2+$0x0], $0xffff  }
0x1c5: {  	v2 =	vadd.s32 $0xE000, v0;
	_ =	sdelay $0x3  }
0x1c6: {  	[tilespmem:s22+$0x14C00] =	vst v1  }
0x1c7: {  	v1 =	vld.idx.msk [tilespmem:v2+s2+$0x0], $0xffff  }
0x1c8: {  	v2 =	vadd.s32 $0xE800, v0;
	_ =	sdelay $0x3  }
0x1c9: {  	[tilespmem:s22+$0x14C80] =	vst v1  }
0x1ca: {  	v1 =	vld.idx.msk [tilespmem:v2+s2+$0x0], $0xffff  }
0x1cb: {  	v2 =	vadd.s32 $0xF000, v0;
	_ =	sdelay $0x3  }
0x1cc: {  	[tilespmem:s22+$0x14D00] =	vst v1  }
0x1cd: {  	v1 =	vld.idx.msk [tilespmem:v2+s2+$0x0], $0xffff  }
0x1ce: {  	v2 =	vadd.s32 $0xF800, v0;
	_ =	sdelay $0x3  }
0x1cf: {  	[tilespmem:s22+$0x14D80] =	vst v1  }
0x1d0: {  	v1 =	vld.idx.msk [tilespmem:v2+s2+$0x0], $0xffff  }
0x1d1: {  	v2 =	vadd.s32 $0x10000, v0;
	_ =	sdelay $0x3  }
0x1d2: {  	[tilespmem:s22+$0x14E00] =	vst v1  }
0x1d3: {  	v1 =	vld.idx.msk [tilespmem:v2+s2+$0x0], $0xffff  }
0x1d4: {  	v2 =	vadd.s32 $0x10800, v0;
	_ =	sdelay $0x3  }
0x1d5: {  	[tilespmem:s22+$0x14E80] =	vst v1  }
0x1d6: {  	v1 =	vld.idx.msk [tilespmem:v2+s2+$0x0], $0xffff  }
0x1d7: {  	v0 =	vadd.s32 $0x11000, v0;
	_ =	sdelay $0x3  }
0x1d8: {  	[tilespmem:s22+$0x14F00] =	vst v1  }
0x1d9: {  	v0 =	vld.idx.msk [tilespmem:v0+s2+$0x0], $0xffff  }
0x1da: {  	s23 =	simm.s32 $0x80  }
0x1db: {  	s24 =	simm.s32 $0x10;
	s26 =	sand.u32 $0xC00, s23  }
0x1dc: {  	s25 =	simm.s32 $0x100;
	s28 =	sand.u32 $0x70, s24;
	s29 =	sshrl.u32 s26, $0x2  }
.LBB2_5:
0x1dd: {  	p0 =	sne.s32 s25, $0xF80  }
0x1de: {  	s29 =	sor.u32 s28, s29;
	[tilespmem:s22+$0x14F80] =	vst v0;
	s30 =	smov.u32 s25;
	s25 =	sadd.s32 $0x80, s25  }
0x1df: {  	v0 =	vld [tilespmem:s29+$0x11880];
	_ =	sdelay $0x7  }
0x1e0: {  	v1 =	vld.idx.msk [tilespmem:v0+s2+$0x0], $0xffff;
	_ =	sdelay $0x1  }
0x1e1: {  	v2 =	vadd.s32 $0x800, v0;
	_ =	sdelay $0x2  }
0x1e2: {  	s22 =	sor.u32 s28, s26  }
0x1e3: {  	[tilespmem:s22+$0x15E00] =	vst v1  }
0x1e4: {  	v1 =	vld.idx.msk [tilespmem:v2+s2+$0x0], $0xffff;
	_ =	sdelay $0x1  }
0x1e5: {  	v2 =	vadd.s32 $0x1000, v0;
	_ =	sdelay $0x3  }
0x1e6: {  	[tilespmem:s22+$0x15E80] =	vst v1  }
0x1e7: {  	v1 =	vld.idx.msk [tilespmem:v2+s2+$0x0], $0xffff;
	_ =	sdelay $0x1  }
0x1e8: {  	v2 =	vadd.s32 $0x1800, v0;
	_ =	sdelay $0x3  }
0x1e9: {  	[tilespmem:s22+$0x15F00] =	vst v1  }
0x1ea: {  	v1 =	vld.idx.msk [tilespmem:v2+s2+$0x0], $0xffff;
	_ =	sdelay $0x2  }
0x1eb: {  	v2 =	vadd.s32 $0x2000, v0;
	_ =	sdelay $0x1  }
0x1ec: {  	s26 =	sor.u32 s23, s24;
	s23 =	smov.u32 s30  }
0x1ed: {  	s26 =	sor.u32 $0x380, s26;
	[tilespmem:s22+$0x11C00] =	vst v1  }
0x1ee: {  	[tilespmem:s26+$0x15C00] =	vst v1  }
0x1ef: {  	v1 =	vld.idx.msk [tilespmem:v2+s2+$0x0], $0xffff;
	_ =	sdelay $0x1  }
0x1f0: {  	v2 =	vadd.s32 $0x2800, v0;
	_ =	sdelay $0x2  }
0x1f1: {  	s28 =	sadd.s32 $0x11C00, s22  }
0x1f2: {  	[tilespmem:s28+$0x80] =	vst v1  }
0x1f3: {  	v1 =	vld.idx.msk [tilespmem:v2+s2+$0x0], $0xffff;
	_ =	sdelay $0x1  }
0x1f4: {  	v2 =	vadd.s32 $0x3000, v0;
	_ =	sdelay $0x3  }
0x1f5: {  	[tilespmem:s28+$0x100] =	vst v1  }
0x1f6: {  	v1 =	vld.idx.msk [tilespmem:v2+s2+$0x0], $0xffff;
	_ =	sdelay $0x1  }
0x1f7: {  	v2 =	vadd.s32 $0x3800, v0;
	_ =	sdelay $0x3  }
0x1f8: {  	[tilespmem:s28+$0x180] =	vst v1  }
0x1f9: {  	v1 =	vld.idx.msk [tilespmem:v2+s2+$0x0], $0xffff;
	_ =	sdelay $0x1  }
0x1fa: {  	v2 =	vadd.s32 $0x4000, v0;
	_ =	sdelay $0x3  }
0x1fb: {  	[tilespmem:s22+$0x11E00] =	vst v1  }
0x1fc: {  	v1 =	vld.idx.msk [tilespmem:v2+s2+$0x0], $0xffff;
	_ =	sdelay $0x1  }
0x1fd: {  	v2 =	vadd.s32 $0x4800, v0;
	_ =	sdelay $0x3  }
0x1fe: {  	[tilespmem:s22+$0x11E80] =	vst v1  }
0x1ff: {  	v1 =	vld.idx.msk [tilespmem:v2+s2+$0x0], $0xffff;
	_ =	sdelay $0x1  }
0x200: {  	v2 =	vadd.s32 $0x5000, v0;
	_ =	sdelay $0x3  }
0x201: {  	[tilespmem:s22+$0x11F00] =	vst v1  }
0x202: {  	v1 =	vld.idx.msk [tilespmem:v2+s2+$0x0], $0xffff;
	_ =	sdelay $0x1  }
0x203: {  	v2 =	vadd.s32 $0x5800, v0;
	_ =	sdelay $0x3  }
0x204: {  	[tilespmem:s26+$0x11C00] =	vst v1  }
0x205: {  	v1 =	vld.idx.msk [tilespmem:v2+s2+$0x0], $0xffff;
	_ =	sdelay $0x1  }
0x206: {  	v2 =	vadd.s32 $0x6000, v0;
	_ =	sdelay $0x3  }
0x207: {  	[tilespmem:s22+$0x12C00] =	vst v1  }
0x208: {  	v1 =	vld.idx.msk [tilespmem:v2+s2+$0x0], $0xffff;
	_ =	sdelay $0x1  }
0x209: {  	v2 =	vadd.s32 $0x6800, v0;
	_ =	sdelay $0x3  }
0x20a: {  	[tilespmem:s22+$0x12C80] =	vst v1  }
0x20b: {  	v1 =	vld.idx.msk [tilespmem:v2+s2+$0x0], $0xffff;
	_ =	sdelay $0x1  }
0x20c: {  	v2 =	vadd.s32 $0x7000, v0;
	_ =	sdelay $0x3  }
0x20d: {  	[tilespmem:s22+$0x12D00] =	vst v1  }
0x20e: {  	v1 =	vld.idx.msk [tilespmem:v2+s2+$0x0], $0xffff;
	_ =	sdelay $0x1  }
0x20f: {  	v2 =	vadd.s32 $0x7800, v0;
	_ =	sdelay $0x3  }
0x210: {  	[tilespmem:s22+$0x12D80] =	vst v1  }
0x211: {  	v1 =	vld.idx.msk [tilespmem:v2+s2+$0x0], $0xffff;
	_ =	sdelay $0x1  }
0x212: {  	v2 =	vadd.s32 $0x8000, v0;
	_ =	sdelay $0x3  }
0x213: {  	[tilespmem:s22+$0x12E00] =	vst v1  }
0x214: {  	v1 =	vld.idx.msk [tilespmem:v2+s2+$0x0], $0xffff;
	_ =	sdelay $0x1  }
0x215: {  	v2 =	vadd.s32 $0x8800, v0;
	_ =	sdelay $0x3  }
0x216: {  	[tilespmem:s22+$0x12E80] =	vst v1  }
0x217: {  	v1 =	vld.idx.msk [tilespmem:v2+s2+$0x0], $0xffff;
	_ =	sdelay $0x1  }
0x218: {  	v2 =	vadd.s32 $0x9000, v0;
	_ =	sdelay $0x3  }
0x219: {  	[tilespmem:s22+$0x12F00] =	vst v1  }
0x21a: {  	v1 =	vld.idx.msk [tilespmem:v2+s2+$0x0], $0xffff;
	_ =	sdelay $0x1  }
0x21b: {  	v2 =	vadd.s32 $0x9800, v0;
	_ =	sdelay $0x3  }
0x21c: {  	[tilespmem:s22+$0x12F80] =	vst v1  }
0x21d: {  	v1 =	vld.idx.msk [tilespmem:v2+s2+$0x0], $0xffff;
	_ =	sdelay $0x1  }
0x21e: {  	v2 =	vadd.s32 $0xA000, v0;
	_ =	sdelay $0x3  }
0x21f: {  	[tilespmem:s22+$0x13C00] =	vst v1  }
0x220: {  	v1 =	vld.idx.msk [tilespmem:v2+s2+$0x0], $0xffff;
	_ =	sdelay $0x1  }
0x221: {  	v2 =	vadd.s32 $0xA800, v0;
	_ =	sdelay $0x3  }
0x222: {  	[tilespmem:s22+$0x13C80] =	vst v1  }
0x223: {  	v1 =	vld.idx.msk [tilespmem:v2+s2+$0x0], $0xffff;
	_ =	sdelay $0x1  }
0x224: {  	v2 =	vadd.s32 $0xB000, v0;
	_ =	sdelay $0x3  }
0x225: {  	[tilespmem:s22+$0x13D00] =	vst v1  }
0x226: {  	v1 =	vld.idx.msk [tilespmem:v2+s2+$0x0], $0xffff;
	_ =	sdelay $0x1  }
0x227: {  	v2 =	vadd.s32 $0xB800, v0;
	_ =	sdelay $0x3  }
0x228: {  	[tilespmem:s22+$0x13D80] =	vst v1  }
0x229: {  	v1 =	vld.idx.msk [tilespmem:v2+s2+$0x0], $0xffff;
	_ =	sdelay $0x1  }
0x22a: {  	v2 =	vadd.s32 $0xC000, v0;
	_ =	sdelay $0x3  }
0x22b: {  	[tilespmem:s22+$0x13E00] =	vst v1  }
0x22c: {  	v1 =	vld.idx.msk [tilespmem:v2+s2+$0x0], $0xffff;
	_ =	sdelay $0x1  }
0x22d: {  	v2 =	vadd.s32 $0xC800, v0;
	_ =	sdelay $0x3  }
0x22e: {  	[tilespmem:s22+$0x13E80] =	vst v1  }
0x22f: {  	v1 =	vld.idx.msk [tilespmem:v2+s2+$0x0], $0xffff;
	_ =	sdelay $0x1  }
0x230: {  	v2 =	vadd.s32 $0xD000, v0;
	_ =	sdelay $0x3  }
0x231: {  	[tilespmem:s22+$0x13F00] =	vst v1  }
0x232: {  	v1 =	vld.idx.msk [tilespmem:v2+s2+$0x0], $0xffff;
	_ =	sdelay $0x1  }
0x233: {  	v2 =	vadd.s32 $0xD800, v0;
	_ =	sdelay $0x3  }
0x234: {  	[tilespmem:s22+$0x13F80] =	vst v1  }
0x235: {  	v1 =	vld.idx.msk [tilespmem:v2+s2+$0x0], $0xffff;
	_ =	sdelay $0x1  }
0x236: {  	v2 =	vadd.s32 $0xE000, v0;
	_ =	sdelay $0x3  }
0x237: {  	[tilespmem:s22+$0x14C00] =	vst v1  }
0x238: {  	v1 =	vld.idx.msk [tilespmem:v2+s2+$0x0], $0xffff;
	_ =	sdelay $0x1  }
0x239: {  	v2 =	vadd.s32 $0xE800, v0;
	_ =	sdelay $0x3  }
0x23a: {  	[tilespmem:s22+$0x14C80] =	vst v1  }
0x23b: {  	v1 =	vld.idx.msk [tilespmem:v2+s2+$0x0], $0xffff;
	_ =	sdelay $0x1  }
0x23c: {  	v2 =	vadd.s32 $0xF000, v0;
	_ =	sdelay $0x3  }
0x23d: {  	[tilespmem:s22+$0x14D00] =	vst v1  }
0x23e: {  	v1 =	vld.idx.msk [tilespmem:v2+s2+$0x0], $0xffff;
	_ =	sdelay $0x1  }
0x23f: {  	v2 =	vadd.s32 $0xF800, v0;
	_ =	sdelay $0x3  }
0x240: {  	[tilespmem:s22+$0x14D80] =	vst v1  }
0x241: {  	v1 =	vld.idx.msk [tilespmem:v2+s2+$0x0], $0xffff;
	_ =	sdelay $0x1  }
0x242: {  	v2 =	vadd.s32 $0x10000, v0;
	_ =	sdelay $0x3  }
0x243: {  	[tilespmem:s22+$0x14E00] =	vst v1  }
0x244: {  	v1 =	vld.idx.msk [tilespmem:v2+s2+$0x0], $0xffff;
	_ =	sdelay $0x1  }
0x245: {  	v2 =	vadd.s32 $0x10800, v0;
	_ =	sdelay $0x3  }
0x246: {  	[tilespmem:s22+$0x14E80] =	vst v1  }
0x247: {  	v1 =	vld.idx.msk [tilespmem:v2+s2+$0x0], $0xffff;
	_ =	sdelay $0x1  }
0x248: {  	v0 =	vadd.s32 $0x11000, v0;
	_ =	sdelay $0x3  }
0x249: {  	[tilespmem:s22+$0x14F00] =	vst v1  }
0x24a: {  	v0 =	vld.idx.msk [tilespmem:v0+s2+$0x0], $0xffff  }
.Ltmp1:
0x24b: {  	(pc) =	sbr.rel @p0 .LBB2_5-.Ltmp1, $3  }
0x24c: {  	_ =	sdelay $0x1  }
0x24d: {  	s24 =	sadd.s32 $0x10, s24;
	s26 =	sand.u32 $0xC00, s23  }
0x24e: {  	s28 =	sand.u32 $0x70, s24;
	s29 =	sshrl.u32 s26, $0x2  }
0x24f: {  	s25 =	sor.u32 s28, s29;
	[tilespmem:s22+$0x14F80] =	vst v0  }
0x250: {  	v0 =	vld [tilespmem:s25+$0x11880];
	_ =	sdelay $0x7  }
0x251: {  	v1 =	vld.idx.msk [tilespmem:v0+s2+$0x0], $0xffff  }
0x252: {  	v2 =	vadd.s32 $0x800, v0;
	_ =	sdelay $0x2  }
0x253: {  	s30 =	sor.u32 s28, s26  }
0x254: {  	[tilespmem:s30+$0x15E00] =	vst v1  }
0x255: {  	v1 =	vld.idx.msk [tilespmem:v2+s2+$0x0], $0xffff  }
0x256: {  	v32 =	vadd.s32 $0x1000, v0;
	_ =	sdelay $0x3  }
0x257: {  	[tilespmem:s30+$0x15E80] =	vst v1  }
0x258: {  	v1 =	vld.idx.msk [tilespmem:v32+s2+$0x0], $0xffff  }
0x259: {  	v33 =	vadd.s32 $0x1800, v0;
	_ =	sdelay $0x3  }
0x25a: {  	[tilespmem:s30+$0x15F00] =	vst v1  }
0x25b: {  	v1 =	vld.idx.msk [tilespmem:v33+s2+$0x0], $0xffff;
	_ =	sdelay $0x1  }
0x25c: {  	v34 =	vadd.s32 $0x2000, v0;
	_ =	sdelay $0x1  }
0x25d: {  	s23 =	sor.u32 s23, s24  }
0x25e: {  	s23 =	sor.u32 $0x380, s23;
	[tilespmem:s30+$0x11C00] =	vst v1  }
0x25f: {  	[tilespmem:s23+$0x15C00] =	vst v1  }
0x260: {  	v1 =	vld.idx.msk [tilespmem:v34+s2+$0x0], $0xffff  }
0x261: {  	v35 =	vadd.s32 $0x2800, v0;
	_ =	sdelay $0x2  }
0x262: {  	s31 =	sadd.s32 $0x11C00, s30  }
0x263: {  	[tilespmem:s31+$0x80] =	vst v1  }
0x264: {  	v1 =	vld.idx.msk [tilespmem:v35+s2+$0x0], $0xffff  }
0x265: {  	v36 =	vadd.s32 $0x3000, v0;
	_ =	sdelay $0x3  }
0x266: {  	[tilespmem:s31+$0x100] =	vst v1  }
0x267: {  	v1 =	vld.idx.msk [tilespmem:v36+s2+$0x0], $0xffff  }
0x268: {  	v37 =	vadd.s32 $0x3800, v0;
	_ =	sdelay $0x3  }
0x269: {  	[tilespmem:s31+$0x180] =	vst v1  }
0x26a: {  	v1 =	vld.idx.msk [tilespmem:v37+s2+$0x0], $0xffff  }
0x26b: {  	v38 =	vadd.s32 $0x4000, v0;
	_ =	sdelay $0x3  }
0x26c: {  	[tilespmem:s30+$0x11E00] =	vst v1  }
0x26d: {  	v1 =	vld.idx.msk [tilespmem:v38+s2+$0x0], $0xffff  }
0x26e: {  	v39 =	vadd.s32 $0x4800, v0;
	_ =	sdelay $0x3  }
0x26f: {  	[tilespmem:s30+$0x11E80] =	vst v1  }
0x270: {  	v1 =	vld.idx.msk [tilespmem:v39+s2+$0x0], $0xffff  }
0x271: {  	v40 =	vadd.s32 $0x5000, v0;
	_ =	sdelay $0x3  }
0x272: {  	[tilespmem:s30+$0x11F00] =	vst v1  }
0x273: {  	v1 =	vld.idx.msk [tilespmem:v40+s2+$0x0], $0xffff  }
0x274: {  	v41 =	vadd.s32 $0x5800, v0;
	_ =	sdelay $0x3  }
0x275: {  	[tilespmem:s23+$0x11C00] =	vst v1  }
0x276: {  	v1 =	vld.idx.msk [tilespmem:v41+s2+$0x0], $0xffff  }
0x277: {  	v42 =	vadd.s32 $0x6000, v0;
	_ =	sdelay $0x3  }
0x278: {  	[tilespmem:s30+$0x12C00] =	vst v1  }
0x279: {  	v1 =	vld.idx.msk [tilespmem:v42+s2+$0x0], $0xffff  }
0x27a: {  	v43 =	vadd.s32 $0x6800, v0;
	_ =	sdelay $0x3  }
0x27b: {  	[tilespmem:s30+$0x12C80] =	vst v1  }
0x27c: {  	v1 =	vld.idx.msk [tilespmem:v43+s2+$0x0], $0xffff  }
0x27d: {  	v44 =	vadd.s32 $0x7000, v0;
	_ =	sdelay $0x3  }
0x27e: {  	[tilespmem:s30+$0x12D00] =	vst v1  }
0x27f: {  	v1 =	vld.idx.msk [tilespmem:v44+s2+$0x0], $0xffff  }
0x280: {  	v45 =	vadd.s32 $0x7800, v0;
	_ =	sdelay $0x3  }
0x281: {  	[tilespmem:s30+$0x12D80] =	vst v1  }
0x282: {  	v1 =	vld.idx.msk [tilespmem:v45+s2+$0x0], $0xffff  }
0x283: {  	v46 =	vadd.s32 $0x8000, v0;
	_ =	sdelay $0x3  }
0x284: {  	[tilespmem:s30+$0x12E00] =	vst v1  }
0x285: {  	v1 =	vld.idx.msk [tilespmem:v46+s2+$0x0], $0xffff  }
0x286: {  	v47 =	vadd.s32 $0x8800, v0;
	_ =	sdelay $0x3  }
0x287: {  	[tilespmem:s30+$0x12E80] =	vst v1  }
0x288: {  	v1 =	vld.idx.msk [tilespmem:v47+s2+$0x0], $0xffff  }
0x289: {  	v48 =	vadd.s32 $0x9000, v0;
	_ =	sdelay $0x3  }
0x28a: {  	[tilespmem:s30+$0x12F00] =	vst v1  }
0x28b: {  	v1 =	vld.idx.msk [tilespmem:v48+s2+$0x0], $0xffff  }
0x28c: {  	v49 =	vadd.s32 $0x9800, v0;
	_ =	sdelay $0x3  }
0x28d: {  	[tilespmem:s30+$0x12F80] =	vst v1  }
0x28e: {  	v1 =	vld.idx.msk [tilespmem:v49+s2+$0x0], $0xffff  }
0x28f: {  	v50 =	vadd.s32 $0xA000, v0;
	_ =	sdelay $0x3  }
0x290: {  	[tilespmem:s30+$0x13C00] =	vst v1  }
0x291: {  	v1 =	vld.idx.msk [tilespmem:v50+s2+$0x0], $0xffff  }
0x292: {  	v51 =	vadd.s32 $0xA800, v0;
	_ =	sdelay $0x3  }
0x293: {  	[tilespmem:s30+$0x13C80] =	vst v1  }
0x294: {  	v1 =	vld.idx.msk [tilespmem:v51+s2+$0x0], $0xffff  }
0x295: {  	v52 =	vadd.s32 $0xB000, v0;
	_ =	sdelay $0x3  }
0x296: {  	[tilespmem:s30+$0x13D00] =	vst v1  }
0x297: {  	v1 =	vld.idx.msk [tilespmem:v52+s2+$0x0], $0xffff  }
0x298: {  	v53 =	vadd.s32 $0xB800, v0;
	_ =	sdelay $0x3  }
0x299: {  	[tilespmem:s30+$0x13D80] =	vst v1  }
0x29a: {  	v1 =	vld.idx.msk [tilespmem:v53+s2+$0x0], $0xffff  }
0x29b: {  	v54 =	vadd.s32 $0xC000, v0;
	_ =	sdelay $0x3  }
0x29c: {  	[tilespmem:s30+$0x13E00] =	vst v1  }
0x29d: {  	v1 =	vld.idx.msk [tilespmem:v54+s2+$0x0], $0xffff  }
0x29e: {  	v55 =	vadd.s32 $0xC800, v0;
	_ =	sdelay $0x3  }
0x29f: {  	[tilespmem:s30+$0x13E80] =	vst v1  }
0x2a0: {  	v1 =	vld.idx.msk [tilespmem:v55+s2+$0x0], $0xffff  }
0x2a1: {  	v56 =	vadd.s32 $0xD000, v0;
	_ =	sdelay $0x3  }
0x2a2: {  	[tilespmem:s30+$0x13F00] =	vst v1  }
0x2a3: {  	v1 =	vld.idx.msk [tilespmem:v56+s2+$0x0], $0xffff  }
0x2a4: {  	v57 =	vadd.s32 $0xD800, v0;
	_ =	sdelay $0x3  }
0x2a5: {  	[tilespmem:s30+$0x13F80] =	vst v1  }
0x2a6: {  	v1 =	vld.idx.msk [tilespmem:v57+s2+$0x0], $0xffff  }
0x2a7: {  	v58 =	vadd.s32 $0xE000, v0;
	_ =	sdelay $0x3  }
0x2a8: {  	[tilespmem:s30+$0x14C00] =	vst v1  }
0x2a9: {  	v1 =	vld.idx.msk [tilespmem:v58+s2+$0x0], $0xffff  }
0x2aa: {  	v59 =	vadd.s32 $0xE800, v0;
	_ =	sdelay $0x3  }
0x2ab: {  	[tilespmem:s30+$0x14C80] =	vst v1  }
0x2ac: {  	v1 =	vld.idx.msk [tilespmem:v59+s2+$0x0], $0xffff  }
0x2ad: {  	v60 =	vadd.s32 $0xF000, v0;
	_ =	sdelay $0x3  }
0x2ae: {  	[tilespmem:s30+$0x14D00] =	vst v1  }
0x2af: {  	v1 =	vld.idx.msk [tilespmem:v60+s2+$0x0], $0xffff  }
0x2b0: {  	v61 =	vadd.s32 $0xF800, v0;
	_ =	sdelay $0x3  }
0x2b1: {  	[tilespmem:s30+$0x14D80] =	vst v1  }
0x2b2: {  	v1 =	vld.idx.msk [tilespmem:v61+s2+$0x0], $0xffff  }
0x2b3: {  	v62 =	vadd.s32 $0x10000, v0;
	_ =	sdelay $0x3  }
0x2b4: {  	[tilespmem:s30+$0x14E00] =	vst v1  }
0x2b5: {  	v1 =	vld.idx.msk [tilespmem:v62+s2+$0x0], $0xffff  }
0x2b6: {  	v63 =	vadd.s32 $0x10800, v0;
	_ =	sdelay $0x3  }
0x2b7: {  	[tilespmem:s30+$0x14E80] =	vst v1  }
0x2b8: {  	v1 =	vld.idx.msk [tilespmem:v63+s2+$0x0], $0xffff  }
0x2b9: {  	v0 =	vadd.s32 $0x11000, v0;
	_ =	sdelay $0x3  }
0x2ba: {  	[tilespmem:s30+$0x14F00] =	vst v1  }
0x2bb: {  	v0 =	vld.idx.msk [tilespmem:v0+s2+$0x0], $0xffff;
	_ =	sdelay $0x3  }
0x2bc: {  	s21 =	sor.u32 $0x8000, s21  }
0x2bd: {  	s21 =	sadd.s32 s4, s21;
	[tilespmem:s30+$0x14F80] =	vst v0  }
0x2be: {  	[hbm4b:s21+s14] =	stream.strided.scatter [tilespmem:s16], [sflag:$0x1], $0x4000, s15, s14, $0x38;
	[tilespmem:$0x16C00] =	vst v63  }
0x2bf: {  	s20 =	sadd.s32 s8, s20;
	s19 =	sadd.s32 $0x1, s19;
	_ =	swait.ge [sflag:s12], $0x4000  }
0x2c0: {  	s20 =	sshrl.u32 s20, $0x3;
	p0 =	sne.s32 s19, $0x10;
	[sflag:s12] =	ssyncset.done $0x0  }
.Ltmp2:
0x2c1: {  	s20 =	sadd.s32 s3, s20;
	[sflag:s12] =	ssyncadd.s32 $0xFFFFC000;
	(pc) =	sbr.rel @p0 .LBB2_2-.Ltmp2, $4  }
0x2c2: {  	[hbm4b:s20+s2] =	stream.linear.scatter [tilespmem:s17], [sflag:$0x1], $0x1000, $0x38;
	[tilespmem:$0x16C00] =	vst v63  }
0x2c3: {  	_ =	swait.ge [sflag:s12], $0x1000  }
0x2c4: {  	[sflag:s12] =	ssyncset.done $0x0  }
0x2c5: {  	[sflag:s12] =	ssyncadd.s32 $0xFFFFF000  }
0x2c6: {  	s18 =	sadd.s32 $0x1, s18  }
0x2c7: {  	p0 =	sne.s32 s18, s9  }
.Ltmp3:
0x2c8: {  	_ = 	snop;
	(pc) =	sbr.rel @p0 .LBB2_1-.Ltmp3, $1  }
0x2c9: {  	_ =	sdelay $0x3  }
0x2ca: {  	_ =	sfence.sel $0x180000  }
0x2cb: {  	[bflag:$0x0] =	sbarrier.arrive $0xFFFF  }
0x2cc: {  	p0 =	sne.s32 s1, $0x0;
	_ =	strace $0x90000047  }
0x2cd: {  	s0 =	sadd.s32 @!p0 $0x100000, s0;
	[bflag:$0x2] =	sbarrier.arrive $0xFFFF  }
0x2ce: {  	[sflag:s0] =	ssyncadd.tile.s32 @!p0 $0x1;
	_ =	shalt  }
.Lfunc_end2:
_tile_overlayer_lowered:
.L_overlay_start_2:
0x2cf: {  	(tag) =	ssettag $0x2  }
0x2d0: {  	s0 =	rddreg [dreg:$0x0];
	s2 =	stileid.u32  }
0x2d1: {  	s1 =	rddreg [dreg:$0x1];
	p0 =	sne.s32 s2, $0x0  }
0x2d2: {  	s3 =	rddreg [dreg:$0x2];
	[bflag:$0x3] =	sbarrier.arrive $0xFFFF;
	s2 =	simm.s32 @!p0 $0x1C01  }
0x2d3: {  	[timem:s3], [sflag:s2] =	dma.local @!p0 [hbm:s0], s1  }
0x2d4: {  	s0 =	simm.s32 @!p0 $0x1  }
0x2d5: {  	_ =	swait.ge @!p0 [sflag:s0], s1  }
0x2d6: {  	s1 =	ssub.s32 @!p0 $0x0, s1;
	[sflag:s0] =	ssyncset.done @!p0 $0x0  }
0x2d7: {  	[sflag:s0] =	ssyncadd.s32 @!p0 s1  }
0x2d8: {  	[bflag:$0x3] =	sbarrier.arrive $0xFFFF  }
0x2d9: {  	_ =	shalt  }

</sc_bundles>
